<compile_context>
chip_gen: v7x
topology: tpu7x:2x2x1
jax: 0.10.2.dev20260603
libtpu: 0.0.44.dev20260713+nightly
codegen_flags: <defaults>
</compile_context>

<pallas_src>
import functools

import jax
import jax.numpy as jnp
from jax import lax
from jax.experimental import pallas as pl
from jax.experimental.pallas import tpu as pltpu
from jax.experimental.pallas import tpu_sc as plsc

LANES = 16
CHUNK = 128
UNROLL = 4
EPS = 1e-5


def _rsqrt_vec(x):
    i = plsc.bitcast(x, jnp.int32)
    i = jnp.int32(0x5F3759DF) - lax.shift_right_logical(i, 1)
    y = plsc.bitcast(i, jnp.float32)
    hx = 0.5 * x
    for _ in range(2):
        y = y * (1.5 - hx * y * y)
    return y


def _make_sc_kernel(rows, hidden, max_pos, seq):
    n_workers = 32
    rpw = rows // n_workers
    n_chunks = rpw // CHUNK
    nk = hidden // LANES
    inv_h = 1.0 / hidden

    mesh = plsc.VectorSubcoreMesh(core_axis_name="c", subcore_axis_name="s")

    @functools.partial(
        pl.kernel,
        mesh=mesh,
        out_type=jax.ShapeDtypeStruct((rows, hidden), jnp.float32),
        compiler_params=pltpu.CompilerParams(
            needs_layout_passes=False, use_tc_tiling_on_sc=False),
        scratch_types=[
            pltpu.VMEM((CHUNK,), jnp.int32),
            pltpu.VMEM((CHUNK,), jnp.int32),
            pltpu.VMEM((CHUNK,), jnp.int32),
            pltpu.VMEM((CHUNK, hidden), jnp.float32),
            pltpu.VMEM((CHUNK, hidden), jnp.float32),
            pltpu.VMEM((CHUNK, hidden), jnp.float32),
            pltpu.VMEM((max_pos, hidden), jnp.float32),
            pltpu.VMEM((hidden,), jnp.float32),
            pltpu.VMEM((hidden,), jnp.float32),
            pltpu.SemaphoreType.DMA,
            pltpu.SemaphoreType.DMA,
            pltpu.SemaphoreType.DMA,
            pltpu.SemaphoreType.DMA,
            pltpu.SemaphoreType.DMA,
            pltpu.SemaphoreType.DMA,
        ],
    )
    def sc_kernel(ids_hbm, table_hbm, pos_hbm, gam_hbm, bet_hbm, out_hbm,
                  idx_v0, idx_v1, idx_v2, rows_v0, rows_v1, rows_v2,
                  pos_v, gam_v, bet_v,
                  sem0, sem1, sem2, osem0, osem1, osem2):
        wid = lax.axis_index("s") * 2 + lax.axis_index("c")
        base = wid * rpw
        pltpu.sync_copy(pos_hbm, pos_v)
        pltpu.sync_copy(gam_hbm, gam_v)
        pltpu.sync_copy(bet_hbm, bet_v)
        idx_bufs = (idx_v0, idx_v1, idx_v2)
        row_bufs = (rows_v0, rows_v1, rows_v2)
        sems = (sem0, sem1, sem2)
        osems = (osem0, osem1, osem2)
        gs = [gam_v[pl.ds(k * LANES, LANES)] for k in range(nk)]
        bs = [bet_v[pl.ds(k * LANES, LANES)] for k in range(nk)]
        iota16 = lax.iota(jnp.int32, LANES)
        perms = [iota16 ^ d for d in (1, 2, 4, 8)]

        def _lane_sum(v):
            for pm in perms:
                v = v + v.at[pm].get(mode="promise_in_bounds")
            return v

        def start_gather(c, slot):
            r0 = base + c * CHUNK
            pltpu.sync_copy(ids_hbm.at[pl.ds(r0, CHUNK)], idx_bufs[slot])
            pltpu.async_copy(table_hbm.at[idx_bufs[slot]], row_bufs[slot],
                             sems[slot])

        def process(c, slot):
            r0 = base + c * CHUNK
            rows_v = row_bufs[slot]
            pltpu.make_async_copy(table_hbm.at[idx_bufs[slot]], rows_v,
                                  sems[slot]).wait()

            @plsc.parallel_loop(0, CHUNK, unroll=UNROLL)
            def row_body(r):
                p = lax.rem(r0 + r, seq)
                xs = []
                for k in range(nk):
                    t = rows_v[r, pl.ds(k * LANES, LANES)]
                    pe = pos_v[p, pl.ds(k * LANES, LANES)]
                    xs.append(t + pe)
                s = (xs[0] + xs[1]) + (xs[2] + xs[3])
                sq = (xs[0] * xs[0] + xs[1] * xs[1]) + \
                     (xs[2] * xs[2] + xs[3] * xs[3])
                mean = _lane_sum(s) * inv_h
                var = _lane_sum(sq) * inv_h - mean * mean
                rstd = _rsqrt_vec(var + EPS)
                nm = mean * rstd
                for k in range(nk):
                    y = (xs[k] * rstd - nm) * gs[k] + bs[k]
                    rows_v[r, pl.ds(k * LANES, LANES)] = y

            pltpu.async_copy(rows_v, out_hbm.at[pl.ds(r0, CHUNK)], osems[slot])

        def wait_out(c, slot):
            r0 = base + c * CHUNK
            pltpu.make_async_copy(row_bufs[slot],
                                  out_hbm.at[pl.ds(r0, CHUNK)],
                                  osems[slot]).wait()

        start_gather(jnp.int32(0), 0)
        start_gather(jnp.int32(1), 1)

        def triple_body(i, carry):
            for u in range(3):
                c = 3 * i + u
                nslot = (u + 2) % 3
                process(c, u)

                @pl.when(c >= 1)
                def _():
                    wait_out(c - 1, nslot)

                start_gather(c + 2, nslot)
            return carry

        n_main = (n_chunks - 2) // 3 * 3
        lax.fori_loop(0, n_main // 3, triple_body, 0)
        for c in range(n_main, n_chunks):
            process(c, c % 3)
            wait_out(c - 1, (c - 1) % 3)
        wait_out(n_chunks - 1, (n_chunks - 1) % 3)

    return sc_kernel


def kernel(input_ids, token_table, pos_table, ln_gamma, ln_beta):
    b, s = input_ids.shape
    vocab, hidden = token_table.shape
    max_pos = pos_table.shape[0]
    rows = b * s
    ids = input_ids.reshape(rows).astype(jnp.int32)
    sc = _make_sc_kernel(rows, hidden, max_pos, s)
    out = sc(ids, token_table, pos_table, ln_gamma, ln_beta)
    return out.reshape(b, s, hidden)

# --- scband reference (transcript-rebuilt; emitter-appended) ---
"""Pipeline reference for scband-bert-embeddings-42382737277462 (READ-ONLY COPY).

The authoritative reference and input builder live on the scoring server;
editing this copy changes nothing except your own understanding.
"""

import jax, jax.numpy as jnp
import numpy as np

VOCAB = 100000
HIDDEN = 64
MAX_POS = 64
BATCH = 4096
SEQ = 50

def setup_inputs(seed: int = 0) -> dict:
    key = jax.random.key(seed)
    k1, k2, k3 = jax.random.split(key, 3)
    input_ids = jax.random.randint(k1, (BATCH, SEQ), 0, VOCAB, dtype=jnp.int64 if jax.config.jax_enable_x64 else jnp.int32)
    token_table = jax.random.normal(k2, (VOCAB, HIDDEN), dtype=jnp.float32) * 0.02
    pos_table = jax.random.normal(k3, (MAX_POS, HIDDEN), dtype=jnp.float32) * 0.02
    ln_gamma = jnp.ones((HIDDEN,), dtype=jnp.float32)
    ln_beta = jnp.zeros((HIDDEN,), dtype=jnp.float32)
    return {"input_ids": input_ids, "token_table": token_table, "pos_table": pos_table, "ln_gamma": ln_gamma, "ln_beta": ln_beta}

def reference(input_ids, token_table, pos_table, ln_gamma, ln_beta):
    seq_len = input_ids.shape[1]
    # token embedding lookup (gather)
    token_embeds = jnp.take(token_table, input_ids, axis=0)  # [B, S, H]
    # position embedding lookup
    position_ids = jnp.arange(seq_len)
    position_embeds = jnp.take(pos_table, position_ids, axis=0)[None, :, :]  # [1, S, H]
    embeddings = token_embeds + position_embeds
    # LayerNorm over last dim (eps=1e-5, torch default)
    mean = jnp.mean(embeddings, axis=-1, keepdims=True)
    var = jnp.mean(jnp.square(embeddings - mean), axis=-1, keepdims=True)
    normed = (embeddings - mean) / jnp.sqrt(var + 1e-5)
    out = normed * ln_gamma + ln_beta
    # dropout is identity in eval mode
    return out

if __name__ == "__main__":
    import jax
    _d = setup_inputs()
    print(jax.jit(kernel)(*tuple(_d.values())))

</pallas_src>

<mosaic_0001>
#map = affine_map<(d0, d1) -> (0)>
#map1 = affine_map<(d0, d1) -> (0, 0)>
module attributes {stable_mosaic.version = 14 : i64} {
  func.func @sc_kernel(%arg0: i32, %arg1: i32, %arg2: memref<204800xi32, #tpu.memory_space<hbm>>, %arg3: memref<100000x64xf32, #tpu.memory_space<hbm>>, %arg4: memref<64x64xf32, #tpu.memory_space<hbm>>, %arg5: memref<64xf32, #tpu.memory_space<hbm>>, %arg6: memref<64xf32, #tpu.memory_space<hbm>>, %arg7: memref<204800x64xf32, #tpu.memory_space<hbm>>, %arg8: memref<128xi32, #tpu.memory_space<vmem>>, %arg9: memref<128xi32, #tpu.memory_space<vmem>>, %arg10: memref<128xi32, #tpu.memory_space<vmem>>, %arg11: memref<128x64xf32, #tpu.memory_space<vmem>>, %arg12: memref<128x64xf32, #tpu.memory_space<vmem>>, %arg13: memref<128x64xf32, #tpu.memory_space<vmem>>, %arg14: memref<64x64xf32, #tpu.memory_space<vmem>>, %arg15: memref<64xf32, #tpu.memory_space<vmem>>, %arg16: memref<64xf32, #tpu.memory_space<vmem>>, %arg17: memref<!tpu.dma_semaphore, #tpu.memory_space<semaphore_mem>>, %arg18: memref<!tpu.dma_semaphore, #tpu.memory_space<semaphore_mem>>, %arg19: memref<!tpu.dma_semaphore, #tpu.memory_space<semaphore_mem>>, %arg20: memref<!tpu.dma_semaphore, #tpu.memory_space<semaphore_mem>>, %arg21: memref<!tpu.dma_semaphore, #tpu.memory_space<semaphore_mem>>, %arg22: memref<!tpu.dma_semaphore, #tpu.memory_space<semaphore_mem>>) attributes {dimension_semantics = [#tpu.dimension_semantics<core_parallel>, #tpu.dimension_semantics<subcore_parallel>], iteration_bounds = array<i64: 2, 16>, scalar_prefetch = 0 : i64, scratch_operands = 15 : i64, tpu.core_type = #tpu.core_type<sc_vector_subcore>, window_params = [{transform_indices = #map}, {transform_indices = #map1}, {transform_indices = #map1}, {transform_indices = #map}, {transform_indices = #map}, {transform_indices = #map1}]} {
    %mul3A = arith.constant 2 : i32
    %mul3A_0 = arith.muli %arg1, %mul3A : i32
    %add3A = arith.addi %mul3A_0, %arg0 : i32
    %mul3A_1 = arith.constant 6400 : i32
    %mul3A_2 = arith.muli %add3A, %mul3A_1 : i32
    "tpu.region"() ({
      %run_scoped3A = tpu.sem_alloc : memref<!tpu.dma_semaphore, #tpu.memory_space<semaphore_mem>>
      tpu.enqueue_dma source(%arg4 : memref<64x64xf32, #tpu.memory_space<hbm>>) target(%arg14 : memref<64x64xf32, #tpu.memory_space<vmem>>) target_semaphore(%run_scoped3A : memref<!tpu.dma_semaphore, #tpu.memory_space<semaphore_mem>>)
      tpu.wait_dma2 semaphore(%run_scoped3A : memref<!tpu.dma_semaphore, #tpu.memory_space<semaphore_mem>>) src(%arg4 : memref<64x64xf32, #tpu.memory_space<hbm>>) dst(%arg14 : memref<64x64xf32, #tpu.memory_space<vmem>>)
      tpu.yield
    }) : () -> ()
    "tpu.region"() ({
      %run_scoped3A = tpu.sem_alloc : memref<!tpu.dma_semaphore, #tpu.memory_space<semaphore_mem>>
      tpu.enqueue_dma source(%arg5 : memref<64xf32, #tpu.memory_space<hbm>>) target(%arg15 : memref<64xf32, #tpu.memory_space<vmem>>) target_semaphore(%run_scoped3A : memref<!tpu.dma_semaphore, #tpu.memory_space<semaphore_mem>>)
      tpu.wait_dma2 semaphore(%run_scoped3A : memref<!tpu.dma_semaphore, #tpu.memory_space<semaphore_mem>>) src(%arg5 : memref<64xf32, #tpu.memory_space<hbm>>) dst(%arg15 : memref<64xf32, #tpu.memory_space<vmem>>)
      tpu.yield
    }) : () -> ()
    "tpu.region"() ({
      %run_scoped3A = tpu.sem_alloc : memref<!tpu.dma_semaphore, #tpu.memory_space<semaphore_mem>>
      tpu.enqueue_dma source(%arg6 : memref<64xf32, #tpu.memory_space<hbm>>) target(%arg16 : memref<64xf32, #tpu.memory_space<vmem>>) target_semaphore(%run_scoped3A : memref<!tpu.dma_semaphore, #tpu.memory_space<semaphore_mem>>)
      tpu.wait_dma2 semaphore(%run_scoped3A : memref<!tpu.dma_semaphore, #tpu.memory_space<semaphore_mem>>) src(%arg6 : memref<64xf32, #tpu.memory_space<hbm>>) dst(%arg16 : memref<64xf32, #tpu.memory_space<vmem>>)
      tpu.yield
    }) : () -> ()
    %get3A = arith.constant 0 : index
    %get3A_3 = tpu.vector_load %arg15[%get3A] {strides = array<i32>} : memref<64xf32, #tpu.memory_space<vmem>>, vector<16xf32>,
    %get3A_4 = arith.constant 16 : index
    %get3A_5 = tpu.vector_load %arg15[%get3A_4] {strides = array<i32>} : memref<64xf32, #tpu.memory_space<vmem>>, vector<16xf32>,
    %get3A_6 = arith.constant 32 : index
    %get3A_7 = tpu.vector_load %arg15[%get3A_6] {strides = array<i32>} : memref<64xf32, #tpu.memory_space<vmem>>, vector<16xf32>,
    %get3A_8 = arith.constant 48 : index
    %get3A_9 = tpu.vector_load %arg15[%get3A_8] {strides = array<i32>} : memref<64xf32, #tpu.memory_space<vmem>>, vector<16xf32>,
    %get3A_10 = arith.constant 0 : index
    %get3A_11 = tpu.vector_load %arg16[%get3A_10] {strides = array<i32>} : memref<64xf32, #tpu.memory_space<vmem>>, vector<16xf32>,
    %get3A_12 = arith.constant 16 : index
    %get3A_13 = tpu.vector_load %arg16[%get3A_12] {strides = array<i32>} : memref<64xf32, #tpu.memory_space<vmem>>, vector<16xf32>,
    %get3A_14 = arith.constant 32 : index
    %get3A_15 = tpu.vector_load %arg16[%get3A_14] {strides = array<i32>} : memref<64xf32, #tpu.memory_space<vmem>>, vector<16xf32>,
    %get3A_16 = arith.constant 48 : index
    %get3A_17 = tpu.vector_load %arg16[%get3A_16] {strides = array<i32>} : memref<64xf32, #tpu.memory_space<vmem>>, vector<16xf32>,
    %iota3A = tpu.iota {dimensions = array<i32: 0>} : vector<16xi32>
    %xor3A = arith.constant 1 : i32
    %xor3A_18 = vector.broadcast %xor3A : i32 to vector<16xi32>
    %xor3A_19 = arith.xori %iota3A, %xor3A_18 : vector<16xi32>
    %xor3A_20 = arith.constant 2 : i32
    %xor3A_21 = vector.broadcast %xor3A_20 : i32 to vector<16xi32>
    %xor3A_22 = arith.xori %iota3A, %xor3A_21 : vector<16xi32>
    %xor3A_23 = arith.constant 4 : i32
    %xor3A_24 = vector.broadcast %xor3A_23 : i32 to vector<16xi32>
    %xor3A_25 = arith.xori %iota3A, %xor3A_24 : vector<16xi32>
    %xor3A_26 = arith.constant 8 : i32
    %xor3A_27 = vector.broadcast %xor3A_26 : i32 to vector<16xi32>
    %xor3A_28 = arith.xori %iota3A, %xor3A_27 : vector<16xi32>
    %mul3A_29 = arith.constant 0 : i32
    %mul3A_30 = arith.constant 128 : i32
    %mul3A_31 = arith.muli %mul3A_29, %mul3A_30 : i32
    %add3A_32 = arith.addi %mul3A_2, %mul3A_31 : i32
    "tpu.region"() ({
      %run_scoped3A = tpu.sem_alloc : memref<!tpu.dma_semaphore, #tpu.memory_space<semaphore_mem>>
      %dma_start3A_87 = tpu.memref_slice %arg2[%add3A_32] : memref<204800xi32, #tpu.memory_space<hbm>> -> memref<128xi32, #tpu.memory_space<hbm>>
      %dma_start3A_88 = tpu.memref_slice %arg2[%add3A_32] : memref<204800xi32, #tpu.memory_space<hbm>> -> memref<128xi32, #tpu.memory_space<hbm>>
      tpu.enqueue_dma source(%dma_start3A_88 : memref<128xi32, #tpu.memory_space<hbm>>) target(%arg8 : memref<128xi32, #tpu.memory_space<vmem>>) target_semaphore(%run_scoped3A : memref<!tpu.dma_semaphore, #tpu.memory_space<semaphore_mem>>)
      %dma_wait3A_89 = tpu.memref_slice %arg2[%add3A_32] : memref<204800xi32, #tpu.memory_space<hbm>> -> memref<128xi32, #tpu.memory_space<hbm>>
      %dma_wait3A_90 = tpu.memref_slice %arg2[%add3A_32] : memref<204800xi32, #tpu.memory_space<hbm>> -> memref<128xi32, #tpu.memory_space<hbm>>
      tpu.wait_dma2 semaphore(%run_scoped3A : memref<!tpu.dma_semaphore, #tpu.memory_space<semaphore_mem>>) src(%dma_wait3A_90 : memref<128xi32, #tpu.memory_space<hbm>>) dst(%arg8 : memref<128xi32, #tpu.memory_space<vmem>>)
      tpu.yield
    }) : () -> ()
    %dma_start3A = arith.constant 0 : i32
    %dma_start3A_33 = arith.constant 0 : i32
    %dma_start3A_34 = tpu.memref_slice %arg3[%dma_start3A, %dma_start3A_33] : memref<100000x64xf32, #tpu.memory_space<hbm>> -> memref<100000x64xf32, #tpu.memory_space<hbm>>
    tpu.enqueue_indirect_dma source(%dma_start3A_34 : memref<100000x64xf32, #tpu.memory_space<hbm>>) target(%arg11 : memref<128x64xf32, #tpu.memory_space<vmem>>) offsets(%arg8 : memref<128xi32, #tpu.memory_space<vmem>>) semaphore(%arg17 : memref<!tpu.dma_semaphore, #tpu.memory_space<semaphore_mem>>)
    %mul3A_35 = arith.constant 1 : i32
    %mul3A_36 = arith.constant 128 : i32
    %mul3A_37 = arith.muli %mul3A_35, %mul3A_36 : i32
    %add3A_38 = arith.addi %mul3A_2, %mul3A_37 : i32
    "tpu.region"() ({
      %run_scoped3A = tpu.sem_alloc : memref<!tpu.dma_semaphore, #tpu.memory_space<semaphore_mem>>
      %dma_start3A_87 = tpu.memref_slice %arg2[%add3A_38] : memref<204800xi32, #tpu.memory_space<hbm>> -> memref<128xi32, #tpu.memory_space<hbm>>
      %dma_start3A_88 = tpu.memref_slice %arg2[%add3A_38] : memref<204800xi32, #tpu.memory_space<hbm>> -> memref<128xi32, #tpu.memory_space<hbm>>
      tpu.enqueue_dma source(%dma_start3A_88 : memref<128xi32, #tpu.memory_space<hbm>>) target(%arg9 : memref<128xi32, #tpu.memory_space<vmem>>) target_semaphore(%run_scoped3A : memref<!tpu.dma_semaphore, #tpu.memory_space<semaphore_mem>>)
      %dma_wait3A_89 = tpu.memref_slice %arg2[%add3A_38] : memref<204800xi32, #tpu.memory_space<hbm>> -> memref<128xi32, #tpu.memory_space<hbm>>
      %dma_wait3A_90 = tpu.memref_slice %arg2[%add3A_38] : memref<204800xi32, #tpu.memory_space<hbm>> -> memref<128xi32, #tpu.memory_space<hbm>>
      tpu.wait_dma2 semaphore(%run_scoped3A : memref<!tpu.dma_semaphore, #tpu.memory_space<semaphore_mem>>) src(%dma_wait3A_90 : memref<128xi32, #tpu.memory_space<hbm>>) dst(%arg9 : memref<128xi32, #tpu.memory_space<vmem>>)
      tpu.yield
    }) : () -> ()
    %dma_start3A_39 = arith.constant 0 : i32
    %dma_start3A_40 = arith.constant 0 : i32
    %dma_start3A_41 = tpu.memref_slice %arg3[%dma_start3A_39, %dma_start3A_40] : memref<100000x64xf32, #tpu.memory_space<hbm>> -> memref<100000x64xf32, #tpu.memory_space<hbm>>
    tpu.enqueue_indirect_dma source(%dma_start3A_41 : memref<100000x64xf32, #tpu.memory_space<hbm>>) target(%arg12 : memref<128x64xf32, #tpu.memory_space<vmem>>) offsets(%arg9 : memref<128xi32, #tpu.memory_space<vmem>>) semaphore(%arg18 : memref<!tpu.dma_semaphore, #tpu.memory_space<semaphore_mem>>)
    %scan3A = arith.constant 0 : i32
    %scan3A_42 = arith.constant 0 : i32
    %scan3A_43 = arith.constant 16 : i32
    %scan3A_44 = arith.addi %scan3A_42, %scan3A_43 : i32
    %scan3A_45 = arith.constant 1 : i32
    scf.for %scan3A_87 = %scan3A_42 to %scan3A_44 step %scan3A_45  : i32 {
      %mul3A_88 = arith.constant 3 : i32
      %mul3A_89 = arith.muli %mul3A_88, %scan3A_87 : i32
      %add3A_90 = arith.constant 0 : i32
      %add3A_91 = arith.addi %mul3A_89, %add3A_90 : i32
      %mul3A_92 = arith.constant 128 : i32
      %mul3A_93 = arith.muli %add3A_91, %mul3A_92 : i32
      %add3A_94 = arith.addi %mul3A_2, %mul3A_93 : i32
      %dma_wait3A_95 = arith.constant 0 : i32
      %dma_wait3A_96 = arith.constant 0 : i32
      %dma_wait3A_97 = tpu.memref_slice %arg3[%dma_wait3A_95, %dma_wait3A_96] : memref<100000x64xf32, #tpu.memory_space<hbm>> -> memref<100000x64xf32, #tpu.memory_space<hbm>>
      tpu.wait_indirect_dma semaphore(%arg17 : memref<!tpu.dma_semaphore, #tpu.memory_space<semaphore_mem>>) src(%dma_wait3A_97 : memref<100000x64xf32, #tpu.memory_space<hbm>>) dst(%arg11 : memref<128x64xf32, #tpu.memory_space<vmem>>)
      %parallel_loop3A_98 = arith.constant 0 : i32
      %parallel_loop3A_99 = arith.constant 128 : i32
      %parallel_loop3A_100 = arith.constant 1 : i32
      scf.for %parallel_loop3A_175 = %parallel_loop3A_98 to %parallel_loop3A_99 step %parallel_loop3A_100  : i32 {
        %parallel_loop3A_176 = arith.addi %add3A_94, %parallel_loop3A_175 : i32
        %parallel_loop3A_177 = arith.constant 50 : i32
        %parallel_loop3A_178 = arith.remsi %parallel_loop3A_176, %parallel_loop3A_177 : i32
        %parallel_loop3A_179 = arith.index_cast %parallel_loop3A_175 : i32 to index
        %parallel_loop3A_180 = arith.constant 0 : index
        %parallel_loop3A_181 = tpu.vector_load %arg11[%parallel_loop3A_179, %parallel_loop3A_180] {strides = array<i32>} : memref<128x64xf32, #tpu.memory_space<vmem>>, vector<16xf32>,
        %parallel_loop3A_182 = arith.index_cast %parallel_loop3A_178 : i32 to index
        %parallel_loop3A_183 = arith.constant 0 : index
        %parallel_loop3A_184 = tpu.vector_load %arg14[%parallel_loop3A_182, %parallel_loop3A_183] {strides = array<i32>} : memref<64x64xf32, #tpu.memory_space<vmem>>, vector<16xf32>,
        %parallel_loop3A_185 = arith.addf %parallel_loop3A_181, %parallel_loop3A_184 : vector<16xf32>
        %parallel_loop3A_186 = arith.index_cast %parallel_loop3A_175 : i32 to index
        %parallel_loop3A_187 = arith.constant 16 : index
        %parallel_loop3A_188 = tpu.vector_load %arg11[%parallel_loop3A_186, %parallel_loop3A_187] {strides = array<i32>} : memref<128x64xf32, #tpu.memory_space<vmem>>, vector<16xf32>,
        %parallel_loop3A_189 = arith.index_cast %parallel_loop3A_178 : i32 to index
        %parallel_loop3A_190 = arith.constant 16 : index
        %parallel_loop3A_191 = tpu.vector_load %arg14[%parallel_loop3A_189, %parallel_loop3A_190] {strides = array<i32>} : memref<64x64xf32, #tpu.memory_space<vmem>>, vector<16xf32>,
        %parallel_loop3A_192 = arith.addf %parallel_loop3A_188, %parallel_loop3A_191 : vector<16xf32>
        %parallel_loop3A_193 = arith.index_cast %parallel_loop3A_175 : i32 to index
        %parallel_loop3A_194 = arith.constant 32 : index
        %parallel_loop3A_195 = tpu.vector_load %arg11[%parallel_loop3A_193, %parallel_loop3A_194] {strides = array<i32>} : memref<128x64xf32, #tpu.memory_space<vmem>>, vector<16xf32>,
        %parallel_loop3A_196 = arith.index_cast %parallel_loop3A_178 : i32 to index
        %parallel_loop3A_197 = arith.constant 32 : index
        %parallel_loop3A_198 = tpu.vector_load %arg14[%parallel_loop3A_196, %parallel_loop3A_197] {strides = array<i32>} : memref<64x64xf32, #tpu.memory_space<vmem>>, vector<16xf32>,
        %parallel_loop3A_199 = arith.addf %parallel_loop3A_195, %parallel_loop3A_198 : vector<16xf32>
        %parallel_loop3A_200 = arith.index_cast %parallel_loop3A_175 : i32 to index
        %parallel_loop3A_201 = arith.constant 48 : index
        %parallel_loop3A_202 = tpu.vector_load %arg11[%parallel_loop3A_200, %parallel_loop3A_201] {strides = array<i32>} : memref<128x64xf32, #tpu.memory_space<vmem>>, vector<16xf32>,
        %parallel_loop3A_203 = arith.index_cast %parallel_loop3A_178 : i32 to index
        %parallel_loop3A_204 = arith.constant 48 : index
        %parallel_loop3A_205 = tpu.vector_load %arg14[%parallel_loop3A_203, %parallel_loop3A_204] {strides = array<i32>} : memref<64x64xf32, #tpu.memory_space<vmem>>, vector<16xf32>,
        %parallel_loop3A_206 = arith.addf %parallel_loop3A_202, %parallel_loop3A_205 : vector<16xf32>
        %parallel_loop3A_207 = arith.addf %parallel_loop3A_185, %parallel_loop3A_192 : vector<16xf32>
        %parallel_loop3A_208 = arith.addf %parallel_loop3A_199, %parallel_loop3A_206 : vector<16xf32>
        %parallel_loop3A_209 = arith.addf %parallel_loop3A_207, %parallel_loop3A_208 : vector<16xf32>
        %parallel_loop3A_210 = arith.mulf %parallel_loop3A_185, %parallel_loop3A_185 : vector<16xf32>
        %parallel_loop3A_211 = arith.mulf %parallel_loop3A_192, %parallel_loop3A_192 : vector<16xf32>
        %parallel_loop3A_212 = arith.addf %parallel_loop3A_210, %parallel_loop3A_211 : vector<16xf32>
        %parallel_loop3A_213 = arith.mulf %parallel_loop3A_199, %parallel_loop3A_199 : vector<16xf32>
        %parallel_loop3A_214 = arith.mulf %parallel_loop3A_206, %parallel_loop3A_206 : vector<16xf32>
        %parallel_loop3A_215 = arith.addf %parallel_loop3A_213, %parallel_loop3A_214 : vector<16xf32>
        %parallel_loop3A_216 = arith.addf %parallel_loop3A_212, %parallel_loop3A_215 : vector<16xf32>
        %parallel_loop3A_217 = arith.constant 0 : i32
        %parallel_loop3A_218 = vector.broadcast %parallel_loop3A_217 : i32 to vector<16xi32>
        %parallel_loop3A_219 = arith.cmpi slt, %xor3A_19, %parallel_loop3A_218 : vector<16xi32>
        %parallel_loop3A_220 = arith.constant 16 : i32
        %parallel_loop3A_221 = vector.broadcast %parallel_loop3A_220 : i32 to vector<16xi32>
        %parallel_loop3A_222 = arith.addi %xor3A_19, %parallel_loop3A_221 : vector<16xi32>
        %parallel_loop3A_223 = arith.select %parallel_loop3A_219, %parallel_loop3A_222, %xor3A_19 : vector<16xi1>, vector<16xi32>
        %parallel_loop3A_224 = vector.shape_cast %parallel_loop3A_223 : vector<16xi32> to vector<16x1xi32>
        %parallel_loop3A_225 = vector.shape_cast %parallel_loop3A_224 : vector<16x1xi32> to vector<16xi32>
        %parallel_loop3A_226 = tpu.dynamic_gather %parallel_loop3A_209[%parallel_loop3A_225] in [0] : vector<16xf32>, vector<16xi32> -> vector<16xf32>
        %parallel_loop3A_227 = arith.addf %parallel_loop3A_209, %parallel_loop3A_226 : vector<16xf32>
        %parallel_loop3A_228 = arith.constant 0 : i32
        %parallel_loop3A_229 = vector.broadcast %parallel_loop3A_228 : i32 to vector<16xi32>
        %parallel_loop3A_230 = arith.cmpi slt, %xor3A_22, %parallel_loop3A_229 : vector<16xi32>
        %parallel_loop3A_231 = arith.constant 16 : i32
        %parallel_loop3A_232 = vector.broadcast %parallel_loop3A_231 : i32 to vector<16xi32>
        %parallel_loop3A_233 = arith.addi %xor3A_22, %parallel_loop3A_232 : vector<16xi32>
        %parallel_loop3A_234 = arith.select %parallel_loop3A_230, %parallel_loop3A_233, %xor3A_22 : vector<16xi1>, vector<16xi32>
        %parallel_loop3A_235 = vector.shape_cast %parallel_loop3A_234 : vector<16xi32> to vector<16x1xi32>
        %parallel_loop3A_236 = vector.shape_cast %parallel_loop3A_235 : vector<16x1xi32> to vector<16xi32>
        %parallel_loop3A_237 = tpu.dynamic_gather %parallel_loop3A_227[%parallel_loop3A_236] in [0] : vector<16xf32>, vector<16xi32> -> vector<16xf32>
        %parallel_loop3A_238 = arith.addf %parallel_loop3A_227, %parallel_loop3A_237 : vector<16xf32>
        %parallel_loop3A_239 = arith.constant 0 : i32
        %parallel_loop3A_240 = vector.broadcast %parallel_loop3A_239 : i32 to vector<16xi32>
        %parallel_loop3A_241 = arith.cmpi slt, %xor3A_25, %parallel_loop3A_240 : vector<16xi32>
        %parallel_loop3A_242 = arith.constant 16 : i32
        %parallel_loop3A_243 = vector.broadcast %parallel_loop3A_242 : i32 to vector<16xi32>
        %parallel_loop3A_244 = arith.addi %xor3A_25, %parallel_loop3A_243 : vector<16xi32>
        %parallel_loop3A_245 = arith.select %parallel_loop3A_241, %parallel_loop3A_244, %xor3A_25 : vector<16xi1>, vector<16xi32>
        %parallel_loop3A_246 = vector.shape_cast %parallel_loop3A_245 : vector<16xi32> to vector<16x1xi32>
        %parallel_loop3A_247 = vector.shape_cast %parallel_loop3A_246 : vector<16x1xi32> to vector<16xi32>
        %parallel_loop3A_248 = tpu.dynamic_gather %parallel_loop3A_238[%parallel_loop3A_247] in [0] : vector<16xf32>, vector<16xi32> -> vector<16xf32>
        %parallel_loop3A_249 = arith.addf %parallel_loop3A_238, %parallel_loop3A_248 : vector<16xf32>
        %parallel_loop3A_250 = arith.constant 0 : i32
        %parallel_loop3A_251 = vector.broadcast %parallel_loop3A_250 : i32 to vector<16xi32>
        %parallel_loop3A_252 = arith.cmpi slt, %xor3A_28, %parallel_loop3A_251 : vector<16xi32>
        %parallel_loop3A_253 = arith.constant 16 : i32
        %parallel_loop3A_254 = vector.broadcast %parallel_loop3A_253 : i32 to vector<16xi32>
        %parallel_loop3A_255 = arith.addi %xor3A_28, %parallel_loop3A_254 : vector<16xi32>
        %parallel_loop3A_256 = arith.select %parallel_loop3A_252, %parallel_loop3A_255, %xor3A_28 : vector<16xi1>, vector<16xi32>
        %parallel_loop3A_257 = vector.shape_cast %parallel_loop3A_256 : vector<16xi32> to vector<16x1xi32>
        %parallel_loop3A_258 = vector.shape_cast %parallel_loop3A_257 : vector<16x1xi32> to vector<16xi32>
        %parallel_loop3A_259 = tpu.dynamic_gather %parallel_loop3A_249[%parallel_loop3A_258] in [0] : vector<16xf32>, vector<16xi32> -> vector<16xf32>
        %parallel_loop3A_260 = arith.addf %parallel_loop3A_249, %parallel_loop3A_259 : vector<16xf32>
        %parallel_loop3A_261 = arith.constant 1.562500e-02 : f32
        %parallel_loop3A_262 = vector.broadcast %parallel_loop3A_261 : f32 to vector<16xf32>
        %parallel_loop3A_263 = arith.mulf %parallel_loop3A_260, %parallel_loop3A_262 : vector<16xf32>
        %parallel_loop3A_264 = arith.constant 0 : i32
        %parallel_loop3A_265 = vector.broadcast %parallel_loop3A_264 : i32 to vector<16xi32>
        %parallel_loop3A_266 = arith.cmpi slt, %xor3A_19, %parallel_loop3A_265 : vector<16xi32>
        %parallel_loop3A_267 = arith.constant 16 : i32
        %parallel_loop3A_268 = vector.broadcast %parallel_loop3A_267 : i32 to vector<16xi32>
        %parallel_loop3A_269 = arith.addi %xor3A_19, %parallel_loop3A_268 : vector<16xi32>
        %parallel_loop3A_270 = arith.select %parallel_loop3A_266, %parallel_loop3A_269, %xor3A_19 : vector<16xi1>, vector<16xi32>
        %parallel_loop3A_271 = vector.shape_cast %parallel_loop3A_270 : vector<16xi32> to vector<16x1xi32>
        %parallel_loop3A_272 = vector.shape_cast %parallel_loop3A_271 : vector<16x1xi32> to vector<16xi32>
        %parallel_loop3A_273 = tpu.dynamic_gather %parallel_loop3A_216[%parallel_loop3A_272] in [0] : vector<16xf32>, vector<16xi32> -> vector<16xf32>
        %parallel_loop3A_274 = arith.addf %parallel_loop3A_216, %parallel_loop3A_273 : vector<16xf32>
        %parallel_loop3A_275 = arith.constant 0 : i32
        %parallel_loop3A_276 = vector.broadcast %parallel_loop3A_275 : i32 to vector<16xi32>
        %parallel_loop3A_277 = arith.cmpi slt, %xor3A_22, %parallel_loop3A_276 : vector<16xi32>
        %parallel_loop3A_278 = arith.constant 16 : i32
        %parallel_loop3A_279 = vector.broadcast %parallel_loop3A_278 : i32 to vector<16xi32>
        %parallel_loop3A_280 = arith.addi %xor3A_22, %parallel_loop3A_279 : vector<16xi32>
        %parallel_loop3A_281 = arith.select %parallel_loop3A_277, %parallel_loop3A_280, %xor3A_22 : vector<16xi1>, vector<16xi32>
        %parallel_loop3A_282 = vector.shape_cast %parallel_loop3A_281 : vector<16xi32> to vector<16x1xi32>
        %parallel_loop3A_283 = vector.shape_cast %parallel_loop3A_282 : vector<16x1xi32> to vector<16xi32>
        %parallel_loop3A_284 = tpu.dynamic_gather %parallel_loop3A_274[%parallel_loop3A_283] in [0] : vector<16xf32>, vector<16xi32> -> vector<16xf32>
        %parallel_loop3A_285 = arith.addf %parallel_loop3A_274, %parallel_loop3A_284 : vector<16xf32>
        %parallel_loop3A_286 = arith.constant 0 : i32
        %parallel_loop3A_287 = vector.broadcast %parallel_loop3A_286 : i32 to vector<16xi32>
        %parallel_loop3A_288 = arith.cmpi slt, %xor3A_25, %parallel_loop3A_287 : vector<16xi32>
        %parallel_loop3A_289 = arith.constant 16 : i32
        %parallel_loop3A_290 = vector.broadcast %parallel_loop3A_289 : i32 to vector<16xi32>
        %parallel_loop3A_291 = arith.addi %xor3A_25, %parallel_loop3A_290 : vector<16xi32>
        %parallel_loop3A_292 = arith.select %parallel_loop3A_288, %parallel_loop3A_291, %xor3A_25 : vector<16xi1>, vector<16xi32>
        %parallel_loop3A_293 = vector.shape_cast %parallel_loop3A_292 : vector<16xi32> to vector<16x1xi32>
        %parallel_loop3A_294 = vector.shape_cast %parallel_loop3A_293 : vector<16x1xi32> to vector<16xi32>
        %parallel_loop3A_295 = tpu.dynamic_gather %parallel_loop3A_285[%parallel_loop3A_294] in [0] : vector<16xf32>, vector<16xi32> -> vector<16xf32>
        %parallel_loop3A_296 = arith.addf %parallel_loop3A_285, %parallel_loop3A_295 : vector<16xf32>
        %parallel_loop3A_297 = arith.constant 0 : i32
        %parallel_loop3A_298 = vector.broadcast %parallel_loop3A_297 : i32 to vector<16xi32>
        %parallel_loop3A_299 = arith.cmpi slt, %xor3A_28, %parallel_loop3A_298 : vector<16xi32>
        %parallel_loop3A_300 = arith.constant 16 : i32
        %parallel_loop3A_301 = vector.broadcast %parallel_loop3A_300 : i32 to vector<16xi32>
        %parallel_loop3A_302 = arith.addi %xor3A_28, %parallel_loop3A_301 : vector<16xi32>
        %parallel_loop3A_303 = arith.select %parallel_loop3A_299, %parallel_loop3A_302, %xor3A_28 : vector<16xi1>, vector<16xi32>
        %parallel_loop3A_304 = vector.shape_cast %parallel_loop3A_303 : vector<16xi32> to vector<16x1xi32>
        %parallel_loop3A_305 = vector.shape_cast %parallel_loop3A_304 : vector<16x1xi32> to vector<16xi32>
        %parallel_loop3A_306 = tpu.dynamic_gather %parallel_loop3A_296[%parallel_loop3A_305] in [0] : vector<16xf32>, vector<16xi32> -> vector<16xf32>
        %parallel_loop3A_307 = arith.addf %parallel_loop3A_296, %parallel_loop3A_306 : vector<16xf32>
        %parallel_loop3A_308 = arith.constant 1.562500e-02 : f32
        %parallel_loop3A_309 = vector.broadcast %parallel_loop3A_308 : f32 to vector<16xf32>
        %parallel_loop3A_310 = arith.mulf %parallel_loop3A_307, %parallel_loop3A_309 : vector<16xf32>
        %parallel_loop3A_311 = arith.mulf %parallel_loop3A_263, %parallel_loop3A_263 : vector<16xf32>
        %parallel_loop3A_312 = arith.subf %parallel_loop3A_310, %parallel_loop3A_311 : vector<16xf32>
        %parallel_loop3A_313 = arith.constant 9.99999974E-6 : f32
        %parallel_loop3A_314 = vector.broadcast %parallel_loop3A_313 : f32 to vector<16xf32>
        %parallel_loop3A_315 = arith.addf %parallel_loop3A_312, %parallel_loop3A_314 : vector<16xf32>
        %parallel_loop3A_316 = vector.bitcast %parallel_loop3A_315 : vector<16xf32> to vector<16xi32>
        %parallel_loop3A_317 = arith.constant 1 : i32
        %parallel_loop3A_318 = vector.broadcast %parallel_loop3A_317 : i32 to vector<16xi32>
        %parallel_loop3A_319 = arith.shrui %parallel_loop3A_316, %parallel_loop3A_318 : vector<16xi32>
        %parallel_loop3A_320 = arith.constant 1597463007 : i32
        %parallel_loop3A_321 = vector.broadcast %parallel_loop3A_320 : i32 to vector<16xi32>
        %parallel_loop3A_322 = arith.subi %parallel_loop3A_321, %parallel_loop3A_319 : vector<16xi32>
        %parallel_loop3A_323 = vector.bitcast %parallel_loop3A_322 : vector<16xi32> to vector<16xf32>
        %parallel_loop3A_324 = arith.constant 5.000000e-01 : f32
        %parallel_loop3A_325 = vector.broadcast %parallel_loop3A_324 : f32 to vector<16xf32>
        %parallel_loop3A_326 = arith.mulf %parallel_loop3A_325, %parallel_loop3A_315 : vector<16xf32>
        %parallel_loop3A_327 = arith.mulf %parallel_loop3A_326, %parallel_loop3A_323 : vector<16xf32>
        %parallel_loop3A_328 = arith.mulf %parallel_loop3A_327, %parallel_loop3A_323 : vector<16xf32>
        %parallel_loop3A_329 = arith.constant 1.500000e+00 : f32
        %parallel_loop3A_330 = vector.broadcast %parallel_loop3A_329 : f32 to vector<16xf32>
        %parallel_loop3A_331 = arith.subf %parallel_loop3A_330, %parallel_loop3A_328 : vector<16xf32>
        %parallel_loop3A_332 = arith.mulf %parallel_loop3A_323, %parallel_loop3A_331 : vector<16xf32>
        %parallel_loop3A_333 = arith.mulf %parallel_loop3A_326, %parallel_loop3A_332 : vector<16xf32>
        %parallel_loop3A_334 = arith.mulf %parallel_loop3A_333, %parallel_loop3A_332 : vector<16xf32>
        %parallel_loop3A_335 = arith.constant 1.500000e+00 : f32
        %parallel_loop3A_336 = vector.broadcast %parallel_loop3A_335 : f32 to vector<16xf32>
        %parallel_loop3A_337 = arith.subf %parallel_loop3A_336, %parallel_loop3A_334 : vector<16xf32>
        %parallel_loop3A_338 = arith.mulf %parallel_loop3A_332, %parallel_loop3A_337 : vector<16xf32>
        %parallel_loop3A_339 = arith.mulf %parallel_loop3A_263, %parallel_loop3A_338 : vector<16xf32>
        %parallel_loop3A_340 = arith.mulf %parallel_loop3A_185, %parallel_loop3A_338 : vector<16xf32>
        %parallel_loop3A_341 = arith.subf %parallel_loop3A_340, %parallel_loop3A_339 : vector<16xf32>
        %parallel_loop3A_342 = arith.mulf %parallel_loop3A_341, %get3A_3 : vector<16xf32>
        %parallel_loop3A_343 = arith.addf %parallel_loop3A_342, %get3A_11 : vector<16xf32>
        %parallel_loop3A_344 = arith.index_cast %parallel_loop3A_175 : i32 to index
        %parallel_loop3A_345 = arith.constant 0 : index
        %parallel_loop3A_346 = tpu.vector_load %arg11[%parallel_loop3A_344, %parallel_loop3A_345] {strides = array<i32>} : memref<128x64xf32, #tpu.memory_space<vmem>>, vector<16xf32>,
        tpu.vector_store %arg11[%parallel_loop3A_344, %parallel_loop3A_345], %parallel_loop3A_343 {strides = array<i32>} : memref<128x64xf32, #tpu.memory_space<vmem>>, vector<16xf32>,
        %parallel_loop3A_347 = arith.mulf %parallel_loop3A_192, %parallel_loop3A_338 : vector<16xf32>
        %parallel_loop3A_348 = arith.subf %parallel_loop3A_347, %parallel_loop3A_339 : vector<16xf32>
        %parallel_loop3A_349 = arith.mulf %parallel_loop3A_348, %get3A_5 : vector<16xf32>
        %parallel_loop3A_350 = arith.addf %parallel_loop3A_349, %get3A_13 : vector<16xf32>
        %parallel_loop3A_351 = arith.index_cast %parallel_loop3A_175 : i32 to index
        %parallel_loop3A_352 = arith.constant 16 : index
        %parallel_loop3A_353 = tpu.vector_load %arg11[%parallel_loop3A_351, %parallel_loop3A_352] {strides = array<i32>} : memref<128x64xf32, #tpu.memory_space<vmem>>, vector<16xf32>,
        tpu.vector_store %arg11[%parallel_loop3A_351, %parallel_loop3A_352], %parallel_loop3A_350 {strides = array<i32>} : memref<128x64xf32, #tpu.memory_space<vmem>>, vector<16xf32>,
        %parallel_loop3A_354 = arith.mulf %parallel_loop3A_199, %parallel_loop3A_338 : vector<16xf32>
        %parallel_loop3A_355 = arith.subf %parallel_loop3A_354, %parallel_loop3A_339 : vector<16xf32>
        %parallel_loop3A_356 = arith.mulf %parallel_loop3A_355, %get3A_7 : vector<16xf32>
        %parallel_loop3A_357 = arith.addf %parallel_loop3A_356, %get3A_15 : vector<16xf32>
        %parallel_loop3A_358 = arith.index_cast %parallel_loop3A_175 : i32 to index
        %parallel_loop3A_359 = arith.constant 32 : index
        %parallel_loop3A_360 = tpu.vector_load %arg11[%parallel_loop3A_358, %parallel_loop3A_359] {strides = array<i32>} : memref<128x64xf32, #tpu.memory_space<vmem>>, vector<16xf32>,
        tpu.vector_store %arg11[%parallel_loop3A_358, %parallel_loop3A_359], %parallel_loop3A_357 {strides = array<i32>} : memref<128x64xf32, #tpu.memory_space<vmem>>, vector<16xf32>,
        %parallel_loop3A_361 = arith.mulf %parallel_loop3A_206, %parallel_loop3A_338 : vector<16xf32>
        %parallel_loop3A_362 = arith.subf %parallel_loop3A_361, %parallel_loop3A_339 : vector<16xf32>
        %parallel_loop3A_363 = arith.mulf %parallel_loop3A_362, %get3A_9 : vector<16xf32>
        %parallel_loop3A_364 = arith.addf %parallel_loop3A_363, %get3A_17 : vector<16xf32>
        %parallel_loop3A_365 = arith.index_cast %parallel_loop3A_175 : i32 to index
        %parallel_loop3A_366 = arith.constant 48 : index
        %parallel_loop3A_367 = tpu.vector_load %arg11[%parallel_loop3A_365, %parallel_loop3A_366] {strides = array<i32>} : memref<128x64xf32, #tpu.memory_space<vmem>>, vector<16xf32>,
        tpu.vector_store %arg11[%parallel_loop3A_365, %parallel_loop3A_366], %parallel_loop3A_364 {strides = array<i32>} : memref<128x64xf32, #tpu.memory_space<vmem>>, vector<16xf32>,
      } {sc.loop_unroll_factor = 4 : i64, sc.parallel_access}
      %dma_start3A_101 = arith.constant 0 : i32
      %dma_start3A_102 = tpu.memref_slice %arg7[%add3A_94, %dma_start3A_101] : memref<204800x64xf32, #tpu.memory_space<hbm>> -> memref<128x64xf32, #tpu.memory_space<hbm>>
      %dma_start3A_103 = arith.constant 0 : i32
      %dma_start3A_104 = tpu.memref_slice %arg7[%add3A_94, %dma_start3A_103] : memref<204800x64xf32, #tpu.memory_space<hbm>> -> memref<128x64xf32, #tpu.memory_space<hbm>>
      tpu.enqueue_dma source(%arg11 : memref<128x64xf32, #tpu.memory_space<vmem>>) target(%dma_start3A_104 : memref<128x64xf32, #tpu.memory_space<hbm>>) target_semaphore(%arg20 : memref<!tpu.dma_semaphore, #tpu.memory_space<semaphore_mem>>)
      %ge3A = arith.constant 1 : i32
      %ge3A_105 = arith.cmpi sge, %add3A_91, %ge3A : i32
      %convert_element_type3A = arith.extui %ge3A_105 : i1 to i32
      %cond3A = arith.constant 0 : i32
      %cond3A_106 = arith.cmpi ne, %convert_element_type3A, %cond3A : i32
      scf.if %cond3A_106 {
        %sub3A = arith.constant 1 : i32
        %sub3A_175 = arith.subi %add3A_91, %sub3A : i32
        %mul3A_176 = arith.constant 128 : i32
        %mul3A_177 = arith.muli %sub3A_175, %mul3A_176 : i32
        %add3A_178 = arith.addi %mul3A_2, %mul3A_177 : i32
        %dma_wait3A_179 = arith.constant 0 : i32
        %dma_wait3A_180 = tpu.memref_slice %arg7[%add3A_178, %dma_wait3A_179] : memref<204800x64xf32, #tpu.memory_space<hbm>> -> memref<128x64xf32, #tpu.memory_space<hbm>>
        %dma_wait3A_181 = arith.constant 0 : i32
        %dma_wait3A_182 = tpu.memref_slice %arg7[%add3A_178, %dma_wait3A_181] : memref<204800x64xf32, #tpu.memory_space<hbm>> -> memref<128x64xf32, #tpu.memory_space<hbm>>
        tpu.wait_dma2 semaphore(%arg22 : memref<!tpu.dma_semaphore, #tpu.memory_space<semaphore_mem>>) src(%arg13 : memref<128x64xf32, #tpu.memory_space<vmem>>) dst(%dma_wait3A_182 : memref<128x64xf32, #tpu.memory_space<hbm>>)
      } else {
      }
      %add3A_107 = arith.constant 2 : i32
      %add3A_108 = arith.addi %add3A_91, %add3A_107 : i32
      %mul3A_109 = arith.constant 128 : i32
      %mul3A_110 = arith.muli %add3A_108, %mul3A_109 : i32
      %add3A_111 = arith.addi %mul3A_2, %mul3A_110 : i32
      "tpu.region"() ({
        %run_scoped3A = tpu.sem_alloc : memref<!tpu.dma_semaphore, #tpu.memory_space<semaphore_mem>>
        %dma_start3A_175 = tpu.memref_slice %arg2[%add3A_111] : memref<204800xi32, #tpu.memory_space<hbm>> -> memref<128xi32, #tpu.memory_space<hbm>>
        %dma_start3A_176 = tpu.memref_slice %arg2[%add3A_111] : memref<204800xi32, #tpu.memory_space<hbm>> -> memref<128xi32, #tpu.memory_space<hbm>>
        tpu.enqueue_dma source(%dma_start3A_176 : memref<128xi32, #tpu.memory_space<hbm>>) target(%arg10 : memref<128xi32, #tpu.memory_space<vmem>>) target_semaphore(%run_scoped3A : memref<!tpu.dma_semaphore, #tpu.memory_space<semaphore_mem>>)
        %dma_wait3A_177 = tpu.memref_slice %arg2[%add3A_111] : memref<204800xi32, #tpu.memory_space<hbm>> -> memref<128xi32, #tpu.memory_space<hbm>>
        %dma_wait3A_178 = tpu.memref_slice %arg2[%add3A_111] : memref<204800xi32, #tpu.memory_space<hbm>> -> memref<128xi32, #tpu.memory_space<hbm>>
        tpu.wait_dma2 semaphore(%run_scoped3A : memref<!tpu.dma_semaphore, #tpu.memory_space<semaphore_mem>>) src(%dma_wait3A_178 : memref<128xi32, #tpu.memory_space<hbm>>) dst(%arg10 : memref<128xi32, #tpu.memory_space<vmem>>)
        tpu.yield
      }) : () -> ()
      %dma_start3A_112 = arith.constant 0 : i32
      %dma_start3A_113 = arith.constant 0 : i32
      %dma_start3A_114 = tpu.memref_slice %arg3[%dma_start3A_112, %dma_start3A_113] : memref<100000x64xf32, #tpu.memory_space<hbm>> -> memref<100000x64xf32, #tpu.memory_space<hbm>>
      tpu.enqueue_indirect_dma source(%dma_start3A_114 : memref<100000x64xf32, #tpu.memory_space<hbm>>) target(%arg13 : memref<128x64xf32, #tpu.memory_space<vmem>>) offsets(%arg10 : memref<128xi32, #tpu.memory_space<vmem>>) semaphore(%arg19 : memref<!tpu.dma_semaphore, #tpu.memory_space<semaphore_mem>>)
      %mul3A_115 = arith.constant 3 : i32
      %mul3A_116 = arith.muli %mul3A_115, %scan3A_87 : i32
      %add3A_117 = arith.constant 1 : i32
      %add3A_118 = arith.addi %mul3A_116, %add3A_117 : i32
      %mul3A_119 = arith.constant 128 : i32
      %mul3A_120 = arith.muli %add3A_118, %mul3A_119 : i32
      %add3A_121 = arith.addi %mul3A_2, %mul3A_120 : i32
      %dma_wait3A_122 = arith.constant 0 : i32
      %dma_wait3A_123 = arith.constant 0 : i32
      %dma_wait3A_124 = tpu.memref_slice %arg3[%dma_wait3A_122, %dma_wait3A_123] : memref<100000x64xf32, #tpu.memory_space<hbm>> -> memref<100000x64xf32, #tpu.memory_space<hbm>>
      tpu.wait_indirect_dma semaphore(%arg18 : memref<!tpu.dma_semaphore, #tpu.memory_space<semaphore_mem>>) src(%dma_wait3A_124 : memref<100000x64xf32, #tpu.memory_space<hbm>>) dst(%arg12 : memref<128x64xf32, #tpu.memory_space<vmem>>)
      %parallel_loop3A_125 = arith.constant 0 : i32
      %parallel_loop3A_126 = arith.constant 128 : i32
      %parallel_loop3A_127 = arith.constant 1 : i32
      scf.for %parallel_loop3A_175 = %parallel_loop3A_125 to %parallel_loop3A_126 step %parallel_loop3A_127  : i32 {
        %parallel_loop3A_176 = arith.addi %add3A_121, %parallel_loop3A_175 : i32
        %parallel_loop3A_177 = arith.constant 50 : i32
        %parallel_loop3A_178 = arith.remsi %parallel_loop3A_176, %parallel_loop3A_177 : i32
        %parallel_loop3A_179 = arith.index_cast %parallel_loop3A_175 : i32 to index
        %parallel_loop3A_180 = arith.constant 0 : index
        %parallel_loop3A_181 = tpu.vector_load %arg12[%parallel_loop3A_179, %parallel_loop3A_180] {strides = array<i32>} : memref<128x64xf32, #tpu.memory_space<vmem>>, vector<16xf32>,
        %parallel_loop3A_182 = arith.index_cast %parallel_loop3A_178 : i32 to index
        %parallel_loop3A_183 = arith.constant 0 : index
        %parallel_loop3A_184 = tpu.vector_load %arg14[%parallel_loop3A_182, %parallel_loop3A_183] {strides = array<i32>} : memref<64x64xf32, #tpu.memory_space<vmem>>, vector<16xf32>,
        %parallel_loop3A_185 = arith.addf %parallel_loop3A_181, %parallel_loop3A_184 : vector<16xf32>
        %parallel_loop3A_186 = arith.index_cast %parallel_loop3A_175 : i32 to index
        %parallel_loop3A_187 = arith.constant 16 : index
        %parallel_loop3A_188 = tpu.vector_load %arg12[%parallel_loop3A_186, %parallel_loop3A_187] {strides = array<i32>} : memref<128x64xf32, #tpu.memory_space<vmem>>, vector<16xf32>,
        %parallel_loop3A_189 = arith.index_cast %parallel_loop3A_178 : i32 to index
        %parallel_loop3A_190 = arith.constant 16 : index
        %parallel_loop3A_191 = tpu.vector_load %arg14[%parallel_loop3A_189, %parallel_loop3A_190] {strides = array<i32>} : memref<64x64xf32, #tpu.memory_space<vmem>>, vector<16xf32>,
        %parallel_loop3A_192 = arith.addf %parallel_loop3A_188, %parallel_loop3A_191 : vector<16xf32>
        %parallel_loop3A_193 = arith.index_cast %parallel_loop3A_175 : i32 to index
        %parallel_loop3A_194 = arith.constant 32 : index
        %parallel_loop3A_195 = tpu.vector_load %arg12[%parallel_loop3A_193, %parallel_loop3A_194] {strides = array<i32>} : memref<128x64xf32, #tpu.memory_space<vmem>>, vector<16xf32>,
        %parallel_loop3A_196 = arith.index_cast %parallel_loop3A_178 : i32 to index
        %parallel_loop3A_197 = arith.constant 32 : index
        %parallel_loop3A_198 = tpu.vector_load %arg14[%parallel_loop3A_196, %parallel_loop3A_197] {strides = array<i32>} : memref<64x64xf32, #tpu.memory_space<vmem>>, vector<16xf32>,
        %parallel_loop3A_199 = arith.addf %parallel_loop3A_195, %parallel_loop3A_198 : vector<16xf32>
        %parallel_loop3A_200 = arith.index_cast %parallel_loop3A_175 : i32 to index
        %parallel_loop3A_201 = arith.constant 48 : index
        %parallel_loop3A_202 = tpu.vector_load %arg12[%parallel_loop3A_200, %parallel_loop3A_201] {strides = array<i32>} : memref<128x64xf32, #tpu.memory_space<vmem>>, vector<16xf32>,
        %parallel_loop3A_203 = arith.index_cast %parallel_loop3A_178 : i32 to index
        %parallel_loop3A_204 = arith.constant 48 : index
        %parallel_loop3A_205 = tpu.vector_load %arg14[%parallel_loop3A_203, %parallel_loop3A_204] {strides = array<i32>} : memref<64x64xf32, #tpu.memory_space<vmem>>, vector<16xf32>,
        %parallel_loop3A_206 = arith.addf %parallel_loop3A_202, %parallel_loop3A_205 : vector<16xf32>
        %parallel_loop3A_207 = arith.addf %parallel_loop3A_185, %parallel_loop3A_192 : vector<16xf32>
        %parallel_loop3A_208 = arith.addf %parallel_loop3A_199, %parallel_loop3A_206 : vector<16xf32>
        %parallel_loop3A_209 = arith.addf %parallel_loop3A_207, %parallel_loop3A_208 : vector<16xf32>
        %parallel_loop3A_210 = arith.mulf %parallel_loop3A_185, %parallel_loop3A_185 : vector<16xf32>
        %parallel_loop3A_211 = arith.mulf %parallel_loop3A_192, %parallel_loop3A_192 : vector<16xf32>
        %parallel_loop3A_212 = arith.addf %parallel_loop3A_210, %parallel_loop3A_211 : vector<16xf32>
        %parallel_loop3A_213 = arith.mulf %parallel_loop3A_199, %parallel_loop3A_199 : vector<16xf32>
        %parallel_loop3A_214 = arith.mulf %parallel_loop3A_206, %parallel_loop3A_206 : vector<16xf32>
        %parallel_loop3A_215 = arith.addf %parallel_loop3A_213, %parallel_loop3A_214 : vector<16xf32>
        %parallel_loop3A_216 = arith.addf %parallel_loop3A_212, %parallel_loop3A_215 : vector<16xf32>
        %parallel_loop3A_217 = arith.constant 0 : i32
        %parallel_loop3A_218 = vector.broadcast %parallel_loop3A_217 : i32 to vector<16xi32>
        %parallel_loop3A_219 = arith.cmpi slt, %xor3A_19, %parallel_loop3A_218 : vector<16xi32>
        %parallel_loop3A_220 = arith.constant 16 : i32
        %parallel_loop3A_221 = vector.broadcast %parallel_loop3A_220 : i32 to vector<16xi32>
        %parallel_loop3A_222 = arith.addi %xor3A_19, %parallel_loop3A_221 : vector<16xi32>
        %parallel_loop3A_223 = arith.select %parallel_loop3A_219, %parallel_loop3A_222, %xor3A_19 : vector<16xi1>, vector<16xi32>
        %parallel_loop3A_224 = vector.shape_cast %parallel_loop3A_223 : vector<16xi32> to vector<16x1xi32>
        %parallel_loop3A_225 = vector.shape_cast %parallel_loop3A_224 : vector<16x1xi32> to vector<16xi32>
        %parallel_loop3A_226 = tpu.dynamic_gather %parallel_loop3A_209[%parallel_loop3A_225] in [0] : vector<16xf32>, vector<16xi32> -> vector<16xf32>
        %parallel_loop3A_227 = arith.addf %parallel_loop3A_209, %parallel_loop3A_226 : vector<16xf32>
        %parallel_loop3A_228 = arith.constant 0 : i32
        %parallel_loop3A_229 = vector.broadcast %parallel_loop3A_228 : i32 to vector<16xi32>
        %parallel_loop3A_230 = arith.cmpi slt, %xor3A_22, %parallel_loop3A_229 : vector<16xi32>
        %parallel_loop3A_231 = arith.constant 16 : i32
        %parallel_loop3A_232 = vector.broadcast %parallel_loop3A_231 : i32 to vector<16xi32>
        %parallel_loop3A_233 = arith.addi %xor3A_22, %parallel_loop3A_232 : vector<16xi32>
        %parallel_loop3A_234 = arith.select %parallel_loop3A_230, %parallel_loop3A_233, %xor3A_22 : vector<16xi1>, vector<16xi32>
        %parallel_loop3A_235 = vector.shape_cast %parallel_loop3A_234 : vector<16xi32> to vector<16x1xi32>
        %parallel_loop3A_236 = vector.shape_cast %parallel_loop3A_235 : vector<16x1xi32> to vector<16xi32>
        %parallel_loop3A_237 = tpu.dynamic_gather %parallel_loop3A_227[%parallel_loop3A_236] in [0] : vector<16xf32>, vector<16xi32> -> vector<16xf32>
        %parallel_loop3A_238 = arith.addf %parallel_loop3A_227, %parallel_loop3A_237 : vector<16xf32>
        %parallel_loop3A_239 = arith.constant 0 : i32
        %parallel_loop3A_240 = vector.broadcast %parallel_loop3A_239 : i32 to vector<16xi32>
        %parallel_loop3A_241 = arith.cmpi slt, %xor3A_25, %parallel_loop3A_240 : vector<16xi32>
        %parallel_loop3A_242 = arith.constant 16 : i32
        %parallel_loop3A_243 = vector.broadcast %parallel_loop3A_242 : i32 to vector<16xi32>
        %parallel_loop3A_244 = arith.addi %xor3A_25, %parallel_loop3A_243 : vector<16xi32>
        %parallel_loop3A_245 = arith.select %parallel_loop3A_241, %parallel_loop3A_244, %xor3A_25 : vector<16xi1>, vector<16xi32>
        %parallel_loop3A_246 = vector.shape_cast %parallel_loop3A_245 : vector<16xi32> to vector<16x1xi32>
        %parallel_loop3A_247 = vector.shape_cast %parallel_loop3A_246 : vector<16x1xi32> to vector<16xi32>
        %parallel_loop3A_248 = tpu.dynamic_gather %parallel_loop3A_238[%parallel_loop3A_247] in [0] : vector<16xf32>, vector<16xi32> -> vector<16xf32>
        %parallel_loop3A_249 = arith.addf %parallel_loop3A_238, %parallel_loop3A_248 : vector<16xf32>
        %parallel_loop3A_250 = arith.constant 0 : i32
        %parallel_loop3A_251 = vector.broadcast %parallel_loop3A_250 : i32 to vector<16xi32>
        %parallel_loop3A_252 = arith.cmpi slt, %xor3A_28, %parallel_loop3A_251 : vector<16xi32>
        %parallel_loop3A_253 = arith.constant 16 : i32
        %parallel_loop3A_254 = vector.broadcast %parallel_loop3A_253 : i32 to vector<16xi32>
        %parallel_loop3A_255 = arith.addi %xor3A_28, %parallel_loop3A_254 : vector<16xi32>
        %parallel_loop3A_256 = arith.select %parallel_loop3A_252, %parallel_loop3A_255, %xor3A_28 : vector<16xi1>, vector<16xi32>
        %parallel_loop3A_257 = vector.shape_cast %parallel_loop3A_256 : vector<16xi32> to vector<16x1xi32>
        %parallel_loop3A_258 = vector.shape_cast %parallel_loop3A_257 : vector<16x1xi32> to vector<16xi32>
        %parallel_loop3A_259 = tpu.dynamic_gather %parallel_loop3A_249[%parallel_loop3A_258] in [0] : vector<16xf32>, vector<16xi32> -> vector<16xf32>
        %parallel_loop3A_260 = arith.addf %parallel_loop3A_249, %parallel_loop3A_259 : vector<16xf32>
        %parallel_loop3A_261 = arith.constant 1.562500e-02 : f32
        %parallel_loop3A_262 = vector.broadcast %parallel_loop3A_261 : f32 to vector<16xf32>
        %parallel_loop3A_263 = arith.mulf %parallel_loop3A_260, %parallel_loop3A_262 : vector<16xf32>
        %parallel_loop3A_264 = arith.constant 0 : i32
        %parallel_loop3A_265 = vector.broadcast %parallel_loop3A_264 : i32 to vector<16xi32>
        %parallel_loop3A_266 = arith.cmpi slt, %xor3A_19, %parallel_loop3A_265 : vector<16xi32>
        %parallel_loop3A_267 = arith.constant 16 : i32
        %parallel_loop3A_268 = vector.broadcast %parallel_loop3A_267 : i32 to vector<16xi32>
        %parallel_loop3A_269 = arith.addi %xor3A_19, %parallel_loop3A_268 : vector<16xi32>
        %parallel_loop3A_270 = arith.select %parallel_loop3A_266, %parallel_loop3A_269, %xor3A_19 : vector<16xi1>, vector<16xi32>
        %parallel_loop3A_271 = vector.shape_cast %parallel_loop3A_270 : vector<16xi32> to vector<16x1xi32>
        %parallel_loop3A_272 = vector.shape_cast %parallel_loop3A_271 : vector<16x1xi32> to vector<16xi32>
        %parallel_loop3A_273 = tpu.dynamic_gather %parallel_loop3A_216[%parallel_loop3A_272] in [0] : vector<16xf32>, vector<16xi32> -> vector<16xf32>
        %parallel_loop3A_274 = arith.addf %parallel_loop3A_216, %parallel_loop3A_273 : vector<16xf32>
        %parallel_loop3A_275 = arith.constant 0 : i32
        %parallel_loop3A_276 = vector.broadcast %parallel_loop3A_275 : i32 to vector<16xi32>
        %parallel_loop3A_277 = arith.cmpi slt, %xor3A_22, %parallel_loop3A_276 : vector<16xi32>
        %parallel_loop3A_278 = arith.constant 16 : i32
        %parallel_loop3A_279 = vector.broadcast %parallel_loop3A_278 : i32 to vector<16xi32>
        %parallel_loop3A_280 = arith.addi %xor3A_22, %parallel_loop3A_279 : vector<16xi32>
        %parallel_loop3A_281 = arith.select %parallel_loop3A_277, %parallel_loop3A_280, %xor3A_22 : vector<16xi1>, vector<16xi32>
        %parallel_loop3A_282 = vector.shape_cast %parallel_loop3A_281 : vector<16xi32> to vector<16x1xi32>
        %parallel_loop3A_283 = vector.shape_cast %parallel_loop3A_282 : vector<16x1xi32> to vector<16xi32>
        %parallel_loop3A_284 = tpu.dynamic_gather %parallel_loop3A_274[%parallel_loop3A_283] in [0] : vector<16xf32>, vector<16xi32> -> vector<16xf32>
        %parallel_loop3A_285 = arith.addf %parallel_loop3A_274, %parallel_loop3A_284 : vector<16xf32>
        %parallel_loop3A_286 = arith.constant 0 : i32
        %parallel_loop3A_287 = vector.broadcast %parallel_loop3A_286 : i32 to vector<16xi32>
        %parallel_loop3A_288 = arith.cmpi slt, %xor3A_25, %parallel_loop3A_287 : vector<16xi32>
        %parallel_loop3A_289 = arith.constant 16 : i32
        %parallel_loop3A_290 = vector.broadcast %parallel_loop3A_289 : i32 to vector<16xi32>
        %parallel_loop3A_291 = arith.addi %xor3A_25, %parallel_loop3A_290 : vector<16xi32>
        %parallel_loop3A_292 = arith.select %parallel_loop3A_288, %parallel_loop3A_291, %xor3A_25 : vector<16xi1>, vector<16xi32>
        %parallel_loop3A_293 = vector.shape_cast %parallel_loop3A_292 : vector<16xi32> to vector<16x1xi32>
        %parallel_loop3A_294 = vector.shape_cast %parallel_loop3A_293 : vector<16x1xi32> to vector<16xi32>
        %parallel_loop3A_295 = tpu.dynamic_gather %parallel_loop3A_285[%parallel_loop3A_294] in [0] : vector<16xf32>, vector<16xi32> -> vector<16xf32>
        %parallel_loop3A_296 = arith.addf %parallel_loop3A_285, %parallel_loop3A_295 : vector<16xf32>
        %parallel_loop3A_297 = arith.constant 0 : i32
        %parallel_loop3A_298 = vector.broadcast %parallel_loop3A_297 : i32 to vector<16xi32>
        %parallel_loop3A_299 = arith.cmpi slt, %xor3A_28, %parallel_loop3A_298 : vector<16xi32>
        %parallel_loop3A_300 = arith.constant 16 : i32
        %parallel_loop3A_301 = vector.broadcast %parallel_loop3A_300 : i32 to vector<16xi32>
        %parallel_loop3A_302 = arith.addi %xor3A_28, %parallel_loop3A_301 : vector<16xi32>
        %parallel_loop3A_303 = arith.select %parallel_loop3A_299, %parallel_loop3A_302, %xor3A_28 : vector<16xi1>, vector<16xi32>
        %parallel_loop3A_304 = vector.shape_cast %parallel_loop3A_303 : vector<16xi32> to vector<16x1xi32>
        %parallel_loop3A_305 = vector.shape_cast %parallel_loop3A_304 : vector<16x1xi32> to vector<16xi32>
        %parallel_loop3A_306 = tpu.dynamic_gather %parallel_loop3A_296[%parallel_loop3A_305] in [0] : vector<16xf32>, vector<16xi32> -> vector<16xf32>
        %parallel_loop3A_307 = arith.addf %parallel_loop3A_296, %parallel_loop3A_306 : vector<16xf32>
        %parallel_loop3A_308 = arith.constant 1.562500e-02 : f32
        %parallel_loop3A_309 = vector.broadcast %parallel_loop3A_308 : f32 to vector<16xf32>
        %parallel_loop3A_310 = arith.mulf %parallel_loop3A_307, %parallel_loop3A_309 : vector<16xf32>
        %parallel_loop3A_311 = arith.mulf %parallel_loop3A_263, %parallel_loop3A_263 : vector<16xf32>
        %parallel_loop3A_312 = arith.subf %parallel_loop3A_310, %parallel_loop3A_311 : vector<16xf32>
        %parallel_loop3A_313 = arith.constant 9.99999974E-6 : f32
        %parallel_loop3A_314 = vector.broadcast %parallel_loop3A_313 : f32 to vector<16xf32>
        %parallel_loop3A_315 = arith.addf %parallel_loop3A_312, %parallel_loop3A_314 : vector<16xf32>
        %parallel_loop3A_316 = vector.bitcast %parallel_loop3A_315 : vector<16xf32> to vector<16xi32>
        %parallel_loop3A_317 = arith.constant 1 : i32
        %parallel_loop3A_318 = vector.broadcast %parallel_loop3A_317 : i32 to vector<16xi32>
        %parallel_loop3A_319 = arith.shrui %parallel_loop3A_316, %parallel_loop3A_318 : vector<16xi32>
        %parallel_loop3A_320 = arith.constant 1597463007 : i32
        %parallel_loop3A_321 = vector.broadcast %parallel_loop3A_320 : i32 to vector<16xi32>
        %parallel_loop3A_322 = arith.subi %parallel_loop3A_321, %parallel_loop3A_319 : vector<16xi32>
        %parallel_loop3A_323 = vector.bitcast %parallel_loop3A_322 : vector<16xi32> to vector<16xf32>
        %parallel_loop3A_324 = arith.constant 5.000000e-01 : f32
        %parallel_loop3A_325 = vector.broadcast %parallel_loop3A_324 : f32 to vector<16xf32>
        %parallel_loop3A_326 = arith.mulf %parallel_loop3A_325, %parallel_loop3A_315 : vector<16xf32>
        %parallel_loop3A_327 = arith.mulf %parallel_loop3A_326, %parallel_loop3A_323 : vector<16xf32>
        %parallel_loop3A_328 = arith.mulf %parallel_loop3A_327, %parallel_loop3A_323 : vector<16xf32>
        %parallel_loop3A_329 = arith.constant 1.500000e+00 : f32
        %parallel_loop3A_330 = vector.broadcast %parallel_loop3A_329 : f32 to vector<16xf32>
        %parallel_loop3A_331 = arith.subf %parallel_loop3A_330, %parallel_loop3A_328 : vector<16xf32>
        %parallel_loop3A_332 = arith.mulf %parallel_loop3A_323, %parallel_loop3A_331 : vector<16xf32>
        %parallel_loop3A_333 = arith.mulf %parallel_loop3A_326, %parallel_loop3A_332 : vector<16xf32>
        %parallel_loop3A_334 = arith.mulf %parallel_loop3A_333, %parallel_loop3A_332 : vector<16xf32>
        %parallel_loop3A_335 = arith.constant 1.500000e+00 : f32
        %parallel_loop3A_336 = vector.broadcast %parallel_loop3A_335 : f32 to vector<16xf32>
        %parallel_loop3A_337 = arith.subf %parallel_loop3A_336, %parallel_loop3A_334 : vector<16xf32>
        %parallel_loop3A_338 = arith.mulf %parallel_loop3A_332, %parallel_loop3A_337 : vector<16xf32>
        %parallel_loop3A_339 = arith.mulf %parallel_loop3A_263, %parallel_loop3A_338 : vector<16xf32>
        %parallel_loop3A_340 = arith.mulf %parallel_loop3A_185, %parallel_loop3A_338 : vector<16xf32>
        %parallel_loop3A_341 = arith.subf %parallel_loop3A_340, %parallel_loop3A_339 : vector<16xf32>
        %parallel_loop3A_342 = arith.mulf %parallel_loop3A_341, %get3A_3 : vector<16xf32>
        %parallel_loop3A_343 = arith.addf %parallel_loop3A_342, %get3A_11 : vector<16xf32>
        %parallel_loop3A_344 = arith.index_cast %parallel_loop3A_175 : i32 to index
        %parallel_loop3A_345 = arith.constant 0 : index
        %parallel_loop3A_346 = tpu.vector_load %arg12[%parallel_loop3A_344, %parallel_loop3A_345] {strides = array<i32>} : memref<128x64xf32, #tpu.memory_space<vmem>>, vector<16xf32>,
        tpu.vector_store %arg12[%parallel_loop3A_344, %parallel_loop3A_345], %parallel_loop3A_343 {strides = array<i32>} : memref<128x64xf32, #tpu.memory_space<vmem>>, vector<16xf32>,
        %parallel_loop3A_347 = arith.mulf %parallel_loop3A_192, %parallel_loop3A_338 : vector<16xf32>
        %parallel_loop3A_348 = arith.subf %parallel_loop3A_347, %parallel_loop3A_339 : vector<16xf32>
        %parallel_loop3A_349 = arith.mulf %parallel_loop3A_348, %get3A_5 : vector<16xf32>
        %parallel_loop3A_350 = arith.addf %parallel_loop3A_349, %get3A_13 : vector<16xf32>
        %parallel_loop3A_351 = arith.index_cast %parallel_loop3A_175 : i32 to index
        %parallel_loop3A_352 = arith.constant 16 : index
        %parallel_loop3A_353 = tpu.vector_load %arg12[%parallel_loop3A_351, %parallel_loop3A_352] {strides = array<i32>} : memref<128x64xf32, #tpu.memory_space<vmem>>, vector<16xf32>,
        tpu.vector_store %arg12[%parallel_loop3A_351, %parallel_loop3A_352], %parallel_loop3A_350 {strides = array<i32>} : memref<128x64xf32, #tpu.memory_space<vmem>>, vector<16xf32>,
        %parallel_loop3A_354 = arith.mulf %parallel_loop3A_199, %parallel_loop3A_338 : vector<16xf32>
        %parallel_loop3A_355 = arith.subf %parallel_loop3A_354, %parallel_loop3A_339 : vector<16xf32>
        %parallel_loop3A_356 = arith.mulf %parallel_loop3A_355, %get3A_7 : vector<16xf32>
        %parallel_loop3A_357 = arith.addf %parallel_loop3A_356, %get3A_15 : vector<16xf32>
        %parallel_loop3A_358 = arith.index_cast %parallel_loop3A_175 : i32 to index
        %parallel_loop3A_359 = arith.constant 32 : index
        %parallel_loop3A_360 = tpu.vector_load %arg12[%parallel_loop3A_358, %parallel_loop3A_359] {strides = array<i32>} : memref<128x64xf32, #tpu.memory_space<vmem>>, vector<16xf32>,
        tpu.vector_store %arg12[%parallel_loop3A_358, %parallel_loop3A_359], %parallel_loop3A_357 {strides = array<i32>} : memref<128x64xf32, #tpu.memory_space<vmem>>, vector<16xf32>,
        %parallel_loop3A_361 = arith.mulf %parallel_loop3A_206, %parallel_loop3A_338 : vector<16xf32>
        %parallel_loop3A_362 = arith.subf %parallel_loop3A_361, %parallel_loop3A_339 : vector<16xf32>
        %parallel_loop3A_363 = arith.mulf %parallel_loop3A_362, %get3A_9 : vector<16xf32>
        %parallel_loop3A_364 = arith.addf %parallel_loop3A_363, %get3A_17 : vector<16xf32>
        %parallel_loop3A_365 = arith.index_cast %parallel_loop3A_175 : i32 to index
        %parallel_loop3A_366 = arith.constant 48 : index
        %parallel_loop3A_367 = tpu.vector_load %arg12[%parallel_loop3A_365, %parallel_loop3A_366] {strides = array<i32>} : memref<128x64xf32, #tpu.memory_space<vmem>>, vector<16xf32>,
        tpu.vector_store %arg12[%parallel_loop3A_365, %parallel_loop3A_366], %parallel_loop3A_364 {strides = array<i32>} : memref<128x64xf32, #tpu.memory_space<vmem>>, vector<16xf32>,
      } {sc.loop_unroll_factor = 4 : i64, sc.parallel_access}
      %dma_start3A_128 = arith.constant 0 : i32
      %dma_start3A_129 = tpu.memref_slice %arg7[%add3A_121, %dma_start3A_128] : memref<204800x64xf32, #tpu.memory_space<hbm>> -> memref<128x64xf32, #tpu.memory_space<hbm>>
      %dma_start3A_130 = arith.constant 0 : i32
      %dma_start3A_131 = tpu.memref_slice %arg7[%add3A_121, %dma_start3A_130] : memref<204800x64xf32, #tpu.memory_space<hbm>> -> memref<128x64xf32, #tpu.memory_space<hbm>>
      tpu.enqueue_dma source(%arg12 : memref<128x64xf32, #tpu.memory_space<vmem>>) target(%dma_start3A_131 : memref<128x64xf32, #tpu.memory_space<hbm>>) target_semaphore(%arg21 : memref<!tpu.dma_semaphore, #tpu.memory_space<semaphore_mem>>)
      %ge3A_132 = arith.constant 1 : i32
      %ge3A_133 = arith.cmpi sge, %add3A_118, %ge3A_132 : i32
      %convert_element_type3A_134 = arith.extui %ge3A_133 : i1 to i32
      %cond3A_135 = arith.constant 0 : i32
      %cond3A_136 = arith.cmpi ne, %convert_element_type3A_134, %cond3A_135 : i32
      scf.if %cond3A_136 {
        %sub3A = arith.constant 1 : i32
        %sub3A_175 = arith.subi %add3A_118, %sub3A : i32
        %mul3A_176 = arith.constant 128 : i32
        %mul3A_177 = arith.muli %sub3A_175, %mul3A_176 : i32
        %add3A_178 = arith.addi %mul3A_2, %mul3A_177 : i32
        %dma_wait3A_179 = arith.constant 0 : i32
        %dma_wait3A_180 = tpu.memref_slice %arg7[%add3A_178, %dma_wait3A_179] : memref<204800x64xf32, #tpu.memory_space<hbm>> -> memref<128x64xf32, #tpu.memory_space<hbm>>
        %dma_wait3A_181 = arith.constant 0 : i32
        %dma_wait3A_182 = tpu.memref_slice %arg7[%add3A_178, %dma_wait3A_181] : memref<204800x64xf32, #tpu.memory_space<hbm>> -> memref<128x64xf32, #tpu.memory_space<hbm>>
        tpu.wait_dma2 semaphore(%arg20 : memref<!tpu.dma_semaphore, #tpu.memory_space<semaphore_mem>>) src(%arg11 : memref<128x64xf32, #tpu.memory_space<vmem>>) dst(%dma_wait3A_182 : memref<128x64xf32, #tpu.memory_space<hbm>>)
      } else {
      }
      %add3A_137 = arith.constant 2 : i32
      %add3A_138 = arith.addi %add3A_118, %add3A_137 : i32
      %mul3A_139 = arith.constant 128 : i32
      %mul3A_140 = arith.muli %add3A_138, %mul3A_139 : i32
      %add3A_141 = arith.addi %mul3A_2, %mul3A_140 : i32
      "tpu.region"() ({
        %run_scoped3A = tpu.sem_alloc : memref<!tpu.dma_semaphore, #tpu.memory_space<semaphore_mem>>
        %dma_start3A_175 = tpu.memref_slice %arg2[%add3A_141] : memref<204800xi32, #tpu.memory_space<hbm>> -> memref<128xi32, #tpu.memory_space<hbm>>
        %dma_start3A_176 = tpu.memref_slice %arg2[%add3A_141] : memref<204800xi32, #tpu.memory_space<hbm>> -> memref<128xi32, #tpu.memory_space<hbm>>
        tpu.enqueue_dma source(%dma_start3A_176 : memref<128xi32, #tpu.memory_space<hbm>>) target(%arg8 : memref<128xi32, #tpu.memory_space<vmem>>) target_semaphore(%run_scoped3A : memref<!tpu.dma_semaphore, #tpu.memory_space<semaphore_mem>>)
        %dma_wait3A_177 = tpu.memref_slice %arg2[%add3A_141] : memref<204800xi32, #tpu.memory_space<hbm>> -> memref<128xi32, #tpu.memory_space<hbm>>
        %dma_wait3A_178 = tpu.memref_slice %arg2[%add3A_141] : memref<204800xi32, #tpu.memory_space<hbm>> -> memref<128xi32, #tpu.memory_space<hbm>>
        tpu.wait_dma2 semaphore(%run_scoped3A : memref<!tpu.dma_semaphore, #tpu.memory_space<semaphore_mem>>) src(%dma_wait3A_178 : memref<128xi32, #tpu.memory_space<hbm>>) dst(%arg8 : memref<128xi32, #tpu.memory_space<vmem>>)
        tpu.yield
      }) : () -> ()
      %dma_start3A_142 = arith.constant 0 : i32
      %dma_start3A_143 = arith.constant 0 : i32
      %dma_start3A_144 = tpu.memref_slice %arg3[%dma_start3A_142, %dma_start3A_143] : memref<100000x64xf32, #tpu.memory_space<hbm>> -> memref<100000x64xf32, #tpu.memory_space<hbm>>
      tpu.enqueue_indirect_dma source(%dma_start3A_144 : memref<100000x64xf32, #tpu.memory_space<hbm>>) target(%arg11 : memref<128x64xf32, #tpu.memory_space<vmem>>) offsets(%arg8 : memref<128xi32, #tpu.memory_space<vmem>>) semaphore(%arg17 : memref<!tpu.dma_semaphore, #tpu.memory_space<semaphore_mem>>)
      %mul3A_145 = arith.constant 3 : i32
      %mul3A_146 = arith.muli %mul3A_145, %scan3A_87 : i32
      %add3A_147 = arith.constant 2 : i32
      %add3A_148 = arith.addi %mul3A_146, %add3A_147 : i32
      %mul3A_149 = arith.constant 128 : i32
      %mul3A_150 = arith.muli %add3A_148, %mul3A_149 : i32
      %add3A_151 = arith.addi %mul3A_2, %mul3A_150 : i32
      %dma_wait3A_152 = arith.constant 0 : i32
      %dma_wait3A_153 = arith.constant 0 : i32
      %dma_wait3A_154 = tpu.memref_slice %arg3[%dma_wait3A_152, %dma_wait3A_153] : memref<100000x64xf32, #tpu.memory_space<hbm>> -> memref<100000x64xf32, #tpu.memory_space<hbm>>
      tpu.wait_indirect_dma semaphore(%arg19 : memref<!tpu.dma_semaphore, #tpu.memory_space<semaphore_mem>>) src(%dma_wait3A_154 : memref<100000x64xf32, #tpu.memory_space<hbm>>) dst(%arg13 : memref<128x64xf32, #tpu.memory_space<vmem>>)
      %parallel_loop3A_155 = arith.constant 0 : i32
      %parallel_loop3A_156 = arith.constant 128 : i32
      %parallel_loop3A_157 = arith.constant 1 : i32
      scf.for %parallel_loop3A_175 = %parallel_loop3A_155 to %parallel_loop3A_156 step %parallel_loop3A_157  : i32 {
        %parallel_loop3A_176 = arith.addi %add3A_151, %parallel_loop3A_175 : i32
        %parallel_loop3A_177 = arith.constant 50 : i32
        %parallel_loop3A_178 = arith.remsi %parallel_loop3A_176, %parallel_loop3A_177 : i32
        %parallel_loop3A_179 = arith.index_cast %parallel_loop3A_175 : i32 to index
        %parallel_loop3A_180 = arith.constant 0 : index
        %parallel_loop3A_181 = tpu.vector_load %arg13[%parallel_loop3A_179, %parallel_loop3A_180] {strides = array<i32>} : memref<128x64xf32, #tpu.memory_space<vmem>>, vector<16xf32>,
        %parallel_loop3A_182 = arith.index_cast %parallel_loop3A_178 : i32 to index
        %parallel_loop3A_183 = arith.constant 0 : index
        %parallel_loop3A_184 = tpu.vector_load %arg14[%parallel_loop3A_182, %parallel_loop3A_183] {strides = array<i32>} : memref<64x64xf32, #tpu.memory_space<vmem>>, vector<16xf32>,
        %parallel_loop3A_185 = arith.addf %parallel_loop3A_181, %parallel_loop3A_184 : vector<16xf32>
        %parallel_loop3A_186 = arith.index_cast %parallel_loop3A_175 : i32 to index
        %parallel_loop3A_187 = arith.constant 16 : index
        %parallel_loop3A_188 = tpu.vector_load %arg13[%parallel_loop3A_186, %parallel_loop3A_187] {strides = array<i32>} : memref<128x64xf32, #tpu.memory_space<vmem>>, vector<16xf32>,
        %parallel_loop3A_189 = arith.index_cast %parallel_loop3A_178 : i32 to index
        %parallel_loop3A_190 = arith.constant 16 : index
        %parallel_loop3A_191 = tpu.vector_load %arg14[%parallel_loop3A_189, %parallel_loop3A_190] {strides = array<i32>} : memref<64x64xf32, #tpu.memory_space<vmem>>, vector<16xf32>,
        %parallel_loop3A_192 = arith.addf %parallel_loop3A_188, %parallel_loop3A_191 : vector<16xf32>
        %parallel_loop3A_193 = arith.index_cast %parallel_loop3A_175 : i32 to index
        %parallel_loop3A_194 = arith.constant 32 : index
        %parallel_loop3A_195 = tpu.vector_load %arg13[%parallel_loop3A_193, %parallel_loop3A_194] {strides = array<i32>} : memref<128x64xf32, #tpu.memory_space<vmem>>, vector<16xf32>,
        %parallel_loop3A_196 = arith.index_cast %parallel_loop3A_178 : i32 to index
        %parallel_loop3A_197 = arith.constant 32 : index
        %parallel_loop3A_198 = tpu.vector_load %arg14[%parallel_loop3A_196, %parallel_loop3A_197] {strides = array<i32>} : memref<64x64xf32, #tpu.memory_space<vmem>>, vector<16xf32>,
        %parallel_loop3A_199 = arith.addf %parallel_loop3A_195, %parallel_loop3A_198 : vector<16xf32>
        %parallel_loop3A_200 = arith.index_cast %parallel_loop3A_175 : i32 to index
        %parallel_loop3A_201 = arith.constant 48 : index
        %parallel_loop3A_202 = tpu.vector_load %arg13[%parallel_loop3A_200, %parallel_loop3A_201] {strides = array<i32>} : memref<128x64xf32, #tpu.memory_space<vmem>>, vector<16xf32>,
        %parallel_loop3A_203 = arith.index_cast %parallel_loop3A_178 : i32 to index
        %parallel_loop3A_204 = arith.constant 48 : index
        %parallel_loop3A_205 = tpu.vector_load %arg14[%parallel_loop3A_203, %parallel_loop3A_204] {strides = array<i32>} : memref<64x64xf32, #tpu.memory_space<vmem>>, vector<16xf32>,
        %parallel_loop3A_206 = arith.addf %parallel_loop3A_202, %parallel_loop3A_205 : vector<16xf32>
        %parallel_loop3A_207 = arith.addf %parallel_loop3A_185, %parallel_loop3A_192 : vector<16xf32>
        %parallel_loop3A_208 = arith.addf %parallel_loop3A_199, %parallel_loop3A_206 : vector<16xf32>
        %parallel_loop3A_209 = arith.addf %parallel_loop3A_207, %parallel_loop3A_208 : vector<16xf32>
        %parallel_loop3A_210 = arith.mulf %parallel_loop3A_185, %parallel_loop3A_185 : vector<16xf32>
        %parallel_loop3A_211 = arith.mulf %parallel_loop3A_192, %parallel_loop3A_192 : vector<16xf32>
        %parallel_loop3A_212 = arith.addf %parallel_loop3A_210, %parallel_loop3A_211 : vector<16xf32>
        %parallel_loop3A_213 = arith.mulf %parallel_loop3A_199, %parallel_loop3A_199 : vector<16xf32>
        %parallel_loop3A_214 = arith.mulf %parallel_loop3A_206, %parallel_loop3A_206 : vector<16xf32>
        %parallel_loop3A_215 = arith.addf %parallel_loop3A_213, %parallel_loop3A_214 : vector<16xf32>
        %parallel_loop3A_216 = arith.addf %parallel_loop3A_212, %parallel_loop3A_215 : vector<16xf32>
        %parallel_loop3A_217 = arith.constant 0 : i32
        %parallel_loop3A_218 = vector.broadcast %parallel_loop3A_217 : i32 to vector<16xi32>
        %parallel_loop3A_219 = arith.cmpi slt, %xor3A_19, %parallel_loop3A_218 : vector<16xi32>
        %parallel_loop3A_220 = arith.constant 16 : i32
        %parallel_loop3A_221 = vector.broadcast %parallel_loop3A_220 : i32 to vector<16xi32>
        %parallel_loop3A_222 = arith.addi %xor3A_19, %parallel_loop3A_221 : vector<16xi32>
        %parallel_loop3A_223 = arith.select %parallel_loop3A_219, %parallel_loop3A_222, %xor3A_19 : vector<16xi1>, vector<16xi32>
        %parallel_loop3A_224 = vector.shape_cast %parallel_loop3A_223 : vector<16xi32> to vector<16x1xi32>
        %parallel_loop3A_225 = vector.shape_cast %parallel_loop3A_224 : vector<16x1xi32> to vector<16xi32>
        %parallel_loop3A_226 = tpu.dynamic_gather %parallel_loop3A_209[%parallel_loop3A_225] in [0] : vector<16xf32>, vector<16xi32> -> vector<16xf32>
        %parallel_loop3A_227 = arith.addf %parallel_loop3A_209, %parallel_loop3A_226 : vector<16xf32>
        %parallel_loop3A_228 = arith.constant 0 : i32
        %parallel_loop3A_229 = vector.broadcast %parallel_loop3A_228 : i32 to vector<16xi32>
        %parallel_loop3A_230 = arith.cmpi slt, %xor3A_22, %parallel_loop3A_229 : vector<16xi32>
        %parallel_loop3A_231 = arith.constant 16 : i32
        %parallel_loop3A_232 = vector.broadcast %parallel_loop3A_231 : i32 to vector<16xi32>
        %parallel_loop3A_233 = arith.addi %xor3A_22, %parallel_loop3A_232 : vector<16xi32>
        %parallel_loop3A_234 = arith.select %parallel_loop3A_230, %parallel_loop3A_233, %xor3A_22 : vector<16xi1>, vector<16xi32>
        %parallel_loop3A_235 = vector.shape_cast %parallel_loop3A_234 : vector<16xi32> to vector<16x1xi32>
        %parallel_loop3A_236 = vector.shape_cast %parallel_loop3A_235 : vector<16x1xi32> to vector<16xi32>
        %parallel_loop3A_237 = tpu.dynamic_gather %parallel_loop3A_227[%parallel_loop3A_236] in [0] : vector<16xf32>, vector<16xi32> -> vector<16xf32>
        %parallel_loop3A_238 = arith.addf %parallel_loop3A_227, %parallel_loop3A_237 : vector<16xf32>
        %parallel_loop3A_239 = arith.constant 0 : i32
        %parallel_loop3A_240 = vector.broadcast %parallel_loop3A_239 : i32 to vector<16xi32>
        %parallel_loop3A_241 = arith.cmpi slt, %xor3A_25, %parallel_loop3A_240 : vector<16xi32>
        %parallel_loop3A_242 = arith.constant 16 : i32
        %parallel_loop3A_243 = vector.broadcast %parallel_loop3A_242 : i32 to vector<16xi32>
        %parallel_loop3A_244 = arith.addi %xor3A_25, %parallel_loop3A_243 : vector<16xi32>
        %parallel_loop3A_245 = arith.select %parallel_loop3A_241, %parallel_loop3A_244, %xor3A_25 : vector<16xi1>, vector<16xi32>
        %parallel_loop3A_246 = vector.shape_cast %parallel_loop3A_245 : vector<16xi32> to vector<16x1xi32>
        %parallel_loop3A_247 = vector.shape_cast %parallel_loop3A_246 : vector<16x1xi32> to vector<16xi32>
        %parallel_loop3A_248 = tpu.dynamic_gather %parallel_loop3A_238[%parallel_loop3A_247] in [0] : vector<16xf32>, vector<16xi32> -> vector<16xf32>
        %parallel_loop3A_249 = arith.addf %parallel_loop3A_238, %parallel_loop3A_248 : vector<16xf32>
        %parallel_loop3A_250 = arith.constant 0 : i32
        %parallel_loop3A_251 = vector.broadcast %parallel_loop3A_250 : i32 to vector<16xi32>
        %parallel_loop3A_252 = arith.cmpi slt, %xor3A_28, %parallel_loop3A_251 : vector<16xi32>
        %parallel_loop3A_253 = arith.constant 16 : i32
        %parallel_loop3A_254 = vector.broadcast %parallel_loop3A_253 : i32 to vector<16xi32>
        %parallel_loop3A_255 = arith.addi %xor3A_28, %parallel_loop3A_254 : vector<16xi32>
        %parallel_loop3A_256 = arith.select %parallel_loop3A_252, %parallel_loop3A_255, %xor3A_28 : vector<16xi1>, vector<16xi32>
        %parallel_loop3A_257 = vector.shape_cast %parallel_loop3A_256 : vector<16xi32> to vector<16x1xi32>
        %parallel_loop3A_258 = vector.shape_cast %parallel_loop3A_257 : vector<16x1xi32> to vector<16xi32>
        %parallel_loop3A_259 = tpu.dynamic_gather %parallel_loop3A_249[%parallel_loop3A_258] in [0] : vector<16xf32>, vector<16xi32> -> vector<16xf32>
        %parallel_loop3A_260 = arith.addf %parallel_loop3A_249, %parallel_loop3A_259 : vector<16xf32>
        %parallel_loop3A_261 = arith.constant 1.562500e-02 : f32
        %parallel_loop3A_262 = vector.broadcast %parallel_loop3A_261 : f32 to vector<16xf32>
        %parallel_loop3A_263 = arith.mulf %parallel_loop3A_260, %parallel_loop3A_262 : vector<16xf32>
        %parallel_loop3A_264 = arith.constant 0 : i32
        %parallel_loop3A_265 = vector.broadcast %parallel_loop3A_264 : i32 to vector<16xi32>
        %parallel_loop3A_266 = arith.cmpi slt, %xor3A_19, %parallel_loop3A_265 : vector<16xi32>
        %parallel_loop3A_267 = arith.constant 16 : i32
        %parallel_loop3A_268 = vector.broadcast %parallel_loop3A_267 : i32 to vector<16xi32>
        %parallel_loop3A_269 = arith.addi %xor3A_19, %parallel_loop3A_268 : vector<16xi32>
        %parallel_loop3A_270 = arith.select %parallel_loop3A_266, %parallel_loop3A_269, %xor3A_19 : vector<16xi1>, vector<16xi32>
        %parallel_loop3A_271 = vector.shape_cast %parallel_loop3A_270 : vector<16xi32> to vector<16x1xi32>
        %parallel_loop3A_272 = vector.shape_cast %parallel_loop3A_271 : vector<16x1xi32> to vector<16xi32>
        %parallel_loop3A_273 = tpu.dynamic_gather %parallel_loop3A_216[%parallel_loop3A_272] in [0] : vector<16xf32>, vector<16xi32> -> vector<16xf32>
        %parallel_loop3A_274 = arith.addf %parallel_loop3A_216, %parallel_loop3A_273 : vector<16xf32>
        %parallel_loop3A_275 = arith.constant 0 : i32
        %parallel_loop3A_276 = vector.broadcast %parallel_loop3A_275 : i32 to vector<16xi32>
        %parallel_loop3A_277 = arith.cmpi slt, %xor3A_22, %parallel_loop3A_276 : vector<16xi32>
        %parallel_loop3A_278 = arith.constant 16 : i32
        %parallel_loop3A_279 = vector.broadcast %parallel_loop3A_278 : i32 to vector<16xi32>
        %parallel_loop3A_280 = arith.addi %xor3A_22, %parallel_loop3A_279 : vector<16xi32>
        %parallel_loop3A_281 = arith.select %parallel_loop3A_277, %parallel_loop3A_280, %xor3A_22 : vector<16xi1>, vector<16xi32>
        %parallel_loop3A_282 = vector.shape_cast %parallel_loop3A_281 : vector<16xi32> to vector<16x1xi32>
        %parallel_loop3A_283 = vector.shape_cast %parallel_loop3A_282 : vector<16x1xi32> to vector<16xi32>
        %parallel_loop3A_284 = tpu.dynamic_gather %parallel_loop3A_274[%parallel_loop3A_283] in [0] : vector<16xf32>, vector<16xi32> -> vector<16xf32>
        %parallel_loop3A_285 = arith.addf %parallel_loop3A_274, %parallel_loop3A_284 : vector<16xf32>
        %parallel_loop3A_286 = arith.constant 0 : i32
        %parallel_loop3A_287 = vector.broadcast %parallel_loop3A_286 : i32 to vector<16xi32>
        %parallel_loop3A_288 = arith.cmpi slt, %xor3A_25, %parallel_loop3A_287 : vector<16xi32>
        %parallel_loop3A_289 = arith.constant 16 : i32
        %parallel_loop3A_290 = vector.broadcast %parallel_loop3A_289 : i32 to vector<16xi32>
        %parallel_loop3A_291 = arith.addi %xor3A_25, %parallel_loop3A_290 : vector<16xi32>
        %parallel_loop3A_292 = arith.select %parallel_loop3A_288, %parallel_loop3A_291, %xor3A_25 : vector<16xi1>, vector<16xi32>
        %parallel_loop3A_293 = vector.shape_cast %parallel_loop3A_292 : vector<16xi32> to vector<16x1xi32>
        %parallel_loop3A_294 = vector.shape_cast %parallel_loop3A_293 : vector<16x1xi32> to vector<16xi32>
        %parallel_loop3A_295 = tpu.dynamic_gather %parallel_loop3A_285[%parallel_loop3A_294] in [0] : vector<16xf32>, vector<16xi32> -> vector<16xf32>
        %parallel_loop3A_296 = arith.addf %parallel_loop3A_285, %parallel_loop3A_295 : vector<16xf32>
        %parallel_loop3A_297 = arith.constant 0 : i32
        %parallel_loop3A_298 = vector.broadcast %parallel_loop3A_297 : i32 to vector<16xi32>
        %parallel_loop3A_299 = arith.cmpi slt, %xor3A_28, %parallel_loop3A_298 : vector<16xi32>
        %parallel_loop3A_300 = arith.constant 16 : i32
        %parallel_loop3A_301 = vector.broadcast %parallel_loop3A_300 : i32 to vector<16xi32>
        %parallel_loop3A_302 = arith.addi %xor3A_28, %parallel_loop3A_301 : vector<16xi32>
        %parallel_loop3A_303 = arith.select %parallel_loop3A_299, %parallel_loop3A_302, %xor3A_28 : vector<16xi1>, vector<16xi32>
        %parallel_loop3A_304 = vector.shape_cast %parallel_loop3A_303 : vector<16xi32> to vector<16x1xi32>
        %parallel_loop3A_305 = vector.shape_cast %parallel_loop3A_304 : vector<16x1xi32> to vector<16xi32>
        %parallel_loop3A_306 = tpu.dynamic_gather %parallel_loop3A_296[%parallel_loop3A_305] in [0] : vector<16xf32>, vector<16xi32> -> vector<16xf32>
        %parallel_loop3A_307 = arith.addf %parallel_loop3A_296, %parallel_loop3A_306 : vector<16xf32>
        %parallel_loop3A_308 = arith.constant 1.562500e-02 : f32
        %parallel_loop3A_309 = vector.broadcast %parallel_loop3A_308 : f32 to vector<16xf32>
        %parallel_loop3A_310 = arith.mulf %parallel_loop3A_307, %parallel_loop3A_309 : vector<16xf32>
        %parallel_loop3A_311 = arith.mulf %parallel_loop3A_263, %parallel_loop3A_263 : vector<16xf32>
        %parallel_loop3A_312 = arith.subf %parallel_loop3A_310, %parallel_loop3A_311 : vector<16xf32>
        %parallel_loop3A_313 = arith.constant 9.99999974E-6 : f32
        %parallel_loop3A_314 = vector.broadcast %parallel_loop3A_313 : f32 to vector<16xf32>
        %parallel_loop3A_315 = arith.addf %parallel_loop3A_312, %parallel_loop3A_314 : vector<16xf32>
        %parallel_loop3A_316 = vector.bitcast %parallel_loop3A_315 : vector<16xf32> to vector<16xi32>
        %parallel_loop3A_317 = arith.constant 1 : i32
        %parallel_loop3A_318 = vector.broadcast %parallel_loop3A_317 : i32 to vector<16xi32>
        %parallel_loop3A_319 = arith.shrui %parallel_loop3A_316, %parallel_loop3A_318 : vector<16xi32>
        %parallel_loop3A_320 = arith.constant 1597463007 : i32
        %parallel_loop3A_321 = vector.broadcast %parallel_loop3A_320 : i32 to vector<16xi32>
        %parallel_loop3A_322 = arith.subi %parallel_loop3A_321, %parallel_loop3A_319 : vector<16xi32>
        %parallel_loop3A_323 = vector.bitcast %parallel_loop3A_322 : vector<16xi32> to vector<16xf32>
        %parallel_loop3A_324 = arith.constant 5.000000e-01 : f32
        %parallel_loop3A_325 = vector.broadcast %parallel_loop3A_324 : f32 to vector<16xf32>
        %parallel_loop3A_326 = arith.mulf %parallel_loop3A_325, %parallel_loop3A_315 : vector<16xf32>
        %parallel_loop3A_327 = arith.mulf %parallel_loop3A_326, %parallel_loop3A_323 : vector<16xf32>
        %parallel_loop3A_328 = arith.mulf %parallel_loop3A_327, %parallel_loop3A_323 : vector<16xf32>
        %parallel_loop3A_329 = arith.constant 1.500000e+00 : f32
        %parallel_loop3A_330 = vector.broadcast %parallel_loop3A_329 : f32 to vector<16xf32>
        %parallel_loop3A_331 = arith.subf %parallel_loop3A_330, %parallel_loop3A_328 : vector<16xf32>
        %parallel_loop3A_332 = arith.mulf %parallel_loop3A_323, %parallel_loop3A_331 : vector<16xf32>
        %parallel_loop3A_333 = arith.mulf %parallel_loop3A_326, %parallel_loop3A_332 : vector<16xf32>
        %parallel_loop3A_334 = arith.mulf %parallel_loop3A_333, %parallel_loop3A_332 : vector<16xf32>
        %parallel_loop3A_335 = arith.constant 1.500000e+00 : f32
        %parallel_loop3A_336 = vector.broadcast %parallel_loop3A_335 : f32 to vector<16xf32>
        %parallel_loop3A_337 = arith.subf %parallel_loop3A_336, %parallel_loop3A_334 : vector<16xf32>
        %parallel_loop3A_338 = arith.mulf %parallel_loop3A_332, %parallel_loop3A_337 : vector<16xf32>
        %parallel_loop3A_339 = arith.mulf %parallel_loop3A_263, %parallel_loop3A_338 : vector<16xf32>
        %parallel_loop3A_340 = arith.mulf %parallel_loop3A_185, %parallel_loop3A_338 : vector<16xf32>
        %parallel_loop3A_341 = arith.subf %parallel_loop3A_340, %parallel_loop3A_339 : vector<16xf32>
        %parallel_loop3A_342 = arith.mulf %parallel_loop3A_341, %get3A_3 : vector<16xf32>
        %parallel_loop3A_343 = arith.addf %parallel_loop3A_342, %get3A_11 : vector<16xf32>
        %parallel_loop3A_344 = arith.index_cast %parallel_loop3A_175 : i32 to index
        %parallel_loop3A_345 = arith.constant 0 : index
        %parallel_loop3A_346 = tpu.vector_load %arg13[%parallel_loop3A_344, %parallel_loop3A_345] {strides = array<i32>} : memref<128x64xf32, #tpu.memory_space<vmem>>, vector<16xf32>,
        tpu.vector_store %arg13[%parallel_loop3A_344, %parallel_loop3A_345], %parallel_loop3A_343 {strides = array<i32>} : memref<128x64xf32, #tpu.memory_space<vmem>>, vector<16xf32>,
        %parallel_loop3A_347 = arith.mulf %parallel_loop3A_192, %parallel_loop3A_338 : vector<16xf32>
        %parallel_loop3A_348 = arith.subf %parallel_loop3A_347, %parallel_loop3A_339 : vector<16xf32>
        %parallel_loop3A_349 = arith.mulf %parallel_loop3A_348, %get3A_5 : vector<16xf32>
        %parallel_loop3A_350 = arith.addf %parallel_loop3A_349, %get3A_13 : vector<16xf32>
        %parallel_loop3A_351 = arith.index_cast %parallel_loop3A_175 : i32 to index
        %parallel_loop3A_352 = arith.constant 16 : index
        %parallel_loop3A_353 = tpu.vector_load %arg13[%parallel_loop3A_351, %parallel_loop3A_352] {strides = array<i32>} : memref<128x64xf32, #tpu.memory_space<vmem>>, vector<16xf32>,
        tpu.vector_store %arg13[%parallel_loop3A_351, %parallel_loop3A_352], %parallel_loop3A_350 {strides = array<i32>} : memref<128x64xf32, #tpu.memory_space<vmem>>, vector<16xf32>,
        %parallel_loop3A_354 = arith.mulf %parallel_loop3A_199, %parallel_loop3A_338 : vector<16xf32>
        %parallel_loop3A_355 = arith.subf %parallel_loop3A_354, %parallel_loop3A_339 : vector<16xf32>
        %parallel_loop3A_356 = arith.mulf %parallel_loop3A_355, %get3A_7 : vector<16xf32>
        %parallel_loop3A_357 = arith.addf %parallel_loop3A_356, %get3A_15 : vector<16xf32>
        %parallel_loop3A_358 = arith.index_cast %parallel_loop3A_175 : i32 to index
        %parallel_loop3A_359 = arith.constant 32 : index
        %parallel_loop3A_360 = tpu.vector_load %arg13[%parallel_loop3A_358, %parallel_loop3A_359] {strides = array<i32>} : memref<128x64xf32, #tpu.memory_space<vmem>>, vector<16xf32>,
        tpu.vector_store %arg13[%parallel_loop3A_358, %parallel_loop3A_359], %parallel_loop3A_357 {strides = array<i32>} : memref<128x64xf32, #tpu.memory_space<vmem>>, vector<16xf32>,
        %parallel_loop3A_361 = arith.mulf %parallel_loop3A_206, %parallel_loop3A_338 : vector<16xf32>
        %parallel_loop3A_362 = arith.subf %parallel_loop3A_361, %parallel_loop3A_339 : vector<16xf32>
        %parallel_loop3A_363 = arith.mulf %parallel_loop3A_362, %get3A_9 : vector<16xf32>
        %parallel_loop3A_364 = arith.addf %parallel_loop3A_363, %get3A_17 : vector<16xf32>
        %parallel_loop3A_365 = arith.index_cast %parallel_loop3A_175 : i32 to index
        %parallel_loop3A_366 = arith.constant 48 : index
        %parallel_loop3A_367 = tpu.vector_load %arg13[%parallel_loop3A_365, %parallel_loop3A_366] {strides = array<i32>} : memref<128x64xf32, #tpu.memory_space<vmem>>, vector<16xf32>,
        tpu.vector_store %arg13[%parallel_loop3A_365, %parallel_loop3A_366], %parallel_loop3A_364 {strides = array<i32>} : memref<128x64xf32, #tpu.memory_space<vmem>>, vector<16xf32>,
      } {sc.loop_unroll_factor = 4 : i64, sc.parallel_access}
      %dma_start3A_158 = arith.constant 0 : i32
      %dma_start3A_159 = tpu.memref_slice %arg7[%add3A_151, %dma_start3A_158] : memref<204800x64xf32, #tpu.memory_space<hbm>> -> memref<128x64xf32, #tpu.memory_space<hbm>>
      %dma_start3A_160 = arith.constant 0 : i32
      %dma_start3A_161 = tpu.memref_slice %arg7[%add3A_151, %dma_start3A_160] : memref<204800x64xf32, #tpu.memory_space<hbm>> -> memref<128x64xf32, #tpu.memory_space<hbm>>
      tpu.enqueue_dma source(%arg13 : memref<128x64xf32, #tpu.memory_space<vmem>>) target(%dma_start3A_161 : memref<128x64xf32, #tpu.memory_space<hbm>>) target_semaphore(%arg22 : memref<!tpu.dma_semaphore, #tpu.memory_space<semaphore_mem>>)
      %ge3A_162 = arith.constant 1 : i32
      %ge3A_163 = arith.cmpi sge, %add3A_148, %ge3A_162 : i32
      %convert_element_type3A_164 = arith.extui %ge3A_163 : i1 to i32
      %cond3A_165 = arith.constant 0 : i32
      %cond3A_166 = arith.cmpi ne, %convert_element_type3A_164, %cond3A_165 : i32
      scf.if %cond3A_166 {
        %sub3A = arith.constant 1 : i32
        %sub3A_175 = arith.subi %add3A_148, %sub3A : i32
        %mul3A_176 = arith.constant 128 : i32
        %mul3A_177 = arith.muli %sub3A_175, %mul3A_176 : i32
        %add3A_178 = arith.addi %mul3A_2, %mul3A_177 : i32
        %dma_wait3A_179 = arith.constant 0 : i32
        %dma_wait3A_180 = tpu.memref_slice %arg7[%add3A_178, %dma_wait3A_179] : memref<204800x64xf32, #tpu.memory_space<hbm>> -> memref<128x64xf32, #tpu.memory_space<hbm>>
        %dma_wait3A_181 = arith.constant 0 : i32
        %dma_wait3A_182 = tpu.memref_slice %arg7[%add3A_178, %dma_wait3A_181] : memref<204800x64xf32, #tpu.memory_space<hbm>> -> memref<128x64xf32, #tpu.memory_space<hbm>>
        tpu.wait_dma2 semaphore(%arg21 : memref<!tpu.dma_semaphore, #tpu.memory_space<semaphore_mem>>) src(%arg12 : memref<128x64xf32, #tpu.memory_space<vmem>>) dst(%dma_wait3A_182 : memref<128x64xf32, #tpu.memory_space<hbm>>)
      } else {
      }
      %add3A_167 = arith.constant 2 : i32
      %add3A_168 = arith.addi %add3A_148, %add3A_167 : i32
      %mul3A_169 = arith.constant 128 : i32
      %mul3A_170 = arith.muli %add3A_168, %mul3A_169 : i32
      %add3A_171 = arith.addi %mul3A_2, %mul3A_170 : i32
      "tpu.region"() ({
        %run_scoped3A = tpu.sem_alloc : memref<!tpu.dma_semaphore, #tpu.memory_space<semaphore_mem>>
        %dma_start3A_175 = tpu.memref_slice %arg2[%add3A_171] : memref<204800xi32, #tpu.memory_space<hbm>> -> memref<128xi32, #tpu.memory_space<hbm>>
        %dma_start3A_176 = tpu.memref_slice %arg2[%add3A_171] : memref<204800xi32, #tpu.memory_space<hbm>> -> memref<128xi32, #tpu.memory_space<hbm>>
        tpu.enqueue_dma source(%dma_start3A_176 : memref<128xi32, #tpu.memory_space<hbm>>) target(%arg9 : memref<128xi32, #tpu.memory_space<vmem>>) target_semaphore(%run_scoped3A : memref<!tpu.dma_semaphore, #tpu.memory_space<semaphore_mem>>)
        %dma_wait3A_177 = tpu.memref_slice %arg2[%add3A_171] : memref<204800xi32, #tpu.memory_space<hbm>> -> memref<128xi32, #tpu.memory_space<hbm>>
        %dma_wait3A_178 = tpu.memref_slice %arg2[%add3A_171] : memref<204800xi32, #tpu.memory_space<hbm>> -> memref<128xi32, #tpu.memory_space<hbm>>
        tpu.wait_dma2 semaphore(%run_scoped3A : memref<!tpu.dma_semaphore, #tpu.memory_space<semaphore_mem>>) src(%dma_wait3A_178 : memref<128xi32, #tpu.memory_space<hbm>>) dst(%arg9 : memref<128xi32, #tpu.memory_space<vmem>>)
        tpu.yield
      }) : () -> ()
      %dma_start3A_172 = arith.constant 0 : i32
      %dma_start3A_173 = arith.constant 0 : i32
      %dma_start3A_174 = tpu.memref_slice %arg3[%dma_start3A_172, %dma_start3A_173] : memref<100000x64xf32, #tpu.memory_space<hbm>> -> memref<100000x64xf32, #tpu.memory_space<hbm>>
      tpu.enqueue_indirect_dma source(%dma_start3A_174 : memref<100000x64xf32, #tpu.memory_space<hbm>>) target(%arg12 : memref<128x64xf32, #tpu.memory_space<vmem>>) offsets(%arg9 : memref<128xi32, #tpu.memory_space<vmem>>) semaphore(%arg18 : memref<!tpu.dma_semaphore, #tpu.memory_space<semaphore_mem>>)
    }
    %scan3A_46 = arith.constant 16 : i32
    %add3A_47 = arith.constant 6144 : i32
    %add3A_48 = arith.addi %mul3A_2, %add3A_47 : i32
    %dma_wait3A = arith.constant 0 : i32
    %dma_wait3A_49 = arith.constant 0 : i32
    %dma_wait3A_50 = tpu.memref_slice %arg3[%dma_wait3A, %dma_wait3A_49] : memref<100000x64xf32, #tpu.memory_space<hbm>> -> memref<100000x64xf32, #tpu.memory_space<hbm>>
    tpu.wait_indirect_dma semaphore(%arg17 : memref<!tpu.dma_semaphore, #tpu.memory_space<semaphore_mem>>) src(%dma_wait3A_50 : memref<100000x64xf32, #tpu.memory_space<hbm>>) dst(%arg11 : memref<128x64xf32, #tpu.memory_space<vmem>>)
    %parallel_loop3A = arith.constant 0 : i32
    %parallel_loop3A_51 = arith.constant 128 : i32
    %parallel_loop3A_52 = arith.constant 1 : i32
    scf.for %parallel_loop3A_87 = %parallel_loop3A to %parallel_loop3A_51 step %parallel_loop3A_52  : i32 {
      %parallel_loop3A_88 = arith.addi %add3A_48, %parallel_loop3A_87 : i32
      %parallel_loop3A_89 = arith.constant 50 : i32
      %parallel_loop3A_90 = arith.remsi %parallel_loop3A_88, %parallel_loop3A_89 : i32
      %parallel_loop3A_91 = arith.index_cast %parallel_loop3A_87 : i32 to index
      %parallel_loop3A_92 = arith.constant 0 : index
      %parallel_loop3A_93 = tpu.vector_load %arg11[%parallel_loop3A_91, %parallel_loop3A_92] {strides = array<i32>} : memref<128x64xf32, #tpu.memory_space<vmem>>, vector<16xf32>,
      %parallel_loop3A_94 = arith.index_cast %parallel_loop3A_90 : i32 to index
      %parallel_loop3A_95 = arith.constant 0 : index
      %parallel_loop3A_96 = tpu.vector_load %arg14[%parallel_loop3A_94, %parallel_loop3A_95] {strides = array<i32>} : memref<64x64xf32, #tpu.memory_space<vmem>>, vector<16xf32>,
      %parallel_loop3A_97 = arith.addf %parallel_loop3A_93, %parallel_loop3A_96 : vector<16xf32>
      %parallel_loop3A_98 = arith.index_cast %parallel_loop3A_87 : i32 to index
      %parallel_loop3A_99 = arith.constant 16 : index
      %parallel_loop3A_100 = tpu.vector_load %arg11[%parallel_loop3A_98, %parallel_loop3A_99] {strides = array<i32>} : memref<128x64xf32, #tpu.memory_space<vmem>>, vector<16xf32>,
      %parallel_loop3A_101 = arith.index_cast %parallel_loop3A_90 : i32 to index
      %parallel_loop3A_102 = arith.constant 16 : index
      %parallel_loop3A_103 = tpu.vector_load %arg14[%parallel_loop3A_101, %parallel_loop3A_102] {strides = array<i32>} : memref<64x64xf32, #tpu.memory_space<vmem>>, vector<16xf32>,
      %parallel_loop3A_104 = arith.addf %parallel_loop3A_100, %parallel_loop3A_103 : vector<16xf32>
      %parallel_loop3A_105 = arith.index_cast %parallel_loop3A_87 : i32 to index
      %parallel_loop3A_106 = arith.constant 32 : index
      %parallel_loop3A_107 = tpu.vector_load %arg11[%parallel_loop3A_105, %parallel_loop3A_106] {strides = array<i32>} : memref<128x64xf32, #tpu.memory_space<vmem>>, vector<16xf32>,
      %parallel_loop3A_108 = arith.index_cast %parallel_loop3A_90 : i32 to index
      %parallel_loop3A_109 = arith.constant 32 : index
      %parallel_loop3A_110 = tpu.vector_load %arg14[%parallel_loop3A_108, %parallel_loop3A_109] {strides = array<i32>} : memref<64x64xf32, #tpu.memory_space<vmem>>, vector<16xf32>,
      %parallel_loop3A_111 = arith.addf %parallel_loop3A_107, %parallel_loop3A_110 : vector<16xf32>
      %parallel_loop3A_112 = arith.index_cast %parallel_loop3A_87 : i32 to index
      %parallel_loop3A_113 = arith.constant 48 : index
      %parallel_loop3A_114 = tpu.vector_load %arg11[%parallel_loop3A_112, %parallel_loop3A_113] {strides = array<i32>} : memref<128x64xf32, #tpu.memory_space<vmem>>, vector<16xf32>,
      %parallel_loop3A_115 = arith.index_cast %parallel_loop3A_90 : i32 to index
      %parallel_loop3A_116 = arith.constant 48 : index
      %parallel_loop3A_117 = tpu.vector_load %arg14[%parallel_loop3A_115, %parallel_loop3A_116] {strides = array<i32>} : memref<64x64xf32, #tpu.memory_space<vmem>>, vector<16xf32>,
      %parallel_loop3A_118 = arith.addf %parallel_loop3A_114, %parallel_loop3A_117 : vector<16xf32>
      %parallel_loop3A_119 = arith.addf %parallel_loop3A_97, %parallel_loop3A_104 : vector<16xf32>
      %parallel_loop3A_120 = arith.addf %parallel_loop3A_111, %parallel_loop3A_118 : vector<16xf32>
      %parallel_loop3A_121 = arith.addf %parallel_loop3A_119, %parallel_loop3A_120 : vector<16xf32>
      %parallel_loop3A_122 = arith.mulf %parallel_loop3A_97, %parallel_loop3A_97 : vector<16xf32>
      %parallel_loop3A_123 = arith.mulf %parallel_loop3A_104, %parallel_loop3A_104 : vector<16xf32>
      %parallel_loop3A_124 = arith.addf %parallel_loop3A_122, %parallel_loop3A_123 : vector<16xf32>
      %parallel_loop3A_125 = arith.mulf %parallel_loop3A_111, %parallel_loop3A_111 : vector<16xf32>
      %parallel_loop3A_126 = arith.mulf %parallel_loop3A_118, %parallel_loop3A_118 : vector<16xf32>
      %parallel_loop3A_127 = arith.addf %parallel_loop3A_125, %parallel_loop3A_126 : vector<16xf32>
      %parallel_loop3A_128 = arith.addf %parallel_loop3A_124, %parallel_loop3A_127 : vector<16xf32>
      %parallel_loop3A_129 = arith.constant 0 : i32
      %parallel_loop3A_130 = vector.broadcast %parallel_loop3A_129 : i32 to vector<16xi32>
      %parallel_loop3A_131 = arith.cmpi slt, %xor3A_19, %parallel_loop3A_130 : vector<16xi32>
      %parallel_loop3A_132 = arith.constant 16 : i32
      %parallel_loop3A_133 = vector.broadcast %parallel_loop3A_132 : i32 to vector<16xi32>
      %parallel_loop3A_134 = arith.addi %xor3A_19, %parallel_loop3A_133 : vector<16xi32>
      %parallel_loop3A_135 = arith.select %parallel_loop3A_131, %parallel_loop3A_134, %xor3A_19 : vector<16xi1>, vector<16xi32>
      %parallel_loop3A_136 = vector.shape_cast %parallel_loop3A_135 : vector<16xi32> to vector<16x1xi32>
      %parallel_loop3A_137 = vector.shape_cast %parallel_loop3A_136 : vector<16x1xi32> to vector<16xi32>
      %parallel_loop3A_138 = tpu.dynamic_gather %parallel_loop3A_121[%parallel_loop3A_137] in [0] : vector<16xf32>, vector<16xi32> -> vector<16xf32>
      %parallel_loop3A_139 = arith.addf %parallel_loop3A_121, %parallel_loop3A_138 : vector<16xf32>
      %parallel_loop3A_140 = arith.constant 0 : i32
      %parallel_loop3A_141 = vector.broadcast %parallel_loop3A_140 : i32 to vector<16xi32>
      %parallel_loop3A_142 = arith.cmpi slt, %xor3A_22, %parallel_loop3A_141 : vector<16xi32>
      %parallel_loop3A_143 = arith.constant 16 : i32
      %parallel_loop3A_144 = vector.broadcast %parallel_loop3A_143 : i32 to vector<16xi32>
      %parallel_loop3A_145 = arith.addi %xor3A_22, %parallel_loop3A_144 : vector<16xi32>
      %parallel_loop3A_146 = arith.select %parallel_loop3A_142, %parallel_loop3A_145, %xor3A_22 : vector<16xi1>, vector<16xi32>
      %parallel_loop3A_147 = vector.shape_cast %parallel_loop3A_146 : vector<16xi32> to vector<16x1xi32>
      %parallel_loop3A_148 = vector.shape_cast %parallel_loop3A_147 : vector<16x1xi32> to vector<16xi32>
      %parallel_loop3A_149 = tpu.dynamic_gather %parallel_loop3A_139[%parallel_loop3A_148] in [0] : vector<16xf32>, vector<16xi32> -> vector<16xf32>
      %parallel_loop3A_150 = arith.addf %parallel_loop3A_139, %parallel_loop3A_149 : vector<16xf32>
      %parallel_loop3A_151 = arith.constant 0 : i32
      %parallel_loop3A_152 = vector.broadcast %parallel_loop3A_151 : i32 to vector<16xi32>
      %parallel_loop3A_153 = arith.cmpi slt, %xor3A_25, %parallel_loop3A_152 : vector<16xi32>
      %parallel_loop3A_154 = arith.constant 16 : i32
      %parallel_loop3A_155 = vector.broadcast %parallel_loop3A_154 : i32 to vector<16xi32>
      %parallel_loop3A_156 = arith.addi %xor3A_25, %parallel_loop3A_155 : vector<16xi32>
      %parallel_loop3A_157 = arith.select %parallel_loop3A_153, %parallel_loop3A_156, %xor3A_25 : vector<16xi1>, vector<16xi32>
      %parallel_loop3A_158 = vector.shape_cast %parallel_loop3A_157 : vector<16xi32> to vector<16x1xi32>
      %parallel_loop3A_159 = vector.shape_cast %parallel_loop3A_158 : vector<16x1xi32> to vector<16xi32>
      %parallel_loop3A_160 = tpu.dynamic_gather %parallel_loop3A_150[%parallel_loop3A_159] in [0] : vector<16xf32>, vector<16xi32> -> vector<16xf32>
      %parallel_loop3A_161 = arith.addf %parallel_loop3A_150, %parallel_loop3A_160 : vector<16xf32>
      %parallel_loop3A_162 = arith.constant 0 : i32
      %parallel_loop3A_163 = vector.broadcast %parallel_loop3A_162 : i32 to vector<16xi32>
      %parallel_loop3A_164 = arith.cmpi slt, %xor3A_28, %parallel_loop3A_163 : vector<16xi32>
      %parallel_loop3A_165 = arith.constant 16 : i32
      %parallel_loop3A_166 = vector.broadcast %parallel_loop3A_165 : i32 to vector<16xi32>
      %parallel_loop3A_167 = arith.addi %xor3A_28, %parallel_loop3A_166 : vector<16xi32>
      %parallel_loop3A_168 = arith.select %parallel_loop3A_164, %parallel_loop3A_167, %xor3A_28 : vector<16xi1>, vector<16xi32>
      %parallel_loop3A_169 = vector.shape_cast %parallel_loop3A_168 : vector<16xi32> to vector<16x1xi32>
      %parallel_loop3A_170 = vector.shape_cast %parallel_loop3A_169 : vector<16x1xi32> to vector<16xi32>
      %parallel_loop3A_171 = tpu.dynamic_gather %parallel_loop3A_161[%parallel_loop3A_170] in [0] : vector<16xf32>, vector<16xi32> -> vector<16xf32>
      %parallel_loop3A_172 = arith.addf %parallel_loop3A_161, %parallel_loop3A_171 : vector<16xf32>
      %parallel_loop3A_173 = arith.constant 1.562500e-02 : f32
      %parallel_loop3A_174 = vector.broadcast %parallel_loop3A_173 : f32 to vector<16xf32>
      %parallel_loop3A_175 = arith.mulf %parallel_loop3A_172, %parallel_loop3A_174 : vector<16xf32>
      %parallel_loop3A_176 = arith.constant 0 : i32
      %parallel_loop3A_177 = vector.broadcast %parallel_loop3A_176 : i32 to vector<16xi32>
      %parallel_loop3A_178 = arith.cmpi slt, %xor3A_19, %parallel_loop3A_177 : vector<16xi32>
      %parallel_loop3A_179 = arith.constant 16 : i32
      %parallel_loop3A_180 = vector.broadcast %parallel_loop3A_179 : i32 to vector<16xi32>
      %parallel_loop3A_181 = arith.addi %xor3A_19, %parallel_loop3A_180 : vector<16xi32>
      %parallel_loop3A_182 = arith.select %parallel_loop3A_178, %parallel_loop3A_181, %xor3A_19 : vector<16xi1>, vector<16xi32>
      %parallel_loop3A_183 = vector.shape_cast %parallel_loop3A_182 : vector<16xi32> to vector<16x1xi32>
      %parallel_loop3A_184 = vector.shape_cast %parallel_loop3A_183 : vector<16x1xi32> to vector<16xi32>
      %parallel_loop3A_185 = tpu.dynamic_gather %parallel_loop3A_128[%parallel_loop3A_184] in [0] : vector<16xf32>, vector<16xi32> -> vector<16xf32>
      %parallel_loop3A_186 = arith.addf %parallel_loop3A_128, %parallel_loop3A_185 : vector<16xf32>
      %parallel_loop3A_187 = arith.constant 0 : i32
      %parallel_loop3A_188 = vector.broadcast %parallel_loop3A_187 : i32 to vector<16xi32>
      %parallel_loop3A_189 = arith.cmpi slt, %xor3A_22, %parallel_loop3A_188 : vector<16xi32>
      %parallel_loop3A_190 = arith.constant 16 : i32
      %parallel_loop3A_191 = vector.broadcast %parallel_loop3A_190 : i32 to vector<16xi32>
      %parallel_loop3A_192 = arith.addi %xor3A_22, %parallel_loop3A_191 : vector<16xi32>
      %parallel_loop3A_193 = arith.select %parallel_loop3A_189, %parallel_loop3A_192, %xor3A_22 : vector<16xi1>, vector<16xi32>
      %parallel_loop3A_194 = vector.shape_cast %parallel_loop3A_193 : vector<16xi32> to vector<16x1xi32>
      %parallel_loop3A_195 = vector.shape_cast %parallel_loop3A_194 : vector<16x1xi32> to vector<16xi32>
      %parallel_loop3A_196 = tpu.dynamic_gather %parallel_loop3A_186[%parallel_loop3A_195] in [0] : vector<16xf32>, vector<16xi32> -> vector<16xf32>
      %parallel_loop3A_197 = arith.addf %parallel_loop3A_186, %parallel_loop3A_196 : vector<16xf32>
      %parallel_loop3A_198 = arith.constant 0 : i32
      %parallel_loop3A_199 = vector.broadcast %parallel_loop3A_198 : i32 to vector<16xi32>
      %parallel_loop3A_200 = arith.cmpi slt, %xor3A_25, %parallel_loop3A_199 : vector<16xi32>
      %parallel_loop3A_201 = arith.constant 16 : i32
      %parallel_loop3A_202 = vector.broadcast %parallel_loop3A_201 : i32 to vector<16xi32>
      %parallel_loop3A_203 = arith.addi %xor3A_25, %parallel_loop3A_202 : vector<16xi32>
      %parallel_loop3A_204 = arith.select %parallel_loop3A_200, %parallel_loop3A_203, %xor3A_25 : vector<16xi1>, vector<16xi32>
      %parallel_loop3A_205 = vector.shape_cast %parallel_loop3A_204 : vector<16xi32> to vector<16x1xi32>
      %parallel_loop3A_206 = vector.shape_cast %parallel_loop3A_205 : vector<16x1xi32> to vector<16xi32>
      %parallel_loop3A_207 = tpu.dynamic_gather %parallel_loop3A_197[%parallel_loop3A_206] in [0] : vector<16xf32>, vector<16xi32> -> vector<16xf32>
      %parallel_loop3A_208 = arith.addf %parallel_loop3A_197, %parallel_loop3A_207 : vector<16xf32>
      %parallel_loop3A_209 = arith.constant 0 : i32
      %parallel_loop3A_210 = vector.broadcast %parallel_loop3A_209 : i32 to vector<16xi32>
      %parallel_loop3A_211 = arith.cmpi slt, %xor3A_28, %parallel_loop3A_210 : vector<16xi32>
      %parallel_loop3A_212 = arith.constant 16 : i32
      %parallel_loop3A_213 = vector.broadcast %parallel_loop3A_212 : i32 to vector<16xi32>
      %parallel_loop3A_214 = arith.addi %xor3A_28, %parallel_loop3A_213 : vector<16xi32>
      %parallel_loop3A_215 = arith.select %parallel_loop3A_211, %parallel_loop3A_214, %xor3A_28 : vector<16xi1>, vector<16xi32>
      %parallel_loop3A_216 = vector.shape_cast %parallel_loop3A_215 : vector<16xi32> to vector<16x1xi32>
      %parallel_loop3A_217 = vector.shape_cast %parallel_loop3A_216 : vector<16x1xi32> to vector<16xi32>
      %parallel_loop3A_218 = tpu.dynamic_gather %parallel_loop3A_208[%parallel_loop3A_217] in [0] : vector<16xf32>, vector<16xi32> -> vector<16xf32>
      %parallel_loop3A_219 = arith.addf %parallel_loop3A_208, %parallel_loop3A_218 : vector<16xf32>
      %parallel_loop3A_220 = arith.constant 1.562500e-02 : f32
      %parallel_loop3A_221 = vector.broadcast %parallel_loop3A_220 : f32 to vector<16xf32>
      %parallel_loop3A_222 = arith.mulf %parallel_loop3A_219, %parallel_loop3A_221 : vector<16xf32>
      %parallel_loop3A_223 = arith.mulf %parallel_loop3A_175, %parallel_loop3A_175 : vector<16xf32>
      %parallel_loop3A_224 = arith.subf %parallel_loop3A_222, %parallel_loop3A_223 : vector<16xf32>
      %parallel_loop3A_225 = arith.constant 9.99999974E-6 : f32
      %parallel_loop3A_226 = vector.broadcast %parallel_loop3A_225 : f32 to vector<16xf32>
      %parallel_loop3A_227 = arith.addf %parallel_loop3A_224, %parallel_loop3A_226 : vector<16xf32>
      %parallel_loop3A_228 = vector.bitcast %parallel_loop3A_227 : vector<16xf32> to vector<16xi32>
      %parallel_loop3A_229 = arith.constant 1 : i32
      %parallel_loop3A_230 = vector.broadcast %parallel_loop3A_229 : i32 to vector<16xi32>
      %parallel_loop3A_231 = arith.shrui %parallel_loop3A_228, %parallel_loop3A_230 : vector<16xi32>
      %parallel_loop3A_232 = arith.constant 1597463007 : i32
      %parallel_loop3A_233 = vector.broadcast %parallel_loop3A_232 : i32 to vector<16xi32>
      %parallel_loop3A_234 = arith.subi %parallel_loop3A_233, %parallel_loop3A_231 : vector<16xi32>
      %parallel_loop3A_235 = vector.bitcast %parallel_loop3A_234 : vector<16xi32> to vector<16xf32>
      %parallel_loop3A_236 = arith.constant 5.000000e-01 : f32
      %parallel_loop3A_237 = vector.broadcast %parallel_loop3A_236 : f32 to vector<16xf32>
      %parallel_loop3A_238 = arith.mulf %parallel_loop3A_237, %parallel_loop3A_227 : vector<16xf32>
      %parallel_loop3A_239 = arith.mulf %parallel_loop3A_238, %parallel_loop3A_235 : vector<16xf32>
      %parallel_loop3A_240 = arith.mulf %parallel_loop3A_239, %parallel_loop3A_235 : vector<16xf32>
      %parallel_loop3A_241 = arith.constant 1.500000e+00 : f32
      %parallel_loop3A_242 = vector.broadcast %parallel_loop3A_241 : f32 to vector<16xf32>
      %parallel_loop3A_243 = arith.subf %parallel_loop3A_242, %parallel_loop3A_240 : vector<16xf32>
      %parallel_loop3A_244 = arith.mulf %parallel_loop3A_235, %parallel_loop3A_243 : vector<16xf32>
      %parallel_loop3A_245 = arith.mulf %parallel_loop3A_238, %parallel_loop3A_244 : vector<16xf32>
      %parallel_loop3A_246 = arith.mulf %parallel_loop3A_245, %parallel_loop3A_244 : vector<16xf32>
      %parallel_loop3A_247 = arith.constant 1.500000e+00 : f32
      %parallel_loop3A_248 = vector.broadcast %parallel_loop3A_247 : f32 to vector<16xf32>
      %parallel_loop3A_249 = arith.subf %parallel_loop3A_248, %parallel_loop3A_246 : vector<16xf32>
      %parallel_loop3A_250 = arith.mulf %parallel_loop3A_244, %parallel_loop3A_249 : vector<16xf32>
      %parallel_loop3A_251 = arith.mulf %parallel_loop3A_175, %parallel_loop3A_250 : vector<16xf32>
      %parallel_loop3A_252 = arith.mulf %parallel_loop3A_97, %parallel_loop3A_250 : vector<16xf32>
      %parallel_loop3A_253 = arith.subf %parallel_loop3A_252, %parallel_loop3A_251 : vector<16xf32>
      %parallel_loop3A_254 = arith.mulf %parallel_loop3A_253, %get3A_3 : vector<16xf32>
      %parallel_loop3A_255 = arith.addf %parallel_loop3A_254, %get3A_11 : vector<16xf32>
      %parallel_loop3A_256 = arith.index_cast %parallel_loop3A_87 : i32 to index
      %parallel_loop3A_257 = arith.constant 0 : index
      %parallel_loop3A_258 = tpu.vector_load %arg11[%parallel_loop3A_256, %parallel_loop3A_257] {strides = array<i32>} : memref<128x64xf32, #tpu.memory_space<vmem>>, vector<16xf32>,
      tpu.vector_store %arg11[%parallel_loop3A_256, %parallel_loop3A_257], %parallel_loop3A_255 {strides = array<i32>} : memref<128x64xf32, #tpu.memory_space<vmem>>, vector<16xf32>,
      %parallel_loop3A_259 = arith.mulf %parallel_loop3A_104, %parallel_loop3A_250 : vector<16xf32>
      %parallel_loop3A_260 = arith.subf %parallel_loop3A_259, %parallel_loop3A_251 : vector<16xf32>
      %parallel_loop3A_261 = arith.mulf %parallel_loop3A_260, %get3A_5 : vector<16xf32>
      %parallel_loop3A_262 = arith.addf %parallel_loop3A_261, %get3A_13 : vector<16xf32>
      %parallel_loop3A_263 = arith.index_cast %parallel_loop3A_87 : i32 to index
      %parallel_loop3A_264 = arith.constant 16 : index
      %parallel_loop3A_265 = tpu.vector_load %arg11[%parallel_loop3A_263, %parallel_loop3A_264] {strides = array<i32>} : memref<128x64xf32, #tpu.memory_space<vmem>>, vector<16xf32>,
      tpu.vector_store %arg11[%parallel_loop3A_263, %parallel_loop3A_264], %parallel_loop3A_262 {strides = array<i32>} : memref<128x64xf32, #tpu.memory_space<vmem>>, vector<16xf32>,
      %parallel_loop3A_266 = arith.mulf %parallel_loop3A_111, %parallel_loop3A_250 : vector<16xf32>
      %parallel_loop3A_267 = arith.subf %parallel_loop3A_266, %parallel_loop3A_251 : vector<16xf32>
      %parallel_loop3A_268 = arith.mulf %parallel_loop3A_267, %get3A_7 : vector<16xf32>
      %parallel_loop3A_269 = arith.addf %parallel_loop3A_268, %get3A_15 : vector<16xf32>
      %parallel_loop3A_270 = arith.index_cast %parallel_loop3A_87 : i32 to index
      %parallel_loop3A_271 = arith.constant 32 : index
      %parallel_loop3A_272 = tpu.vector_load %arg11[%parallel_loop3A_270, %parallel_loop3A_271] {strides = array<i32>} : memref<128x64xf32, #tpu.memory_space<vmem>>, vector<16xf32>,
      tpu.vector_store %arg11[%parallel_loop3A_270, %parallel_loop3A_271], %parallel_loop3A_269 {strides = array<i32>} : memref<128x64xf32, #tpu.memory_space<vmem>>, vector<16xf32>,
      %parallel_loop3A_273 = arith.mulf %parallel_loop3A_118, %parallel_loop3A_250 : vector<16xf32>
      %parallel_loop3A_274 = arith.subf %parallel_loop3A_273, %parallel_loop3A_251 : vector<16xf32>
      %parallel_loop3A_275 = arith.mulf %parallel_loop3A_274, %get3A_9 : vector<16xf32>
      %parallel_loop3A_276 = arith.addf %parallel_loop3A_275, %get3A_17 : vector<16xf32>
      %parallel_loop3A_277 = arith.index_cast %parallel_loop3A_87 : i32 to index
      %parallel_loop3A_278 = arith.constant 48 : index
      %parallel_loop3A_279 = tpu.vector_load %arg11[%parallel_loop3A_277, %parallel_loop3A_278] {strides = array<i32>} : memref<128x64xf32, #tpu.memory_space<vmem>>, vector<16xf32>,
      tpu.vector_store %arg11[%parallel_loop3A_277, %parallel_loop3A_278], %parallel_loop3A_276 {strides = array<i32>} : memref<128x64xf32, #tpu.memory_space<vmem>>, vector<16xf32>,
    } {sc.loop_unroll_factor = 4 : i64, sc.parallel_access}
    %dma_start3A_53 = arith.constant 0 : i32
    %dma_start3A_54 = tpu.memref_slice %arg7[%add3A_48, %dma_start3A_53] : memref<204800x64xf32, #tpu.memory_space<hbm>> -> memref<128x64xf32, #tpu.memory_space<hbm>>
    %dma_start3A_55 = arith.constant 0 : i32
    %dma_start3A_56 = tpu.memref_slice %arg7[%add3A_48, %dma_start3A_55] : memref<204800x64xf32, #tpu.memory_space<hbm>> -> memref<128x64xf32, #tpu.memory_space<hbm>>
    tpu.enqueue_dma source(%arg11 : memref<128x64xf32, #tpu.memory_space<vmem>>) target(%dma_start3A_56 : memref<128x64xf32, #tpu.memory_space<hbm>>) target_semaphore(%arg20 : memref<!tpu.dma_semaphore, #tpu.memory_space<semaphore_mem>>)
    %add3A_57 = arith.constant 6016 : i32
    %add3A_58 = arith.addi %mul3A_2, %add3A_57 : i32
    %dma_wait3A_59 = arith.constant 0 : i32
    %dma_wait3A_60 = tpu.memref_slice %arg7[%add3A_58, %dma_wait3A_59] : memref<204800x64xf32, #tpu.memory_space<hbm>> -> memref<128x64xf32, #tpu.memory_space<hbm>>
    %dma_wait3A_61 = arith.constant 0 : i32
    %dma_wait3A_62 = tpu.memref_slice %arg7[%add3A_58, %dma_wait3A_61] : memref<204800x64xf32, #tpu.memory_space<hbm>> -> memref<128x64xf32, #tpu.memory_space<hbm>>
    tpu.wait_dma2 semaphore(%arg22 : memref<!tpu.dma_semaphore, #tpu.memory_space<semaphore_mem>>) src(%arg13 : memref<128x64xf32, #tpu.memory_space<vmem>>) dst(%dma_wait3A_62 : memref<128x64xf32, #tpu.memory_space<hbm>>)
    %add3A_63 = arith.constant 6272 : i32
    %add3A_64 = arith.addi %mul3A_2, %add3A_63 : i32
    %dma_wait3A_65 = arith.constant 0 : i32
    %dma_wait3A_66 = arith.constant 0 : i32
    %dma_wait3A_67 = tpu.memref_slice %arg3[%dma_wait3A_65, %dma_wait3A_66] : memref<100000x64xf32, #tpu.memory_space<hbm>> -> memref<100000x64xf32, #tpu.memory_space<hbm>>
    tpu.wait_indirect_dma semaphore(%arg18 : memref<!tpu.dma_semaphore, #tpu.memory_space<semaphore_mem>>) src(%dma_wait3A_67 : memref<100000x64xf32, #tpu.memory_space<hbm>>) dst(%arg12 : memref<128x64xf32, #tpu.memory_space<vmem>>)
    %parallel_loop3A_68 = arith.constant 0 : i32
    %parallel_loop3A_69 = arith.constant 128 : i32
    %parallel_loop3A_70 = arith.constant 1 : i32
    scf.for %parallel_loop3A_87 = %parallel_loop3A_68 to %parallel_loop3A_69 step %parallel_loop3A_70  : i32 {
      %parallel_loop3A_88 = arith.addi %add3A_64, %parallel_loop3A_87 : i32
      %parallel_loop3A_89 = arith.constant 50 : i32
      %parallel_loop3A_90 = arith.remsi %parallel_loop3A_88, %parallel_loop3A_89 : i32
      %parallel_loop3A_91 = arith.index_cast %parallel_loop3A_87 : i32 to index
      %parallel_loop3A_92 = arith.constant 0 : index
      %parallel_loop3A_93 = tpu.vector_load %arg12[%parallel_loop3A_91, %parallel_loop3A_92] {strides = array<i32>} : memref<128x64xf32, #tpu.memory_space<vmem>>, vector<16xf32>,
      %parallel_loop3A_94 = arith.index_cast %parallel_loop3A_90 : i32 to index
      %parallel_loop3A_95 = arith.constant 0 : index
      %parallel_loop3A_96 = tpu.vector_load %arg14[%parallel_loop3A_94, %parallel_loop3A_95] {strides = array<i32>} : memref<64x64xf32, #tpu.memory_space<vmem>>, vector<16xf32>,
      %parallel_loop3A_97 = arith.addf %parallel_loop3A_93, %parallel_loop3A_96 : vector<16xf32>
      %parallel_loop3A_98 = arith.index_cast %parallel_loop3A_87 : i32 to index
      %parallel_loop3A_99 = arith.constant 16 : index
      %parallel_loop3A_100 = tpu.vector_load %arg12[%parallel_loop3A_98, %parallel_loop3A_99] {strides = array<i32>} : memref<128x64xf32, #tpu.memory_space<vmem>>, vector<16xf32>,
      %parallel_loop3A_101 = arith.index_cast %parallel_loop3A_90 : i32 to index
      %parallel_loop3A_102 = arith.constant 16 : index
      %parallel_loop3A_103 = tpu.vector_load %arg14[%parallel_loop3A_101, %parallel_loop3A_102] {strides = array<i32>} : memref<64x64xf32, #tpu.memory_space<vmem>>, vector<16xf32>,
      %parallel_loop3A_104 = arith.addf %parallel_loop3A_100, %parallel_loop3A_103 : vector<16xf32>
      %parallel_loop3A_105 = arith.index_cast %parallel_loop3A_87 : i32 to index
      %parallel_loop3A_106 = arith.constant 32 : index
      %parallel_loop3A_107 = tpu.vector_load %arg12[%parallel_loop3A_105, %parallel_loop3A_106] {strides = array<i32>} : memref<128x64xf32, #tpu.memory_space<vmem>>, vector<16xf32>,
      %parallel_loop3A_108 = arith.index_cast %parallel_loop3A_90 : i32 to index
      %parallel_loop3A_109 = arith.constant 32 : index
      %parallel_loop3A_110 = tpu.vector_load %arg14[%parallel_loop3A_108, %parallel_loop3A_109] {strides = array<i32>} : memref<64x64xf32, #tpu.memory_space<vmem>>, vector<16xf32>,
      %parallel_loop3A_111 = arith.addf %parallel_loop3A_107, %parallel_loop3A_110 : vector<16xf32>
      %parallel_loop3A_112 = arith.index_cast %parallel_loop3A_87 : i32 to index
      %parallel_loop3A_113 = arith.constant 48 : index
      %parallel_loop3A_114 = tpu.vector_load %arg12[%parallel_loop3A_112, %parallel_loop3A_113] {strides = array<i32>} : memref<128x64xf32, #tpu.memory_space<vmem>>, vector<16xf32>,
      %parallel_loop3A_115 = arith.index_cast %parallel_loop3A_90 : i32 to index
      %parallel_loop3A_116 = arith.constant 48 : index
      %parallel_loop3A_117 = tpu.vector_load %arg14[%parallel_loop3A_115, %parallel_loop3A_116] {strides = array<i32>} : memref<64x64xf32, #tpu.memory_space<vmem>>, vector<16xf32>,
      %parallel_loop3A_118 = arith.addf %parallel_loop3A_114, %parallel_loop3A_117 : vector<16xf32>
      %parallel_loop3A_119 = arith.addf %parallel_loop3A_97, %parallel_loop3A_104 : vector<16xf32>
      %parallel_loop3A_120 = arith.addf %parallel_loop3A_111, %parallel_loop3A_118 : vector<16xf32>
      %parallel_loop3A_121 = arith.addf %parallel_loop3A_119, %parallel_loop3A_120 : vector<16xf32>
      %parallel_loop3A_122 = arith.mulf %parallel_loop3A_97, %parallel_loop3A_97 : vector<16xf32>
      %parallel_loop3A_123 = arith.mulf %parallel_loop3A_104, %parallel_loop3A_104 : vector<16xf32>
      %parallel_loop3A_124 = arith.addf %parallel_loop3A_122, %parallel_loop3A_123 : vector<16xf32>
      %parallel_loop3A_125 = arith.mulf %parallel_loop3A_111, %parallel_loop3A_111 : vector<16xf32>
      %parallel_loop3A_126 = arith.mulf %parallel_loop3A_118, %parallel_loop3A_118 : vector<16xf32>
      %parallel_loop3A_127 = arith.addf %parallel_loop3A_125, %parallel_loop3A_126 : vector<16xf32>
      %parallel_loop3A_128 = arith.addf %parallel_loop3A_124, %parallel_loop3A_127 : vector<16xf32>
      %parallel_loop3A_129 = arith.constant 0 : i32
      %parallel_loop3A_130 = vector.broadcast %parallel_loop3A_129 : i32 to vector<16xi32>
      %parallel_loop3A_131 = arith.cmpi slt, %xor3A_19, %parallel_loop3A_130 : vector<16xi32>
      %parallel_loop3A_132 = arith.constant 16 : i32
      %parallel_loop3A_133 = vector.broadcast %parallel_loop3A_132 : i32 to vector<16xi32>
      %parallel_loop3A_134 = arith.addi %xor3A_19, %parallel_loop3A_133 : vector<16xi32>
      %parallel_loop3A_135 = arith.select %parallel_loop3A_131, %parallel_loop3A_134, %xor3A_19 : vector<16xi1>, vector<16xi32>
      %parallel_loop3A_136 = vector.shape_cast %parallel_loop3A_135 : vector<16xi32> to vector<16x1xi32>
      %parallel_loop3A_137 = vector.shape_cast %parallel_loop3A_136 : vector<16x1xi32> to vector<16xi32>
      %parallel_loop3A_138 = tpu.dynamic_gather %parallel_loop3A_121[%parallel_loop3A_137] in [0] : vector<16xf32>, vector<16xi32> -> vector<16xf32>
      %parallel_loop3A_139 = arith.addf %parallel_loop3A_121, %parallel_loop3A_138 : vector<16xf32>
      %parallel_loop3A_140 = arith.constant 0 : i32
      %parallel_loop3A_141 = vector.broadcast %parallel_loop3A_140 : i32 to vector<16xi32>
      %parallel_loop3A_142 = arith.cmpi slt, %xor3A_22, %parallel_loop3A_141 : vector<16xi32>
      %parallel_loop3A_143 = arith.constant 16 : i32
      %parallel_loop3A_144 = vector.broadcast %parallel_loop3A_143 : i32 to vector<16xi32>
      %parallel_loop3A_145 = arith.addi %xor3A_22, %parallel_loop3A_144 : vector<16xi32>
      %parallel_loop3A_146 = arith.select %parallel_loop3A_142, %parallel_loop3A_145, %xor3A_22 : vector<16xi1>, vector<16xi32>
      %parallel_loop3A_147 = vector.shape_cast %parallel_loop3A_146 : vector<16xi32> to vector<16x1xi32>
      %parallel_loop3A_148 = vector.shape_cast %parallel_loop3A_147 : vector<16x1xi32> to vector<16xi32>
      %parallel_loop3A_149 = tpu.dynamic_gather %parallel_loop3A_139[%parallel_loop3A_148] in [0] : vector<16xf32>, vector<16xi32> -> vector<16xf32>
      %parallel_loop3A_150 = arith.addf %parallel_loop3A_139, %parallel_loop3A_149 : vector<16xf32>
      %parallel_loop3A_151 = arith.constant 0 : i32
      %parallel_loop3A_152 = vector.broadcast %parallel_loop3A_151 : i32 to vector<16xi32>
      %parallel_loop3A_153 = arith.cmpi slt, %xor3A_25, %parallel_loop3A_152 : vector<16xi32>
      %parallel_loop3A_154 = arith.constant 16 : i32
      %parallel_loop3A_155 = vector.broadcast %parallel_loop3A_154 : i32 to vector<16xi32>
      %parallel_loop3A_156 = arith.addi %xor3A_25, %parallel_loop3A_155 : vector<16xi32>
      %parallel_loop3A_157 = arith.select %parallel_loop3A_153, %parallel_loop3A_156, %xor3A_25 : vector<16xi1>, vector<16xi32>
      %parallel_loop3A_158 = vector.shape_cast %parallel_loop3A_157 : vector<16xi32> to vector<16x1xi32>
      %parallel_loop3A_159 = vector.shape_cast %parallel_loop3A_158 : vector<16x1xi32> to vector<16xi32>
      %parallel_loop3A_160 = tpu.dynamic_gather %parallel_loop3A_150[%parallel_loop3A_159] in [0] : vector<16xf32>, vector<16xi32> -> vector<16xf32>
      %parallel_loop3A_161 = arith.addf %parallel_loop3A_150, %parallel_loop3A_160 : vector<16xf32>
      %parallel_loop3A_162 = arith.constant 0 : i32
      %parallel_loop3A_163 = vector.broadcast %parallel_loop3A_162 : i32 to vector<16xi32>
      %parallel_loop3A_164 = arith.cmpi slt, %xor3A_28, %parallel_loop3A_163 : vector<16xi32>
      %parallel_loop3A_165 = arith.constant 16 : i32
      %parallel_loop3A_166 = vector.broadcast %parallel_loop3A_165 : i32 to vector<16xi32>
      %parallel_loop3A_167 = arith.addi %xor3A_28, %parallel_loop3A_166 : vector<16xi32>
      %parallel_loop3A_168 = arith.select %parallel_loop3A_164, %parallel_loop3A_167, %xor3A_28 : vector<16xi1>, vector<16xi32>
      %parallel_loop3A_169 = vector.shape_cast %parallel_loop3A_168 : vector<16xi32> to vector<16x1xi32>
      %parallel_loop3A_170 = vector.shape_cast %parallel_loop3A_169 : vector<16x1xi32> to vector<16xi32>
      %parallel_loop3A_171 = tpu.dynamic_gather %parallel_loop3A_161[%parallel_loop3A_170] in [0] : vector<16xf32>, vector<16xi32> -> vector<16xf32>
      %parallel_loop3A_172 = arith.addf %parallel_loop3A_161, %parallel_loop3A_171 : vector<16xf32>
      %parallel_loop3A_173 = arith.constant 1.562500e-02 : f32
      %parallel_loop3A_174 = vector.broadcast %parallel_loop3A_173 : f32 to vector<16xf32>
      %parallel_loop3A_175 = arith.mulf %parallel_loop3A_172, %parallel_loop3A_174 : vector<16xf32>
      %parallel_loop3A_176 = arith.constant 0 : i32
      %parallel_loop3A_177 = vector.broadcast %parallel_loop3A_176 : i32 to vector<16xi32>
      %parallel_loop3A_178 = arith.cmpi slt, %xor3A_19, %parallel_loop3A_177 : vector<16xi32>
      %parallel_loop3A_179 = arith.constant 16 : i32
      %parallel_loop3A_180 = vector.broadcast %parallel_loop3A_179 : i32 to vector<16xi32>
      %parallel_loop3A_181 = arith.addi %xor3A_19, %parallel_loop3A_180 : vector<16xi32>
      %parallel_loop3A_182 = arith.select %parallel_loop3A_178, %parallel_loop3A_181, %xor3A_19 : vector<16xi1>, vector<16xi32>
      %parallel_loop3A_183 = vector.shape_cast %parallel_loop3A_182 : vector<16xi32> to vector<16x1xi32>
      %parallel_loop3A_184 = vector.shape_cast %parallel_loop3A_183 : vector<16x1xi32> to vector<16xi32>
      %parallel_loop3A_185 = tpu.dynamic_gather %parallel_loop3A_128[%parallel_loop3A_184] in [0] : vector<16xf32>, vector<16xi32> -> vector<16xf32>
      %parallel_loop3A_186 = arith.addf %parallel_loop3A_128, %parallel_loop3A_185 : vector<16xf32>
      %parallel_loop3A_187 = arith.constant 0 : i32
      %parallel_loop3A_188 = vector.broadcast %parallel_loop3A_187 : i32 to vector<16xi32>
      %parallel_loop3A_189 = arith.cmpi slt, %xor3A_22, %parallel_loop3A_188 : vector<16xi32>
      %parallel_loop3A_190 = arith.constant 16 : i32
      %parallel_loop3A_191 = vector.broadcast %parallel_loop3A_190 : i32 to vector<16xi32>
      %parallel_loop3A_192 = arith.addi %xor3A_22, %parallel_loop3A_191 : vector<16xi32>
      %parallel_loop3A_193 = arith.select %parallel_loop3A_189, %parallel_loop3A_192, %xor3A_22 : vector<16xi1>, vector<16xi32>
      %parallel_loop3A_194 = vector.shape_cast %parallel_loop3A_193 : vector<16xi32> to vector<16x1xi32>
      %parallel_loop3A_195 = vector.shape_cast %parallel_loop3A_194 : vector<16x1xi32> to vector<16xi32>
      %parallel_loop3A_196 = tpu.dynamic_gather %parallel_loop3A_186[%parallel_loop3A_195] in [0] : vector<16xf32>, vector<16xi32> -> vector<16xf32>
      %parallel_loop3A_197 = arith.addf %parallel_loop3A_186, %parallel_loop3A_196 : vector<16xf32>
      %parallel_loop3A_198 = arith.constant 0 : i32
      %parallel_loop3A_199 = vector.broadcast %parallel_loop3A_198 : i32 to vector<16xi32>
      %parallel_loop3A_200 = arith.cmpi slt, %xor3A_25, %parallel_loop3A_199 : vector<16xi32>
      %parallel_loop3A_201 = arith.constant 16 : i32
      %parallel_loop3A_202 = vector.broadcast %parallel_loop3A_201 : i32 to vector<16xi32>
      %parallel_loop3A_203 = arith.addi %xor3A_25, %parallel_loop3A_202 : vector<16xi32>
      %parallel_loop3A_204 = arith.select %parallel_loop3A_200, %parallel_loop3A_203, %xor3A_25 : vector<16xi1>, vector<16xi32>
      %parallel_loop3A_205 = vector.shape_cast %parallel_loop3A_204 : vector<16xi32> to vector<16x1xi32>
      %parallel_loop3A_206 = vector.shape_cast %parallel_loop3A_205 : vector<16x1xi32> to vector<16xi32>
      %parallel_loop3A_207 = tpu.dynamic_gather %parallel_loop3A_197[%parallel_loop3A_206] in [0] : vector<16xf32>, vector<16xi32> -> vector<16xf32>
      %parallel_loop3A_208 = arith.addf %parallel_loop3A_197, %parallel_loop3A_207 : vector<16xf32>
      %parallel_loop3A_209 = arith.constant 0 : i32
      %parallel_loop3A_210 = vector.broadcast %parallel_loop3A_209 : i32 to vector<16xi32>
      %parallel_loop3A_211 = arith.cmpi slt, %xor3A_28, %parallel_loop3A_210 : vector<16xi32>
      %parallel_loop3A_212 = arith.constant 16 : i32
      %parallel_loop3A_213 = vector.broadcast %parallel_loop3A_212 : i32 to vector<16xi32>
      %parallel_loop3A_214 = arith.addi %xor3A_28, %parallel_loop3A_213 : vector<16xi32>
      %parallel_loop3A_215 = arith.select %parallel_loop3A_211, %parallel_loop3A_214, %xor3A_28 : vector<16xi1>, vector<16xi32>
      %parallel_loop3A_216 = vector.shape_cast %parallel_loop3A_215 : vector<16xi32> to vector<16x1xi32>
      %parallel_loop3A_217 = vector.shape_cast %parallel_loop3A_216 : vector<16x1xi32> to vector<16xi32>
      %parallel_loop3A_218 = tpu.dynamic_gather %parallel_loop3A_208[%parallel_loop3A_217] in [0] : vector<16xf32>, vector<16xi32> -> vector<16xf32>
      %parallel_loop3A_219 = arith.addf %parallel_loop3A_208, %parallel_loop3A_218 : vector<16xf32>
      %parallel_loop3A_220 = arith.constant 1.562500e-02 : f32
      %parallel_loop3A_221 = vector.broadcast %parallel_loop3A_220 : f32 to vector<16xf32>
      %parallel_loop3A_222 = arith.mulf %parallel_loop3A_219, %parallel_loop3A_221 : vector<16xf32>
      %parallel_loop3A_223 = arith.mulf %parallel_loop3A_175, %parallel_loop3A_175 : vector<16xf32>
      %parallel_loop3A_224 = arith.subf %parallel_loop3A_222, %parallel_loop3A_223 : vector<16xf32>
      %parallel_loop3A_225 = arith.constant 9.99999974E-6 : f32
      %parallel_loop3A_226 = vector.broadcast %parallel_loop3A_225 : f32 to vector<16xf32>
      %parallel_loop3A_227 = arith.addf %parallel_loop3A_224, %parallel_loop3A_226 : vector<16xf32>
      %parallel_loop3A_228 = vector.bitcast %parallel_loop3A_227 : vector<16xf32> to vector<16xi32>
      %parallel_loop3A_229 = arith.constant 1 : i32
      %parallel_loop3A_230 = vector.broadcast %parallel_loop3A_229 : i32 to vector<16xi32>
      %parallel_loop3A_231 = arith.shrui %parallel_loop3A_228, %parallel_loop3A_230 : vector<16xi32>
      %parallel_loop3A_232 = arith.constant 1597463007 : i32
      %parallel_loop3A_233 = vector.broadcast %parallel_loop3A_232 : i32 to vector<16xi32>
      %parallel_loop3A_234 = arith.subi %parallel_loop3A_233, %parallel_loop3A_231 : vector<16xi32>
      %parallel_loop3A_235 = vector.bitcast %parallel_loop3A_234 : vector<16xi32> to vector<16xf32>
      %parallel_loop3A_236 = arith.constant 5.000000e-01 : f32
      %parallel_loop3A_237 = vector.broadcast %parallel_loop3A_236 : f32 to vector<16xf32>
      %parallel_loop3A_238 = arith.mulf %parallel_loop3A_237, %parallel_loop3A_227 : vector<16xf32>
      %parallel_loop3A_239 = arith.mulf %parallel_loop3A_238, %parallel_loop3A_235 : vector<16xf32>
      %parallel_loop3A_240 = arith.mulf %parallel_loop3A_239, %parallel_loop3A_235 : vector<16xf32>
      %parallel_loop3A_241 = arith.constant 1.500000e+00 : f32
      %parallel_loop3A_242 = vector.broadcast %parallel_loop3A_241 : f32 to vector<16xf32>
      %parallel_loop3A_243 = arith.subf %parallel_loop3A_242, %parallel_loop3A_240 : vector<16xf32>
      %parallel_loop3A_244 = arith.mulf %parallel_loop3A_235, %parallel_loop3A_243 : vector<16xf32>
      %parallel_loop3A_245 = arith.mulf %parallel_loop3A_238, %parallel_loop3A_244 : vector<16xf32>
      %parallel_loop3A_246 = arith.mulf %parallel_loop3A_245, %parallel_loop3A_244 : vector<16xf32>
      %parallel_loop3A_247 = arith.constant 1.500000e+00 : f32
      %parallel_loop3A_248 = vector.broadcast %parallel_loop3A_247 : f32 to vector<16xf32>
      %parallel_loop3A_249 = arith.subf %parallel_loop3A_248, %parallel_loop3A_246 : vector<16xf32>
      %parallel_loop3A_250 = arith.mulf %parallel_loop3A_244, %parallel_loop3A_249 : vector<16xf32>
      %parallel_loop3A_251 = arith.mulf %parallel_loop3A_175, %parallel_loop3A_250 : vector<16xf32>
      %parallel_loop3A_252 = arith.mulf %parallel_loop3A_97, %parallel_loop3A_250 : vector<16xf32>
      %parallel_loop3A_253 = arith.subf %parallel_loop3A_252, %parallel_loop3A_251 : vector<16xf32>
      %parallel_loop3A_254 = arith.mulf %parallel_loop3A_253, %get3A_3 : vector<16xf32>
      %parallel_loop3A_255 = arith.addf %parallel_loop3A_254, %get3A_11 : vector<16xf32>
      %parallel_loop3A_256 = arith.index_cast %parallel_loop3A_87 : i32 to index
      %parallel_loop3A_257 = arith.constant 0 : index
      %parallel_loop3A_258 = tpu.vector_load %arg12[%parallel_loop3A_256, %parallel_loop3A_257] {strides = array<i32>} : memref<128x64xf32, #tpu.memory_space<vmem>>, vector<16xf32>,
      tpu.vector_store %arg12[%parallel_loop3A_256, %parallel_loop3A_257], %parallel_loop3A_255 {strides = array<i32>} : memref<128x64xf32, #tpu.memory_space<vmem>>, vector<16xf32>,
      %parallel_loop3A_259 = arith.mulf %parallel_loop3A_104, %parallel_loop3A_250 : vector<16xf32>
      %parallel_loop3A_260 = arith.subf %parallel_loop3A_259, %parallel_loop3A_251 : vector<16xf32>
      %parallel_loop3A_261 = arith.mulf %parallel_loop3A_260, %get3A_5 : vector<16xf32>
      %parallel_loop3A_262 = arith.addf %parallel_loop3A_261, %get3A_13 : vector<16xf32>
      %parallel_loop3A_263 = arith.index_cast %parallel_loop3A_87 : i32 to index
      %parallel_loop3A_264 = arith.constant 16 : index
      %parallel_loop3A_265 = tpu.vector_load %arg12[%parallel_loop3A_263, %parallel_loop3A_264] {strides = array<i32>} : memref<128x64xf32, #tpu.memory_space<vmem>>, vector<16xf32>,
      tpu.vector_store %arg12[%parallel_loop3A_263, %parallel_loop3A_264], %parallel_loop3A_262 {strides = array<i32>} : memref<128x64xf32, #tpu.memory_space<vmem>>, vector<16xf32>,
      %parallel_loop3A_266 = arith.mulf %parallel_loop3A_111, %parallel_loop3A_250 : vector<16xf32>
      %parallel_loop3A_267 = arith.subf %parallel_loop3A_266, %parallel_loop3A_251 : vector<16xf32>
      %parallel_loop3A_268 = arith.mulf %parallel_loop3A_267, %get3A_7 : vector<16xf32>
      %parallel_loop3A_269 = arith.addf %parallel_loop3A_268, %get3A_15 : vector<16xf32>
      %parallel_loop3A_270 = arith.index_cast %parallel_loop3A_87 : i32 to index
      %parallel_loop3A_271 = arith.constant 32 : index
      %parallel_loop3A_272 = tpu.vector_load %arg12[%parallel_loop3A_270, %parallel_loop3A_271] {strides = array<i32>} : memref<128x64xf32, #tpu.memory_space<vmem>>, vector<16xf32>,
      tpu.vector_store %arg12[%parallel_loop3A_270, %parallel_loop3A_271], %parallel_loop3A_269 {strides = array<i32>} : memref<128x64xf32, #tpu.memory_space<vmem>>, vector<16xf32>,
      %parallel_loop3A_273 = arith.mulf %parallel_loop3A_118, %parallel_loop3A_250 : vector<16xf32>
      %parallel_loop3A_274 = arith.subf %parallel_loop3A_273, %parallel_loop3A_251 : vector<16xf32>
      %parallel_loop3A_275 = arith.mulf %parallel_loop3A_274, %get3A_9 : vector<16xf32>
      %parallel_loop3A_276 = arith.addf %parallel_loop3A_275, %get3A_17 : vector<16xf32>
      %parallel_loop3A_277 = arith.index_cast %parallel_loop3A_87 : i32 to index
      %parallel_loop3A_278 = arith.constant 48 : index
      %parallel_loop3A_279 = tpu.vector_load %arg12[%parallel_loop3A_277, %parallel_loop3A_278] {strides = array<i32>} : memref<128x64xf32, #tpu.memory_space<vmem>>, vector<16xf32>,
      tpu.vector_store %arg12[%parallel_loop3A_277, %parallel_loop3A_278], %parallel_loop3A_276 {strides = array<i32>} : memref<128x64xf32, #tpu.memory_space<vmem>>, vector<16xf32>,
    } {sc.loop_unroll_factor = 4 : i64, sc.parallel_access}
    %dma_start3A_71 = arith.constant 0 : i32
    %dma_start3A_72 = tpu.memref_slice %arg7[%add3A_64, %dma_start3A_71] : memref<204800x64xf32, #tpu.memory_space<hbm>> -> memref<128x64xf32, #tpu.memory_space<hbm>>
    %dma_start3A_73 = arith.constant 0 : i32
    %dma_start3A_74 = tpu.memref_slice %arg7[%add3A_64, %dma_start3A_73] : memref<204800x64xf32, #tpu.memory_space<hbm>> -> memref<128x64xf32, #tpu.memory_space<hbm>>
    tpu.enqueue_dma source(%arg12 : memref<128x64xf32, #tpu.memory_space<vmem>>) target(%dma_start3A_74 : memref<128x64xf32, #tpu.memory_space<hbm>>) target_semaphore(%arg21 : memref<!tpu.dma_semaphore, #tpu.memory_space<semaphore_mem>>)
    %add3A_75 = arith.constant 6144 : i32
    %add3A_76 = arith.addi %mul3A_2, %add3A_75 : i32
    %dma_wait3A_77 = arith.constant 0 : i32
    %dma_wait3A_78 = tpu.memref_slice %arg7[%add3A_76, %dma_wait3A_77] : memref<204800x64xf32, #tpu.memory_space<hbm>> -> memref<128x64xf32, #tpu.memory_space<hbm>>
    %dma_wait3A_79 = arith.constant 0 : i32
    %dma_wait3A_80 = tpu.memref_slice %arg7[%add3A_76, %dma_wait3A_79] : memref<204800x64xf32, #tpu.memory_space<hbm>> -> memref<128x64xf32, #tpu.memory_space<hbm>>
    tpu.wait_dma2 semaphore(%arg20 : memref<!tpu.dma_semaphore, #tpu.memory_space<semaphore_mem>>) src(%arg11 : memref<128x64xf32, #tpu.memory_space<vmem>>) dst(%dma_wait3A_80 : memref<128x64xf32, #tpu.memory_space<hbm>>)
    %add3A_81 = arith.constant 6272 : i32
    %add3A_82 = arith.addi %mul3A_2, %add3A_81 : i32
    %dma_wait3A_83 = arith.constant 0 : i32
    %dma_wait3A_84 = tpu.memref_slice %arg7[%add3A_82, %dma_wait3A_83] : memref<204800x64xf32, #tpu.memory_space<hbm>> -> memref<128x64xf32, #tpu.memory_space<hbm>>
    %dma_wait3A_85 = arith.constant 0 : i32
    %dma_wait3A_86 = tpu.memref_slice %arg7[%add3A_82, %dma_wait3A_85] : memref<204800x64xf32, #tpu.memory_space<hbm>> -> memref<128x64xf32, #tpu.memory_space<hbm>>
    tpu.wait_dma2 semaphore(%arg21 : memref<!tpu.dma_semaphore, #tpu.memory_space<semaphore_mem>>) src(%arg12 : memref<128x64xf32, #tpu.memory_space<vmem>>) dst(%dma_wait3A_86 : memref<128x64xf32, #tpu.memory_space<hbm>>)
    return
  }
}

</mosaic_0001>

<sc_bundles>
// kernel: kernel.3.cloned.1.call-start
scs
__scs_entry_jumppad:
0x0: {  	(pc) =	sbr.rel $0x88, $3  }
0x1: {  	(tag) =	ssettag $0x0;
	lr =	simm.s32 $0x1  }
0x2: {  	[smem:$0x3F9C] =	sst lr;
	_ =	strace $0xD0000000  }
0x3: {  	_ = 	snop  }
0x4: {  	_ = 	snop  }
0x5: {  	_ = 	snop  }
0x6: {  	_ = 	snop  }
0x7: {  	_ = 	snop  }
__scs_overlays_trampoline_lowered:
0x8: {  	[smem:$0x3FAB] =	sst s0  }
0x9: {  	[smem:$0x3FAC] =	sst s1  }
0xa: {  	[smem:$0x3FAD] =	sst s2  }
0xb: {  	[smem:$0x3FAE] =	sst s3  }
0xc: {  	[smem:$0x3FAF] =	sst s4  }
0xd: {  	[smem:$0x3FB0] =	sst s5  }
0xe: {  	[smem:$0x3FB1] =	sst s6  }
0xf: {  	[smem:$0x3FB2] =	sst s7  }
0x10: {  	[smem:$0x3FB3] =	sst s8  }
0x11: {  	[smem:$0x3FB4] =	sst s9;
	s0 =	simm.s32 @!p0 $0x0  }
0x12: {  	s1 =	sld [smem:$0x3F9A];
	s0 =	simm.s32 @p0 $0x1  }
0x13: {  	[smem:$0x3FB5] =	sst s0;
	s0 =	simm.s32 @!p1 $0x0  }
0x14: {  	s2 =	sld [smem:$0x3F99];
	s0 =	simm.s32 @p1 $0x1  }
0x15: {  	[smem:$0x3FB6] =	sst s0;
	s0 =	simm.s32 @!p2 $0x0  }
0x16: {  	s3 =	sld [smem:$0x3FDB];
	s0 =	simm.s32 @p2 $0x1  }
0x17: {  	s4 =	simm.s32 $0x1BF5;
	[smem:$0x3FB8] =	sst s0  }
0x18: {  	s0 =	sld [smem:$0x3F9B];
	_ =	swait.ge [sflag:s4], $0x0  }
0x19: {  	s7 =	sld [smem:$0x3F9C]  }
0x1a: {  	s8 =	sadd.s32 $0xFFFFE003, lr  }
0x1b: {  	s9 =	sadd.s32 $0xFFFFFEF7, lr;
	s5 =	simm.s32 $0xFFFFFFFF;
	p2 =	slt.u32 s8, $0xFFFFF086  }
0x1c: {  	p1 =	slt.u32 s9, $0xF7A;
	s5 =	simm.s32 @!p2 $0x0  }
0x1d: {  	s5 =	simm.s32 @p1 $0x1;
	p0 =	seq.s32 s7, s2  }
0x1e: {  	s7 =	smul.u32 @!p0 $0xF7A, s2;
	p2 =	seq.s32 @!p0 s5, $0x0  }
0x1f: {  	s9 =	smul.u32 $0xF7A, s1;
	s8 =	simm.s32 @!p0 $0x1BF5;
	p2 =	por !p2, p0  }
0x20: {  	[sflag:s8] =	ssyncset.s32 @!p0 $0xFFFFF086;
	s6 =	sadd.s32 @!p0 s3, s7;
	s7 =	simm.s32 @!p0 $0x108  }
0x21: {  	s3 =	sadd.s32 s3, s9;
	s6 =	sadd.s32 @!p0 $0x88, s6;
	s7 =	simm.s32 @p2 $0x1082  }
0x22: {  	[simem:s7], [sflag:s8] =	dma.local @!p0 [hbm:s6], $0xF7A  }
0x23: {  	s9 =	sor.u32 $0xD0000000, s2;
	s6 =	simm.s32 $0x108;
	_ =	swait.ge @!p0 [sflag:s8], $0x0  }
0x24: {  	s3 =	sadd.s32 $0x88, s3;
	s6 =	simm.s32 @!p1 $0x1082;
	[sflag:s4] =	ssyncset.s32 $0xFFFFF086  }
0x25: {  	[simem:s6], [sflag:s4] =	dma.local [hbm:s3], $0xF7A  }
0x26: {  	[smem:$0x3F9C] =	sst s1;
	(tag) =	ssettag s2;
	_ =	strace s9  }
0x27: {  	s1 =	sld [smem:$0x3FAC]  }
0x28: {  	s2 =	sld [smem:$0x3FAD]  }
0x29: {  	s4 =	sld [smem:$0x3FAF]  }
0x2a: {  	p0 =	seq.s32 s5, $0x0;
	s5 =	sld [smem:$0x3FB0]  }
0x2b: {  	s6 =	sld [smem:$0x3FB1]  }
0x2c: {  	s7 =	sld [smem:$0x3FB2]  }
0x2d: {  	s3 =	simm.s32 $0x108;
	s8 =	sld [smem:$0x3FB3]  }
0x2e: {  	s3 =	simm.s32 @!p0 $0x1082;
	s9 =	sld [smem:$0x3FB4]  }
0x2f: {  	lr =	sadd.s32 s0, s3;
	s0 =	sld [smem:$0x3FAB]  }
0x30: {  	s3 =	sld [smem:$0x3FAE]  }
0x31: {  	[smem:$0x3FB7] =	sst s10  }
0x32: {  	s10 =	sld [smem:$0x3FB5];
	_ =	sdelay $0x3  }
0x33: {  	p0 =	seq.s32 s10, $0x1;
	s10 =	sld [smem:$0x3FB7];
	_ =	sdelay $0x3  }
0x34: {  	[smem:$0x3FB7] =	sst s10  }
0x35: {  	s10 =	sld [smem:$0x3FB6];
	_ =	sdelay $0x3  }
0x36: {  	p1 =	seq.s32 s10, $0x1;
	s10 =	sld [smem:$0x3FB7];
	_ =	sdelay $0x3  }
0x37: {  	[smem:$0x3FB7] =	sst s10  }
0x38: {  	s10 =	sld [smem:$0x3FB8]  }
0x39: {  	_ = 	snop;
	(pc) =	sbr.ind lr, $3  }
0x3a: {  	_ = 	snop  }
0x3b: {  	_ = 	snop  }
0x3c: {  	p2 =	seq.s32 s10, $0x1;
	s10 =	sld [smem:$0x3FB7]  }
0x3d: {  	_ =	shalt  }
0x3e: {  	_ =	shalt  }
0x3f: {  	_ =	shalt  }
0x40: {  	_ =	shalt  }
0x41: {  	_ =	shalt  }
0x42: {  	_ =	shalt  }
0x43: {  	_ =	shalt  }
0x44: {  	_ =	shalt  }
0x45: {  	_ =	shalt  }
0x46: {  	_ =	shalt  }
0x47: {  	_ =	shalt  }
0x48: {  	_ =	shalt  }
0x49: {  	_ =	shalt  }
0x4a: {  	_ =	shalt  }
0x4b: {  	_ =	shalt  }
0x4c: {  	_ =	shalt  }
0x4d: {  	_ =	shalt  }
0x4e: {  	_ =	shalt  }
0x4f: {  	_ =	shalt  }
0x50: {  	_ =	shalt  }
0x51: {  	_ =	shalt  }
0x52: {  	_ =	shalt  }
0x53: {  	_ =	shalt  }
0x54: {  	_ =	shalt  }
0x55: {  	_ =	shalt  }
0x56: {  	_ =	shalt  }
0x57: {  	_ =	shalt  }
0x58: {  	_ =	shalt  }
0x59: {  	_ =	shalt  }
0x5a: {  	_ =	shalt  }
0x5b: {  	_ =	shalt  }
0x5c: {  	_ =	shalt  }
0x5d: {  	_ =	shalt  }
0x5e: {  	_ =	shalt  }
0x5f: {  	_ =	shalt  }
0x60: {  	_ =	shalt  }
0x61: {  	_ =	shalt  }
0x62: {  	_ =	shalt  }
0x63: {  	_ =	shalt  }
0x64: {  	_ =	shalt  }
0x65: {  	_ =	shalt  }
0x66: {  	_ =	shalt  }
0x67: {  	_ =	shalt  }
0x68: {  	_ =	shalt  }
0x69: {  	_ =	shalt  }
0x6a: {  	_ =	shalt  }
0x6b: {  	_ =	shalt  }
0x6c: {  	_ =	shalt  }
0x6d: {  	_ =	shalt  }
0x6e: {  	_ =	shalt  }
0x6f: {  	_ =	shalt  }
0x70: {  	_ =	shalt  }
0x71: {  	_ =	shalt  }
0x72: {  	_ =	shalt  }
0x73: {  	_ =	shalt  }
0x74: {  	_ =	shalt  }
0x75: {  	_ =	shalt  }
0x76: {  	_ =	shalt  }
0x77: {  	_ =	shalt  }
0x78: {  	_ =	shalt  }
0x79: {  	_ =	shalt  }
0x7a: {  	_ =	shalt  }
0x7b: {  	_ =	shalt  }
0x7c: {  	_ =	shalt  }
0x7d: {  	_ =	shalt  }
0x7e: {  	_ =	shalt  }
0x7f: {  	_ =	shalt  }
0x80: {  	_ =	shalt  }
0x81: {  	_ =	shalt  }
0x82: {  	_ =	shalt  }
0x83: {  	_ =	shalt  }
0x84: {  	_ =	shalt  }
0x85: {  	_ =	shalt  }
0x86: {  	_ =	shalt  }
0x87: {  	_ =	shalt  }
.Lfunc_end0:
.L_simem_size_0:
called_computation.1_lowered:
.L_overlay_start_0:
0x88: {  	s2 =	sld [smem:$0x3FD9]  }
0x89: {  	s3 =	sld [smem:$0x3FFE];
	_ =	sdelay $0x1  }
0x8a: {  	s1 =	srdreg.scid  }
0x8b: {  	s0 =	sand.u32 $0x1, s1  }
0x8c: {  	s17 =	sshll.u32 s0, $0xA;
	s2 =	sadd.s32 s3, s2  }
0x8d: {  	s2 =	sadd.s32 s2, s17  }
0x8e: {  	[smem:$0x3FC3] =	sst s2  }
0x8f: {  	_ = 	snop  }
0x90: {  	s2 =	sld [smem:$0x3FC6]  }
0x91: {  	s18 =	sld [smem:$0x3FC5]  }
0x92: {  	s4 =	sld [smem:$0x3FD0];
	(tm) =	ssettm $0x1  }
0x93: {  	s5 =	sld [smem:$0x3FFB];
	_ =	sdelay $0x3  }
0x94: {  	_ =	strace s5  }
0x95: {  	s5 =	sld [smem:$0x3FFC];
	_ =	sdelay $0x3  }
0x96: {  	_ =	strace s5  }
0x97: {  	s5 =	sld [smem:$0x3FFD];
	_ =	sdelay $0x3  }
0x98: {  	_ =	strace s5  }
0x99: {  	_ =	strace $0x8FFFFFFF  }
0x9a: {  	s19 =	sld [smem:$0x3FDB];
	_ =	sdelay $0x1  }
0x9b: {  	s6 =	simm.s32 $_scs_section_size  }
0x9c: {  	s7 =	simm.s32 $_size__tile_overlayer_lowered;
	s8 =	simm.s32 $_tile_overlayer_lowered  }
0x9d: {  	s22 =	simm.s32 $0x1BFF;
	s21 =	sshll.u32 s8, $0x1;
	s5 =	sadd.s32 s6, s19  }
0x9e: {  	s9 =	simm.s32 $0x0;
	s20 =	sshll.u32 s7, $0x1;
	s7 =	sadd.s32 s21, s5  }
0x9f: {  	[timem:s9], [sflag:s22] =	dma.local [hbm:s7], s20  }
0xa0: {  	_ =	swait.ge [sflag:s22], s20  }
0xa1: {  	s6 =	ssub.s32 $0x0, s20;
	[sflag:s22] =	ssyncset.done $0x0  }
0xa2: {  	[sflag:s22] =	ssyncadd.s32 s6;
	_ =	sdelay $0x1  }
0xa3: {  	s23 =	simm.s32 $0x1B8B  }
0xa4: {  	_ =	swait.ge [sflag:s23], $0x1  }
0xa5: {  	[sflag:s23] =	ssyncset.done $0x0  }
0xa6: {  	s25 =	simm.s32 $0x1B8E;
	s24 =	sld [smem:$0x3FFE];
	[sflag:s23] =	ssyncadd.s32 $0xFFFFFFFF  }
0xa7: {  	s26 =	simm.s32 $execute0_lowered;
	[smem:$0x3FD2] =	sst s25  }
0xa8: {  	s7 =	sshll.u32 s26, $0x1;
	_ =	strace $0x80000046;
	[dreg:$0x1] =	wrdreg $0xFFFFFFFF  }
0xa9: {  	s28 =	simm.s32 $_size_execute0_lowered;
	s5 =	sadd.s32 s5, s7;
	[dreg:$0x0] =	wrdreg $0x0  }
0xaa: {  	s7 =	sshll.u32 s28, $0x1;
	[dreg:$0x2] =	wrdreg s5  }
0xab: {  	[dreg:$0x3] =	wrdreg s7  }
0xac: {  	[dreg:$0x4] =	wrdreg $0xC0  }
0xad: {  	_ =	task [dreg:s9], $0x5FFFF  }
0xae: {  	[dreg:$0x1] =	wrdreg $0xFFFFFFFF  }
0xaf: {  	[dreg:$0x0] =	wrdreg $0x60  }
0xb0: {  	[dreg:$0x2] =	wrdreg s24  }
0xb1: {  	[dreg:$0x3] =	wrdreg s2  }
0xb2: {  	[dreg:$0x4] =	wrdreg s18  }
0xb3: {  	[dreg:$0x5] =	wrdreg s4  }
0xb4: {  	[dreg:$0x6] =	wrdreg $0x9  }
0xb5: {  	_ =	task.clear_ibuf [dreg:s9], $0x7FFFF;
	_ =	strace $0x90000046  }
0xb6: {  	s29 =	simm.s32 $0x9;
	_ =	strace $0x80000048  }
0xb7: {  	_ =	swait.ge [sflag:s29], $0x1  }
0xb8: {  	[sflag:s29] =	ssyncadd.s32 $0xFFFFFFFF  }
0xb9: {  	_ =	strace $0x90000048  }
0xba: {  	_ =	sfence  }
0xbb: {  	s30 =	sld [smem:$0x0];
	_ =	sdelay $0x2  }
0xbc: {  	s31 =	sshll.u32 s1, $0xD;
	s1 =	sshrl.u32 s1, $0x2  }
0xbd: {  	s3 =	sand.u32 $0x4000, s31;
	s1 =	sadd.s32 s1, s30  }
0xbe: {  	s0 =	sor.u32 s3, s0;
	s1 =	sshll.u32 s1, $0x11  }
0xbf: {  	s0 =	sor.u32 s1, s0  }
0xc0: {  	s0 =	sadd.s32 $0x8F2B, s0  }
0xc1: {  	[sflag:s0] =	ssyncadd.remote.s32 $0x1  }
0xc2: {  	_ =	sfence.sel $0xFFFF  }
0xc3: {  	[dreg:$0x0] =	wrdreg $0xFFFFFFFF;
	(pc) =	sbr.abs _section_cstart, $3  }
0xc4: {  	[dreg:$0x1] =	wrdreg $0xFFFFFFFF  }
0xc5: {  	_ =	task.clear_ibuf [dreg:s9], $0x2FFFF;
	_ =	strace $0x9FFFFFFF  }
0xc6: {  	(tm) =	ssettm $0x7FFFFFFF  }
0xc7: {  	_ =	shalt  }
tec
execute0_lowered:
.L_overlay_start_1:
0x0: {  	(tag) =	ssettag $0x1  }
0x1: {  	s1 =	rddreg [dreg:$0x0]  }
0x2: {  	s15 =	rddreg [dreg:$0x3];
	s28 =	simm.s32 $0x0  }
0x3: {  	s7 =	stileid.u32;
	[smem:$0x7FF] =	sst s28  }
0x4: {  	s0 =	smul.u32 $0x320000, s7;
	s31 =	sadd.s32 $0xA00, s1;
	s3 =	sadd.s32 $0x6E00, s1  }
0x5: {  	s1 =	sadd.s32 $0x800, s1;
	_ =	strace $0x80000047;
	[smem:$0x7D4] =	sst s3  }
0x6: {  	[smem:$0x7D5] =	sst s1;
	s1 =	sshrl.u32 s0, $0x2  }
0x7: {  	[smem:$0x7FD] =	sst s31;
	s6 =	sor.u32 $0x61A0, s1  }
0x8: {  	s24 =	sor.u32 $0x61F0, s1;
	[dreg:$0x5] =	wrdreg s6  }
0x9: {  	s25 =	sor.u32 $0x61E0, s1;
	[dreg:$0x6] =	wrdreg s24  }
0xa: {  	s26 =	sor.u32 $0x61D0, s1;
	[dreg:$0x7] =	wrdreg s25  }
0xb: {  	s2 =	srdreg.scid;
	s30 =	sor.u32 $0x61C0, s1;
	[dreg:$0x8] =	wrdreg s26  }
0xc: {  	s2 =	sand.u32 $0x1, s2;
	s9 =	sor.u32 $0x6270, s1;
	[dreg:$0x9] =	wrdreg s30  }
0xd: {  	s5 =	sshll.u32 s7, $0x1;
	s11 =	sadd.s32 $0x81B0, s1;
	[dreg:$0xb] =	wrdreg s9  }
0xe: {  	s5 =	sor.u32 s2, s5;
	s13 =	sadd.s32 $0x81A0, s1;
	[dreg:$0xc] =	wrdreg s11  }
0xf: {  	s8 =	smul.u32 $0x1900, s5;
	s16 =	sadd.s32 $0x8190, s1;
	[dreg:$0xd] =	wrdreg s13  }
0x10: {  	[dreg:$0xe] =	wrdreg s16  }
0x11: {  	s18 =	sadd.s32 $0x8180, s1;
	[smem:$0x7DC] =	sst s8  }
0x12: {  	s23 =	ssub.s32 $0x2, s2;
	s20 =	sadd.s32 $0x8240, s1;
	[dreg:$0xf] =	wrdreg s18  }
0x13: {  	s4 =	sshrl.u32 s23, $0x1;
	s21 =	sadd.s32 $0x8250, s1;
	[dreg:$0x10] =	wrdreg s20  }
0x14: {  	s3 =	ssub.s32 s23, s4;
	s23 =	sadd.s32 $0x8260, s1;
	[dreg:$0x11] =	wrdreg s21  }
0x15: {  	s6 =	sor.u32 $0x6200, s1;
	[dreg:$0x12] =	wrdreg s23  }
0x16: {  	s10 =	sadd.s32 $0x100, s8;
	[dreg:$0xa] =	wrdreg s6  }
0x17: {  	s12 =	sor.u32 $0x80, s8;
	[smem:$0x7D8] =	sst s10  }
0x18: {  	s14 =	sadd.s32 $0x180, s8;
	[smem:$0x7D9] =	sst s12  }
0x19: {  	s17 =	sadd.s32 $0x200, s8;
	[smem:$0x7DA] =	sst s14  }
0x1a: {  	s3 =	smax.u32 s3, $0x1;
	[smem:$0x7DB] =	sst s17  }
0x1b: {  	s24 =	sadd.s32 $0x8270, s1;
	[smem:$0x7DF] =	sst s3  }
0x1c: {  	s29 =	sshrl.u32 s8, $0x3;
	s25 =	sadd.s32 $0x81F0, s1;
	[dreg:$0x13] =	wrdreg s24  }
0x1d: {  	s19 =	sshll.u32 s8, $0x3;
	s8 =	sadd.s32 $0x8200, s1;
	[dreg:$0x14] =	wrdreg s25  }
0x1e: {  	s9 =	sadd.s32 $0x8210, s1;
	[dreg:$0x17] =	wrdreg s8  }
0x1f: {  	s11 =	sadd.s32 $0x8220, s1;
	[dreg:$0x18] =	wrdreg s9  }
0x20: {  	s5 =	sadd.s32 s31, s29;
	[dreg:$0x19] =	wrdreg s11  }
0x21: {  	s26 =	smul.u32 $0x3200, s7;
	s29 =	sadd.s32 $0x81E0, s1;
	[smem:$0x7D6] =	sst s5  }
0x22: {  	s7 =	smul.u32 $0x190000, s2;
	s6 =	sadd.s32 $0x81D0, s1;
	[dreg:$0x15] =	wrdreg s29  }
0x23: {  	[dreg:$0x16] =	wrdreg s6  }
0x24: {  	s12 =	sadd.s32 $0x8230, s1;
	[smem:$0x7E1] =	sst s7  }
0x25: {  	s30 =	smul.u32 $0x1900, s2;
	s1 =	sadd.s32 $0x81C0, s1;
	[dreg:$0x1a] =	wrdreg s12  }
0x26: {  	s5 =	sadd.s32 $0x10, s5;
	s0 =	sadd.s32 s7, s0;
	[dreg:$0x1b] =	wrdreg s1  }
0x27: {  	s4 =	sadd.s32 s30, s26;
	[smem:$0x7D7] =	sst s5;
	s13 =	sadd.s32 $0x180080, s0  }
0x28: {  	s5 =	sadd.s32 s15, s19;
	s16 =	sadd.s32 $0x180180, s0;
	s17 =	sadd.s32 $0x180200, s0  }
0x29: {  	s10 =	sor.u32 $0x1, s4;
	s21 =	sadd.s32 $0x180380, s0;
	[smem:$0x7FB] =	sst s4  }
0x2a: {  	s23 =	sadd.s32 $0x188080, s0;
	s11 =	sor.u32 $0x3, s4;
	[smem:$0x7E0] =	sst s10  }
0x2b: {  	s24 =	sadd.s32 $0x10080, s0;
	s12 =	sor.u32 $0x80, s4;
	[smem:$0x7EB] =	sst s11  }
0x2c: {  	s26 =	sadd.s32 $0x188180, s0;
	s22 =	sadd.s32 $0xC000, s5;
	[smem:$0x7EC] =	sst s12  }
0x2d: {  	s30 =	sadd.s32 $0x188200, s0;
	s5 =	sadd.s32 $0xC400, s5;
	[smem:$0x7DD] =	sst s22  }
0x2e: {  	s6 =	sadd.s32 $0x188380, s0;
	s10 =	sor.u32 $0x2, s4;
	[smem:$0x7DE] =	sst s5  }
0x2f: {  	s14 =	sshrl.u32 s13, $0x2;
	s13 =	sor.u32 $0x83, s4;
	[smem:$0x7EA] =	sst s10  }
0x30: {  	s2 =	sshrl.u32 s16, $0x2;
	s16 =	sor.u32 $0x82, s4;
	[smem:$0x7ED] =	sst s13  }
0x31: {  	s19 =	sshrl.u32 s17, $0x2;
	s17 =	sadd.s32 $0x100, s4;
	[smem:$0x7EF] =	sst s16  }
0x32: {  	s3 =	sshrl.u32 s24, $0x2;
	s24 =	sadd.s32 $0x1803, s4;
	[smem:$0x7F0] =	sst s17  }
0x33: {  	s29 =	sshrl.u32 s26, $0x2;
	s26 =	sadd.s32 $0x1881, s4;
	[smem:$0x7F7] =	sst s24  }
0x34: {  	s7 =	sadd.s32 $0x10180, s0;
	s1 =	sadd.s32 $0x6180, s14;
	[smem:$0x7F9] =	sst s26  }
0x35: {  	s8 =	sadd.s32 $0x10200, s0;
	s18 =	sadd.s32 $0x6180, s2;
	[dreg:$0x1c] =	wrdreg s1  }
0x36: {  	s0 =	sadd.s32 $0x10380, s0;
	s20 =	sadd.s32 $0x6180, s19;
	[dreg:$0x1d] =	wrdreg s18  }
0x37: {  	s0 =	sshrl.u32 s0, $0x2;
	s3 =	sadd.s32 $0x6180, s3;
	[dreg:$0x1e] =	wrdreg s20  }
0x38: {  	s0 =	sadd.s32 $0x6180, s0;
	[smem:$0x7E5] =	sst s3  }
0x39: {  	s14 =	sor.u32 $0x81, s4;
	[smem:$0x7E9] =	sst s0  }
0x3a: {  	s19 =	sadd.s32 $0x102, s4;
	[smem:$0x7EE] =	sst s14  }
0x3b: {  	s22 =	sshrl.u32 s21, $0x2;
	s21 =	sadd.s32 $0x1800, s4;
	[smem:$0x7F2] =	sst s19  }
0x3c: {  	s2 =	sshrl.u32 s23, $0x2;
	s23 =	sadd.s32 $0x1802, s4;
	[smem:$0x7F4] =	sst s21  }
0x3d: {  	s1 =	sadd.s32 $0x6180, s22;
	[smem:$0x7F6] =	sst s23  }
0x3e: {  	v0 =	vimm.s32 $0xEFCDAB89;
	s25 =	sadd.s32 $0x6180, s2;
	[dreg:$0x1f] =	wrdreg s1  }
0x3f: {  	v1 =	vimm.s32 $0x67452301;
	v2 =	vimm.s32 $0xDCFE98BA;
	s18 =	sadd.s32 $0x101, s4;
	[smem:$0x7E2] =	sst s25  }
0x40: {  	v3 =	vimm.s32 $0x54761032;
	v4 =	vimm.s32 $0xBA98FEDC;
	s20 =	sadd.s32 $0x103, s4;
	[smem:$0x7F1] =	sst s18  }
0x41: {  	v5 =	vimm.s32 $0x32107654;
	v6 =	vimm.s32 $0xFEDCBA98;
	s22 =	sadd.s32 $0x1801, s4;
	[smem:$0x7F3] =	sst s20  }
0x42: {  	v7 =	vimm.s32 $0x76543210;
	v0 =	vunpack.c.l.s4.s8 v0;
	v1 =	vunpack.c.l.s4.s8 v1;
	s2 =	sshrl.u32 s30, $0x2;
	s30 =	sadd.s32 $0x1883, s4;
	[smem:$0x7F5] =	sst s22  }
0x43: {  	v2 =	vunpack.c.l.s4.s8 v2;
	v3 =	vunpack.c.l.s4.s8 v3;
	v4 =	vunpack.c.l.s4.s8 v4;
	s1 =	sadd.s32 $0x6180, s29;
	[smem:$0x7FC] =	sst s30  }
0x44: {  	v5 =	vunpack.c.l.s4.s8 v5;
	v6 =	vunpack.c.l.s4.s8 v6;
	v7 =	vunpack.c.l.s4.s8 v7;
	s5 =	sadd.s32 $0x6180, s2;
	[smem:$0x7E3] =	sst s1  }
0x45: {  	v0 =	vunpack.c.0.s8.s32 v0;
	v1 =	vunpack.c.0.s8.s32 v1;
	v2 =	vunpack.c.0.s8.s32 v2;
	s25 =	sadd.s32 $0x1880, s4;
	[smem:$0x7E4] =	sst s5  }
0x46: {  	v3 =	vunpack.c.0.s8.s32 v3;
	v4 =	vunpack.c.0.s8.s32 v4;
	v5 =	vunpack.c.0.s8.s32 v5;
	s2 =	sshrl.u32 s6, $0x2;
	s29 =	sadd.s32 $0x1882, s4;
	[smem:$0x7F8] =	sst s25  }
0x47: {  	v0 =	vcombine.low v1, v0;
	v1 =	vunpack.c.0.s8.s32 v6;
	s1 =	sshrl.u32 s7, $0x2;
	s2 =	sadd.s32 $0x6180, s2;
	[smem:$0x7FA] =	sst s29  }
0x48: {  	v2 =	vcombine.low v3, v2;
	v3 =	vcombine.low v5, v4;
	v4 =	vunpack.c.0.s8.s32 v7;
	s9 =	sshrl.u32 s8, $0x2;
	[smem:$0x7E6] =	sst s2;
	s1 =	sadd.s32 $0x6180, s1  }
0x49: {  	v0 =	vand.u32 $0xF, v0;
	v5 =	vand.u32 $0xF, v1;
	[smem:$0x7E7] =	sst s1;
	s1 =	sadd.s32 $0x6180, s9  }
0x4a: {  	v1 =	vand.u32 $0xF, v2;
	v2 =	vand.u32 $0xF, v3;
	v3 =	vcombine.low v5, v4;
	s16 =	simm.s32 $0x2180;
	s2 =	simm.s32 $0x0;
	[smem:$0x7E8] =	sst s1  }
.LBB2_1:
0x4b: {  	s0 =	sld [smem:$0x7D5];
	_ =	sdelay $0x1  }
0x4c: {  	[smem:$0x7D1] =	sst s2;
	s1 =	simm.s32 $0x6180;
	s18 =	simm.s32 $0x7  }
0x4d: {  	[tilespmem:s1], [sflag:$0x7] =	stream.linear.gather [hbm4b:s0+s28], $0x1000, $0x38;
	[tilespmem:$0x7200] =	vst v63  }
0x4e: {  	_ =	swait.ge [sflag:s18], $0x1000  }
0x4f: {  	[sflag:s18] =	ssyncset.done $0x0  }
0x50: {  	[sflag:s18] =	ssyncadd.s32 $0xFFFFF000  }
0x51: {  	s20 =	simm.s32 $0x7180;
	s19 =	rddreg [dreg:$0x1]  }
0x52: {  	[tilespmem:s20], [sflag:$0x7] =	stream.linear.gather [hbm4b:s19+s28], $0x40, $0x38;
	[tilespmem:$0x7200] =	vst v63  }
0x53: {  	_ =	swait.ge [sflag:s18], $0x40  }
0x54: {  	[sflag:s18] =	ssyncset.done $0x0  }
0x55: {  	[sflag:s18] =	ssyncadd.s32 $0xFFFFFFC0  }
0x56: {  	s22 =	simm.s32 $0x71C0;
	s21 =	rddreg [dreg:$0x2]  }
0x57: {  	[tilespmem:s22], [sflag:$0x7] =	stream.linear.gather [hbm4b:s21+s28], $0x40, $0x38;
	[tilespmem:$0x7200] =	vst v63  }
0x58: {  	_ =	swait.ge [sflag:s18], $0x40  }
0x59: {  	[sflag:s18] =	ssyncset.done $0x0  }
0x5a: {  	[sflag:s18] =	ssyncadd.s32 $0xFFFFFFC0  }
0x5b: {  	v11 =	vld [tilespmem:$0x7180]  }
0x5c: {  	v10 =	vld [tilespmem:$0x7190]  }
0x5d: {  	v8 =	vld [tilespmem:$0x71A0]  }
0x5e: {  	v6 =	vld [tilespmem:$0x71B0]  }
0x5f: {  	s23 =	sld [smem:$0x7D6];
	v9 =	vld [tilespmem:$0x71C0]  }
0x60: {  	v7 =	vld [tilespmem:$0x71D0]  }
0x61: {  	v5 =	vld [tilespmem:$0x71E0]  }
0x62: {  	v4 =	vld [tilespmem:$0x71F0];
	[tilespmem:s28], [sflag:$0x7] =	stream.linear.gather [hbm4b:s23+s28], $0x80, $0x38  }
0x63: {  	_ =	swait.ge [sflag:s18], $0x80  }
0x64: {  	s24 =	sld [smem:$0x7D4]  }
0x65: {  	s3 =	simm.s32 $0x80;
	[sflag:s18] =	ssyncset.done $0x0  }
0x66: {  	s25 =	simm.s32 $0x180;
	s26 =	sld [smem:$0x7D7];
	[sflag:s18] =	ssyncadd.s32 $0xFFFFFF80  }
0x67: {  	[tilespmem:s25], [sflag:$0x1] =	stream.indirect.gather [hbm4b:s24+s3], $0x40, s28, s3, $0xb8;
	[tilespmem:$0x7200] =	vst v63  }
0x68: {  	_ = 	snop  }
0x69: {  	[tilespmem:s3], [sflag:$0x7] =	stream.linear.gather [hbm4b:s26+s28], $0x80, $0x38;
	[tilespmem:$0x7200] =	vst v63  }
0x6a: {  	_ =	swait.ge [sflag:s18], $0x80  }
0x6b: {  	s13 =	sld [smem:$0x7F3]  }
0x6c: {  	s14 =	sld [smem:$0x7E9]  }
0x6d: {  	s17 =	sld [smem:$0x7E8]  }
0x6e: {  	s20 =	sld [smem:$0x7F1]  }
0x6f: {  	s21 =	sld [smem:$0x7E7]  }
0x70: {  	s22 =	sld [smem:$0x7F0]  }
0x71: {  	s23 =	sld [smem:$0x7E5]  }
0x72: {  	s9 =	sld [smem:$0x7EF]  }
0x73: {  	s11 =	sld [smem:$0x7EE]  }
0x74: {  	s29 =	sld [smem:$0x7ED]  }
0x75: {  	s30 =	sld [smem:$0x7EC]  }
0x76: {  	s12 =	sld [smem:$0x7EB]  }
0x77: {  	s19 =	sld [smem:$0x7EA]  }
0x78: {  	[sflag:s18] =	ssyncset.done $0x0;
	s25 =	sld [smem:$0x7FB]  }
0x79: {  	[sflag:s18] =	ssyncadd.s32 $0xFFFFFF80;
	s18 =	sld [smem:$0x7F2]  }
0x7a: {  	[tilespmem:s16], [sflag:$0x2] =	stream.indirect.gather [hbm4b:s24+s3], $0x40, s3, s3, $0xb8;
	[tilespmem:$0x7200] =	vst v63  }
0x7b: {  	s24 =	sld [smem:$0x7E0]  }
0x7c: {  	[smem:$0x7D2] =	sst s29  }
0x7d: {  	s8 =	simm.s32 $0x0;
	s26 =	simm.s32 $0x0;
	[smem:$0x7D3] =	sst s30  }
.LBB2_2:
0x7e: {  	[smem:$0x7C5] =	sst s22  }
0x7f: {  	[smem:$0x7C6] =	sst s20  }
0x80: {  	[smem:$0x7C7] =	sst s18  }
0x81: {  	[smem:$0x7C8] =	sst s14;
	s0 =	smulhi.u32 $0x51EB851F, s12  }
0x82: {  	[smem:$0x7C9] =	sst s13;
	s3 =	simm.s32 $0x1  }
0x83: {  	_ =	swait.ge [sflag:s3], $0x2000;
	s0 =	sshrl.u32 s0, $0x4  }
0x84: {  	s7 =	sld [smem:$0x7E1];
	s0 =	smul.u32 $0xFFFFCE00, s0  }
0x85: {  	s1 =	smulhi.u32 $0x51EB851F, s25;
	s4 =	simm.s32 $0x0;
	[sflag:s3] =	ssyncset.done $0x0  }
0x86: {  	s2 =	rddreg [dreg:$0xb];
	[sflag:s3] =	ssyncadd.s32 $0xFFFFE000;
	s0 =	sshra.s32 s0, $0x2  }
0x87: {  	s1 =	sshrl.u32 s1, $0x4;
	v12 =	vld [tilespmem:s4+$0x240];
	s30 =	sshrl.u32 s7, $0x2;
	s0 =	sadd.s32 s0, s2  }
0x88: {  	s1 =	smul.u32 $0xFFFFCE00, s1;
	s3 =	sshra.s32 s8, $0x2;
	v13 =	vld [tilespmem:s4+$0x250];
	s0 =	sadd.s32 s30, s0  }
0x89: {  	s5 =	smulhi.u32 $0x51EB851F, s19;
	v14 =	vld [tilespmem:s4+$0x260];
	s0 =	sadd.s32 s3, s0  }
0x8a: {  	s16 =	rddreg [dreg:$0x5];
	v15 =	vld [tilespmem:s4+$0x270];
	s1 =	sshra.s32 s1, $0x2;
	s0 =	sadd.s32 $0x0, s0  }
0x8b: {  	s5 =	sshrl.u32 s5, $0x4;
	s1 =	sadd.s32 s1, s16;
	v16 =	vld [tilespmem:s0+$0xFFFFFFD0]  }
0x8c: {  	s18 =	smul.u32 $0xFFFFCE00, s5;
	s1 =	sadd.s32 s30, s1;
	v17 =	vld [tilespmem:s0+$0xFFFFFFE0]  }
0x8d: {  	s1 =	sadd.s32 s3, s1;
	v18 =	vld [tilespmem:s0+$0xFFFFFFF0]  }
0x8e: {  	s20 =	rddreg [dreg:$0xa];
	s2 =	sshra.s32 s18, $0x2;
	s1 =	sadd.s32 $0x0, s1;
	v19 =	vld [tilespmem:s0+$0x0]  }
0x8f: {  	s2 =	sadd.s32 s2, s20;
	v20 =	vld [tilespmem:s1+$0xFFFFFFE0]  }
0x90: {  	s2 =	sadd.s32 s30, s2;
	v22 =	vld [tilespmem:s1+$0xFFFFFFF0]  }
0x91: {  	s2 =	sadd.s32 s3, s2;
	v28 =	vld [tilespmem:s1+$0x0]  }
0x92: {  	s22 =	smulhi.u32 $0x51EB851F, s24;
	s6 =	sadd.s32 $0x0, s2;
	v29 =	vld [tilespmem:s1+$0x10];
	[smem:$0x7CA] =	sst s8  }
0x93: {  	v30 =	vld [tilespmem:s6+$0x20]  }
0x94: {  	s0 =	sshrl.u32 s22, $0x4;
	v23 =	vld [tilespmem:s4+$0x190];
	v26 =	vadd.f32 v16, v12;
	v25 =	vadd.f32 v17, v13  }
0x95: {  	s0 =	smul.u32 $0xFFFFCE00, s0;
	v31 =	vld [tilespmem:s6+$0x30];
	v21 =	vadd.f32 v18, v14;
	v27 =	vadd.f32 v19, v15  }
0x96: {  	s2 =	sadd.s32 s8, s7;
	v34 =	vld [tilespmem:s4+$0x1A0];
	v12 =	vadd.f32 v25, v26  }
0x97: {  	s14 =	rddreg [dreg:$0x7];
	s8 =	sadd.s32 $0x0, s2;
	v39 =	vld [tilespmem:s4+$0x210];
	s0 =	sshra.s32 s0, $0x2;
	v13 =	vadd.f32 v27, v21;
	v14 =	vmul.f32 v26, v26;
	v15 =	vmul.f32 v25, v25  }
0x98: {  	s8 =	sshra.s32 s8, $0x2;
	s16 =	sadd.s32 s0, s14;
	v19 =	vld [tilespmem:s6+$0x10];
	v17 =	vmul.f32 v21, v21;
	v18 =	vmul.f32 v27, v27  }
0x99: {  	s18 =	sadd.s32 s8, s16;
	v23 =	vadd.f32 v22, v23;
	v22 =	vld [tilespmem:s4+$0x1E0];
	v12 =	vadd.f32 v13, v12  }
0x9a: {  	v13 =	vadd.f32 v15, v14;
	v14 =	vadd.f32 v18, v17;
	v15 =	vld [tilespmem:s18+$0x0]  }
0x9b: {  	v35 =	vld [tilespmem:s4+$0x1B0]  }
0x9c: {  	s29 =	rddreg [dreg:$0x9];
	v41 =	vld [tilespmem:s4+$0x220];
	v13 =	vadd.f32 v14, v13;
	v14 =	vperm.xlane v12, v0  }
0x9d: {  	s13 =	rddreg [dreg:$0x8];
	s5 =	sadd.s32 s0, s29;
	v17 =	vld [tilespmem:s4+$0x180]  }
0x9e: {  	v36 =	vld [tilespmem:s4+$0x1D0];
	s1 =	sadd.s32 s0, s13;
	s5 =	sadd.s32 s8, s5;
	v12 =	vadd.f32 v12, v14;
	v14 =	vperm.xlane v13, v0  }
0x9f: {  	s1 =	sadd.s32 s8, s1;
	v32 =	vld [tilespmem:s5+$0x0];
	v15 =	vadd.f32 v15, v22;
	v22 =	vadd.f32 v19, v39  }
0xa0: {  	v33 =	vld [tilespmem:s1+$0x0];
	v24 =	vperm.xlane v12, v1;
	v13 =	vadd.f32 v14, v13  }
0xa1: {  	s10 =	rddreg [dreg:$0x6];
	v40 =	vmul.f32 v23, v23;
	v19 =	vadd.f32 v30, v41;
	v14 =	vld [tilespmem:s4+$0x1C0];
	v49 =	vmul.f32 v22, v22  }
0xa2: {  	v55 =	vld [tilespmem:s4+$0x200];
	s0 =	sadd.s32 s0, s10;
	v12 =	vadd.f32 v12, v24;
	v37 =	vperm.xlane v13, v1;
	v24 =	vadd.f32 v20, v17  }
0xa3: {  	v57 =	vld [tilespmem:s4+$0x230];
	s0 =	sadd.s32 s8, s0;
	v44 =	vmul.f32 v19, v19;
	v20 =	vadd.f32 v28, v34;
	v17 =	vadd.f32 v29, v35  }
0xa4: {  	v18 =	vld [tilespmem:s0+$0x0];
	v54 =	vperm.xlane v12, v2;
	v37 =	vadd.f32 v37, v13;
	v29 =	vadd.f32 v23, v24  }
0xa5: {  	v28 =	vld [tilespmem:s4+$0x1F0];
	v38 =	vmul.f32 v24, v24;
	v56 =	vadd.f32 v17, v20;
	v42 =	vmul.f32 v20, v20  }
0xa6: {  	v16 =	vld [tilespmem:s6+$0x0];
	v43 =	vmul.f32 v17, v17;
	v13 =	vadd.f32 v32, v14;
	v14 =	vadd.f32 v33, v36  }
0xa7: {  	v51 =	vmul.f32 v15, v15;
	v34 =	vadd.f32 v12, v54;
	v29 =	vadd.f32 v56, v29  }
0xa8: {  	v12 =	vperm.xlane v37, v2;
	v38 =	vadd.f32 v40, v38;
	v52 =	vadd.f32 v43, v42  }
0xa9: {  	v60 =	vadd.f32 v14, v13;
	v61 =	vmul.f32 v13, v13;
	v45 =	vmul.f32 v14, v14  }
0xaa: {  	v58 =	vperm.xlane v34, v3;
	v37 =	vadd.f32 v12, v37;
	v12 =	vadd.f32 v18, v28  }
0xab: {  	v18 =	vadd.f32 v16, v55;
	v16 =	vadd.f32 v31, v57;
	v53 =	vperm.xlane v29, v0  }
0xac: {  	v38 =	vadd.f32 v52, v38;
	v28 =	vadd.f32 v34, v58;
	v59 =	vperm.xlane v37, v3  }
0xad: {  	v36 =	vadd.f32 v45, v61;
	v30 =	vmul.f32 v18, v18;
	v31 =	vadd.f32 v22, v18  }
0xae: {  	v48 =	vadd.f32 v16, v19;
	v39 =	vmul.f32 $1.562500000e-02, v28;
	v28 =	vadd.f32 v59, v37  }
0xaf: {  	v63 =	vadd.f32 v12, v15;
	v50 =	vmul.f32 v16, v16;
	v29 =	vadd.f32 v29, v53  }
0xb0: {  	v31 =	vadd.f32 v48, v31;
	v28 =	vmul.f32 $1.562500000e-02, v28;
	v62 =	vmul.f32 v39, v39  }
0xb1: {  	v46 =	vmul.f32 v12, v12;
	v30 =	vadd.f32 v49, v30;
	v33 =	vadd.f32 v50, v44  }
0xb2: {  	v34 =	vadd.f32 v63, v60;
	v28 =	vsub.f32 v28, v62  }
0xb3: {  	v40 =	vperm.xlane v38, v0;
	v32 =	vadd.f32 v46, v51;
	v30 =	vadd.f32 v33, v30  }
0xb4: {  	v61 =	vperm.xlane v29, v1;
	v56 =	vperm.xlane v31, v0;
	v28 =	vadd.f32 $9.999999740e-06, v28  }
0xb5: {  	v38 =	vadd.f32 v40, v38;
	v32 =	vadd.f32 v32, v36;
	v59 =	vperm.xlane v30, v0  }
0xb6: {  	v31 =	vadd.f32 v31, v56;
	v54 =	vshrl.u32 v28, $0x1;
	v28 =	vmul.f32 $5.000000000e-01, v28  }
0xb7: {  	v57 =	vperm.xlane v34, v0;
	v30 =	vadd.f32 v59, v30;
	v55 =	vsub.s32 $0x5F3759DF, v54  }
0xb8: {  	v29 =	vadd.f32 v29, v61;
	v63 =	vperm.xlane v31, v1;
	v37 =	vmul.f32 v55, v28  }
0xb9: {  	v46 =	vperm.xlane v38, v1;
	v58 =	vadd.f32 v34, v57;
	v48 =	vperm.xlane v30, v1  }
0xba: {  	v62 =	vperm.xlane v32, v0;
	v31 =	vadd.f32 v31, v63;
	v37 =	vmul.f32 v55, v37  }
0xbb: {  	v49 =	vperm.xlane v29, v2;
	v36 =	vadd.f32 v46, v38;
	v30 =	vadd.f32 v48, v30  }
0xbc: {  	v45 =	vperm.xlane v58, v1;
	v41 =	vperm.xlane v31, v2;
	v60 =	vsub.f32 $1.500000000e+00, v37  }
0xbd: {  	v32 =	vadd.f32 v62, v32;
	v29 =	vadd.f32 v29, v49;
	v52 =	vperm.xlane v30, v2  }
0xbe: {  	v51 =	vperm.xlane v36, v2;
	v31 =	vadd.f32 v31, v41;
	v44 =	vmul.f32 v55, v60  }
0xbf: {  	v47 =	vperm.xlane v32, v1;
	v40 =	vperm.xlane v29, v3;
	v30 =	vadd.f32 v52, v30  }
0xc0: {  	v33 =	vadd.f32 v58, v45;
	v54 =	vperm.xlane v31, v3;
	v28 =	vmul.f32 v44, v28  }
0xc1: {  	v36 =	vadd.f32 v51, v36;
	v32 =	vadd.f32 v47, v32;
	v57 =	vperm.xlane v30, v3  }
0xc2: {  	v31 =	vadd.f32 v31, v54;
	v50 =	vmul.f32 v28, v44;
	v28 =	vperm.xlane v33, v2  }
0xc3: {  	v29 =	vadd.f32 v29, v40;
	v53 =	vperm.xlane v32, v2;
	v30 =	vadd.f32 v57, v30  }
0xc4: {  	v56 =	vperm.xlane v36, v3;
	v31 =	vmul.f32 $1.562500000e-02, v31;
	v28 =	vadd.f32 v33, v28  }
0xc5: {  	v29 =	vmul.f32 $1.562500000e-02, v29;
	v32 =	vadd.f32 v53, v32;
	v30 =	vmul.f32 $1.562500000e-02, v30  }
0xc6: {  	v61 =	vmul.f32 v31, v31;
	v33 =	vadd.f32 v56, v36;
	v55 =	vperm.xlane v28, v3  }
0xc7: {  	v59 =	vmul.f32 v29, v29;
	v58 =	vperm.xlane v32, v3  }
0xc8: {  	v30 =	vsub.f32 v30, v61;
	v33 =	vmul.f32 $1.562500000e-02, v33;
	v28 =	vadd.f32 v28, v55  }
0xc9: {  	s8 =	sadd.s32 $0x4, s12;
	v32 =	vadd.f32 v58, v32;
	v60 =	vsub.f32 $1.500000000e+00, v50  }
0xca: {  	s20 =	smulhi.u32 $0x51EB851F, s8;
	v30 =	vadd.f32 $9.999999740e-06, v30;
	v33 =	vsub.f32 v33, v59;
	v28 =	vmul.f32 $1.562500000e-02, v28  }
0xcb: {  	v32 =	vmul.f32 $1.562500000e-02, v32;
	v34 =	vmul.f32 v60, v44  }
0xcc: {  	s0 =	sshrl.u32 s20, $0x4;
	v47 =	vshrl.u32 v30, $0x1;
	v33 =	vadd.f32 $9.999999740e-06, v33;
	v62 =	vmul.f32 v28, v28  }
0xcd: {  	s0 =	smul.u32 $0xFFFFCE00, s0;
	v63 =	vmul.f32 v34, v39;
	v30 =	vmul.f32 $5.000000000e-01, v30;
	v37 =	vsub.s32 $0x5F3759DF, v47  }
0xce: {  	v46 =	vshrl.u32 v33, $0x1;
	v33 =	vmul.f32 $5.000000000e-01, v33;
	v32 =	vsub.f32 v32, v62  }
0xcf: {  	s22 =	rddreg [dreg:$0xb];
	s0 =	sshra.s32 s0, $0x2;
	v27 =	vmul.f32 v34, v27;
	v50 =	vmul.f32 v37, v30;
	v36 =	vsub.s32 $0x5F3759DF, v46  }
0xd0: {  	s0 =	sadd.s32 s0, s22;
	[smem:$0x7CB] =	sst s12;
	v26 =	vmul.f32 v34, v26;
	v49 =	vmul.f32 v36, v33;
	v32 =	vadd.f32 $9.999999740e-06, v32  }
0xd1: {  	s1 =	simm.s32 $0x100;
	s0 =	sadd.s32 s30, s0;
	[smem:$0x7CC] =	sst s25;
	v21 =	vmul.f32 v34, v21;
	v40 =	vmul.f32 v37, v50  }
0xd2: {  	s5 =	sadd.s32 $0x4, s25;
	s0 =	sadd.s32 s3, s0;
	v52 =	vld [tilespmem:s1+$0x240];
	[smem:$0x7CD] =	sst s19;
	v39 =	vmul.f32 v36, v49;
	v48 =	vshrl.u32 v32, $0x1;
	v32 =	vmul.f32 $5.000000000e-01, v32  }
0xd3: {  	s29 =	smulhi.u32 $0x51EB851F, s5;
	s0 =	sadd.s32 $0x100, s0;
	s19 =	sadd.s32 $0x4, s19;
	v55 =	vld [tilespmem:s1+$0x270];
	v27 =	vsub.f32 v27, v63;
	v40 =	vsub.f32 $1.500000000e+00, v40;
	v38 =	vsub.s32 $0x5F3759DF, v48  }
0xd4: {  	s13 =	smulhi.u32 $0x51EB851F, s19;
	v25 =	vmul.f32 v34, v25;
	v47 =	vld [tilespmem:s0+$0x0];
	v39 =	vsub.f32 $1.500000000e+00, v39;
	v51 =	vmul.f32 v38, v32  }
0xd5: {  	s10 =	sshrl.u32 s29, $0x4;
	v54 =	vld [tilespmem:s1+$0x260];
	v21 =	vsub.f32 v21, v63;
	v27 =	vmul.f32 v27, v6;
	v37 =	vmul.f32 v37, v40  }
0xd6: {  	s6 =	smul.u32 $0xFFFFCE00, s10;
	s10 =	sshrl.u32 s13, $0x4;
	v59 =	vld [tilespmem:s0+$0xFFFFFFF0];
	v26 =	vsub.f32 v26, v63;
	v36 =	vmul.f32 v36, v39;
	v41 =	vmul.f32 v38, v51  }
0xd7: {  	s16 =	rddreg [dreg:$0xa];
	v53 =	vld [tilespmem:s1+$0x250];
	s14 =	smul.u32 $0xFFFFCE00, s10;
	v25 =	vsub.f32 v25, v63;
	v21 =	vmul.f32 v21, v8;
	v30 =	vmul.f32 v37, v30  }
0xd8: {  	s6 =	sshra.s32 s6, $0x2;
	s12 =	rddreg [dreg:$0x5];
	s25 =	sadd.s32 $0x4, s24;
	v57 =	vld [tilespmem:s0+$0xFFFFFFE0];
	v26 =	vmul.f32 v26, v11;
	v33 =	vmul.f32 v36, v33;
	v41 =	vsub.f32 $1.500000000e+00, v41  }
0xd9: {  	s6 =	sadd.s32 s6, s12;
	s20 =	smulhi.u32 $0x51EB851F, s25;
	s18 =	sshra.s32 s14, $0x2;
	v35 =	vadd.f32 v47, v55;
	v42 =	vadd.f32 v21, v5;
	v30 =	vmul.f32 v30, v37  }
0xda: {  	s6 =	sadd.s32 s30, s6;
	v56 =	vld [tilespmem:s0+$0xFFFFFFD0];
	s0 =	sadd.s32 s18, s16;
	v40 =	vadd.f32 v26, v9;
	v33 =	vmul.f32 v33, v36;
	v38 =	vmul.f32 v38, v41  }
0xdb: {  	s6 =	sadd.s32 s3, s6;
	s7 =	sshrl.u32 s20, $0x4;
	s0 =	sadd.s32 s30, s0;
	v25 =	vmul.f32 v25, v10;
	v39 =	vadd.f32 v59, v54;
	v30 =	vsub.f32 $1.500000000e+00, v30  }
0xdc: {  	s6 =	sadd.s32 $0x100, s6;
	[smem:$0x7CE] =	sst s24;
	s0 =	sadd.s32 s3, s0;
	v49 =	vmul.f32 v35, v35;
	v58 =	vsub.f32 $1.500000000e+00, v33;
	v32 =	vmul.f32 v38, v32  }
0xdd: {  	s7 =	smul.u32 $0xFFFFCE00, s7;
	v34 =	vld [tilespmem:s6+$0x10];
	s0 =	sadd.s32 $0x100, s0;
	v48 =	vmul.f32 v39, v39;
	v26 =	vmul.f32 v30, v37;
	v37 =	vadd.f32 v57, v53  }
0xde: {  	v44 =	vld [tilespmem:s0+$0x0];
	v33 =	vadd.f32 v27, v4;
	v27 =	vmul.f32 v58, v36;
	v32 =	vmul.f32 v32, v38  }
0xdf: {  	s22 =	rddreg [dreg:$0x9];
	s7 =	sshra.s32 s7, $0x2;
	s14 =	sadd.s32 $0x400, s2;
	v50 =	vld [tilespmem:s0+$0x30];
	v43 =	vadd.f32 v35, v39;
	v61 =	vmul.f32 v37, v37;
	v18 =	vmul.f32 v26, v18  }
0xe0: {  	s10 =	sadd.s32 s7, s22;
	s13 =	sshra.s32 s14, $0x2;
	v47 =	vld [tilespmem:s0+$0x10];
	v22 =	vmul.f32 v26, v22;
	v29 =	vmul.f32 v27, v29;
	v32 =	vsub.f32 $1.500000000e+00, v32  }
0xe1: {  	s20 =	sadd.s32 s13, s10;
	s24 =	rddreg [dreg:$0x8];
	v21 =	vld [tilespmem:s0+$0x20];
	v62 =	vadd.f32 v49, v48;
	v24 =	vmul.f32 v27, v24;
	v23 =	vmul.f32 v27, v23  }
0xe2: {  	s18 =	sadd.s32 s7, s24;
	v51 =	vld [tilespmem:s20+$0x0];
	v20 =	vmul.f32 v27, v20;
	v32 =	vmul.f32 v32, v38;
	v38 =	vadd.f32 v56, v52  }
0xe3: {  	s0 =	sadd.s32 s13, s18;
	v30 =	vld [tilespmem:s6+$0xFFFFFFE0];
	v41 =	vadd.f32 v25, v7;
	v17 =	vmul.f32 v27, v17;
	v27 =	vmul.f32 v26, v31  }
0xe4: {  	v48 =	vld [tilespmem:s0+$0x0];
	v24 =	vsub.f32 v24, v29;
	v31 =	vadd.f32 v37, v38;
	v60 =	vmul.f32 v38, v38  }
0xe5: {  	s29 =	rddreg [dreg:$0x7];
	v53 =	vld [tilespmem:s1+$0x180];
	v19 =	vmul.f32 v26, v19;
	v23 =	vsub.f32 v23, v29;
	v20 =	vsub.f32 v20, v29  }
0xe6: {  	s22 =	sadd.s32 s7, s29;
	v25 =	vld [tilespmem:s6+$0xFFFFFFF0];
	v16 =	vmul.f32 v26, v16;
	v31 =	vadd.f32 v43, v31;
	v45 =	vadd.f32 v61, v60  }
0xe7: {  	v36 =	vld [tilespmem:s6+$0x0];
	s6 =	sadd.s32 s13, s22;
	v55 =	vsub.f32 v17, v29;
	v14 =	vmul.f32 v32, v14;
	v43 =	vmul.f32 v32, v28  }
0xe8: {  	v63 =	vld [tilespmem:s6+$0x0];
	v46 =	vmul.f32 v24, v11;
	v26 =	vadd.f32 v62, v45;
	v28 =	vperm.xlane v31, v0  }
0xe9: {  	v29 =	vmul.f32 v23, v10;
	v13 =	vmul.f32 v32, v13;
	v23 =	vsub.f32 v14, v43;
	v14 =	vld [tilespmem:s1+$0x1D0]  }
0xea: {  	s16 =	rddreg [dreg:$0x6];
	v45 =	vmul.f32 v32, v12;
	v12 =	vld [tilespmem:s1+$0x190];
	v54 =	vadd.f32 v31, v28;
	v28 =	vperm.xlane v26, v0  }
0xeb: {  	s7 =	sadd.s32 s7, s16;
	v24 =	vld [tilespmem:s1+$0x1B0];
	v15 =	vmul.f32 v32, v15;
	v32 =	vsub.f32 v18, v27;
	v31 =	vsub.f32 v22, v27  }
0xec: {  	s24 =	sadd.s32 s13, s7;
	v18 =	vld [tilespmem:s1+$0x1A0];
	v22 =	vadd.f32 v28, v26;
	v28 =	vsub.f32 v19, v27  }
0xed: {  	v52 =	vld [tilespmem:s24+$0x0];
	v17 =	vperm.xlane v54, v1;
	v27 =	vsub.f32 v16, v27;
	v26 =	vsub.f32 v13, v43  }
0xee: {  	v56 =	vld [tilespmem:s1+$0x1C0];
	v16 =	vadd.f32 v30, v53;
	v14 =	vadd.f32 v48, v14;
	v19 =	vperm.xlane v22, v1  }
0xef: {  	v60 =	vld [tilespmem:s1+$0x1E0];
	v13 =	vadd.f32 v54, v17;
	v17 =	vadd.f32 v25, v12  }
0xf0: {  	v30 =	vmul.f32 v20, v8;
	v25 =	vsub.f32 v15, v43;
	v15 =	vld [tilespmem:s1+$0x1F0];
	v22 =	vadd.f32 v19, v22  }
0xf1: {  	v20 =	vld [tilespmem:s1+$0x200];
	v12 =	vperm.xlane v13, v2;
	v19 =	vadd.f32 v36, v18;
	v18 =	vadd.f32 v34, v24  }
0xf2: {  	v34 =	vadd.f32 v17, v16;
	v36 =	vmul.f32 v16, v16;
	v59 =	vmul.f32 v17, v17  }
0xf3: {  	v62 =	vld [tilespmem:s1+$0x220];
	v24 =	vadd.f32 v13, v12;
	v13 =	vperm.xlane v22, v2;
	v12 =	vadd.f32 v51, v56  }
0xf4: {  	v54 =	vadd.f32 v18, v19;
	v36 =	vadd.f32 v59, v36  }
0xf5: {  	v61 =	vld [tilespmem:s1+$0x210];
	v15 =	vadd.f32 v52, v15;
	v57 =	vperm.xlane v24, v3;
	v58 =	vadd.f32 v13, v22  }
0xf6: {  	v49 =	vmul.f32 v19, v19;
	v13 =	vadd.f32 v63, v60;
	v63 =	vld [tilespmem:s1+$0x230];
	v22 =	vadd.f32 v44, v20  }
0xf7: {  	v59 =	vmul.f32 v14, v14;
	v44 =	vadd.f32 v14, v12;
	v24 =	vadd.f32 v24, v57  }
0xf8: {  	v20 =	vadd.f32 v21, v62;
	v60 =	vperm.xlane v58, v3;
	v57 =	vmul.f32 v18, v18  }
0xf9: {  	v54 =	vadd.f32 v54, v34;
	v51 =	vmul.f32 v22, v22;
	v52 =	vmul.f32 $1.562500000e-02, v24  }
0xfa: {  	v53 =	vadd.f32 v60, v58;
	v58 =	vmul.f32 v12, v12;
	v24 =	vadd.f32 v47, v61  }
0xfb: {  	v60 =	vmul.f32 v20, v20;
	v49 =	vadd.f32 v57, v49;
	v21 =	vadd.f32 v50, v63  }
0xfc: {  	v61 =	vmul.f32 $1.562500000e-02, v53;
	v62 =	vmul.f32 v52, v52;
	v50 =	vadd.f32 v24, v22  }
0xfd: {  	v53 =	vadd.f32 v15, v13;
	v48 =	vmul.f32 v24, v24;
	v58 =	vadd.f32 v59, v58  }
0xfe: {  	v36 =	vadd.f32 v49, v36;
	v56 =	vadd.f32 v21, v20;
	v63 =	vmul.f32 v21, v21  }
0xff: {  	v34 =	vmul.f32 v55, v6;
	v47 =	vsub.f32 v61, v62;
	v48 =	vadd.f32 v48, v51  }
0x100: {  	v51 =	vmul.f32 v15, v15;
	v44 =	vadd.f32 v53, v44;
	v62 =	vadd.f32 v63, v60  }
0x101: {  	v50 =	vadd.f32 v56, v50;
	v56 =	vmul.f32 v13, v13;
	v47 =	vadd.f32 $9.999999740e-06, v47  }
0x102: {  	v63 =	vperm.xlane v54, v0;
	v48 =	vadd.f32 v62, v48;
	v62 =	vperm.xlane v44, v0  }
0x103: {  	v51 =	vadd.f32 v51, v56;
	v61 =	vshrl.u32 v47, $0x1;
	v47 =	vmul.f32 $5.000000000e-01, v47  }
0x104: {  	v53 =	vsub.s32 $0x5F3759DF, v61;
	v61 =	vperm.xlane v50, v0;
	v44 =	vadd.f32 v44, v62  }
0x105: {  	v54 =	vadd.f32 v54, v63;
	v63 =	vperm.xlane v36, v0;
	v60 =	vmul.f32 v53, v47  }
0x106: {  	v51 =	vadd.f32 v51, v58;
	v49 =	vadd.f32 v50, v61;
	v59 =	vperm.xlane v44, v1  }
0x107: {  	v36 =	vadd.f32 v63, v36;
	v50 =	vperm.xlane v48, v0;
	v56 =	vmul.f32 v53, v60  }
0x108: {  	v62 =	vperm.xlane v51, v0;
	v63 =	vperm.xlane v49, v1;
	v44 =	vadd.f32 v44, v59  }
0x109: {  	v61 =	vperm.xlane v54, v1;
	v48 =	vadd.f32 v50, v48;
	v60 =	vsub.f32 $1.500000000e+00, v56  }
0x10a: {  	v51 =	vadd.f32 v62, v51;
	v49 =	vadd.f32 v49, v63;
	v63 =	vperm.xlane v44, v2  }
0x10b: {  	v50 =	vmul.f32 v53, v60;
	v60 =	vperm.xlane v36, v1  }
0x10c: {  	v53 =	vadd.f32 v54, v61;
	v54 =	vperm.xlane v51, v1;
	v61 =	vperm.xlane v48, v1  }
0x10d: {  	v58 =	vperm.xlane v49, v2;
	v55 =	vadd.f32 v44, v63;
	v47 =	vmul.f32 v50, v47  }
0x10e: {  	v62 =	vperm.xlane v53, v2;
	v36 =	vadd.f32 v60, v36;
	v51 =	vadd.f32 v54, v51  }
0x10f: {  	v48 =	vadd.f32 v61, v48;
	v49 =	vadd.f32 v49, v58;
	v47 =	vmul.f32 v47, v50  }
0x110: {  	v60 =	vperm.xlane v36, v2;
	v53 =	vadd.f32 v53, v62;
	v62 =	vperm.xlane v51, v2  }
0x111: {  	v61 =	vperm.xlane v48, v2;
	v59 =	vperm.xlane v49, v3;
	v47 =	vsub.f32 $1.500000000e+00, v47  }
0x112: {  	v63 =	vperm.xlane v53, v3;
	v56 =	vadd.f32 v60, v36;
	v51 =	vadd.f32 v62, v51  }
0x113: {  	v48 =	vadd.f32 v61, v48;
	v60 =	vperm.xlane v55, v3;
	v47 =	vmul.f32 v47, v50  }
0x114: {  	[tilespmem:s4+$0x240] =	vst v40;
	v50 =	vadd.f32 v53, v63;
	v61 =	vperm.xlane v56, v3;
	v62 =	vperm.xlane v51, v3  }
0x115: {  	[tilespmem:s4+$0x270] =	vst v33;
	v49 =	vadd.f32 v49, v59;
	v44 =	vmul.f32 v47, v52;
	v35 =	vmul.f32 v47, v35  }
0x116: {  	[smem:$0x7CF] =	sst s26;
	v63 =	vperm.xlane v48, v3;
	v52 =	vadd.f32 v55, v60;
	v36 =	vmul.f32 $1.562500000e-02, v50  }
0x117: {  	[tilespmem:s4+$0x250] =	vst v41;
	v56 =	vadd.f32 v61, v56;
	v41 =	vmul.f32 v47, v38;
	v35 =	vsub.f32 v35, v44  }
0x118: {  	v48 =	vadd.f32 v63, v48;
	v37 =	vmul.f32 v47, v37;
	v33 =	vmul.f32 $1.562500000e-02, v52  }
0x119: {  	s26 =	smul.u32 $0x180, s26;
	[tilespmem:s4+$0x260] =	vst v42;
	v59 =	vadd.f32 v62, v51;
	v57 =	vmul.f32 v35, v6;
	v35 =	vmul.f32 $1.562500000e-02, v49  }
0x11a: {  	s29 =	sld [smem:$0x7DC];
	v63 =	vadd.f32 v46, v9;
	v58 =	vmul.f32 $1.562500000e-02, v56;
	v61 =	vmul.f32 v36, v36  }
0x11b: {  	[smem:$0x7D0] =	sst s26;
	v48 =	vmul.f32 $1.562500000e-02, v48;
	v60 =	vadd.f32 v57, v4;
	v62 =	vmul.f32 v35, v35  }
0x11c: {  	s25 =	sadd.s32 $0x4, s25;
	v40 =	vsub.f32 v45, v43;
	v38 =	vmul.f32 v47, v39;
	v43 =	vmul.f32 $1.562500000e-02, v59;
	[tilespmem:s4+$0x180] =	vst v63  }
0x11d: {  	s7 =	simm.s32 $0x400;
	s6 =	simm.s32 $0x4;
	s26 =	sadd.s32 s29, s26;
	v42 =	vsub.f32 v58, v61;
	v45 =	vmul.f32 v33, v33;
	[tilespmem:s1+$0x270] =	vst v60;
	v46 =	vsub.f32 v48, v62  }
.LBB2_3:
0x11e: {  	s0 =	smulhi.u32 $0x51EB851F, s25;
	s5 =	sadd.s32 $0x4, s5;
	v31 =	vmul.f32 v31, v10  }
0x11f: {  	s19 =	sadd.s32 $0x4, s19;
	v29 =	vadd.f32 v29, v7;
	v30 =	vadd.f32 v30, v5;
	v28 =	vmul.f32 v28, v8;
	s12 =	smulhi.u32 $0x51EB851F, s5  }
0x120: {  	s8 =	sadd.s32 $0x4, s8;
	v27 =	vmul.f32 v27, v6;
	v39 =	vadd.f32 $9.999999740e-06, v42;
	v60 =	vsub.f32 v43, v45;
	s18 =	smulhi.u32 $0x51EB851F, s19  }
0x121: {  	v34 =	vadd.f32 v34, v4;
	v26 =	vmul.f32 v26, v11;
	v61 =	vadd.f32 $9.999999740e-06, v46;
	s14 =	smulhi.u32 $0x51EB851F, s8;
	s0 =	sshrl.u32 s0, $0x4  }
0x122: {  	s10 =	rddreg [dreg:$0x6];
	v62 =	vshrl.u32 v39, $0x1;
	v39 =	vmul.f32 $5.000000000e-01, v39;
	v42 =	vadd.f32 $9.999999740e-06, v60;
	s12 =	sshrl.u32 s12, $0x4;
	s0 =	smul.u32 $0xFFFFCE00, s0  }
0x123: {  	s13 =	rddreg [dreg:$0x7];
	v46 =	vshrl.u32 v61, $0x1;
	v43 =	vmul.f32 $5.000000000e-01, v61;
	s14 =	sshrl.u32 s14, $0x4;
	v45 =	vsub.s32 $0x5F3759DF, v62;
	s12 =	smul.u32 $0xFFFFCE00, s12  }
0x124: {  	s22 =	rddreg [dreg:$0x5];
	s18 =	sshrl.u32 s18, $0x4;
	v46 =	vsub.s32 $0x5F3759DF, v46;
	s14 =	smul.u32 $0xFFFFCE00, s14;
	v47 =	vshrl.u32 v42, $0x1;
	v42 =	vmul.f32 $5.000000000e-01, v42  }
0x125: {  	s18 =	smul.u32 $0xFFFFCE00, s18;
	v48 =	vmul.f32 v45, v39;
	v49 =	vmul.f32 v46, v43;
	v47 =	vsub.s32 $0x5F3759DF, v47;
	s29 =	sshra.s32 s12, $0x2;
	s12 =	sshra.s32 s0, $0x2  }
0x126: {  	v23 =	vmul.f32 v23, v10;
	v41 =	vsub.f32 v41, v44;
	s14 =	sshra.s32 s14, $0x2;
	v50 =	vmul.f32 v47, v42;
	s0 =	sadd.s32 s12, s10;
	s10 =	sadd.s32 s12, s13  }
0x127: {  	v37 =	vsub.f32 v37, v44;
	s13 =	sshra.s32 s18, $0x2;
	v63 =	vmul.f32 v45, v48;
	v52 =	vmul.f32 v46, v49;
	s18 =	sadd.s32 s29, s22;
	s22 =	rddreg [dreg:$0xb]  }
0x128: {  	s7 =	sadd.s32 $0x400, s7;
	v38 =	vsub.f32 v38, v44;
	v31 =	vadd.f32 v31, v7;
	s14 =	sadd.s32 s14, s22;
	v53 =	vmul.f32 v47, v50  }
0x129: {  	v25 =	vmul.f32 v25, v8;
	s29 =	sshra.s32 s7, $0x2;
	v44 =	vsub.f32 $1.500000000e+00, v63;
	v48 =	vsub.f32 $1.500000000e+00, v52;
	s14 =	sadd.s32 s30, s14  }
0x12a: {  	[tilespmem:s4+$0x190] =	vst v29;
	v28 =	vadd.f32 v28, v5;
	v41 =	vmul.f32 v41, v11;
	v55 =	vld [tilespmem:s29+$0x240];
	s14 =	sadd.s32 s3, s14;
	v29 =	vsub.f32 $1.500000000e+00, v53  }
0x12b: {  	[tilespmem:s4+$0x1A0] =	vst v30;
	v27 =	vadd.f32 v27, v4;
	v57 =	vld [tilespmem:s29+$0x250];
	v30 =	vmul.f32 v45, v44;
	v54 =	vmul.f32 v46, v48;
	s14 =	sadd.s32 s29, s14  }
0x12c: {  	v26 =	vadd.f32 v26, v9;
	v37 =	vmul.f32 v37, v10;
	[tilespmem:s4+$0x210] =	vst v31;
	v31 =	vld [tilespmem:s14+$0xFFFFFFD0];
	v29 =	vmul.f32 v47, v29  }
0x12d: {  	v23 =	vadd.f32 v23, v7;
	[tilespmem:s4+$0x220] =	vst v28;
	v28 =	vld [tilespmem:s14+$0xFFFFFFE0];
	v39 =	vmul.f32 v30, v39;
	v43 =	vmul.f32 v54, v43  }
0x12e: {  	v38 =	vmul.f32 v38, v8;
	v41 =	vadd.f32 v41, v9;
	v58 =	vld [tilespmem:s29+$0x260];
	v42 =	vmul.f32 v29, v42  }
0x12f: {  	[tilespmem:s4+$0x230] =	vst v27;
	v37 =	vadd.f32 v37, v7;
	v27 =	vld [tilespmem:s14+$0xFFFFFFF0];
	v39 =	vmul.f32 v39, v30;
	v43 =	vmul.f32 v43, v54  }
0x130: {  	v32 =	vmul.f32 v32, v11;
	v25 =	vadd.f32 v25, v5;
	v38 =	vadd.f32 v38, v5;
	v59 =	vld [tilespmem:s29+$0x270];
	[tilespmem:s1+$0x240] =	vst v41  }
0x131: {  	s18 =	sadd.s32 s30, s18;
	v41 =	vld [tilespmem:s14+$0x0];
	[tilespmem:s1+$0x250] =	vst v37;
	v42 =	vmul.f32 v42, v29;
	v39 =	vsub.f32 $1.500000000e+00, v39;
	v43 =	vsub.f32 $1.500000000e+00, v43  }
0x132: {  	s16 =	rddreg [dreg:$0x8];
	v40 =	vmul.f32 v40, v6;
	s18 =	sadd.s32 s3, s18;
	[tilespmem:s1+$0x260] =	vst v38;
	v38 =	vadd.f32 v31, v55;
	v37 =	vadd.f32 v28, v57  }
0x133: {  	s20 =	rddreg [dreg:$0x9];
	[tilespmem:s4+$0x1B0] =	vst v34;
	s18 =	sadd.s32 s29, s18;
	v42 =	vsub.f32 $1.500000000e+00, v42;
	v30 =	vmul.f32 v39, v30;
	v43 =	vmul.f32 v43, v54  }
0x134: {  	s24 =	rddreg [dreg:$0xa];
	[tilespmem:s4+$0x1C0] =	vst v26;
	v60 =	vld [tilespmem:s18+$0xFFFFFFE0];
	v39 =	vadd.f32 v27, v58;
	v27 =	vmul.f32 v38, v38;
	v28 =	vmul.f32 v37, v37  }
0x135: {  	v26 =	vadd.f32 v40, v4;
	[tilespmem:s4+$0x1D0] =	vst v23;
	s16 =	sadd.s32 s12, s16;
	s13 =	sadd.s32 s13, s24;
	s24 =	sadd.s32 s7, s2;
	v61 =	vld [tilespmem:s18+$0xFFFFFFF0];
	v29 =	vmul.f32 v42, v29;
	v62 =	vmul.f32 v30, v36  }
0x136: {  	v32 =	vadd.f32 v32, v9;
	[tilespmem:s4+$0x1E0] =	vst v25;
	s12 =	sadd.s32 s12, s20;
	s13 =	sadd.s32 s30, s13;
	s20 =	sshra.s32 s24, $0x2;
	v63 =	vld [tilespmem:s18+$0x0];
	v16 =	vmul.f32 v30, v16;
	v17 =	vmul.f32 v30, v17  }
0x137: {  	[tilespmem:s4+$0x1F0] =	vst v26;
	s13 =	sadd.s32 s3, s13;
	s0 =	sadd.s32 s20, s0;
	v56 =	vld [tilespmem:s18+$0x10];
	v19 =	vmul.f32 v30, v19;
	v18 =	vmul.f32 v30, v18  }
0x138: {  	[tilespmem:s4+$0x200] =	vst v32;
	s24 =	sadd.s32 s29, s13;
	v51 =	vld [tilespmem:s0+$0x0];
	v36 =	vadd.f32 v41, v59;
	v23 =	vmul.f32 v43, v35;
	v22 =	vmul.f32 v43, v22  }
0x139: {  	v45 =	vld [tilespmem:s24+$0x0];
	v25 =	vadd.f32 v37, v38;
	v24 =	vmul.f32 v43, v24;
	v30 =	vmul.f32 v39, v39  }
0x13a: {  	v34 =	vld [tilespmem:s24+$0x10];
	v20 =	vmul.f32 v43, v20;
	v21 =	vmul.f32 v43, v21;
	v26 =	vadd.f32 v36, v39  }
0x13b: {  	s4 =	smov.u32 s1;
	v46 =	vld [tilespmem:s24+$0x30];
	s1 =	smov.u32 s29;
	v31 =	vmul.f32 v36, v36;
	v16 =	vsub.f32 v16, v62;
	v40 =	vmul.f32 v29, v33  }
0x13c: {  	s12 =	sadd.s32 s20, s12;
	v17 =	vsub.f32 v17, v62;
	v12 =	vmul.f32 v29, v12;
	v41 =	vmul.f32 v29, v15;
	v15 =	vld [tilespmem:s1+$0x190]  }
0x13d: {  	v57 =	vld [tilespmem:s12+$0x0];
	v14 =	vmul.f32 v29, v14;
	v19 =	vsub.f32 v19, v62;
	v25 =	vadd.f32 v26, v25  }
0x13e: {  	v13 =	vmul.f32 v29, v13;
	v26 =	vadd.f32 v28, v27;
	v27 =	vadd.f32 v31, v30;
	v30 =	vld [tilespmem:s1+$0x180]  }
0x13f: {  	s16 =	sadd.s32 s20, s16;
	v52 =	vsub.f32 v18, v62;
	v32 =	vsub.f32 v22, v23;
	v22 =	vld [tilespmem:s1+$0x1A0];
	v42 =	vmul.f32 v16, v11  }
0x140: {  	s10 =	sadd.s32 s20, s10;
	v58 =	vld [tilespmem:s16+$0x0];
	v31 =	vsub.f32 v24, v23;
	v26 =	vadd.f32 v27, v26;
	v27 =	vperm.xlane v25, v0  }
0x141: {  	v59 =	vld [tilespmem:s10+$0x0];
	v28 =	vsub.f32 v20, v23;
	v29 =	vmul.f32 v17, v10;
	v17 =	vadd.f32 v61, v15  }
0x142: {  	v20 =	vld [tilespmem:s1+$0x1B0];
	v18 =	vadd.f32 v25, v27;
	v25 =	vperm.xlane v26, v0;
	v27 =	vsub.f32 v21, v23  }
0x143: {  	v23 =	vsub.f32 v14, v40;
	v14 =	vld [tilespmem:s1+$0x1D0];
	v16 =	vadd.f32 v60, v30;
	v30 =	vmul.f32 v19, v8  }
0x144: {  	v21 =	vld [tilespmem:s1+$0x1C0];
	v19 =	vadd.f32 v63, v22;
	v24 =	vperm.xlane v18, v1;
	v53 =	vadd.f32 v25, v26  }
0x145: {  	v15 =	vld [tilespmem:s1+$0x1E0];
	v26 =	vsub.f32 v12, v40;
	v25 =	vsub.f32 v13, v40  }
0x146: {  	v22 =	vld [tilespmem:s1+$0x1F0];
	v40 =	vsub.f32 v41, v40;
	v24 =	vadd.f32 v18, v24;
	v12 =	vperm.xlane v53, v1  }
0x147: {  	v35 =	vld [tilespmem:s24+$0x20];
	v47 =	vadd.f32 v17, v16;
	v48 =	vmul.f32 v16, v16;
	v18 =	vadd.f32 v56, v20  }
0x148: {  	v20 =	vld [tilespmem:s1+$0x200];
	v14 =	vadd.f32 v58, v14;
	v13 =	vperm.xlane v24, v2;
	v60 =	vadd.f32 v12, v53  }
0x149: {  	v62 =	vld [tilespmem:s1+$0x220];
	v49 =	vmul.f32 v19, v19;
	v12 =	vadd.f32 v57, v21;
	v50 =	vadd.f32 v18, v19  }
0x14a: {  	v63 =	vld [tilespmem:s1+$0x230];
	v53 =	vmul.f32 v17, v17;
	v55 =	vmul.f32 v18, v18;
	v24 =	vadd.f32 v24, v13  }
0x14b: {  	v21 =	vld [tilespmem:s1+$0x210];
	v61 =	vperm.xlane v60, v2;
	v13 =	vadd.f32 v59, v15;
	v15 =	vadd.f32 v51, v22  }
0x14c: {  	v58 =	vmul.f32 v14, v14;
	v48 =	vadd.f32 v53, v48;
	v49 =	vadd.f32 v55, v49  }
0x14d: {  	v22 =	vadd.f32 v45, v20;
	v54 =	vperm.xlane v24, v3;
	v44 =	vadd.f32 v61, v60  }
0x14e: {  	v56 =	vmul.f32 v12, v12;
	v20 =	vadd.f32 v35, v62;
	v48 =	vadd.f32 v49, v48  }
0x14f: {  	v60 =	vadd.f32 v24, v54;
	v61 =	vperm.xlane v44, v3;
	v54 =	vadd.f32 v14, v12  }
0x150: {  	v57 =	vmul.f32 v20, v20;
	v24 =	vadd.f32 v34, v21;
	v21 =	vadd.f32 v46, v63  }
0x151: {  	v63 =	vmul.f32 v22, v22;
	v35 =	vmul.f32 $1.562500000e-02, v60;
	v62 =	vadd.f32 v61, v44  }
0x152: {  	v33 =	vadd.f32 v24, v22;
	v46 =	vadd.f32 v21, v20;
	v60 =	vmul.f32 v24, v24  }
0x153: {  	v44 =	vadd.f32 v15, v13;
	v34 =	vmul.f32 $1.562500000e-02, v62;
	v45 =	vmul.f32 v35, v35  }
0x154: {  	v59 =	vmul.f32 v21, v21;
	v33 =	vadd.f32 v46, v33;
	v43 =	vadd.f32 v60, v63  }
0x155: {  	v44 =	vadd.f32 v44, v54;
	v34 =	vsub.f32 v34, v45  }
0x156: {  	v61 =	vmul.f32 v15, v15;
	v59 =	vadd.f32 v59, v57;
	v60 =	vadd.f32 v58, v56  }
0x157: {  	v56 =	vperm.xlane v48, v0;
	v45 =	vadd.f32 v50, v47;
	v62 =	vadd.f32 $9.999999740e-06, v34  }
0x158: {  	v47 =	vmul.f32 v13, v13;
	v43 =	vadd.f32 v59, v43;
	v34 =	vmul.f32 v52, v6  }
0x159: {  	v52 =	vperm.xlane v45, v0;
	v63 =	vshrl.u32 v62, $0x1;
	v51 =	vmul.f32 $5.000000000e-01, v62  }
0x15a: {  	v48 =	vadd.f32 v56, v48;
	v47 =	vadd.f32 v61, v47;
	v46 =	vsub.s32 $0x5F3759DF, v63  }
0x15b: {  	v57 =	vperm.xlane v43, v0;
	v45 =	vadd.f32 v45, v52;
	v61 =	vmul.f32 v46, v51  }
0x15c: {  	v62 =	vperm.xlane v33, v0;
	v47 =	vadd.f32 v47, v60;
	v63 =	vperm.xlane v44, v0  }
0x15d: {  	v43 =	vadd.f32 v57, v43;
	v58 =	vperm.xlane v45, v1;
	v50 =	vmul.f32 v46, v61  }
0x15e: {  	v33 =	vadd.f32 v33, v62;
	v59 =	vperm.xlane v47, v0;
	v62 =	vperm.xlane v48, v1  }
0x15f: {  	v57 =	vperm.xlane v43, v1;
	v44 =	vadd.f32 v44, v63;
	v50 =	vsub.f32 $1.500000000e+00, v50  }
0x160: {  	v60 =	vperm.xlane v33, v1;
	v45 =	vadd.f32 v45, v58;
	v47 =	vadd.f32 v59, v47  }
0x161: {  	v48 =	vadd.f32 v62, v48;
	v61 =	vperm.xlane v44, v1;
	v46 =	vmul.f32 v46, v50  }
0x162: {  	v43 =	vadd.f32 v57, v43;
	v33 =	vadd.f32 v33, v60;
	v63 =	vperm.xlane v47, v1  }
0x163: {  	v53 =	vperm.xlane v45, v2;
	v44 =	vadd.f32 v44, v61;
	v51 =	vmul.f32 v46, v51  }
0x164: {  	v60 =	vperm.xlane v48, v2;
	v54 =	vperm.xlane v33, v2;
	v47 =	vadd.f32 v63, v47  }
0x165: {  	v45 =	vadd.f32 v45, v53;
	v59 =	vperm.xlane v44, v2;
	v58 =	vmul.f32 v51, v46  }
0x166: {  	v62 =	vperm.xlane v43, v2;
	v48 =	vadd.f32 v60, v48;
	v33 =	vadd.f32 v33, v54  }
0x167: {  	v56 =	vperm.xlane v45, v3;
	v51 =	vadd.f32 v44, v59;
	v61 =	vsub.f32 $1.500000000e+00, v58  }
0x168: {  	v43 =	vadd.f32 v62, v43;
	v63 =	vperm.xlane v47, v2;
	v57 =	vperm.xlane v33, v3  }
0x169: {  	v59 =	vadd.f32 v45, v56;
	v60 =	vperm.xlane v51, v3;
	v49 =	vmul.f32 v61, v46  }
0x16a: {  	v62 =	vperm.xlane v48, v3;
	v61 =	vadd.f32 v63, v47;
	v63 =	vadd.f32 v33, v57  }
0x16b: {  	v55 =	vadd.f32 v51, v60;
	v44 =	vmul.f32 v49, v35;
	v58 =	vmul.f32 v49, v36  }
0x16c: {  	v57 =	vperm.xlane v43, v3;
	v47 =	vadd.f32 v62, v48;
	v56 =	vperm.xlane v61, v3  }
0x16d: {  	s6 =	sadd.s32 $0x4, s6;
	v36 =	vmul.f32 $1.562500000e-02, v59;
	v33 =	vmul.f32 $1.562500000e-02, v55;
	v54 =	vsub.f32 v58, v44  }
0x16e: {  	p0 =	slt.u32 s6, $0x7C;
	v35 =	vmul.f32 $1.562500000e-02, v63;
	v43 =	vadd.f32 v57, v43;
	v47 =	vmul.f32 $1.562500000e-02, v47  }
.Ltmp0:
0x16f: {  	v63 =	vadd.f32 v42, v9;
	v41 =	vmul.f32 v49, v38;
	v58 =	vmul.f32 v54, v6;
	(pc) =	sbr.rel @p0 .LBB2_3-.Ltmp0, $4  }
0x170: {  	v37 =	vmul.f32 v49, v37;
	v45 =	vadd.f32 v56, v61;
	v60 =	vmul.f32 v36, v36  }
0x171: {  	v61 =	vmul.f32 $1.562500000e-02, v43;
	v62 =	vmul.f32 v35, v35;
	v59 =	vadd.f32 v58, v4  }
0x172: {  	v38 =	vmul.f32 v49, v39;
	[tilespmem:s4+$0x180] =	vst v63;
	v43 =	vmul.f32 $1.562500000e-02, v45  }
0x173: {  	s25 =	sadd.s32 $0x4, s25;
	v42 =	vsub.f32 v47, v60;
	v45 =	vmul.f32 v33, v33;
	v46 =	vsub.f32 v61, v62;
	[tilespmem:s1+$0x270] =	vst v59  }
0x174: {  	_ = 	snop  }
0x175: {  	v39 =	vadd.f32 $9.999999740e-06, v42  }
0x176: {  	v51 =	vsub.f32 v43, v45;
	v52 =	vadd.f32 $9.999999740e-06, v46  }
0x177: {  	v32 =	vmul.f32 v32, v11;
	v31 =	vmul.f32 v31, v10;
	v53 =	vshrl.u32 v39, $0x1  }
0x178: {  	v42 =	vadd.f32 $9.999999740e-06, v51;
	v39 =	vmul.f32 $5.000000000e-01, v39;
	v46 =	vshrl.u32 v52, $0x1  }
0x179: {  	v43 =	vmul.f32 $5.000000000e-01, v52;
	v45 =	vsub.s32 $0x5F3759DF, v53;
	v46 =	vsub.s32 $0x5F3759DF, v46  }
0x17a: {  	v47 =	vshrl.u32 v42, $0x1;
	v42 =	vmul.f32 $5.000000000e-01, v42;
	v48 =	vmul.f32 v45, v39  }
0x17b: {  	v41 =	vsub.f32 v41, v44;
	v49 =	vmul.f32 v46, v43;
	v47 =	vsub.s32 $0x5F3759DF, v47  }
0x17c: {  	v37 =	vsub.f32 v37, v44;
	v50 =	vmul.f32 v47, v42;
	v48 =	vmul.f32 v45, v48  }
0x17d: {  	v38 =	vsub.f32 v38, v44;
	v28 =	vmul.f32 v28, v8;
	v54 =	vmul.f32 v46, v49  }
0x17e: {  	v27 =	vmul.f32 v27, v6;
	v55 =	vmul.f32 v47, v50;
	v48 =	vsub.f32 $1.500000000e+00, v48  }
0x17f: {  	v26 =	vmul.f32 v26, v11;
	v23 =	vmul.f32 v23, v10;
	v44 =	vsub.f32 $1.500000000e+00, v54  }
0x180: {  	v25 =	vmul.f32 v25, v8;
	v49 =	vsub.f32 $1.500000000e+00, v55;
	v45 =	vmul.f32 v45, v48  }
0x181: {  	v59 =	vmul.f32 v40, v6;
	v44 =	vmul.f32 v46, v44  }
0x182: {  	v29 =	vadd.f32 v29, v7;
	v56 =	vmul.f32 v47, v49;
	v39 =	vmul.f32 v45, v39  }
0x183: {  	v30 =	vadd.f32 v30, v5;
	v41 =	vmul.f32 v41, v11;
	v43 =	vmul.f32 v44, v43  }
0x184: {  	v34 =	vadd.f32 v34, v4;
	v42 =	vmul.f32 v56, v42;
	v39 =	vmul.f32 v39, v45  }
0x185: {  	v37 =	vmul.f32 v37, v10;
	v32 =	vadd.f32 v32, v9;
	v43 =	vmul.f32 v43, v44  }
0x186: {  	v31 =	vadd.f32 v31, v7;
	v42 =	vmul.f32 v42, v56;
	v39 =	vsub.f32 $1.500000000e+00, v39  }
0x187: {  	v38 =	vmul.f32 v38, v8;
	v28 =	vadd.f32 v28, v5;
	[tilespmem:s4+$0x190] =	vst v29;
	v57 =	vsub.f32 $1.500000000e+00, v43  }
0x188: {  	v27 =	vadd.f32 v27, v4;
	[tilespmem:s4+$0x1A0] =	vst v30;
	v30 =	vsub.f32 $1.500000000e+00, v42;
	v39 =	vmul.f32 v39, v45  }
0x189: {  	[tilespmem:s4+$0x1B0] =	vst v34;
	v26 =	vadd.f32 v26, v9;
	v23 =	vadd.f32 v23, v7;
	v60 =	vmul.f32 v57, v44  }
0x18a: {  	v25 =	vadd.f32 v25, v5;
	[tilespmem:s4+$0x200] =	vst v32;
	v30 =	vmul.f32 v30, v56;
	v36 =	vmul.f32 v39, v36  }
0x18b: {  	v29 =	vadd.f32 v41, v9;
	[tilespmem:s4+$0x210] =	vst v31;
	v16 =	vmul.f32 v39, v16;
	v17 =	vmul.f32 v39, v17  }
0x18c: {  	v58 =	vadd.f32 v37, v7;
	[tilespmem:s4+$0x220] =	vst v28;
	v19 =	vmul.f32 v39, v19;
	v18 =	vmul.f32 v39, v18  }
0x18d: {  	v61 =	vadd.f32 v38, v5;
	[tilespmem:s4+$0x230] =	vst v27;
	v27 =	vmul.f32 v60, v35;
	v22 =	vmul.f32 v60, v22  }
0x18e: {  	v28 =	vadd.f32 v59, v4;
	[tilespmem:s4+$0x1C0] =	vst v26;
	v24 =	vmul.f32 v60, v24;
	v20 =	vmul.f32 v60, v20  }
0x18f: {  	[tilespmem:s1+$0x240] =	vst v29;
	v21 =	vmul.f32 v60, v21;
	v16 =	vsub.f32 v16, v36;
	v29 =	vmul.f32 v30, v33  }
0x190: {  	[tilespmem:s4+$0x1D0] =	vst v23;
	v17 =	vsub.f32 v17, v36;
	v12 =	vmul.f32 v30, v12;
	v14 =	vmul.f32 v30, v14  }
0x191: {  	[tilespmem:s4+$0x1E0] =	vst v25;
	v13 =	vmul.f32 v30, v13;
	v19 =	vsub.f32 v19, v36;
	v16 =	vmul.f32 v16, v11  }
0x192: {  	[tilespmem:s1+$0x250] =	vst v58;
	v18 =	vsub.f32 v18, v36;
	v15 =	vmul.f32 v30, v15;
	v17 =	vmul.f32 v17, v10  }
0x193: {  	[tilespmem:s1+$0x260] =	vst v61;
	v19 =	vmul.f32 v19, v8;
	v12 =	vsub.f32 v12, v29;
	v16 =	vadd.f32 v16, v9  }
0x194: {  	[tilespmem:s4+$0x1F0] =	vst v28;
	v18 =	vmul.f32 v18, v6;
	v14 =	vsub.f32 v14, v29;
	v17 =	vadd.f32 v17, v7  }
0x195: {  	v13 =	vsub.f32 v13, v29;
	v19 =	vadd.f32 v19, v5;
	v12 =	vmul.f32 v12, v11;
	[tilespmem:s1+$0x180] =	vst v16  }
0x196: {  	v22 =	vsub.f32 v22, v27;
	v14 =	vmul.f32 v14, v10;
	[tilespmem:s1+$0x190] =	vst v17;
	v17 =	vadd.f32 v18, v4  }
0x197: {  	v23 =	vsub.f32 v24, v27;
	v13 =	vmul.f32 v13, v8;
	[tilespmem:s1+$0x1A0] =	vst v19;
	v12 =	vadd.f32 v12, v9  }
0x198: {  	v15 =	vsub.f32 v15, v29;
	v16 =	vmul.f32 v22, v11;
	v14 =	vadd.f32 v14, v7;
	[tilespmem:s1+$0x1B0] =	vst v17  }
0x199: {  	v20 =	vsub.f32 v20, v27;
	v22 =	vmul.f32 v23, v10;
	v13 =	vadd.f32 v13, v5;
	[tilespmem:s1+$0x1C0] =	vst v12  }
0x19a: {  	v21 =	vsub.f32 v21, v27;
	v15 =	vmul.f32 v15, v6;
	v16 =	vadd.f32 v16, v9;
	[tilespmem:s1+$0x1D0] =	vst v14  }
0x19b: {  	v18 =	vmul.f32 v20, v8;
	v17 =	vadd.f32 v22, v7;
	[tilespmem:s1+$0x1E0] =	vst v13  }
0x19c: {  	v19 =	vmul.f32 v21, v6;
	v12 =	vadd.f32 v15, v4;
	[tilespmem:s1+$0x200] =	vst v16  }
0x19d: {  	v16 =	vadd.f32 v18, v5;
	[tilespmem:s1+$0x210] =	vst v17  }
0x19e: {  	v17 =	vadd.f32 v19, v4;
	[tilespmem:s1+$0x1F0] =	vst v12  }
0x19f: {  	[tilespmem:s1+$0x220] =	vst v16  }
0x1a0: {  	[tilespmem:s1+$0x230] =	vst v17  }
0x1a1: {  	s0 =	sshll.u32 s26, $0x3;
	s12 =	sld [smem:$0x7CF]  }
0x1a2: {  	s10 =	simm.s32 $0x180;
	s0 =	sadd.s32 s15, s0  }
0x1a3: {  	[hbm4b:s0+s28] =	stream.linear.scatter [tilespmem:s10], [sflag:$0x4], $0x2000, $0x38;
	[tilespmem:$0x7200] =	vst v63  }
0x1a4: {  	p0 =	seq.s32 s12, $0x0  }
0x1a5: {  	s0 =	simm.s32 @!p0 $0x6  }
0x1a6: {  	_ =	swait.ge @!p0 [sflag:s0], $0x2000  }
0x1a7: {  	s13 =	sld [smem:$0x7D8]  }
0x1a8: {  	s25 =	sld [smem:$0x7D0];
	_ =	sdelay $0x2  }
0x1a9: {  	s3 =	simm.s32 $0x100;
	s16 =	simm.s32 $0x7;
	s1 =	sadd.s32 s25, s13  }
0x1aa: {  	[sflag:s0] =	ssyncset.done @!p0 $0x0;
	[smem:$0x7C1] =	sst s1;
	s1 =	sshrl.u32 s1, $0x3  }
0x1ab: {  	s15 =	simm.s32 $0x0;
	[sflag:s0] =	ssyncadd.s32 @!p0 $0xFFFFE000;
	s14 =	sadd.s32 s31, s1  }
0x1ac: {  	[tilespmem:s3], [sflag:$0x7] =	stream.linear.gather [hbm4b:s14+s15], $0x80, $0x38;
	[tilespmem:$0x7200] =	vst v63  }
0x1ad: {  	_ =	swait.ge [sflag:s16], $0x80  }
0x1ae: {  	s18 =	sld [smem:$0x7D4]  }
0x1af: {  	s19 =	simm.s32 $0x80;
	[sflag:s16] =	ssyncset.done $0x0  }
0x1b0: {  	s20 =	simm.s32 $0x4180;
	s7 =	simm.s32 $0x2;
	[sflag:s16] =	ssyncadd.s32 $0xFFFFFF80  }
0x1b1: {  	[tilespmem:s20], [sflag:$0x3] =	stream.indirect.gather [hbm4b:s18+s19], $0x40, s3, s19, $0xb8;
	[tilespmem:$0x7200] =	vst v63  }
0x1b2: {  	_ =	swait.ge [sflag:s7], $0x2000  }
0x1b3: {  	s15 =	sld [smem:$0x7D2];
	_ =	sdelay $0x2  }
0x1b4: {  	s22 =	smulhi.u32 $0x51EB851F, s15;
	_ =	sdelay $0x1  }
0x1b5: {  	[sflag:s7] =	ssyncset.done $0x0;
	s0 =	sshrl.u32 s22, $0x4  }
0x1b6: {  	s30 =	simm.s32 $0x0;
	[sflag:s7] =	ssyncadd.s32 $0xFFFFE000;
	s0 =	smul.u32 $0xFFFFCE00, s0  }
0x1b7: {  	s20 =	sld [smem:$0x7D3];
	v12 =	vld [tilespmem:s30+$0x2240]  }
0x1b8: {  	s24 =	sadd.s32 $0x0, s2;
	s12 =	rddreg [dreg:$0x10];
	v13 =	vld [tilespmem:s30+$0x2250];
	s18 =	sshra.s32 s0, $0x2  }
0x1b9: {  	s14 =	rddreg [dreg:$0x11];
	v14 =	vld [tilespmem:s30+$0x2260];
	s0 =	sshra.s32 s24, $0x2;
	s12 =	sadd.s32 s18, s12  }
0x1ba: {  	s16 =	rddreg [dreg:$0x12];
	v15 =	vld [tilespmem:s30+$0x2270];
	s14 =	sadd.s32 s18, s14;
	s12 =	sadd.s32 s0, s12  }
0x1bb: {  	s19 =	rddreg [dreg:$0x13];
	s16 =	sadd.s32 s18, s16;
	s26 =	sadd.s32 s0, s14;
	v16 =	vld [tilespmem:s12+$0x0]  }
0x1bc: {  	s13 =	smulhi.u32 $0x51EB851F, s11;
	s18 =	sadd.s32 s18, s19;
	s31 =	sadd.s32 s0, s16;
	v17 =	vld [tilespmem:s26+$0x0]  }
0x1bd: {  	s8 =	smulhi.u32 $0x51EB851F, s20;
	s16 =	sadd.s32 s0, s18;
	v18 =	vld [tilespmem:s31+$0x0]  }
0x1be: {  	s13 =	sshrl.u32 s13, $0x4;
	v19 =	vld [tilespmem:s16+$0x0]  }
0x1bf: {  	s13 =	smul.u32 $0xFFFFCE00, s13;
	s8 =	sshrl.u32 s8, $0x4  }
0x1c0: {  	s8 =	smul.u32 $0xFFFFCE00, s8  }
0x1c1: {  	s28 =	smulhi.u32 $0x51EB851F, s9;
	s13 =	sshra.s32 s13, $0x2;
	s1 =	rddreg [dreg:$0x14];
	v43 =	vld [tilespmem:s30+$0x21A0]  }
0x1c2: {  	s6 =	rddreg [dreg:$0xf];
	s1 =	sadd.s32 s13, s1;
	v44 =	vld [tilespmem:s30+$0x21B0];
	s8 =	sshra.s32 s8, $0x2;
	v26 =	vadd.f32 v16, v12;
	v25 =	vadd.f32 v17, v13  }
0x1c3: {  	s5 =	rddreg [dreg:$0xe];
	v47 =	vld [tilespmem:s30+$0x21E0];
	s6 =	sadd.s32 s8, s6;
	s1 =	sadd.s32 s0, s1;
	v23 =	vadd.f32 v18, v14;
	v27 =	vadd.f32 v19, v15  }
0x1c4: {  	s4 =	rddreg [dreg:$0xd];
	s5 =	sadd.s32 s8, s5;
	s6 =	sadd.s32 s0, s6;
	v30 =	vld [tilespmem:s1+$0x0];
	v14 =	vadd.f32 v25, v26  }
0x1c5: {  	s7 =	rddreg [dreg:$0x15];
	s4 =	sadd.s32 s8, s4;
	s5 =	sadd.s32 s0, s5;
	v20 =	vld [tilespmem:s6+$0x0];
	v16 =	vadd.f32 v27, v23;
	v17 =	vmul.f32 v26, v26;
	v18 =	vmul.f32 v25, v25  }
0x1c6: {  	s3 =	rddreg [dreg:$0xc];
	s7 =	sadd.s32 s13, s7;
	s4 =	sadd.s32 s0, s4;
	v21 =	vld [tilespmem:s5+$0x0];
	v19 =	vmul.f32 v23, v23;
	v22 =	vmul.f32 v27, v27  }
0x1c7: {  	s3 =	sadd.s32 s8, s3;
	s14 =	sshrl.u32 s28, $0x4;
	s28 =	sadd.s32 s0, s7;
	v28 =	vld [tilespmem:s4+$0x0];
	v14 =	vadd.f32 v16, v14  }
0x1c8: {  	s3 =	sadd.s32 s0, s3;
	v29 =	vld [tilespmem:s28+$0x0];
	v16 =	vadd.f32 v18, v17;
	v17 =	vadd.f32 v22, v19  }
0x1c9: {  	s29 =	rddreg [dreg:$0x1b];
	v12 =	vld [tilespmem:s3+$0x0]  }
0x1ca: {  	s10 =	rddreg [dreg:$0x16];
	s19 =	sadd.s32 s13, s29;
	v18 =	vld [tilespmem:s30+$0x2180];
	v16 =	vadd.f32 v17, v16;
	v17 =	vperm.xlane v14, v0  }
0x1cb: {  	s24 =	sadd.s32 s13, s10;
	s8 =	sadd.s32 s0, s19;
	s22 =	smul.u32 $0xFFFFCE00, s14;
	v19 =	vld [tilespmem:s30+$0x2190]  }
0x1cc: {  	s5 =	sadd.s32 s0, s24;
	v13 =	vld [tilespmem:s8+$0x0];
	v14 =	vadd.f32 v14, v17;
	v17 =	vperm.xlane v16, v0  }
0x1cd: {  	s31 =	rddreg [dreg:$0x18];
	s4 =	sshra.s32 s22, $0x2;
	v15 =	vld [tilespmem:s5+$0x0]  }
0x1ce: {  	s18 =	rddreg [dreg:$0x17];
	s31 =	sadd.s32 s4, s31;
	v22 =	vperm.xlane v14, v1;
	v16 =	vadd.f32 v17, v16;
	v17 =	vld [tilespmem:s30+$0x21C0]  }
0x1cf: {  	s29 =	sadd.s32 s4, s18;
	s7 =	sadd.s32 s0, s31;
	v24 =	vadd.f32 v20, v18;
	v18 =	vld [tilespmem:s30+$0x21D0];
	v20 =	vadd.f32 v12, v44  }
0x1d0: {  	s26 =	rddreg [dreg:$0x19];
	s5 =	sadd.s32 s0, s29;
	v62 =	vld [tilespmem:s7+$0x0];
	v14 =	vadd.f32 v14, v22;
	v46 =	vperm.xlane v16, v1;
	v22 =	vadd.f32 v21, v19  }
0x1d1: {  	s3 =	sadd.s32 s4, s26;
	v31 =	vld [tilespmem:s5+$0x0];
	v49 =	vmul.f32 v24, v24;
	v54 =	vmul.f32 v20, v20;
	v21 =	vadd.f32 v28, v43  }
0x1d2: {  	s8 =	rddreg [dreg:$0x1a];
	s1 =	sadd.s32 s0, s3;
	v28 =	vld [tilespmem:s30+$0x21F0];
	v19 =	vperm.xlane v14, v2;
	v16 =	vadd.f32 v46, v16;
	v48 =	vadd.f32 v22, v24  }
0x1d3: {  	s10 =	sadd.s32 s4, s8;
	v63 =	vld [tilespmem:s1+$0x0];
	v50 =	vadd.f32 v20, v21;
	v51 =	vmul.f32 v22, v22;
	v17 =	vadd.f32 v13, v17  }
0x1d4: {  	s0 =	sadd.s32 s0, s10;
	v12 =	vld [tilespmem:s30+$0x2200];
	v14 =	vadd.f32 v14, v19;
	v37 =	vperm.xlane v16, v2;
	v19 =	vadd.f32 v15, v18  }
0x1d5: {  	v45 =	vld [tilespmem:s0+$0x0];
	v53 =	vmul.f32 v21, v21;
	v18 =	vadd.f32 v29, v47;
	v34 =	vadd.f32 v50, v48  }
0x1d6: {  	v13 =	vld [tilespmem:s30+$0x2210];
	v35 =	vadd.f32 v51, v49;
	v52 =	vperm.xlane v14, v3;
	v37 =	vadd.f32 v37, v16  }
0x1d7: {  	v29 =	vld [tilespmem:s30+$0x2230];
	v38 =	vadd.f32 v54, v53;
	v55 =	vmul.f32 v17, v17;
	v16 =	vadd.f32 v30, v28  }
0x1d8: {  	v15 =	vld [tilespmem:s30+$0x2220];
	v58 =	vmul.f32 v18, v18;
	v28 =	vadd.f32 v14, v52;
	v30 =	vperm.xlane v37, v3  }
0x1d9: {  	v47 =	vperm.xlane v34, v0;
	v35 =	vadd.f32 v38, v35;
	v14 =	vadd.f32 v31, v12  }
0x1da: {  	v31 =	vadd.f32 v19, v17;
	v32 =	vmul.f32 $1.562500000e-02, v28;
	v28 =	vadd.f32 v30, v37  }
0x1db: {  	v13 =	vadd.f32 v62, v13;
	v59 =	vmul.f32 v16, v16;
	v34 =	vadd.f32 v34, v47  }
0x1dc: {  	v12 =	vadd.f32 v45, v29;
	v28 =	vmul.f32 $1.562500000e-02, v28;
	v29 =	vmul.f32 v32, v32  }
0x1dd: {  	v53 =	vperm.xlane v35, v0;
	v15 =	vadd.f32 v63, v15;
	v30 =	vadd.f32 v16, v18  }
0x1de: {  	v56 =	vmul.f32 v19, v19;
	v57 =	vadd.f32 v13, v14;
	v28 =	vsub.f32 v28, v29  }
0x1df: {  	v61 =	vmul.f32 v14, v14;
	v37 =	vadd.f32 v59, v58;
	v35 =	vadd.f32 v53, v35  }
0x1e0: {  	v60 =	vadd.f32 v12, v15;
	v62 =	vmul.f32 v15, v15;
	v28 =	vadd.f32 $9.999999740e-06, v28  }
0x1e1: {  	v63 =	vmul.f32 v12, v12;
	v30 =	vadd.f32 v30, v31;
	v31 =	vadd.f32 v56, v55  }
0x1e2: {  	v56 =	vperm.xlane v34, v1;
	v48 =	vshrl.u32 v28, $0x1;
	v28 =	vmul.f32 $5.000000000e-01, v28  }
0x1e3: {  	v36 =	vadd.f32 v60, v57;
	v29 =	vmul.f32 v13, v13;
	v33 =	vsub.s32 $0x5F3759DF, v48  }
0x1e4: {  	v39 =	vadd.f32 v63, v62;
	v60 =	vperm.xlane v35, v1;
	v49 =	vmul.f32 v33, v28  }
0x1e5: {  	v31 =	vadd.f32 v37, v31;
	v50 =	vperm.xlane v30, v0;
	v29 =	vadd.f32 v29, v61  }
0x1e6: {  	v34 =	vadd.f32 v34, v56;
	v51 =	vperm.xlane v36, v0;
	v52 =	vmul.f32 v33, v49  }
0x1e7: {  	v35 =	vadd.f32 v60, v35;
	v54 =	vperm.xlane v31, v0;
	v29 =	vadd.f32 v39, v29  }
0x1e8: {  	v30 =	vadd.f32 v30, v50;
	v63 =	vperm.xlane v34, v2;
	v55 =	vsub.f32 $1.500000000e+00, v52  }
0x1e9: {  	v36 =	vadd.f32 v36, v51;
	v31 =	vadd.f32 v54, v31;
	v57 =	vperm.xlane v29, v0  }
0x1ea: {  	v58 =	vperm.xlane v30, v1;
	v34 =	vadd.f32 v34, v63;
	v33 =	vmul.f32 v33, v55  }
0x1eb: {  	v59 =	vperm.xlane v36, v1;
	v61 =	vperm.xlane v31, v1;
	v29 =	vadd.f32 v57, v29  }
0x1ec: {  	v30 =	vadd.f32 v30, v58;
	v47 =	vperm.xlane v34, v3;
	v28 =	vmul.f32 v33, v28  }
0x1ed: {  	v36 =	vadd.f32 v36, v59;
	v31 =	vadd.f32 v61, v31;
	v62 =	vperm.xlane v29, v1  }
0x1ee: {  	v34 =	vadd.f32 v34, v47;
	v44 =	vmul.f32 v28, v33;
	v28 =	vperm.xlane v30, v2  }
0x1ef: {  	v46 =	vperm.xlane v35, v2;
	v45 =	vperm.xlane v36, v2;
	v29 =	vadd.f32 v62, v29  }
0x1f0: {  	v34 =	vmul.f32 $1.562500000e-02, v34;
	v28 =	vadd.f32 v30, v28;
	v30 =	vperm.xlane v31, v2  }
0x1f1: {  	v35 =	vadd.f32 v46, v35;
	v36 =	vadd.f32 v36, v45;
	v37 =	vperm.xlane v29, v2  }
0x1f2: {  	v52 =	vmul.f32 v34, v34;
	v48 =	vperm.xlane v28, v3;
	v30 =	vadd.f32 v30, v31  }
0x1f3: {  	v37 =	vadd.f32 v37, v29;
	v29 =	vperm.xlane v35, v3;
	v31 =	vperm.xlane v36, v3  }
0x1f4: {  	v53 =	vsub.f32 $1.500000000e+00, v44;
	v28 =	vadd.f32 v28, v48;
	v49 =	vperm.xlane v30, v3  }
0x1f5: {  	v50 =	vperm.xlane v37, v3;
	v35 =	vadd.f32 v29, v35;
	v31 =	vadd.f32 v36, v31  }
0x1f6: {  	v33 =	vmul.f32 v53, v33;
	v29 =	vmul.f32 $1.562500000e-02, v28;
	v30 =	vadd.f32 v49, v30  }
0x1f7: {  	v51 =	vadd.f32 v50, v37;
	v28 =	vmul.f32 $1.562500000e-02, v31;
	v31 =	vmul.f32 $1.562500000e-02, v35  }
0x1f8: {  	v30 =	vmul.f32 $1.562500000e-02, v30;
	v54 =	vmul.f32 v29, v29  }
0x1f9: {  	s1 =	sadd.s32 $0x4, s15;
	v35 =	vmul.f32 $1.562500000e-02, v51;
	v31 =	vsub.f32 v31, v52;
	v55 =	vmul.f32 v28, v28  }
0x1fa: {  	s12 =	smulhi.u32 $0x51EB851F, s1;
	v30 =	vsub.f32 v30, v54  }
0x1fb: {  	v32 =	vmul.f32 v33, v32;
	v31 =	vadd.f32 $9.999999740e-06, v31;
	v35 =	vsub.f32 v35, v55  }
0x1fc: {  	s0 =	sshrl.u32 s12, $0x4;
	v27 =	vmul.f32 v33, v27;
	v26 =	vmul.f32 v33, v26;
	v30 =	vadd.f32 $9.999999740e-06, v30  }
0x1fd: {  	s14 =	smul.u32 $0xFFFFCE00, s0;
	v25 =	vmul.f32 v33, v25;
	v56 =	vshrl.u32 v31, $0x1;
	v35 =	vadd.f32 $9.999999740e-06, v35  }
0x1fe: {  	s3 =	simm.s32 $0x100;
	v31 =	vmul.f32 $5.000000000e-01, v31;
	v36 =	vsub.s32 $0x5F3759DF, v56;
	v57 =	vshrl.u32 v30, $0x1  }
0x1ff: {  	s13 =	rddreg [dreg:$0x10];
	s18 =	sadd.s32 $0x400, s2;
	s15 =	sshra.s32 s14, $0x2;
	v63 =	vld [tilespmem:s3+$0x2250];
	v30 =	vmul.f32 $5.000000000e-01, v30;
	v58 =	vshrl.u32 v35, $0x1;
	v35 =	vmul.f32 $5.000000000e-01, v35  }
0x200: {  	s6 =	sshra.s32 s18, $0x2;
	s22 =	sadd.s32 s15, s13;
	v62 =	vld [tilespmem:s3+$0x2240];
	[smem:$0x7C2] =	sst s11;
	v59 =	vmul.f32 v36, v31;
	v37 =	vsub.s32 $0x5F3759DF, v57;
	v38 =	vsub.s32 $0x5F3759DF, v58  }
0x201: {  	s19 =	rddreg [dreg:$0x11];
	s26 =	sadd.s32 s6, s22;
	v53 =	vld [tilespmem:s3+$0x2260];
	v60 =	vmul.f32 v37, v30;
	v61 =	vmul.f32 v38, v35  }
0x202: {  	s29 =	rddreg [dreg:$0x13];
	s14 =	sadd.s32 s15, s19;
	v23 =	vmul.f32 v33, v23;
	v27 =	vsub.f32 v27, v32;
	v52 =	vld [tilespmem:s26+$0x0];
	v39 =	vmul.f32 v36, v59  }
0x203: {  	s24 =	rddreg [dreg:$0x12];
	s13 =	sadd.s32 s15, s29;
	s14 =	sadd.s32 s6, s14;
	v25 =	vsub.f32 v25, v32;
	v54 =	vld [tilespmem:s3+$0x2270];
	v40 =	vmul.f32 v37, v60;
	v41 =	vmul.f32 v38, v61  }
0x204: {  	s13 =	sadd.s32 s6, s13;
	v23 =	vsub.f32 v23, v32;
	v27 =	vmul.f32 v27, v6;
	v55 =	vld [tilespmem:s14+$0x0];
	[smem:$0x7C3] =	sst s9;
	v39 =	vsub.f32 $1.500000000e+00, v39  }
0x205: {  	s18 =	sadd.s32 s15, s24;
	v25 =	vmul.f32 v25, v10;
	v57 =	vld [tilespmem:s13+$0x0];
	v40 =	vsub.f32 $1.500000000e+00, v40;
	v41 =	vsub.f32 $1.500000000e+00, v41  }
0x206: {  	s16 =	rddreg [dreg:$0xf];
	s5 =	sadd.s32 $0x4, s20;
	s31 =	sadd.s32 s6, s18;
	v26 =	vsub.f32 v26, v32;
	v23 =	vmul.f32 v23, v8;
	v36 =	vmul.f32 v36, v39  }
0x207: {  	s7 =	rddreg [dreg:$0xc];
	s28 =	smulhi.u32 $0x51EB851F, s5;
	v56 =	vld [tilespmem:s31+$0x0];
	v37 =	vmul.f32 v37, v40;
	v38 =	vmul.f32 v38, v41  }
0x208: {  	s4 =	rddreg [dreg:$0xd];
	s8 =	sadd.s32 $0x4, s11;
	v26 =	vmul.f32 v26, v11;
	v42 =	vadd.f32 v25, v7;
	v31 =	vmul.f32 v36, v31  }
0x209: {  	s10 =	rddreg [dreg:$0xe];
	s19 =	sshrl.u32 s28, $0x4;
	s22 =	smulhi.u32 $0x51EB851F, s8;
	v44 =	vadd.f32 v23, v5;
	v30 =	vmul.f32 v37, v30;
	v35 =	vmul.f32 v38, v35  }
0x20a: {  	s12 =	rddreg [dreg:$0x15];
	s24 =	smul.u32 $0xFFFFCE00, s19;
	v25 =	vadd.f32 v52, v62;
	v43 =	vadd.f32 v57, v54;
	v31 =	vmul.f32 v31, v36  }
0x20b: {  	s18 =	rddreg [dreg:$0x16];
	v41 =	vadd.f32 v26, v9;
	v30 =	vmul.f32 v30, v37;
	v35 =	vmul.f32 v35, v38  }
0x20c: {  	s19 =	sadd.s32 $0x4, s9;
	s15 =	sshra.s32 s24, $0x2;
	s11 =	sshrl.u32 s22, $0x4;
	v59 =	vmul.f32 v25, v25;
	v26 =	vadd.f32 v56, v53;
	v31 =	vsub.f32 $1.500000000e+00, v31  }
0x20d: {  	s16 =	sadd.s32 s15, s16;
	s7 =	sadd.s32 s15, s7;
	s24 =	smul.u32 $0xFFFFCE00, s11;
	v61 =	vmul.f32 v43, v43;
	v30 =	vsub.f32 $1.500000000e+00, v30;
	v35 =	vsub.f32 $1.500000000e+00, v35  }
0x20e: {  	s10 =	sadd.s32 s15, s10;
	s16 =	sadd.s32 s6, s16;
	s9 =	smulhi.u32 $0x51EB851F, s19;
	v40 =	vadd.f32 v27, v4;
	v23 =	vmul.f32 v26, v26;
	v27 =	vmul.f32 v31, v36  }
0x20f: {  	s10 =	sadd.s32 s6, s10;
	s26 =	rddreg [dreg:$0x1b];
	v48 =	vld [tilespmem:s16+$0x0];
	s13 =	sshra.s32 s24, $0x2;
	v30 =	vmul.f32 v30, v37;
	v31 =	vmul.f32 v35, v38  }
0x210: {  	s7 =	sadd.s32 s6, s7;
	v49 =	vld [tilespmem:s10+$0x0];
	s29 =	sshrl.u32 s9, $0x4;
	s9 =	sadd.s32 s13, s26;
	v34 =	vmul.f32 v27, v34;
	v58 =	vmul.f32 v27, v24  }
0x211: {  	s0 =	rddreg [dreg:$0x14];
	v45 =	vld [tilespmem:s7+$0x0];
	s14 =	sadd.s32 s13, s18;
	s10 =	sadd.s32 s6, s9;
	v22 =	vmul.f32 v27, v22;
	v24 =	vadd.f32 v55, v63;
	v21 =	vmul.f32 v27, v21  }
0x212: {  	s11 =	sadd.s32 s13, s0;
	s12 =	sadd.s32 s13, s12;
	s0 =	sadd.s32 s6, s14;
	v46 =	vld [tilespmem:s10+$0x0];
	v32 =	vadd.f32 v43, v26;
	v20 =	vmul.f32 v27, v20;
	v27 =	vmul.f32 v30, v29  }
0x213: {  	s4 =	sadd.s32 s15, s4;
	s22 =	sadd.s32 s6, s12;
	v47 =	vld [tilespmem:s0+$0x0];
	v23 =	vadd.f32 v61, v23;
	v60 =	vmul.f32 v24, v24;
	v17 =	vmul.f32 v30, v17  }
0x214: {  	s4 =	sadd.s32 s6, s4;
	v50 =	vld [tilespmem:s22+$0x0];
	v29 =	vadd.f32 v24, v25;
	v19 =	vmul.f32 v30, v19;
	v16 =	vmul.f32 v30, v16  }
0x215: {  	v39 =	vld [tilespmem:s4+$0x0];
	v18 =	vmul.f32 v30, v18;
	v63 =	vsub.f32 v58, v34;
	v36 =	vmul.f32 v31, v28  }
0x216: {  	v14 =	vmul.f32 v31, v14;
	v29 =	vadd.f32 v32, v29;
	v30 =	vsub.f32 v16, v27;
	v16 =	vld [tilespmem:s3+$0x21C0]  }
0x217: {  	v22 =	vsub.f32 v22, v34;
	v13 =	vmul.f32 v31, v13;
	v62 =	vadd.f32 v60, v59;
	v60 =	vld [tilespmem:s3+$0x21E0]  }
0x218: {  	s31 =	smul.u32 $0xFFFFCE00, s29;
	v55 =	vld [tilespmem:s3+$0x2180];
	v21 =	vsub.f32 v21, v34;
	v56 =	vsub.f32 v20, v34;
	v28 =	vperm.xlane v29, v0  }
0x219: {  	v15 =	vmul.f32 v31, v15;
	v20 =	vld [tilespmem:s3+$0x2190];
	v35 =	vsub.f32 v17, v27;
	v23 =	vadd.f32 v23, v62  }
0x21a: {  	s28 =	rddreg [dreg:$0x17];
	s20 =	sshra.s32 s31, $0x2;
	v37 =	vmul.f32 v31, v12;
	v17 =	vld [tilespmem:s3+$0x21A0];
	v34 =	vsub.f32 v19, v27;
	v29 =	vadd.f32 v29, v28  }
0x21b: {  	s15 =	rddreg [dreg:$0x18];
	s24 =	sadd.s32 s20, s28;
	s7 =	sadd.s32 s6, s11;
	v31 =	vsub.f32 v18, v27;
	v18 =	vld [tilespmem:s3+$0x21B0];
	v27 =	vsub.f32 v15, v36;
	v28 =	vperm.xlane v23, v0  }
0x21c: {  	s18 =	rddreg [dreg:$0x19];
	s26 =	sadd.s32 s20, s15;
	v51 =	vld [tilespmem:s7+$0x0];
	s4 =	sadd.s32 s6, s24;
	v15 =	vadd.f32 v46, v16;
	v16 =	vadd.f32 v50, v60;
	v12 =	vperm.xlane v29, v1  }
0x21d: {  	s28 =	sadd.s32 s20, s18;
	s7 =	sadd.s32 s6, s26;
	v52 =	vld [tilespmem:s4+$0x0];
	v32 =	vmul.f32 v22, v10;
	v19 =	vadd.f32 v28, v23;
	v28 =	vsub.f32 v14, v36  }
0x21e: {  	s4 =	sadd.s32 s6, s28;
	v53 =	vld [tilespmem:s7+$0x0];
	v33 =	vmul.f32 v21, v8;
	v14 =	vadd.f32 v29, v12;
	v29 =	vsub.f32 v13, v36  }
0x21f: {  	v54 =	vld [tilespmem:s4+$0x0];
	v23 =	vperm.xlane v19, v1;
	v12 =	vadd.f32 v48, v55;
	v13 =	vadd.f32 v49, v20  }
0x220: {  	v22 =	vld [tilespmem:s3+$0x21D0];
	v20 =	vadd.f32 v39, v17;
	v17 =	vadd.f32 v45, v18;
	v61 =	vperm.xlane v14, v2  }
0x221: {  	v21 =	vld [tilespmem:s3+$0x21F0];
	v19 =	vadd.f32 v23, v19;
	v39 =	vadd.f32 v13, v12;
	v45 =	vmul.f32 v12, v12  }
0x222: {  	v46 =	vld [tilespmem:s3+$0x2210];
	v49 =	vadd.f32 v17, v20;
	v59 =	vmul.f32 v13, v13;
	v48 =	vmul.f32 v20, v20  }
0x223: {  	v18 =	vld [tilespmem:s3+$0x2200];
	v60 =	vmul.f32 v17, v17;
	v14 =	vadd.f32 v14, v61;
	v23 =	vperm.xlane v19, v2  }
0x224: {  	v38 =	vmul.f32 v63, v11;
	v55 =	vld [tilespmem:s3+$0x2220];
	v49 =	vadd.f32 v49, v39;
	v45 =	vadd.f32 v59, v45  }
0x225: {  	s29 =	rddreg [dreg:$0x1a];
	v48 =	vadd.f32 v60, v48;
	v57 =	vperm.xlane v14, v3;
	v19 =	vadd.f32 v23, v19  }
0x226: {  	s0 =	sadd.s32 s20, s29;
	v39 =	vmul.f32 v56, v6;
	v23 =	vadd.f32 v47, v22;
	v22 =	vadd.f32 v51, v21  }
0x227: {  	s0 =	sadd.s32 s6, s0;
	v21 =	vadd.f32 v53, v46;
	v50 =	vadd.f32 v14, v57;
	v57 =	vperm.xlane v19, v3  }
0x228: {  	v58 =	vld [tilespmem:s0+$0x0];
	v14 =	vadd.f32 v52, v18;
	v51 =	vadd.f32 v23, v15;
	v52 =	vmul.f32 v15, v15  }
0x229: {  	v47 =	vld [tilespmem:s3+$0x2230];
	v18 =	vadd.f32 v54, v55;
	v50 =	vmul.f32 $1.562500000e-02, v50;
	v19 =	vadd.f32 v57, v19  }
0x22a: {  	v46 =	vadd.f32 v22, v16;
	v55 =	vmul.f32 v23, v23;
	v54 =	vmul.f32 v22, v22  }
0x22b: {  	v45 =	vadd.f32 v48, v45;
	v62 =	vmul.f32 $1.562500000e-02, v19;
	v63 =	vmul.f32 v50, v50  }
0x22c: {  	v60 =	vmul.f32 v21, v21;
	v57 =	vmul.f32 v16, v16;
	v46 =	vadd.f32 v46, v51  }
0x22d: {  	v59 =	vmul.f32 v14, v14;
	v52 =	vadd.f32 v55, v52;
	v53 =	vsub.f32 v62, v63  }
0x22e: {  	v51 =	vmul.f32 v18, v18;
	v19 =	vadd.f32 v58, v47;
	v47 =	vadd.f32 v21, v14  }
0x22f: {  	v54 =	vadd.f32 v54, v57;
	v57 =	vperm.xlane v49, v0;
	v53 =	vadd.f32 $9.999999740e-06, v53  }
0x230: {  	v58 =	vadd.f32 v19, v18;
	v61 =	vmul.f32 v19, v19;
	v63 =	vadd.f32 v60, v59  }
0x231: {  	v48 =	vadd.f32 v54, v52;
	v62 =	vshrl.u32 v53, $0x1;
	v53 =	vmul.f32 $5.000000000e-01, v53  }
0x232: {  	v49 =	vadd.f32 v49, v57;
	v51 =	vadd.f32 v61, v51;
	v56 =	vsub.s32 $0x5F3759DF, v62  }
0x233: {  	v47 =	vadd.f32 v58, v47;
	v61 =	vperm.xlane v46, v0;
	v60 =	vmul.f32 v56, v53  }
0x234: {  	v52 =	vperm.xlane v48, v0;
	v51 =	vadd.f32 v51, v63;
	v63 =	vperm.xlane v45, v0  }
0x235: {  	v62 =	vperm.xlane v47, v0;
	v55 =	vmul.f32 v56, v60  }
0x236: {  	v46 =	vadd.f32 v46, v61;
	v61 =	vperm.xlane v49, v1;
	v45 =	vadd.f32 v63, v45  }
0x237: {  	v47 =	vadd.f32 v47, v62;
	v62 =	vperm.xlane v51, v0;
	v60 =	vsub.f32 $1.500000000e+00, v55  }
0x238: {  	v48 =	vadd.f32 v52, v48;
	v63 =	vperm.xlane v46, v1;
	v49 =	vadd.f32 v49, v61  }
0x239: {  	v61 =	vperm.xlane v45, v1;
	v51 =	vadd.f32 v62, v51;
	v52 =	vmul.f32 v56, v60  }
0x23a: {  	v46 =	vadd.f32 v46, v63;
	v62 =	vperm.xlane v48, v1;
	v60 =	vperm.xlane v47, v1  }
0x23b: {  	v45 =	vadd.f32 v61, v45;
	v54 =	vperm.xlane v51, v1;
	v53 =	vmul.f32 v52, v53  }
0x23c: {  	v63 =	vperm.xlane v49, v2;
	v48 =	vadd.f32 v62, v48;
	v47 =	vadd.f32 v47, v60  }
0x23d: {  	[tilespmem:s30+$0x2250] =	vst v42;
	v62 =	vperm.xlane v45, v2;
	v51 =	vadd.f32 v54, v51;
	v53 =	vmul.f32 v53, v52  }
0x23e: {  	[tilespmem:s30+$0x2270] =	vst v40;
	v49 =	vadd.f32 v49, v63;
	v60 =	vperm.xlane v46, v2;
	v61 =	vperm.xlane v47, v2  }
0x23f: {  	[tilespmem:s30+$0x2240] =	vst v41;
	v63 =	vperm.xlane v48, v2;
	v57 =	vperm.xlane v51, v2;
	v53 =	vsub.f32 $1.500000000e+00, v53  }
0x240: {  	s31 =	sld [smem:$0x7D9];
	v54 =	vadd.f32 v46, v60;
	v60 =	vperm.xlane v49, v3;
	v56 =	vadd.f32 v47, v61  }
0x241: {  	v40 =	vadd.f32 v63, v48;
	v47 =	vadd.f32 v62, v45;
	v46 =	vmul.f32 v53, v52  }
0x242: {  	v61 =	vperm.xlane v54, v3;
	v41 =	vadd.f32 v49, v60;
	v63 =	vperm.xlane v56, v3  }
0x243: {  	s0 =	sadd.s32 s25, s31;
	v45 =	vmul.f32 v46, v50;
	v62 =	vmul.f32 v46, v43;
	v43 =	vadd.f32 v57, v51  }
0x244: {  	[smem:$0x7C4] =	sst s0;
	v49 =	vperm.xlane v47, v3;
	v48 =	vadd.f32 v54, v61;
	v51 =	vperm.xlane v40, v3  }
0x245: {  	s6 =	simm.s32 $0x400;
	s7 =	simm.s32 $0x4;
	[tilespmem:s30+$0x2260] =	vst v44;
	v52 =	vadd.f32 v56, v63;
	v50 =	vsub.f32 v62, v45;
	v44 =	vperm.xlane v43, v3  }
.LBB2_5:
0x246: {  	s4 =	rddreg [dreg:$0xc]  }
0x247: {  	s0 =	rddreg [dreg:$0xd];
	v36 =	vsub.f32 v37, v36;
	v25 =	vmul.f32 v46, v25;
	v24 =	vmul.f32 v46, v24  }
0x248: {  	s12 =	rddreg [dreg:$0xe];
	v38 =	vadd.f32 v38, v9;
	v26 =	vmul.f32 v46, v26;
	v35 =	vmul.f32 v35, v11  }
0x249: {  	s13 =	rddreg [dreg:$0xf];
	v34 =	vmul.f32 v34, v10;
	v32 =	vadd.f32 v32, v7;
	v31 =	vmul.f32 v31, v8  }
0x24a: {  	s16 =	rddreg [dreg:$0x14];
	s5 =	sadd.s32 $0x4, s5;
	v30 =	vmul.f32 v30, v6;
	v42 =	vmul.f32 $1.562500000e-02, v41;
	v47 =	vadd.f32 v49, v47  }
0x24b: {  	s14 =	rddreg [dreg:$0x15];
	s8 =	sadd.s32 $0x4, s8;
	v41 =	vmul.f32 $1.562500000e-02, v48;
	v61 =	vadd.f32 v51, v40;
	v40 =	vmul.f32 $1.562500000e-02, v52;
	s10 =	smulhi.u32 $0x51EB851F, s5  }
0x24c: {  	s20 =	rddreg [dreg:$0x16];
	s19 =	sadd.s32 $0x4, s19;
	v43 =	vadd.f32 v44, v43;
	s18 =	smulhi.u32 $0x51EB851F, s8;
	v47 =	vmul.f32 $1.562500000e-02, v47;
	v63 =	vmul.f32 v42, v42  }
0x24d: {  	s15 =	rddreg [dreg:$0x17];
	v33 =	vadd.f32 v33, v5;
	s22 =	smulhi.u32 $0x51EB851F, s19;
	v48 =	vmul.f32 $1.562500000e-02, v61;
	v52 =	vmul.f32 v41, v41;
	s10 =	sshrl.u32 s10, $0x4  }
0x24e: {  	s9 =	rddreg [dreg:$0x18];
	v43 =	vmul.f32 $1.562500000e-02, v43;
	v54 =	vmul.f32 v40, v40;
	s18 =	sshrl.u32 s18, $0x4;
	s10 =	smul.u32 $0xFFFFCE00, s10;
	v53 =	vsub.f32 v47, v63  }
0x24f: {  	s31 =	rddreg [dreg:$0x19];
	v28 =	vmul.f32 v28, v11;
	v25 =	vsub.f32 v25, v45;
	s22 =	sshrl.u32 s22, $0x4;
	s18 =	smul.u32 $0xFFFFCE00, s18;
	v37 =	vsub.f32 v48, v52  }
0x250: {  	s28 =	rddreg [dreg:$0x1a];
	v29 =	vmul.f32 v29, v10;
	s22 =	smul.u32 $0xFFFFCE00, s22;
	v43 =	vsub.f32 v43, v54;
	s24 =	sshra.s32 s10, $0x2;
	v55 =	vadd.f32 $9.999999740e-06, v53  }
0x251: {  	s1 =	sadd.s32 $0x4, s1;
	v60 =	vmul.f32 v50, v6;
	v24 =	vsub.f32 v24, v45;
	s11 =	sshra.s32 s18, $0x2;
	v37 =	vadd.f32 $9.999999740e-06, v37;
	s25 =	sadd.s32 s24, s4  }
0x252: {  	v26 =	vsub.f32 v26, v45;
	v43 =	vadd.f32 $9.999999740e-06, v43;
	s4 =	sshra.s32 s22, $0x2;
	s10 =	sadd.s32 s24, s0;
	s12 =	sadd.s32 s24, s12;
	v44 =	vshrl.u32 v55, $0x1  }
0x253: {  	[tilespmem:s30+$0x2180] =	vst v38;
	s13 =	sadd.s32 s24, s13;
	s29 =	sadd.s32 s11, s16;
	s16 =	smulhi.u32 $0x51EB851F, s1;
	v38 =	vmul.f32 $5.000000000e-01, v55;
	v56 =	vshrl.u32 v37, $0x1;
	v37 =	vmul.f32 $5.000000000e-01, v37  }
0x254: {  	s24 =	sadd.s32 s11, s20;
	s20 =	sadd.s32 s4, s15;
	s18 =	sadd.s32 s4, s9;
	v57 =	vshrl.u32 v43, $0x1;
	v43 =	vmul.f32 $5.000000000e-01, v43;
	v44 =	vsub.s32 $0x5F3759DF, v44  }
0x255: {  	s22 =	sadd.s32 s4, s31;
	s4 =	sadd.s32 s4, s28;
	s28 =	sshrl.u32 s16, $0x4;
	v46 =	vsub.s32 $0x5F3759DF, v56;
	v47 =	vsub.s32 $0x5F3759DF, v57;
	v58 =	vmul.f32 v44, v38  }
0x256: {  	s26 =	rddreg [dreg:$0x1b];
	s6 =	sadd.s32 $0x400, s6;
	v62 =	vadd.f32 v60, v4;
	s9 =	smul.u32 $0xFFFFCE00, s28;
	v59 =	vmul.f32 v46, v37;
	v60 =	vmul.f32 v47, v43  }
0x257: {  	v35 =	vadd.f32 v35, v9;
	v34 =	vadd.f32 v34, v7;
	s0 =	sadd.s32 s11, s14;
	s11 =	sadd.s32 s11, s26;
	s26 =	sadd.s32 s6, s2;
	v61 =	vmul.f32 v44, v58  }
0x258: {  	v31 =	vadd.f32 v31, v5;
	[tilespmem:s3+$0x2270] =	vst v62;
	s31 =	rddreg [dreg:$0x10];
	s16 =	sshra.s32 s6, $0x2;
	s9 =	sshra.s32 s9, $0x2;
	v62 =	vmul.f32 v46, v59;
	v63 =	vmul.f32 v47, v60  }
0x259: {  	v27 =	vmul.f32 v27, v8;
	v30 =	vadd.f32 v30, v4;
	s15 =	rddreg [dreg:$0x11];
	s26 =	sshra.s32 s26, $0x2;
	v53 =	vld [tilespmem:s16+$0x2240];
	s14 =	sadd.s32 s9, s31;
	v45 =	vsub.f32 $1.500000000e+00, v61  }
0x25a: {  	v25 =	vmul.f32 v25, v11;
	v54 =	vld [tilespmem:s16+$0x2250];
	s15 =	sadd.s32 s9, s15;
	s14 =	sadd.s32 s26, s14;
	v48 =	vsub.f32 $1.500000000e+00, v62;
	v50 =	vsub.f32 $1.500000000e+00, v63  }
0x25b: {  	[tilespmem:s30+$0x2190] =	vst v32;
	v28 =	vadd.f32 v28, v9;
	v56 =	vmul.f32 v36, v6;
	s15 =	sadd.s32 s26, s15;
	v58 =	vld [tilespmem:s14+$0x0];
	v51 =	vmul.f32 v44, v45  }
0x25c: {  	v27 =	vadd.f32 v27, v5;
	[tilespmem:s30+$0x21E0] =	vst v31;
	v31 =	vld [tilespmem:s15+$0x0];
	v52 =	vmul.f32 v46, v48;
	v32 =	vmul.f32 v47, v50  }
0x25d: {  	v24 =	vmul.f32 v24, v10;
	v59 =	vadd.f32 v25, v9;
	v38 =	vmul.f32 v51, v38  }
0x25e: {  	[tilespmem:s30+$0x21A0] =	vst v33;
	s28 =	rddreg [dreg:$0x12];
	v25 =	vadd.f32 v56, v4;
	v37 =	vmul.f32 v52, v37;
	v43 =	vmul.f32 v32, v43  }
0x25f: {  	[tilespmem:s30+$0x2200] =	vst v28;
	v28 =	vadd.f32 v29, v7;
	v55 =	vld [tilespmem:s16+$0x2260];
	s31 =	rddreg [dreg:$0x13];
	s28 =	sadd.s32 s9, s28;
	v60 =	vadd.f32 v24, v7;
	v38 =	vmul.f32 v38, v51  }
0x260: {  	v57 =	vld [tilespmem:s16+$0x2270];
	s9 =	sadd.s32 s9, s31;
	s31 =	sadd.s32 s26, s28;
	[tilespmem:s30+$0x2230] =	vst v25;
	v25 =	vadd.f32 v58, v53;
	v37 =	vmul.f32 v37, v52;
	v43 =	vmul.f32 v43, v32  }
0x261: {  	[tilespmem:s30+$0x21F0] =	vst v30;
	v26 =	vmul.f32 v26, v8;
	v30 =	vld [tilespmem:s31+$0x0];
	s9 =	sadd.s32 s26, s9;
	v24 =	vadd.f32 v31, v54;
	v38 =	vsub.f32 $1.500000000e+00, v38  }
0x262: {  	[tilespmem:s30+$0x21C0] =	vst v35;
	v29 =	vld [tilespmem:s9+$0x0];
	v31 =	vmul.f32 v25, v25;
	v37 =	vsub.f32 $1.500000000e+00, v37;
	v43 =	vsub.f32 $1.500000000e+00, v43  }
0x263: {  	[tilespmem:s30+$0x21D0] =	vst v34;
	v56 =	vmul.f32 v24, v24;
	v33 =	vmul.f32 v38, v51  }
0x264: {  	v39 =	vadd.f32 v39, v4;
	[tilespmem:s30+$0x2220] =	vst v27;
	s24 =	sadd.s32 s26, s24;
	v37 =	vmul.f32 v37, v52;
	v32 =	vmul.f32 v43, v32  }
0x265: {  	[tilespmem:s30+$0x2210] =	vst v28;
	v27 =	vadd.f32 v26, v5;
	s0 =	sadd.s32 s26, s0;
	v62 =	vld [tilespmem:s24+$0x0];
	v28 =	vmul.f32 v33, v42;
	v12 =	vmul.f32 v33, v12  }
0x266: {  	[tilespmem:s30+$0x21B0] =	vst v39;
	s15 =	sadd.s32 s26, s25;
	v63 =	vld [tilespmem:s0+$0x0];
	v26 =	vadd.f32 v30, v55;
	v13 =	vmul.f32 v33, v13;
	v20 =	vmul.f32 v33, v20  }
0x267: {  	s28 =	sadd.s32 s26, s20;
	v61 =	vld [tilespmem:s15+$0x0];
	v17 =	vmul.f32 v33, v17;
	v42 =	vadd.f32 v29, v57;
	v29 =	vmul.f32 v37, v41  }
0x268: {  	s30 =	smov.u32 s3;
	s3 =	smov.u32 s16;
	v49 =	vld [tilespmem:s28+$0x0];
	v15 =	vmul.f32 v37, v15;
	v23 =	vmul.f32 v37, v23  }
0x269: {  	s13 =	sadd.s32 s26, s13;
	[tilespmem:s30+$0x2240] =	vst v59;
	v59 =	vld [tilespmem:s3+$0x2180];
	v57 =	vmul.f32 v26, v26;
	v16 =	vmul.f32 v37, v16  }
0x26a: {  	s10 =	sadd.s32 s26, s10;
	v44 =	vld [tilespmem:s13+$0x0];
	v30 =	vadd.f32 v24, v25;
	v22 =	vmul.f32 v37, v22;
	v36 =	vmul.f32 v32, v40  }
0x26b: {  	s12 =	sadd.s32 s26, s12;
	[tilespmem:s30+$0x2260] =	vst v27;
	v47 =	vld [tilespmem:s10+$0x0];
	v14 =	vmul.f32 v32, v14;
	v27 =	vadd.f32 v42, v26;
	v12 =	vsub.f32 v12, v28  }
0x26c: {  	v43 =	vld [tilespmem:s12+$0x0];
	v58 =	vmul.f32 v42, v42;
	v13 =	vsub.f32 v13, v28;
	v52 =	vsub.f32 v17, v28  }
0x26d: {  	v21 =	vmul.f32 v32, v21;
	v17 =	vld [tilespmem:s3+$0x2190];
	v35 =	vsub.f32 v15, v29;
	v27 =	vadd.f32 v27, v30  }
0x26e: {  	v18 =	vmul.f32 v32, v18;
	v15 =	vld [tilespmem:s3+$0x21A0];
	v30 =	vadd.f32 v56, v31;
	v31 =	vadd.f32 v58, v57  }
0x26f: {  	s11 =	sadd.s32 s26, s11;
	[tilespmem:s30+$0x2250] =	vst v60;
	v60 =	vld [tilespmem:s3+$0x21E0];
	v37 =	vmul.f32 v32, v19;
	v20 =	vsub.f32 v20, v28;
	v34 =	vsub.f32 v23, v29  }
0x270: {  	s25 =	sadd.s32 s26, s29;
	v45 =	vld [tilespmem:s11+$0x0];
	v28 =	vsub.f32 v14, v36;
	v30 =	vadd.f32 v31, v30;
	v31 =	vperm.xlane v27, v0  }
0x271: {  	s29 =	sadd.s32 s26, s18;
	v46 =	vld [tilespmem:s25+$0x0];
	v38 =	vmul.f32 v12, v11;
	v32 =	vmul.f32 v13, v10;
	v12 =	vadd.f32 v44, v59  }
0x272: {  	v50 =	vld [tilespmem:s29+$0x0];
	v13 =	vadd.f32 v43, v17;
	v19 =	vadd.f32 v27, v31;
	v27 =	vperm.xlane v30, v0  }
0x273: {  	v33 =	vmul.f32 v20, v8;
	v20 =	vadd.f32 v47, v15;
	v31 =	vsub.f32 v16, v29;
	v16 =	vld [tilespmem:s3+$0x21B0]  }
0x274: {  	s4 =	sadd.s32 s26, s4;
	v23 =	vperm.xlane v19, v1;
	v53 =	vadd.f32 v27, v30;
	v30 =	vsub.f32 v22, v29;
	v22 =	vld [tilespmem:s3+$0x21C0]  }
0x275: {  	v51 =	vld [tilespmem:s4+$0x0];
	v47 =	vmul.f32 v12, v12;
	v44 =	vadd.f32 v13, v12;
	v54 =	vmul.f32 v13, v13  }
0x276: {  	v14 =	vld [tilespmem:s3+$0x21D0];
	v29 =	vsub.f32 v21, v36;
	v19 =	vadd.f32 v19, v23;
	v21 =	vperm.xlane v53, v1  }
0x277: {  	v27 =	vsub.f32 v18, v36;
	v18 =	vld [tilespmem:s3+$0x21F0];
	v47 =	vadd.f32 v54, v47  }
0x278: {  	s31 =	sadd.s32 s26, s22;
	v17 =	vadd.f32 v61, v16;
	v61 =	vld [tilespmem:s3+$0x2200];
	v23 =	vperm.xlane v19, v2;
	v21 =	vadd.f32 v21, v53  }
0x279: {  	v40 =	vld [tilespmem:s31+$0x0];
	v56 =	vmul.f32 v20, v20;
	v16 =	vadd.f32 v63, v60;
	v15 =	vadd.f32 v45, v22  }
0x27a: {  	v45 =	vld [tilespmem:s3+$0x2210];
	v53 =	vadd.f32 v17, v20;
	v19 =	vadd.f32 v19, v23;
	v22 =	vperm.xlane v21, v2  }
0x27b: {  	v57 =	vmul.f32 v17, v17;
	v23 =	vadd.f32 v62, v14;
	v62 =	vld [tilespmem:s3+$0x2220];
	v48 =	vmul.f32 v15, v15  }
0x27c: {  	v63 =	vld [tilespmem:s3+$0x2230];
	v44 =	vadd.f32 v53, v44;
	v60 =	vperm.xlane v19, v3;
	v55 =	vadd.f32 v22, v21  }
0x27d: {  	v22 =	vadd.f32 v46, v18;
	v14 =	vadd.f32 v49, v61;
	v43 =	vmul.f32 v23, v23  }
0x27e: {  	v46 =	vadd.f32 v23, v15;
	v19 =	vadd.f32 v19, v60;
	v61 =	vperm.xlane v55, v3  }
0x27f: {  	v21 =	vadd.f32 v50, v45;
	v50 =	vmul.f32 v16, v16;
	v43 =	vadd.f32 v43, v48  }
0x280: {  	v18 =	vadd.f32 v40, v62;
	v45 =	vmul.f32 $1.562500000e-02, v19;
	v62 =	vadd.f32 v61, v55  }
0x281: {  	v58 =	vmul.f32 v14, v14;
	v40 =	vadd.f32 v22, v16;
	v19 =	vadd.f32 v51, v63  }
0x282: {  	v41 =	vadd.f32 v21, v14;
	v39 =	vmul.f32 $1.562500000e-02, v62;
	v63 =	vmul.f32 v45, v45  }
0x283: {  	v51 =	vmul.f32 v22, v22;
	v59 =	vmul.f32 v21, v21;
	v40 =	vadd.f32 v40, v46  }
0x284: {  	v49 =	vmul.f32 v18, v18;
	v60 =	vadd.f32 v19, v18;
	v39 =	vsub.f32 v39, v63  }
0x285: {  	v61 =	vmul.f32 v19, v19;
	v50 =	vadd.f32 v51, v50;
	v63 =	vadd.f32 v57, v56  }
0x286: {  	v41 =	vadd.f32 v60, v41;
	v62 =	vadd.f32 $9.999999740e-06, v39  }
0x287: {  	v56 =	vperm.xlane v44, v0;
	v60 =	vadd.f32 v59, v58;
	v49 =	vadd.f32 v61, v49  }
0x288: {  	v43 =	vadd.f32 v50, v43;
	v57 =	vshrl.u32 v62, $0x1;
	v48 =	vmul.f32 $5.000000000e-01, v62  }
0x289: {  	v39 =	vmul.f32 v52, v6;
	v47 =	vadd.f32 v63, v47;
	v46 =	vsub.s32 $0x5F3759DF, v57  }
0x28a: {  	v49 =	vadd.f32 v49, v60;
	v59 =	vperm.xlane v43, v0;
	v61 =	vmul.f32 v46, v48  }
0x28b: {  	v63 =	vperm.xlane v41, v0;
	v44 =	vadd.f32 v44, v56;
	v62 =	vperm.xlane v40, v0  }
0x28c: {  	v58 =	vperm.xlane v47, v0;
	v43 =	vadd.f32 v59, v43;
	v57 =	vmul.f32 v46, v61  }
0x28d: {  	v41 =	vadd.f32 v41, v63;
	v40 =	vadd.f32 v40, v62;
	v62 =	vperm.xlane v49, v0  }
0x28e: {  	v47 =	vadd.f32 v58, v47;
	v59 =	vperm.xlane v43, v1;
	v60 =	vsub.f32 $1.500000000e+00, v57  }
0x28f: {  	v61 =	vperm.xlane v44, v1;
	v63 =	vperm.xlane v40, v1;
	v49 =	vadd.f32 v62, v49  }
0x290: {  	v58 =	vperm.xlane v47, v1;
	v43 =	vadd.f32 v59, v43;
	v46 =	vmul.f32 v46, v60  }
0x291: {  	v44 =	vadd.f32 v44, v61;
	v57 =	vperm.xlane v41, v1;
	v40 =	vadd.f32 v40, v63  }
0x292: {  	v47 =	vadd.f32 v58, v47;
	v60 =	vperm.xlane v49, v1;
	v48 =	vmul.f32 v46, v48  }
0x293: {  	v41 =	vadd.f32 v41, v57;
	v61 =	vperm.xlane v44, v2;
	v62 =	vperm.xlane v40, v2  }
0x294: {  	v59 =	vperm.xlane v43, v2;
	v49 =	vadd.f32 v60, v49;
	v48 =	vmul.f32 v48, v46  }
0x295: {  	v63 =	vperm.xlane v41, v2;
	v44 =	vadd.f32 v44, v61;
	v58 =	vadd.f32 v40, v62  }
0x296: {  	s7 =	sadd.s32 $0x4, s7;
	v57 =	vperm.xlane v47, v2;
	v40 =	vadd.f32 v59, v43;
	v48 =	vsub.f32 $1.500000000e+00, v48  }
0x297: {  	p0 =	slt.u32 s7, $0x7C;
	v52 =	vadd.f32 v41, v63;
	v60 =	vperm.xlane v49, v2;
	v61 =	vperm.xlane v44, v3  }
.Ltmp1:
0x298: {  	v62 =	vperm.xlane v58, v3;
	v46 =	vmul.f32 v48, v46;
	(pc) =	sbr.rel @p0 .LBB2_5-.Ltmp1, $4  }
0x299: {  	v47 =	vadd.f32 v57, v47;
	v51 =	vperm.xlane v40, v3;
	v63 =	vperm.xlane v52, v3  }
0x29a: {  	v43 =	vadd.f32 v60, v49;
	v45 =	vmul.f32 v46, v45;
	v42 =	vmul.f32 v46, v42  }
0x29b: {  	v41 =	vadd.f32 v44, v61;
	v49 =	vperm.xlane v47, v3;
	v48 =	vadd.f32 v58, v62  }
0x29c: {  	v52 =	vadd.f32 v52, v63;
	v44 =	vperm.xlane v43, v3;
	v50 =	vsub.f32 v42, v45  }
0x29d: {  	v41 =	vmul.f32 $1.562500000e-02, v41;
	v42 =	vadd.f32 v49, v47;
	v48 =	vmul.f32 $1.562500000e-02, v48  }
0x29e: {  	v40 =	vadd.f32 v51, v40;
	v25 =	vmul.f32 v46, v25;
	v49 =	vmul.f32 $1.562500000e-02, v52  }
0x29f: {  	v43 =	vadd.f32 v44, v43;
	v42 =	vmul.f32 $1.562500000e-02, v42;
	v53 =	vmul.f32 v41, v41  }
0x2a0: {  	v36 =	vsub.f32 v37, v36;
	v40 =	vmul.f32 $1.562500000e-02, v40;
	v54 =	vmul.f32 v48, v48  }
0x2a1: {  	v38 =	vadd.f32 v38, v9;
	v56 =	vmul.f32 $1.562500000e-02, v43;
	v57 =	vmul.f32 v49, v49  }
0x2a2: {  	v24 =	vmul.f32 v46, v24;
	v55 =	vsub.f32 v42, v53;
	v40 =	vsub.f32 v40, v54  }
0x2a3: {  	v26 =	vmul.f32 v46, v26;
	v35 =	vmul.f32 v35, v11;
	v42 =	vsub.f32 v56, v57  }
0x2a4: {  	v34 =	vmul.f32 v34, v10;
	v37 =	vadd.f32 $9.999999740e-06, v55;
	v40 =	vadd.f32 $9.999999740e-06, v40  }
0x2a5: {  	v32 =	vadd.f32 v32, v7;
	v63 =	vmul.f32 v50, v6;
	v42 =	vadd.f32 $9.999999740e-06, v42  }
0x2a6: {  	v58 =	vshrl.u32 v37, $0x1;
	v37 =	vmul.f32 $5.000000000e-01, v37;
	v59 =	vshrl.u32 v40, $0x1  }
0x2a7: {  	v40 =	vmul.f32 $5.000000000e-01, v40;
	v43 =	vsub.s32 $0x5F3759DF, v58;
	v44 =	vsub.s32 $0x5F3759DF, v59  }
0x2a8: {  	v60 =	vshrl.u32 v42, $0x1;
	v42 =	vmul.f32 $5.000000000e-01, v42;
	v61 =	vmul.f32 v43, v37  }
0x2a9: {  	v31 =	vmul.f32 v31, v8;
	v62 =	vmul.f32 v44, v40;
	v46 =	vsub.s32 $0x5F3759DF, v60  }
0x2aa: {  	v47 =	vadd.f32 v63, v4;
	v63 =	vmul.f32 v46, v42;
	v50 =	vmul.f32 v43, v61  }
0x2ab: {  	v30 =	vmul.f32 v30, v6;
	v25 =	vsub.f32 v25, v45;
	v56 =	vmul.f32 v44, v62  }
0x2ac: {  	v24 =	vsub.f32 v24, v45;
	v57 =	vmul.f32 v46, v63;
	v50 =	vsub.f32 $1.500000000e+00, v50  }
0x2ad: {  	v28 =	vmul.f32 v28, v11;
	v26 =	vsub.f32 v26, v45;
	v45 =	vsub.f32 $1.500000000e+00, v56  }
0x2ae: {  	v29 =	vmul.f32 v29, v10;
	v51 =	vsub.f32 $1.500000000e+00, v57;
	v43 =	vmul.f32 v43, v50  }
0x2af: {  	v33 =	vadd.f32 v33, v5;
	v27 =	vmul.f32 v27, v8;
	v44 =	vmul.f32 v44, v45  }
0x2b0: {  	v39 =	vadd.f32 v39, v4;
	v58 =	vmul.f32 v46, v51;
	v37 =	vmul.f32 v43, v37  }
0x2b1: {  	v35 =	vadd.f32 v35, v9;
	v34 =	vadd.f32 v34, v7;
	v40 =	vmul.f32 v44, v40  }
0x2b2: {  	v31 =	vadd.f32 v31, v5;
	[tilespmem:s30+$0x2180] =	vst v38;
	v42 =	vmul.f32 v58, v42;
	v37 =	vmul.f32 v37, v43  }
0x2b3: {  	v36 =	vmul.f32 v36, v6;
	v30 =	vadd.f32 v30, v4;
	[tilespmem:s30+$0x2190] =	vst v32;
	v40 =	vmul.f32 v40, v44  }
0x2b4: {  	v28 =	vadd.f32 v28, v9;
	[tilespmem:s30+$0x21A0] =	vst v33;
	v59 =	vmul.f32 v42, v58;
	v37 =	vsub.f32 $1.500000000e+00, v37  }
0x2b5: {  	[tilespmem:s30+$0x21B0] =	vst v39;
	v29 =	vadd.f32 v29, v7;
	v25 =	vmul.f32 v25, v11;
	v60 =	vsub.f32 $1.500000000e+00, v40  }
0x2b6: {  	v24 =	vmul.f32 v24, v10;
	[tilespmem:s30+$0x21C0] =	vst v35;
	v61 =	vsub.f32 $1.500000000e+00, v59;
	v37 =	vmul.f32 v37, v43  }
0x2b7: {  	v27 =	vadd.f32 v27, v5;
	v26 =	vmul.f32 v26, v8;
	[tilespmem:s30+$0x21D0] =	vst v34;
	v32 =	vmul.f32 v60, v44  }
0x2b8: {  	[tilespmem:s30+$0x21E0] =	vst v31;
	v31 =	vadd.f32 v36, v4;
	v33 =	vmul.f32 v61, v58;
	v62 =	vmul.f32 v37, v41  }
0x2b9: {  	[tilespmem:s30+$0x21F0] =	vst v30;
	v25 =	vadd.f32 v25, v9;
	v12 =	vmul.f32 v37, v12;
	v13 =	vmul.f32 v37, v13  }
0x2ba: {  	[tilespmem:s30+$0x2200] =	vst v28;
	v24 =	vadd.f32 v24, v7;
	v20 =	vmul.f32 v37, v20;
	v17 =	vmul.f32 v37, v17  }
0x2bb: {  	[tilespmem:s30+$0x2210] =	vst v29;
	v26 =	vadd.f32 v26, v5;
	v30 =	vmul.f32 v32, v48;
	v15 =	vmul.f32 v32, v15  }
0x2bc: {  	[tilespmem:s30+$0x2220] =	vst v27;
	v23 =	vmul.f32 v32, v23;
	v16 =	vmul.f32 v32, v16;
	v12 =	vsub.f32 v12, v62  }
0x2bd: {  	[tilespmem:s3+$0x2270] =	vst v47;
	v22 =	vmul.f32 v32, v22;
	v28 =	vmul.f32 v33, v49;
	v13 =	vsub.f32 v13, v62  }
0x2be: {  	[tilespmem:s30+$0x2230] =	vst v31;
	v14 =	vmul.f32 v33, v14;
	v20 =	vsub.f32 v20, v62;
	v12 =	vmul.f32 v12, v11  }
0x2bf: {  	[tilespmem:s3+$0x2240] =	vst v25;
	v21 =	vmul.f32 v33, v21;
	v17 =	vsub.f32 v17, v62;
	v13 =	vmul.f32 v13, v10  }
0x2c0: {  	[tilespmem:s3+$0x2250] =	vst v24;
	v15 =	vsub.f32 v15, v30;
	v20 =	vmul.f32 v20, v8;
	v12 =	vadd.f32 v12, v9  }
0x2c1: {  	[tilespmem:s3+$0x2260] =	vst v26;
	v23 =	vsub.f32 v23, v30;
	v17 =	vmul.f32 v17, v6;
	v13 =	vadd.f32 v13, v7  }
0x2c2: {  	v16 =	vsub.f32 v16, v30;
	[tilespmem:s3+$0x2180] =	vst v12;
	v12 =	vmul.f32 v15, v11;
	v15 =	vadd.f32 v20, v5  }
0x2c3: {  	v20 =	vsub.f32 v22, v30;
	v22 =	vmul.f32 v23, v10;
	[tilespmem:s3+$0x2190] =	vst v13;
	v13 =	vadd.f32 v17, v4  }
0x2c4: {  	v14 =	vsub.f32 v14, v28;
	v16 =	vmul.f32 v16, v8;
	[tilespmem:s3+$0x21A0] =	vst v15;
	v12 =	vadd.f32 v12, v9  }
0x2c5: {  	v15 =	vsub.f32 v21, v28;
	v17 =	vmul.f32 v20, v6;
	[tilespmem:s3+$0x21B0] =	vst v13;
	v13 =	vadd.f32 v22, v7  }
0x2c6: {  	v14 =	vmul.f32 v14, v11;
	[tilespmem:s3+$0x21C0] =	vst v12;
	v12 =	vadd.f32 v16, v5  }
0x2c7: {  	v15 =	vmul.f32 v15, v10;
	[tilespmem:s3+$0x21D0] =	vst v13;
	v13 =	vadd.f32 v17, v4  }
0x2c8: {  	v18 =	vmul.f32 v33, v18;
	[tilespmem:s3+$0x21E0] =	vst v12;
	v12 =	vadd.f32 v14, v9  }
0x2c9: {  	v19 =	vmul.f32 v33, v19;
	[tilespmem:s3+$0x21F0] =	vst v13;
	v13 =	vadd.f32 v15, v7  }
0x2ca: {  	v18 =	vsub.f32 v18, v28;
	[tilespmem:s3+$0x2200] =	vst v12  }
0x2cb: {  	v16 =	vsub.f32 v19, v28;
	[tilespmem:s3+$0x2210] =	vst v13  }
0x2cc: {  	v17 =	vmul.f32 v18, v8;
	s0 =	sld [smem:$0x7C4]  }
0x2cd: {  	v14 =	vmul.f32 v16, v6  }
0x2ce: {  	v12 =	vadd.f32 v17, v5  }
0x2cf: {  	v13 =	vadd.f32 v14, v4;
	s0 =	sshll.u32 s0, $0x3  }
0x2d0: {  	s15 =	rddreg [dreg:$0x3];
	s1 =	simm.s32 $0x0;
	[tilespmem:s3+$0x2220] =	vst v12;
	s0 =	sand.u32 $0x1FFFFC00, s0  }
0x2d1: {  	s16 =	simm.s32 $0x2180;
	s2 =	simm.s32 $0x4;
	[tilespmem:s3+$0x2230] =	vst v13;
	s0 =	sadd.s32 s15, s0  }
0x2d2: {  	[hbm4b:s0+s1] =	stream.linear.scatter [tilespmem:s16], [sflag:$0x5], $0x2000, $0x38;
	[tilespmem:$0x7200] =	vst v63  }
0x2d3: {  	_ =	swait.ge [sflag:s2], $0x2000  }
0x2d4: {  	s4 =	sld [smem:$0x7DA]  }
0x2d5: {  	s5 =	sld [smem:$0x7D0];
	_ =	sdelay $0x1  }
0x2d6: {  	s31 =	sld [smem:$0x7FD]  }
0x2d7: {  	s0 =	sadd.s32 s5, s4  }
0x2d8: {  	[sflag:s2] =	ssyncset.done $0x0;
	s0 =	sshrl.u32 s0, $0x3  }
0x2d9: {  	s6 =	simm.s32 $0x7;
	[sflag:s2] =	ssyncadd.s32 $0xFFFFE000;
	s0 =	sadd.s32 s31, s0  }
0x2da: {  	[tilespmem:s1], [sflag:$0x7] =	stream.linear.gather [hbm4b:s0+s1], $0x80, $0x38;
	[tilespmem:$0x7200] =	vst v63  }
0x2db: {  	_ =	swait.ge [sflag:s6], $0x80  }
0x2dc: {  	s7 =	sld [smem:$0x7D4]  }
0x2dd: {  	[sflag:s6] =	ssyncset.done $0x0;
	s13 =	sld [smem:$0x7C9]  }
0x2de: {  	s8 =	simm.s32 $0x80;
	s9 =	simm.s32 $0x180;
	[sflag:s6] =	ssyncadd.s32 $0xFFFFFF80  }
0x2df: {  	[tilespmem:s9], [sflag:$0x1] =	stream.indirect.gather [hbm4b:s7+s8], $0x40, s1, s8, $0xb8;
	[tilespmem:$0x7200] =	vst v63  }
0x2e0: {  	s11 =	simm.s32 $0x3;
	s10 =	smulhi.u32 $0x51EB851F, s13  }
0x2e1: {  	_ =	swait.ge [sflag:s11], $0x2000  }
0x2e2: {  	s2 =	simm.s32 $0x0;
	[sflag:s11] =	ssyncset.done $0x0;
	s0 =	sshrl.u32 s10, $0x4  }
0x2e3: {  	s14 =	sld [smem:$0x7C8];
	[sflag:s11] =	ssyncadd.s32 $0xFFFFE000;
	s0 =	smul.u32 $0xFFFFCE00, s0  }
0x2e4: {  	v12 =	vld [tilespmem:s2+$0x4240]  }
0x2e5: {  	v13 =	vld [tilespmem:s2+$0x4250];
	s0 =	sshra.s32 s0, $0x2  }
0x2e6: {  	v14 =	vld [tilespmem:s2+$0x4260];
	s0 =	sadd.s32 s0, s14  }
0x2e7: {  	v15 =	vld [tilespmem:s2+$0x4270];
	s0 =	sadd.s32 $0x0, s0  }
0x2e8: {  	v16 =	vld [tilespmem:s0+$0xFFFFFFE0]  }
0x2e9: {  	s22 =	sld [smem:$0x7C5];
	v17 =	vld [tilespmem:s0+$0xFFFFFFF0]  }
0x2ea: {  	v18 =	vld [tilespmem:s0+$0x0]  }
0x2eb: {  	v19 =	vld [tilespmem:s0+$0x10]  }
0x2ec: {  	s12 =	smulhi.u32 $0x51EB851F, s22;
	_ =	sdelay $0x1  }
0x2ed: {  	s1 =	sshrl.u32 s12, $0x4  }
0x2ee: {  	s20 =	sld [smem:$0x7C6];
	s1 =	smul.u32 $0xFFFFCE00, s1;
	v26 =	vadd.f32 v16, v12;
	v25 =	vadd.f32 v17, v13  }
0x2ef: {  	v44 =	vld [tilespmem:s2+$0x41A0];
	v23 =	vadd.f32 v18, v14;
	v27 =	vadd.f32 v19, v15  }
0x2f0: {  	v45 =	vld [tilespmem:s2+$0x41B0];
	s1 =	sshra.s32 s1, $0x2;
	v14 =	vadd.f32 v25, v26  }
0x2f1: {  	v48 =	vld [tilespmem:s2+$0x41E0];
	s18 =	smulhi.u32 $0x51EB851F, s20;
	s1 =	sadd.s32 s1, s23;
	v16 =	vadd.f32 v27, v23;
	v17 =	vmul.f32 v26, v26;
	v18 =	vmul.f32 v25, v25  }
0x2f2: {  	v49 =	vld [tilespmem:s2+$0x41F0];
	s1 =	sadd.s32 $0x0, s1;
	v19 =	vmul.f32 v23, v23;
	v22 =	vmul.f32 v27, v27  }
0x2f3: {  	s3 =	sshrl.u32 s18, $0x4;
	v20 =	vld [tilespmem:s1+$0xFFFFFFE0];
	v14 =	vadd.f32 v16, v14  }
0x2f4: {  	s18 =	sld [smem:$0x7C7];
	s19 =	smul.u32 $0xFFFFCE00, s3;
	v21 =	vld [tilespmem:s1+$0xFFFFFFF0];
	v17 =	vadd.f32 v18, v17;
	v18 =	vadd.f32 v22, v19  }
0x2f5: {  	v28 =	vld [tilespmem:s1+$0x0]  }
0x2f6: {  	s0 =	sshra.s32 s19, $0x2;
	v22 =	vld [tilespmem:s2+$0x4190];
	v17 =	vadd.f32 v18, v17;
	v18 =	vperm.xlane v14, v0  }
0x2f7: {  	s24 =	smulhi.u32 $0x51EB851F, s18;
	s0 =	sadd.s32 s0, s21;
	v12 =	vld [tilespmem:s1+$0x10]  }
0x2f8: {  	s0 =	sadd.s32 $0x0, s0;
	v19 =	vld [tilespmem:s2+$0x4180];
	v14 =	vadd.f32 v14, v18;
	v18 =	vperm.xlane v17, v0  }
0x2f9: {  	s3 =	sshrl.u32 s24, $0x4;
	v13 =	vld [tilespmem:s0+$0xFFFFFFE0]  }
0x2fa: {  	s3 =	smul.u32 $0xFFFFCE00, s3;
	v15 =	vld [tilespmem:s0+$0xFFFFFFF0];
	v24 =	vperm.xlane v14, v1;
	v17 =	vadd.f32 v18, v17  }
0x2fb: {  	v22 =	vadd.f32 v21, v22;
	v18 =	vld [tilespmem:s2+$0x41C0]  }
0x2fc: {  	v29 =	vld [tilespmem:s0+$0x0];
	s25 =	sshra.s32 s3, $0x2;
	v21 =	vadd.f32 v28, v44;
	v14 =	vadd.f32 v14, v24;
	v47 =	vperm.xlane v17, v1  }
0x2fd: {  	v30 =	vld [tilespmem:s0+$0x10];
	s1 =	sadd.s32 s25, s17;
	v53 =	vmul.f32 v22, v22;
	v24 =	vadd.f32 v20, v19;
	v20 =	vadd.f32 v12, v45  }
0x2fe: {  	s1 =	sadd.s32 $0x0, s1;
	v56 =	vmul.f32 v21, v21;
	v19 =	vld [tilespmem:s2+$0x41D0];
	v28 =	vperm.xlane v14, v2;
	v17 =	vadd.f32 v47, v17  }
0x2ff: {  	v16 =	vld [tilespmem:s1+$0x0];
	v50 =	vadd.f32 v22, v24;
	v36 =	vmul.f32 v24, v24;
	v52 =	vadd.f32 v20, v21  }
0x300: {  	v12 =	vld [tilespmem:s2+$0x4200];
	v57 =	vmul.f32 v20, v20;
	v28 =	vadd.f32 v14, v28;
	v14 =	vadd.f32 v13, v18  }
0x301: {  	v54 =	vld [tilespmem:s2+$0x4220];
	v18 =	vadd.f32 v29, v48;
	v34 =	vadd.f32 v52, v50  }
0x302: {  	v31 =	vld [tilespmem:s1+$0x10];
	v51 =	vperm.xlane v17, v2;
	v36 =	vadd.f32 v53, v36;
	v37 =	vadd.f32 v57, v56  }
0x303: {  	v13 =	vld [tilespmem:s2+$0x4210];
	v19 =	vadd.f32 v15, v19;
	v15 =	vadd.f32 v30, v49  }
0x304: {  	v46 =	vld [tilespmem:s1+$0x30];
	v55 =	vperm.xlane v28, v3;
	v17 =	vadd.f32 v51, v17;
	v59 =	vmul.f32 v14, v14  }
0x305: {  	v29 =	vld [tilespmem:s2+$0x4230];
	v16 =	vadd.f32 v16, v12;
	v62 =	vmul.f32 v18, v18;
	v52 =	vperm.xlane v34, v0  }
0x306: {  	v63 =	vld [tilespmem:s1+$0x20];
	v36 =	vadd.f32 v37, v36;
	v28 =	vadd.f32 v28, v55;
	v30 =	vperm.xlane v17, v3  }
0x307: {  	v58 =	vadd.f32 v19, v14;
	v60 =	vmul.f32 v19, v19;
	v49 =	vmul.f32 v16, v16  }
0x308: {  	v13 =	vadd.f32 v31, v13;
	v31 =	vmul.f32 $1.562500000e-02, v28;
	v28 =	vadd.f32 v30, v17  }
0x309: {  	v34 =	vadd.f32 v34, v52;
	v32 =	vadd.f32 v60, v59;
	v59 =	vperm.xlane v36, v0  }
0x30a: {  	v12 =	vadd.f32 v46, v29;
	v28 =	vmul.f32 $1.562500000e-02, v28;
	v29 =	vmul.f32 v31, v31  }
0x30b: {  	v17 =	vadd.f32 v63, v54;
	v30 =	vadd.f32 v15, v18;
	v63 =	vmul.f32 v15, v15  }
0x30c: {  	v61 =	vadd.f32 v13, v16;
	v51 =	vmul.f32 v12, v12;
	v28 =	vsub.f32 v28, v29  }
0x30d: {  	v36 =	vadd.f32 v59, v36;
	v48 =	vadd.f32 v12, v17;
	v50 =	vmul.f32 v17, v17  }
0x30e: {  	v54 =	vadd.f32 v63, v62;
	v62 =	vperm.xlane v34, v1;
	v28 =	vadd.f32 $9.999999740e-06, v28  }
0x30f: {  	v30 =	vadd.f32 v30, v58;
	v46 =	vperm.xlane v36, v1;
	v29 =	vmul.f32 v13, v13  }
0x310: {  	v35 =	vadd.f32 v48, v61;
	v53 =	vshrl.u32 v28, $0x1;
	v28 =	vmul.f32 $5.000000000e-01, v28  }
0x311: {  	v39 =	vadd.f32 v51, v50;
	v32 =	vadd.f32 v54, v32;
	v33 =	vsub.s32 $0x5F3759DF, v53  }
0x312: {  	v56 =	vperm.xlane v30, v0;
	v29 =	vadd.f32 v29, v49;
	v55 =	vmul.f32 v33, v28  }
0x313: {  	v34 =	vadd.f32 v34, v62;
	v36 =	vadd.f32 v46, v36;
	v57 =	vperm.xlane v35, v0  }
0x314: {  	v60 =	vperm.xlane v32, v0;
	v29 =	vadd.f32 v39, v29;
	v58 =	vmul.f32 v33, v55  }
0x315: {  	v30 =	vadd.f32 v30, v56;
	v40 =	vperm.xlane v34, v2;
	v51 =	vperm.xlane v36, v2  }
0x316: {  	v35 =	vadd.f32 v35, v57;
	v63 =	vperm.xlane v29, v0;
	v61 =	vsub.f32 $1.500000000e+00, v58  }
0x317: {  	v44 =	vperm.xlane v30, v1;
	v32 =	vadd.f32 v60, v32;
	v34 =	vadd.f32 v34, v40  }
0x318: {  	v45 =	vperm.xlane v35, v1;
	v29 =	vadd.f32 v63, v29;
	v33 =	vmul.f32 v33, v61  }
0x319: {  	v36 =	vadd.f32 v51, v36;
	v47 =	vperm.xlane v32, v1;
	v52 =	vperm.xlane v34, v3  }
0x31a: {  	v30 =	vadd.f32 v30, v44;
	v48 =	vperm.xlane v29, v1;
	v28 =	vmul.f32 v33, v28  }
0x31b: {  	v35 =	vadd.f32 v35, v45;
	v32 =	vadd.f32 v47, v32;
	v55 =	vperm.xlane v36, v3  }
0x31c: {  	v29 =	vadd.f32 v48, v29;
	v49 =	vmul.f32 v28, v33;
	v28 =	vperm.xlane v30, v2  }
0x31d: {  	v34 =	vadd.f32 v34, v52;
	v50 =	vperm.xlane v35, v2;
	v59 =	vadd.f32 v55, v36  }
0x31e: {  	v37 =	vperm.xlane v29, v2;
	v28 =	vadd.f32 v30, v28;
	v30 =	vperm.xlane v32, v2  }
0x31f: {  	v58 =	vmul.f32 $1.562500000e-02, v34;
	v35 =	vadd.f32 v35, v50  }
0x320: {  	v61 =	vmul.f32 $1.562500000e-02, v59;
	v29 =	vadd.f32 v37, v29;
	v30 =	vadd.f32 v30, v32  }
0x321: {  	v54 =	vperm.xlane v35, v3;
	v53 =	vperm.xlane v28, v3  }
0x322: {  	v57 =	vperm.xlane v29, v3;
	v63 =	vsub.f32 $1.500000000e+00, v49;
	v56 =	vperm.xlane v30, v3  }
0x323: {  	v62 =	vmul.f32 v58, v58;
	v32 =	vadd.f32 v35, v54;
	v28 =	vadd.f32 v28, v53  }
0x324: {  	v29 =	vadd.f32 v57, v29;
	v33 =	vmul.f32 v63, v33;
	v30 =	vadd.f32 v56, v30  }
0x325: {  	v60 =	vmul.f32 $1.562500000e-02, v28;
	v28 =	vmul.f32 $1.562500000e-02, v32  }
0x326: {  	v29 =	vmul.f32 $1.562500000e-02, v29;
	v32 =	vsub.f32 v61, v62;
	v30 =	vmul.f32 $1.562500000e-02, v30  }
0x327: {  	s3 =	sadd.s32 $0x4, s13;
	v42 =	vmul.f32 v60, v60;
	v43 =	vmul.f32 v28, v28  }
0x328: {  	s26 =	smulhi.u32 $0x51EB851F, s3;
	v31 =	vmul.f32 v33, v31;
	v32 =	vadd.f32 $9.999999740e-06, v32  }
0x329: {  	v27 =	vmul.f32 v33, v27;
	v30 =	vsub.f32 v30, v42;
	v29 =	vsub.f32 v29, v43  }
0x32a: {  	s0 =	sshrl.u32 s26, $0x4;
	v26 =	vmul.f32 v33, v26;
	v44 =	vshrl.u32 v32, $0x1;
	v32 =	vmul.f32 $5.000000000e-01, v32  }
0x32b: {  	s0 =	smul.u32 $0xFFFFCE00, s0;
	v34 =	vsub.s32 $0x5F3759DF, v44;
	v30 =	vadd.f32 $9.999999740e-06, v30;
	v29 =	vadd.f32 $9.999999740e-06, v29  }
0x32c: {  	v25 =	vmul.f32 v33, v25;
	v47 =	vmul.f32 v34, v32  }
0x32d: {  	s0 =	sshra.s32 s0, $0x2;
	v45 =	vshrl.u32 v30, $0x1;
	v30 =	vmul.f32 $5.000000000e-01, v30;
	v46 =	vshrl.u32 v29, $0x1  }
0x32e: {  	s1 =	simm.s32 $0x100;
	s0 =	sadd.s32 s0, s14;
	v29 =	vmul.f32 $5.000000000e-01, v29;
	v37 =	vmul.f32 v34, v47;
	v35 =	vsub.s32 $0x5F3759DF, v45  }
0x32f: {  	s0 =	sadd.s32 $0x100, s0;
	v52 =	vld [tilespmem:s1+$0x4260];
	v23 =	vmul.f32 v33, v23;
	v36 =	vsub.s32 $0x5F3759DF, v46;
	v48 =	vmul.f32 v35, v30  }
0x330: {  	v27 =	vsub.f32 v27, v31;
	v56 =	vld [tilespmem:s0+$0x0];
	v49 =	vmul.f32 v36, v29;
	v37 =	vsub.f32 $1.500000000e+00, v37  }
0x331: {  	v50 =	vld [tilespmem:s1+$0x4240];
	v26 =	vsub.f32 v26, v31;
	v25 =	vsub.f32 v25, v31;
	v38 =	vmul.f32 v35, v48  }
0x332: {  	v54 =	vld [tilespmem:s0+$0xFFFFFFE0];
	v23 =	vsub.f32 v23, v31;
	v39 =	vmul.f32 v36, v49;
	v37 =	vmul.f32 v34, v37  }
0x333: {  	v57 =	vld [tilespmem:s0+$0x10];
	v27 =	vmul.f32 v27, v6;
	v26 =	vmul.f32 v26, v11;
	v38 =	vsub.f32 $1.500000000e+00, v38  }
0x334: {  	s19 =	sadd.s32 $0x4, s22;
	v53 =	vld [tilespmem:s1+$0x4270];
	v25 =	vmul.f32 v25, v10;
	v39 =	vsub.f32 $1.500000000e+00, v39;
	v32 =	vmul.f32 v37, v32  }
0x335: {  	s5 =	sadd.s32 $0x4, s20;
	s4 =	smulhi.u32 $0x51EB851F, s19;
	v23 =	vmul.f32 v23, v8;
	v40 =	vadd.f32 v56, v52;
	v35 =	vmul.f32 v35, v38  }
0x336: {  	s6 =	smulhi.u32 $0x51EB851F, s5;
	v36 =	vmul.f32 v36, v39;
	v32 =	vmul.f32 v32, v37  }
0x337: {  	s4 =	sshrl.u32 s4, $0x4;
	v51 =	vld [tilespmem:s1+$0x4250];
	v41 =	vadd.f32 v23, v5;
	v61 =	vmul.f32 v40, v40;
	v30 =	vmul.f32 v35, v30  }
0x338: {  	s28 =	sshrl.u32 s6, $0x4;
	s4 =	smul.u32 $0xFFFFCE00, s4;
	v55 =	vld [tilespmem:s0+$0xFFFFFFF0];
	v34 =	vadd.f32 v27, v4;
	v29 =	vmul.f32 v36, v29;
	v31 =	vsub.f32 $1.500000000e+00, v32  }
0x339: {  	s0 =	smul.u32 $0xFFFFCE00, s28;
	v39 =	vadd.f32 v54, v50;
	v32 =	vadd.f32 v57, v53;
	v30 =	vmul.f32 v30, v35  }
0x33a: {  	s4 =	sshra.s32 s4, $0x2;
	v38 =	vadd.f32 v25, v7;
	v29 =	vmul.f32 v29, v36;
	v27 =	vmul.f32 v31, v37  }
0x33b: {  	s4 =	sadd.s32 s4, s23;
	s0 =	sshra.s32 s0, $0x2;
	v59 =	vmul.f32 v39, v39;
	v62 =	vmul.f32 v32, v32;
	v30 =	vsub.f32 $1.500000000e+00, v30  }
0x33c: {  	s4 =	sadd.s32 $0x100, s4;
	s0 =	sadd.s32 s0, s21;
	v29 =	vsub.f32 $1.500000000e+00, v29;
	v24 =	vmul.f32 v27, v24;
	v22 =	vmul.f32 v27, v22  }
0x33d: {  	s8 =	sadd.s32 $0x4, s18;
	v33 =	vld [tilespmem:s4+$0x0];
	s0 =	sadd.s32 $0x100, s0;
	v37 =	vadd.f32 v55, v51;
	v21 =	vmul.f32 v27, v21;
	v20 =	vmul.f32 v27, v20  }
0x33e: {  	s29 =	smulhi.u32 $0x51EB851F, s8;
	v23 =	vld [tilespmem:s0+$0xFFFFFFF0];
	v30 =	vmul.f32 v30, v35;
	v29 =	vmul.f32 v29, v36;
	v36 =	vadd.f32 v26, v9  }
0x33f: {  	v56 =	vld [tilespmem:s1+$0x41C0];
	v26 =	vmul.f32 v27, v58;
	v27 =	vadd.f32 v37, v39;
	v58 =	vadd.f32 v32, v40  }
0x340: {  	s6 =	sshrl.u32 s29, $0x4;
	v47 =	vld [tilespmem:s4+$0x10];
	v61 =	vadd.f32 v62, v61;
	v25 =	vmul.f32 v30, v60;
	v60 =	vmul.f32 v37, v37  }
0x341: {  	s30 =	smul.u32 $0xFFFFCE00, s6;
	v54 =	vld [tilespmem:s1+$0x4180];
	v14 =	vmul.f32 v30, v14;
	v19 =	vmul.f32 v30, v19;
	v27 =	vadd.f32 v58, v27  }
0x342: {  	v31 =	vld [tilespmem:s4+$0xFFFFFFE0];
	v18 =	vmul.f32 v30, v18;
	v24 =	vsub.f32 v24, v26;
	v15 =	vmul.f32 v30, v15  }
0x343: {  	v35 =	vld [tilespmem:s4+$0xFFFFFFF0];
	s4 =	sshra.s32 s30, $0x2;
	v43 =	vmul.f32 v29, v28;
	v16 =	vmul.f32 v29, v16;
	v22 =	vsub.f32 v22, v26  }
0x344: {  	v50 =	vld [tilespmem:s0+$0x10];
	s4 =	sadd.s32 s4, s17;
	v13 =	vmul.f32 v29, v13;
	v17 =	vmul.f32 v29, v17;
	v60 =	vadd.f32 v60, v59  }
0x345: {  	s4 =	sadd.s32 $0x100, s4;
	v21 =	vsub.f32 v21, v26;
	v45 =	vmul.f32 v29, v12;
	v29 =	vmul.f32 v22, v10;
	v22 =	vld [tilespmem:s1+$0x41D0]  }
0x346: {  	v55 =	vsub.f32 v20, v26;
	v53 =	vld [tilespmem:s4+$0x20];
	v30 =	vperm.xlane v27, v0;
	v28 =	vadd.f32 v61, v60  }
0x347: {  	v46 =	vmul.f32 v24, v11;
	v26 =	vsub.f32 v13, v43;
	v24 =	vsub.f32 v17, v43;
	v17 =	vld [tilespmem:s1+$0x41F0]  }
0x348: {  	v13 =	vadd.f32 v31, v54;
	v54 =	vld [tilespmem:s1+$0x4220];
	v30 =	vadd.f32 v27, v30;
	v27 =	vperm.xlane v28, v0  }
0x349: {  	v12 =	vld [tilespmem:s1+$0x4190];
	v44 =	vsub.f32 v14, v25;
	v42 =	vsub.f32 v19, v25  }
0x34a: {  	v14 =	vld [tilespmem:s1+$0x41A0];
	v19 =	vperm.xlane v30, v1;
	v23 =	vadd.f32 v23, v22;
	v20 =	vadd.f32 v27, v28  }
0x34b: {  	v48 =	vld [tilespmem:s0+$0xFFFFFFE0];
	v28 =	vsub.f32 v18, v25;
	v27 =	vsub.f32 v15, v25  }
0x34c: {  	v18 =	vld [tilespmem:s1+$0x41B0];
	v25 =	vsub.f32 v16, v43;
	v16 =	vadd.f32 v30, v19  }
0x34d: {  	v63 =	vld [tilespmem:s0+$0x0];
	v22 =	vadd.f32 v50, v17;
	v17 =	vadd.f32 v53, v54;
	v19 =	vperm.xlane v20, v1  }
0x34e: {  	v51 =	vld [tilespmem:s4+$0x0];
	v15 =	vadd.f32 v35, v12;
	v30 =	vmul.f32 v21, v8;
	v31 =	vperm.xlane v16, v2  }
0x34f: {  	v12 =	vld [tilespmem:s1+$0x41E0];
	v35 =	vmul.f32 v13, v13;
	v19 =	vadd.f32 v19, v20;
	v20 =	vadd.f32 v33, v14  }
0x350: {  	v21 =	vld [tilespmem:s1+$0x4200];
	v58 =	vmul.f32 v15, v15;
	v31 =	vadd.f32 v16, v31;
	v33 =	vadd.f32 v15, v13  }
0x351: {  	v52 =	vld [tilespmem:s4+$0x10];
	v16 =	vadd.f32 v48, v56;
	v18 =	vadd.f32 v47, v18  }
0x352: {  	v35 =	vadd.f32 v58, v35;
	v47 =	vld [tilespmem:s1+$0x4210];
	v14 =	vperm.xlane v19, v2;
	v62 =	vperm.xlane v31, v3  }
0x353: {  	v59 =	vmul.f32 v20, v20;
	v50 =	vadd.f32 v23, v16;
	v48 =	vadd.f32 v18, v20  }
0x354: {  	v60 =	vmul.f32 v18, v18;
	v19 =	vadd.f32 v14, v19;
	v14 =	vadd.f32 v63, v12  }
0x355: {  	v49 =	vld [tilespmem:s1+$0x4230];
	v31 =	vadd.f32 v31, v62;
	v12 =	vadd.f32 v51, v21;
	v62 =	vmul.f32 v23, v23  }
0x356: {  	v57 =	vld [tilespmem:s4+$0x30];
	v33 =	vadd.f32 v48, v33;
	v48 =	vmul.f32 v22, v22;
	v58 =	vadd.f32 v60, v59  }
0x357: {  	v56 =	vperm.xlane v19, v3;
	v51 =	vmul.f32 $1.562500000e-02, v31;
	v21 =	vadd.f32 v52, v47  }
0x358: {  	v31 =	vmul.f32 v16, v16;
	v47 =	vadd.f32 v22, v14;
	v35 =	vadd.f32 v58, v35  }
0x359: {  	v19 =	vadd.f32 v56, v19;
	v61 =	vmul.f32 v51, v51;
	v56 =	vmul.f32 v14, v14  }
0x35a: {  	v59 =	vmul.f32 v21, v21;
	v47 =	vadd.f32 v47, v50;
	v50 =	vmul.f32 v17, v17  }
0x35b: {  	v54 =	vadd.f32 v62, v31;
	v63 =	vmul.f32 $1.562500000e-02, v19;
	v19 =	vadd.f32 v57, v49  }
0x35c: {  	v49 =	vadd.f32 v21, v12;
	v57 =	vmul.f32 v12, v12;
	v48 =	vadd.f32 v48, v56  }
0x35d: {  	v52 =	vsub.f32 v63, v61;
	v53 =	vadd.f32 v19, v17;
	v60 =	vmul.f32 v19, v19  }
0x35e: {  	v61 =	vadd.f32 v59, v57;
	v48 =	vadd.f32 v48, v54  }
0x35f: {  	v31 =	vmul.f32 v55, v6;
	v52 =	vadd.f32 $9.999999740e-06, v52;
	v50 =	vadd.f32 v60, v50  }
0x360: {  	v49 =	vadd.f32 v53, v49;
	v53 =	vperm.xlane v33, v0;
	v54 =	vperm.xlane v48, v0  }
0x361: {  	v63 =	vshrl.u32 v52, $0x1;
	v52 =	vmul.f32 $5.000000000e-01, v52;
	v50 =	vadd.f32 v50, v61  }
0x362: {  	v60 =	vperm.xlane v49, v0;
	v55 =	vsub.s32 $0x5F3759DF, v63;
	v63 =	vperm.xlane v47, v0  }
0x363: {  	v33 =	vadd.f32 v33, v53;
	v61 =	vperm.xlane v35, v0;
	v62 =	vmul.f32 v55, v52  }
0x364: {  	v49 =	vadd.f32 v49, v60;
	v60 =	vperm.xlane v50, v0;
	v47 =	vadd.f32 v47, v63  }
0x365: {  	v35 =	vadd.f32 v61, v35;
	v63 =	vperm.xlane v33, v1;
	v57 =	vmul.f32 v55, v62  }
0x366: {  	v48 =	vadd.f32 v54, v48;
	v50 =	vadd.f32 v60, v50;
	v61 =	vperm.xlane v47, v1  }
0x367: {  	v33 =	vadd.f32 v33, v63;
	v63 =	vperm.xlane v35, v1;
	v62 =	vsub.f32 $1.500000000e+00, v57  }
0x368: {  	v60 =	vperm.xlane v48, v1;
	v47 =	vadd.f32 v47, v61  }
0x369: {  	v61 =	vperm.xlane v50, v1;
	v35 =	vadd.f32 v63, v35;
	v54 =	vmul.f32 v55, v62  }
0x36a: {  	v48 =	vadd.f32 v60, v48;
	v57 =	vperm.xlane v33, v2;
	v62 =	vperm.xlane v49, v1  }
0x36b: {  	v60 =	vperm.xlane v35, v2;
	v50 =	vadd.f32 v61, v50;
	v52 =	vmul.f32 v54, v52  }
0x36c: {  	v61 =	vperm.xlane v48, v2;
	v49 =	vadd.f32 v49, v62;
	v62 =	vperm.xlane v47, v2  }
0x36d: {  	v33 =	vadd.f32 v33, v57;
	v55 =	vperm.xlane v50, v2;
	v52 =	vmul.f32 v52, v54  }
0x36e: {  	v48 =	vadd.f32 v61, v48;
	v63 =	vperm.xlane v49, v2;
	v53 =	vadd.f32 v47, v62  }
0x36f: {  	v62 =	vperm.xlane v33, v3;
	v50 =	vadd.f32 v55, v50;
	v52 =	vsub.f32 $1.500000000e+00, v52  }
0x370: {  	v61 =	vperm.xlane v48, v3;
	v49 =	vadd.f32 v49, v63;
	v63 =	vadd.f32 v60, v35  }
0x371: {  	v58 =	vperm.xlane v53, v3;
	v33 =	vadd.f32 v33, v62;
	v62 =	vperm.xlane v50, v3  }
0x372: {  	v52 =	vmul.f32 v52, v54;
	v59 =	vperm.xlane v49, v3  }
0x373: {  	v48 =	vadd.f32 v61, v48;
	v60 =	vperm.xlane v63, v3;
	v35 =	vmul.f32 $1.562500000e-02, v33  }
0x374: {  	v53 =	vadd.f32 v53, v58;
	v47 =	vmul.f32 v52, v51;
	v32 =	vmul.f32 v52, v32  }
0x375: {  	v48 =	vmul.f32 $1.562500000e-02, v48;
	v49 =	vadd.f32 v49, v59;
	v54 =	vadd.f32 v60, v63  }
0x376: {  	v33 =	vmul.f32 $1.562500000e-02, v53;
	v60 =	vmul.f32 v35, v35;
	v32 =	vsub.f32 v32, v47  }
0x377: {  	[tilespmem:s2+$0x4260] =	vst v41;
	v50 =	vadd.f32 v62, v50;
	v39 =	vmul.f32 v52, v39;
	v58 =	vmul.f32 $1.562500000e-02, v54  }
0x378: {  	[tilespmem:s2+$0x4270] =	vst v34;
	v43 =	vsub.f32 v45, v43;
	v63 =	vmul.f32 v32, v6;
	v32 =	vmul.f32 $1.562500000e-02, v49  }
0x379: {  	[tilespmem:s2+$0x4250] =	vst v38;
	v62 =	vadd.f32 v46, v9;
	v50 =	vmul.f32 $1.562500000e-02, v50;
	v61 =	vmul.f32 v33, v33  }
0x37a: {  	[tilespmem:s2+$0x4240] =	vst v36;
	v34 =	vsub.f32 v58, v60;
	v59 =	vadd.f32 v63, v4;
	v63 =	vmul.f32 v32, v32  }
0x37b: {  	v38 =	vmul.f32 v52, v37;
	v41 =	vmul.f32 v52, v40;
	[tilespmem:s2+$0x4180] =	vst v62;
	v36 =	vsub.f32 v48, v61  }
0x37c: {  	s7 =	simm.s32 $0x4;
	v37 =	vmul.f32 v44, v11;
	v45 =	vadd.f32 $9.999999740e-06, v34;
	[tilespmem:s1+$0x4270] =	vst v59;
	v46 =	vsub.f32 v50, v63  }
0x37d: {  	s19 =	sadd.s32 $0x4, s19;
	s6 =	simm.s32 $0x400;
	v40 =	vadd.f32 $9.999999740e-06, v36;
	v34 =	vsub.f32 v39, v47;
	v36 =	vmul.f32 v42, v10;
	s24 =	sld [smem:$0x7CE]  }
.LBB2_7:
0x37e: {  	s0 =	smulhi.u32 $0x51EB851F, s19;
	v39 =	vshrl.u32 v45, $0x1;
	v42 =	vmul.f32 $5.000000000e-01, v45;
	v44 =	vadd.f32 $9.999999740e-06, v46;
	s5 =	sadd.s32 $0x4, s5  }
0x37f: {  	s8 =	sadd.s32 $0x4, s8;
	s4 =	smulhi.u32 $0x51EB851F, s5;
	v39 =	vsub.s32 $0x5F3759DF, v39;
	v45 =	vshrl.u32 v40, $0x1;
	v40 =	vmul.f32 $5.000000000e-01, v40  }
0x380: {  	s9 =	smulhi.u32 $0x51EB851F, s8;
	s0 =	sshrl.u32 s0, $0x4;
	v45 =	vsub.s32 $0x5F3759DF, v45;
	v46 =	vshrl.u32 v44, $0x1;
	v44 =	vmul.f32 $5.000000000e-01, v44  }
0x381: {  	v48 =	vmul.f32 v39, v42;
	s0 =	smul.u32 $0xFFFFCE00, s0;
	s4 =	sshrl.u32 s4, $0x4;
	v49 =	vmul.f32 v45, v40;
	v46 =	vsub.s32 $0x5F3759DF, v46  }
0x382: {  	v38 =	vsub.f32 v38, v47;
	v41 =	vsub.f32 v41, v47;
	s9 =	sshrl.u32 s9, $0x4;
	s4 =	smul.u32 $0xFFFFCE00, s4;
	v50 =	vmul.f32 v46, v44  }
0x383: {  	s3 =	sadd.s32 $0x4, s3;
	v29 =	vadd.f32 v29, v7;
	s9 =	smul.u32 $0xFFFFCE00, s9;
	v47 =	vmul.f32 v39, v48;
	v48 =	vmul.f32 v45, v49  }
0x384: {  	v30 =	vadd.f32 v30, v5;
	v28 =	vmul.f32 v28, v8;
	s10 =	smulhi.u32 $0x51EB851F, s3;
	s0 =	sshra.s32 s0, $0x2;
	v49 =	vmul.f32 v46, v50  }
0x385: {  	v27 =	vmul.f32 v27, v6;
	s0 =	sadd.s32 s0, s23;
	s4 =	sshra.s32 s4, $0x2;
	s9 =	sshra.s32 s9, $0x2;
	v47 =	vsub.f32 $1.500000000e+00, v47;
	v48 =	vsub.f32 $1.500000000e+00, v48;
	[tilespmem:s2+$0x4190] =	vst v29  }
0x386: {  	s6 =	sadd.s32 $0x400, s6;
	v25 =	vmul.f32 v25, v11;
	v26 =	vmul.f32 v26, v10;
	s11 =	sadd.s32 s4, s21;
	s4 =	sshrl.u32 s10, $0x4;
	v29 =	vsub.f32 $1.500000000e+00, v49;
	[tilespmem:s2+$0x41A0] =	vst v30  }
0x387: {  	v31 =	vadd.f32 v31, v4;
	s9 =	sadd.s32 s9, s17;
	s12 =	smul.u32 $0xFFFFCE00, s4;
	s4 =	sshra.s32 s6, $0x2;
	v30 =	vmul.f32 v39, v47;
	v39 =	vmul.f32 v45, v48  }
0x388: {  	s7 =	sadd.s32 $0x4, s7;
	v37 =	vadd.f32 v37, v9;
	v24 =	vmul.f32 v24, v8;
	s10 =	sadd.s32 s4, s0;
	s0 =	sadd.s32 s4, s11;
	v45 =	vld [tilespmem:s4+$0x4240];
	v29 =	vmul.f32 v46, v29  }
0x389: {  	p0 =	slt.u32 s7, $0x7C;
	s25 =	sadd.s32 s4, s9;
	s11 =	sshra.s32 s12, $0x2;
	v42 =	vmul.f32 v30, v42;
	v46 =	vld [tilespmem:s4+$0x4250];
	v40 =	vmul.f32 v39, v40;
	[tilespmem:s2+$0x41B0] =	vst v31;
	v31 =	vadd.f32 v36, v7  }
0x38a: {  	v28 =	vadd.f32 v28, v5;
	s9 =	sadd.s32 s11, s14;
	v47 =	vld [tilespmem:s4+$0x4260];
	v36 =	vmul.f32 v29, v44;
	[tilespmem:s2+$0x41C0] =	vst v37;
	v37 =	vmul.f32 v43, v6  }
0x38b: {  	v27 =	vadd.f32 v27, v4;
	s9 =	sadd.s32 s4, s9;
	v42 =	vmul.f32 v42, v30;
	v43 =	vld [tilespmem:s4+$0x4270];
	v40 =	vmul.f32 v40, v39;
	[tilespmem:s2+$0x41D0] =	vst v31  }
0x38c: {  	v34 =	vmul.f32 v34, v11;
	v25 =	vadd.f32 v25, v9;
	v31 =	vld [tilespmem:s9+$0xFFFFFFE0];
	v36 =	vmul.f32 v36, v29;
	[tilespmem:s2+$0x41E0] =	vst v28  }
0x38d: {  	v38 =	vmul.f32 v38, v10;
	v42 =	vsub.f32 $1.500000000e+00, v42;
	v28 =	vld [tilespmem:s9+$0xFFFFFFF0];
	v40 =	vsub.f32 $1.500000000e+00, v40;
	[tilespmem:s2+$0x41F0] =	vst v27  }
0x38e: {  	v41 =	vmul.f32 v41, v8;
	v27 =	vld [tilespmem:s9+$0x0];
	v36 =	vsub.f32 $1.500000000e+00, v36;
	[tilespmem:s2+$0x4200] =	vst v25;
	v25 =	vadd.f32 v26, v7  }
0x38f: {  	v24 =	vadd.f32 v24, v5;
	v30 =	vmul.f32 v42, v30;
	v26 =	vld [tilespmem:s9+$0x10];
	v39 =	vmul.f32 v40, v39  }
0x390: {  	v40 =	vadd.f32 v34, v9;
	v44 =	vld [tilespmem:s10+$0xFFFFFFE0];
	v29 =	vmul.f32 v36, v29;
	[tilespmem:s2+$0x4210] =	vst v25;
	v25 =	vadd.f32 v37, v4  }
0x391: {  	v38 =	vadd.f32 v38, v7;
	v42 =	vmul.f32 v30, v35;
	v13 =	vmul.f32 v30, v13;
	v48 =	vld [tilespmem:s10+$0xFFFFFFF0];
	[tilespmem:s2+$0x4220] =	vst v24  }
0x392: {  	v15 =	vmul.f32 v30, v15;
	v20 =	vmul.f32 v30, v20;
	v24 =	vadd.f32 v41, v5;
	v49 =	vld [tilespmem:s10+$0x0];
	[tilespmem:s2+$0x4230] =	vst v25;
	s2 =	smov.u32 s1;
	s1 =	smov.u32 s4  }
0x393: {  	v18 =	vmul.f32 v30, v18;
	v36 =	vadd.f32 v31, v45;
	v34 =	vadd.f32 v28, v46;
	v50 =	vld [tilespmem:s10+$0x10];
	[tilespmem:s2+$0x4240] =	vst v40  }
0x394: {  	v25 =	vmul.f32 v39, v33;
	v37 =	vadd.f32 v27, v47;
	v31 =	vld [tilespmem:s0+$0xFFFFFFE0];
	v35 =	vadd.f32 v26, v43;
	[tilespmem:s2+$0x4250] =	vst v38  }
0x395: {  	v16 =	vmul.f32 v39, v16;
	v23 =	vmul.f32 v39, v23;
	v26 =	vadd.f32 v34, v36;
	v33 =	vld [tilespmem:s0+$0xFFFFFFF0];
	[tilespmem:s2+$0x4260] =	vst v24  }
0x396: {  	v27 =	vmul.f32 v36, v36;
	v28 =	vmul.f32 v34, v34;
	v43 =	vld [tilespmem:s0+$0x0];
	v24 =	vadd.f32 v35, v37  }
0x397: {  	v13 =	vsub.f32 v13, v42;
	v30 =	vmul.f32 v37, v37;
	v38 =	vmul.f32 v35, v35;
	v45 =	vld [tilespmem:s0+$0x10]  }
0x398: {  	v14 =	vmul.f32 v39, v14;
	v22 =	vmul.f32 v39, v22;
	v46 =	vld [tilespmem:s25+$0x0];
	v24 =	vadd.f32 v24, v26  }
0x399: {  	v26 =	vadd.f32 v28, v27;
	v27 =	vadd.f32 v38, v30;
	v38 =	vmul.f32 v29, v32;
	v47 =	vld [tilespmem:s25+$0x10]  }
0x39a: {  	v15 =	vsub.f32 v15, v42;
	v12 =	vmul.f32 v29, v12;
	v21 =	vmul.f32 v29, v21;
	v32 =	vld [tilespmem:s25+$0x20]  }
0x39b: {  	v17 =	vmul.f32 v29, v17;
	v26 =	vadd.f32 v27, v26;
	v27 =	vperm.xlane v24, v0;
	v51 =	vld [tilespmem:s25+$0x30]  }
0x39c: {  	v20 =	vsub.f32 v20, v42;
	v52 =	vsub.f32 v18, v42;
	v41 =	vmul.f32 v29, v19;
	v30 =	vld [tilespmem:s1+$0x4180]  }
0x39d: {  	v40 =	vsub.f32 v16, v25;
	v19 =	vadd.f32 v24, v27;
	v24 =	vperm.xlane v26, v0;
	v18 =	vld [tilespmem:s1+$0x4190]  }
0x39e: {  	v42 =	vmul.f32 v13, v11;
	v39 =	vsub.f32 v23, v25;
	v28 =	vsub.f32 v14, v25;
	v16 =	vld [tilespmem:s1+$0x41A0]  }
0x39f: {  	v27 =	vsub.f32 v22, v25;
	v23 =	vperm.xlane v19, v1;
	v53 =	vadd.f32 v24, v26;
	v14 =	vld [tilespmem:s1+$0x41B0]  }
0x3a0: {  	v29 =	vmul.f32 v15, v10;
	v25 =	vsub.f32 v12, v38;
	v26 =	vsub.f32 v21, v38;
	v22 =	vld [tilespmem:s1+$0x41C0]  }
0x3a1: {  	v19 =	vadd.f32 v19, v23;
	v21 =	vperm.xlane v53, v1;
	v13 =	vadd.f32 v44, v30;
	v12 =	vld [tilespmem:s1+$0x41D0]  }
0x3a2: {  	v24 =	vsub.f32 v17, v38;
	v30 =	vmul.f32 v20, v8;
	v15 =	vadd.f32 v48, v18;
	v44 =	vld [tilespmem:s1+$0x41E0]  }
0x3a3: {  	v23 =	vperm.xlane v19, v2;
	v21 =	vadd.f32 v21, v53;
	v20 =	vadd.f32 v49, v16;
	v17 =	vld [tilespmem:s1+$0x41F0]  }
0x3a4: {  	v49 =	vmul.f32 v13, v13;
	v18 =	vadd.f32 v50, v14;
	v48 =	vadd.f32 v15, v13;
	v50 =	vld [tilespmem:s1+$0x4200]  }
0x3a5: {  	v19 =	vadd.f32 v19, v23;
	v16 =	vadd.f32 v31, v22;
	v31 =	vld [tilespmem:s1+$0x4210];
	v22 =	vperm.xlane v21, v2  }
0x3a6: {  	v54 =	vmul.f32 v15, v15;
	v53 =	vadd.f32 v18, v20;
	v23 =	vadd.f32 v33, v12;
	v33 =	vld [tilespmem:s1+$0x4220]  }
0x3a7: {  	v14 =	vadd.f32 v43, v44;
	v43 =	vld [tilespmem:s1+$0x4230];
	v44 =	vperm.xlane v19, v3;
	v55 =	vadd.f32 v22, v21  }
0x3a8: {  	v56 =	vmul.f32 v20, v20;
	v57 =	vmul.f32 v18, v18;
	v22 =	vadd.f32 v45, v17  }
0x3a9: {  	v12 =	vadd.f32 v46, v50;
	v19 =	vadd.f32 v19, v44;
	v44 =	vperm.xlane v55, v3  }
0x3aa: {  	v45 =	vadd.f32 v23, v16;
	v46 =	vmul.f32 v16, v16;
	v21 =	vadd.f32 v47, v31  }
0x3ab: {  	v17 =	vadd.f32 v32, v33;
	v32 =	vmul.f32 $1.562500000e-02, v19;
	v31 =	vadd.f32 v44, v55  }
0x3ac: {  	v33 =	vadd.f32 v22, v14;
	v44 =	vmul.f32 v23, v23;
	v19 =	vadd.f32 v51, v43  }
0x3ad: {  	v43 =	vadd.f32 v21, v12;
	v31 =	vmul.f32 $1.562500000e-02, v31;
	v47 =	vmul.f32 v32, v32  }
0x3ae: {  	v50 =	vmul.f32 v14, v14;
	v51 =	vmul.f32 v22, v22;
	v55 =	vadd.f32 v19, v17  }
0x3af: {  	v58 =	vmul.f32 v12, v12;
	v59 =	vmul.f32 v21, v21;
	v31 =	vsub.f32 v31, v47  }
0x3b0: {  	v47 =	vadd.f32 v53, v48;
	v48 =	vmul.f32 v17, v17;
	v53 =	vmul.f32 v19, v19  }
0x3b1: {  	v49 =	vadd.f32 v54, v49;
	v54 =	vadd.f32 $9.999999740e-06, v31;
	v31 =	vmul.f32 v52, v6  }
0x3b2: {  	v33 =	vadd.f32 v33, v45;
	v52 =	vadd.f32 v57, v56;
	v56 =	vperm.xlane v47, v0  }
0x3b3: {  	v44 =	vadd.f32 v44, v46;
	v45 =	vshrl.u32 v54, $0x1;
	v46 =	vmul.f32 $5.000000000e-01, v54  }
0x3b4: {  	v50 =	vadd.f32 v51, v50;
	v43 =	vadd.f32 v55, v43;
	v45 =	vsub.s32 $0x5F3759DF, v45  }
0x3b5: {  	v51 =	vadd.f32 v59, v58;
	v48 =	vadd.f32 v53, v48;
	v53 =	vmul.f32 v45, v46  }
0x3b6: {  	v44 =	vadd.f32 v50, v44;
	v50 =	vperm.xlane v33, v0;
	v49 =	vadd.f32 v52, v49  }
0x3b7: {  	v48 =	vadd.f32 v48, v51;
	v51 =	vperm.xlane v43, v0;
	v52 =	vmul.f32 v45, v53  }
0x3b8: {  	v33 =	vadd.f32 v33, v50;
	v47 =	vadd.f32 v47, v56;
	v53 =	vperm.xlane v49, v0  }
0x3b9: {  	v50 =	vperm.xlane v44, v0;
	v43 =	vadd.f32 v43, v51;
	v51 =	vsub.f32 $1.500000000e+00, v52  }
0x3ba: {  	v52 =	vperm.xlane v47, v1;
	v49 =	vadd.f32 v53, v49;
	v53 =	vperm.xlane v48, v0  }
0x3bb: {  	v54 =	vperm.xlane v33, v1;
	v44 =	vadd.f32 v50, v44;
	v45 =	vmul.f32 v45, v51  }
0x3bc: {  	v50 =	vperm.xlane v43, v1;
	v47 =	vadd.f32 v47, v52;
	v48 =	vadd.f32 v53, v48  }
0x3bd: {  	v33 =	vadd.f32 v33, v54;
	v51 =	vperm.xlane v49, v1;
	v46 =	vmul.f32 v45, v46  }
0x3be: {  	v43 =	vadd.f32 v43, v50;
	v52 =	vperm.xlane v44, v1;
	v50 =	vperm.xlane v48, v1  }
0x3bf: {  	v53 =	vperm.xlane v47, v2;
	v49 =	vadd.f32 v51, v49;
	v46 =	vmul.f32 v46, v45  }
0x3c0: {  	v51 =	vperm.xlane v33, v2;
	v44 =	vadd.f32 v52, v44;
	v52 =	vperm.xlane v43, v2  }
0x3c1: {  	v54 =	vperm.xlane v49, v2;
	v48 =	vadd.f32 v50, v48;
	v46 =	vsub.f32 $1.500000000e+00, v46  }
0x3c2: {  	v50 =	vadd.f32 v47, v53;
	v33 =	vadd.f32 v33, v51;
	v47 =	vperm.xlane v44, v2  }
0x3c3: {  	v43 =	vadd.f32 v43, v52;
	v51 =	vperm.xlane v48, v2;
	v45 =	vmul.f32 v46, v45  }
0x3c4: {  	v49 =	vadd.f32 v54, v49;
	v52 =	vperm.xlane v33, v3;
	v46 =	vperm.xlane v50, v3  }
0x3c5: {  	v44 =	vadd.f32 v47, v44;
	v47 =	vmul.f32 v45, v32;
	v32 =	vmul.f32 v45, v35  }
0x3c6: {  	v48 =	vadd.f32 v51, v48;
	v35 =	vadd.f32 v50, v46;
	v46 =	vperm.xlane v43, v3  }
0x3c7: {  	v33 =	vadd.f32 v33, v52;
	v50 =	vperm.xlane v49, v3;
	v32 =	vsub.f32 v32, v47  }
0x3c8: {  	v51 =	vperm.xlane v44, v3;
	v43 =	vadd.f32 v43, v46;
	v46 =	vperm.xlane v48, v3  }
0x3c9: {  	v35 =	vmul.f32 $1.562500000e-02, v35;
	v49 =	vadd.f32 v50, v49;
	v50 =	vmul.f32 v32, v6  }
0x3ca: {  	v33 =	vmul.f32 $1.562500000e-02, v33;
	v44 =	vadd.f32 v51, v44;
	v32 =	vmul.f32 $1.562500000e-02, v43  }
0x3cb: {  	v49 =	vmul.f32 $1.562500000e-02, v49;
	v46 =	vadd.f32 v46, v48;
	v48 =	vadd.f32 v50, v4  }
0x3cc: {  	v44 =	vmul.f32 $1.562500000e-02, v44;
	v43 =	vsub.f32 v41, v38;
	v50 =	vmul.f32 v35, v35  }
.Ltmp2:
0x3cd: {  	v42 =	vadd.f32 v42, v9;
	v38 =	vmul.f32 v33, v33;
	v46 =	vmul.f32 $1.562500000e-02, v46;
	[tilespmem:s1+$0x4270] =	vst v48;
	(pc) =	sbr.rel @p0 .LBB2_7-.Ltmp2, $4  }
0x3ce: {  	v36 =	vmul.f32 v45, v36;
	v48 =	vsub.f32 v49, v50;
	v49 =	vmul.f32 v32, v32  }
0x3cf: {  	v41 =	vmul.f32 v45, v37;
	v44 =	vsub.f32 v44, v38;
	v38 =	vmul.f32 v45, v34;
	[tilespmem:s2+$0x4180] =	vst v42  }
0x3d0: {  	v37 =	vmul.f32 v40, v11;
	v45 =	vadd.f32 $9.999999740e-06, v48;
	v46 =	vsub.f32 v46, v49  }
0x3d1: {  	s19 =	sadd.s32 $0x4, s19;
	v34 =	vsub.f32 v36, v47;
	v36 =	vmul.f32 v39, v10;
	v40 =	vadd.f32 $9.999999740e-06, v44  }
0x3d2: {  	v39 =	vshrl.u32 v45, $0x1  }
0x3d3: {  	v42 =	vmul.f32 $5.000000000e-01, v45;
	v44 =	vadd.f32 $9.999999740e-06, v46;
	v56 =	vshrl.u32 v40, $0x1  }
0x3d4: {  	v39 =	vsub.s32 $0x5F3759DF, v39;
	v57 =	vmul.f32 $5.000000000e-01, v40;
	v45 =	vsub.s32 $0x5F3759DF, v56  }
0x3d5: {  	v46 =	vshrl.u32 v44, $0x1;
	v44 =	vmul.f32 $5.000000000e-01, v44;
	v48 =	vmul.f32 v39, v42  }
0x3d6: {  	v49 =	vmul.f32 v45, v57;
	v46 =	vsub.s32 $0x5F3759DF, v46  }
0x3d7: {  	v38 =	vsub.f32 v38, v47;
	v50 =	vmul.f32 v46, v44;
	v48 =	vmul.f32 v39, v48  }
0x3d8: {  	v41 =	vsub.f32 v41, v47;
	v29 =	vadd.f32 v29, v7;
	v58 =	vmul.f32 v45, v49  }
0x3d9: {  	v28 =	vmul.f32 v28, v8;
	v59 =	vmul.f32 v46, v50;
	v48 =	vsub.f32 $1.500000000e+00, v48  }
0x3da: {  	v27 =	vmul.f32 v27, v6;
	v25 =	vmul.f32 v25, v11;
	v47 =	vsub.f32 $1.500000000e+00, v58  }
0x3db: {  	v26 =	vmul.f32 v26, v10;
	v49 =	vsub.f32 $1.500000000e+00, v59;
	v39 =	vmul.f32 v39, v48  }
0x3dc: {  	v30 =	vadd.f32 v30, v5;
	v24 =	vmul.f32 v24, v8;
	v45 =	vmul.f32 v45, v47  }
0x3dd: {  	v31 =	vadd.f32 v31, v4;
	v46 =	vmul.f32 v46, v49;
	v42 =	vmul.f32 v39, v42  }
0x3de: {  	v37 =	vadd.f32 v37, v9;
	v43 =	vmul.f32 v43, v6;
	v40 =	vmul.f32 v45, v57  }
0x3df: {  	v36 =	vadd.f32 v36, v7;
	v44 =	vmul.f32 v46, v44;
	v42 =	vmul.f32 v42, v39  }
0x3e0: {  	v60 =	vmul.f32 v34, v11;
	v28 =	vadd.f32 v28, v5;
	v40 =	vmul.f32 v40, v45  }
0x3e1: {  	v27 =	vadd.f32 v27, v4;
	[tilespmem:s2+$0x4190] =	vst v29;
	v44 =	vmul.f32 v44, v46;
	v42 =	vsub.f32 $1.500000000e+00, v42  }
0x3e2: {  	v25 =	vadd.f32 v25, v9;
	[tilespmem:s2+$0x41A0] =	vst v30;
	v62 =	vmul.f32 v38, v10;
	v61 =	vsub.f32 $1.500000000e+00, v40  }
0x3e3: {  	[tilespmem:s2+$0x41B0] =	vst v31;
	v26 =	vadd.f32 v26, v7;
	v63 =	vsub.f32 $1.500000000e+00, v44;
	v39 =	vmul.f32 v42, v39  }
0x3e4: {  	[tilespmem:s2+$0x41C0] =	vst v37;
	v24 =	vadd.f32 v24, v5;
	v42 =	vmul.f32 v41, v8;
	v34 =	vmul.f32 v61, v45  }
0x3e5: {  	[tilespmem:s2+$0x41D0] =	vst v36;
	v29 =	vadd.f32 v60, v9;
	v44 =	vmul.f32 v63, v46;
	v35 =	vmul.f32 v39, v35  }
0x3e6: {  	[tilespmem:s2+$0x41E0] =	vst v28;
	v45 =	vadd.f32 v43, v4;
	v13 =	vmul.f32 v39, v13;
	v15 =	vmul.f32 v39, v15  }
0x3e7: {  	[tilespmem:s2+$0x41F0] =	vst v27;
	v20 =	vmul.f32 v39, v20;
	v18 =	vmul.f32 v39, v18;
	v46 =	vadd.f32 v62, v7  }
0x3e8: {  	[tilespmem:s2+$0x4200] =	vst v25;
	v48 =	vadd.f32 v42, v5;
	v47 =	vmul.f32 v34, v33;
	v16 =	vmul.f32 v34, v16  }
0x3e9: {  	[tilespmem:s2+$0x4210] =	vst v26;
	v23 =	vmul.f32 v34, v23;
	v14 =	vmul.f32 v34, v14;
	v13 =	vsub.f32 v13, v35  }
0x3ea: {  	[tilespmem:s2+$0x4220] =	vst v24;
	v22 =	vmul.f32 v34, v22;
	v49 =	vmul.f32 v44, v32;
	v15 =	vsub.f32 v15, v35  }
0x3eb: {  	[tilespmem:s1+$0x4240] =	vst v29;
	v12 =	vmul.f32 v44, v12;
	v20 =	vsub.f32 v20, v35;
	v13 =	vmul.f32 v13, v11  }
0x3ec: {  	[tilespmem:s2+$0x4230] =	vst v45;
	v21 =	vmul.f32 v44, v21;
	v18 =	vsub.f32 v18, v35;
	v15 =	vmul.f32 v15, v10  }
0x3ed: {  	[tilespmem:s1+$0x4250] =	vst v46;
	v23 =	vsub.f32 v23, v47;
	v20 =	vmul.f32 v20, v8;
	v13 =	vadd.f32 v13, v9  }
0x3ee: {  	[tilespmem:s1+$0x4260] =	vst v48;
	v14 =	vsub.f32 v14, v47;
	v18 =	vmul.f32 v18, v6;
	v15 =	vadd.f32 v15, v7  }
0x3ef: {  	v52 =	vsub.f32 v22, v47;
	v53 =	vmul.f32 v23, v10;
	v51 =	vadd.f32 v20, v5;
	[tilespmem:s1+$0x4180] =	vst v13  }
0x3f0: {  	v16 =	vsub.f32 v16, v47;
	v14 =	vmul.f32 v14, v8;
	v54 =	vadd.f32 v18, v4;
	[tilespmem:s1+$0x4190] =	vst v15  }
0x3f1: {  	v12 =	vsub.f32 v12, v49;
	v56 =	vmul.f32 v52, v6;
	v57 =	vadd.f32 v53, v7;
	[tilespmem:s1+$0x41A0] =	vst v51  }
0x3f2: {  	v55 =	vsub.f32 v21, v49;
	v50 =	vmul.f32 v16, v11;
	v58 =	vadd.f32 v14, v5;
	[tilespmem:s1+$0x41B0] =	vst v54  }
0x3f3: {  	v12 =	vmul.f32 v12, v11;
	v60 =	vadd.f32 v56, v4;
	[tilespmem:s1+$0x41D0] =	vst v57  }
0x3f4: {  	v16 =	vmul.f32 v55, v10;
	v13 =	vadd.f32 v50, v9;
	[tilespmem:s1+$0x41E0] =	vst v58  }
0x3f5: {  	v17 =	vmul.f32 v44, v17;
	v12 =	vadd.f32 v12, v9;
	[tilespmem:s1+$0x41F0] =	vst v60  }
0x3f6: {  	v19 =	vmul.f32 v44, v19;
	v62 =	vadd.f32 v16, v7;
	[tilespmem:s1+$0x41C0] =	vst v13  }
0x3f7: {  	v17 =	vsub.f32 v17, v49;
	[tilespmem:s1+$0x4200] =	vst v12  }
0x3f8: {  	v59 =	vsub.f32 v19, v49;
	[tilespmem:s1+$0x4210] =	vst v62  }
0x3f9: {  	v17 =	vmul.f32 v17, v8;
	s0 =	sld [smem:$0x7C1]  }
0x3fa: {  	v61 =	vmul.f32 v59, v6  }
0x3fb: {  	v63 =	vadd.f32 v17, v5  }
0x3fc: {  	v13 =	vadd.f32 v61, v4;
	s0 =	sshll.u32 s0, $0x3  }
0x3fd: {  	s28 =	simm.s32 $0x0;
	[tilespmem:s1+$0x4220] =	vst v63;
	s0 =	sand.u32 $0x1FFFFC00, s0  }
0x3fe: {  	s9 =	simm.s32 $0x4180;
	s10 =	simm.s32 $0x5;
	[tilespmem:s1+$0x4230] =	vst v13;
	s0 =	sadd.s32 s15, s0  }
0x3ff: {  	[hbm4b:s0+s28] =	stream.linear.scatter [tilespmem:s9], [sflag:$0x6], $0x2000, $0x38;
	[tilespmem:$0x7200] =	vst v63  }
0x400: {  	_ =	swait.ge [sflag:s10], $0x2000  }
0x401: {  	s11 =	sld [smem:$0x7DB]  }
0x402: {  	s12 =	sld [smem:$0x7D0];
	_ =	sdelay $0x2  }
0x403: {  	s0 =	sadd.s32 s12, s11  }
0x404: {  	s19 =	simm.s32 $0x80;
	[sflag:s10] =	ssyncset.done $0x0;
	s0 =	sshrl.u32 s0, $0x3  }
0x405: {  	s25 =	simm.s32 $0x7;
	[sflag:s10] =	ssyncadd.s32 $0xFFFFE000;
	s0 =	sadd.s32 s31, s0  }
0x406: {  	[tilespmem:s19], [sflag:$0x7] =	stream.linear.gather [hbm4b:s0+s28], $0x80, $0x38;
	[tilespmem:$0x7200] =	vst v63  }
0x407: {  	_ =	swait.ge [sflag:s25], $0x80  }
0x408: {  	s26 =	sld [smem:$0x7D4]  }
0x409: {  	[sflag:s25] =	ssyncset.done $0x0;
	s8 =	sld [smem:$0x7CA]  }
0x40a: {  	s12 =	sld [smem:$0x7CB];
	[sflag:s25] =	ssyncadd.s32 $0xFFFFFF80  }
0x40b: {  	[tilespmem:s16], [sflag:$0x2] =	stream.indirect.gather [hbm4b:s26+s19], $0x40, s19, s19, $0xb8;
	[tilespmem:$0x7200] =	vst v63  }
0x40c: {  	s24 =	sadd.s32 $0x180, s24;
	s26 =	sld [smem:$0x7CF]  }
0x40d: {  	s23 =	sadd.s32 $0x6000, s23;
	s22 =	sadd.s32 $0x180, s22;
	s29 =	sld [smem:$0x7D3]  }
0x40e: {  	s21 =	sadd.s32 $0x6000, s21;
	s20 =	sadd.s32 $0x180, s20;
	s30 =	sld [smem:$0x7D2]  }
0x40f: {  	s17 =	sadd.s32 $0x6000, s17;
	s11 =	sld [smem:$0x7C2];
	s26 =	sadd.s32 $0x1, s26  }
0x410: {  	s18 =	sadd.s32 $0x180, s18;
	s9 =	sld [smem:$0x7C3];
	p0 =	sne.s32 s26, $0x10  }
.Ltmp3:
0x411: {  	s14 =	sadd.s32 $0x6000, s14;
	s25 =	sld [smem:$0x7CC];
	(pc) =	sbr.rel @p0 .LBB2_2-.Ltmp3, $4  }
0x412: {  	s13 =	sadd.s32 $0x180, s13;
	s8 =	sadd.s32 $0x18000, s8;
	s19 =	sld [smem:$0x7CD]  }
0x413: {  	s12 =	sadd.s32 $0x180, s12;
	s0 =	sadd.s32 $0x180, s29;
	s11 =	sadd.s32 $0x180, s11  }
0x414: {  	s9 =	sadd.s32 $0x180, s9;
	[smem:$0x7D3] =	sst s0;
	s0 =	sadd.s32 $0x180, s30  }
0x415: {  	s25 =	sadd.s32 $0x180, s25;
	[smem:$0x7D2] =	sst s0;
	s19 =	sadd.s32 $0x180, s19  }
0x416: {  	s1 =	simm.s32 $0x1  }
0x417: {  	_ =	swait.ge [sflag:s1], $0x2000  }
0x418: {  	s7 =	sld [smem:$0x7F7];
	_ =	sdelay $0x2  }
0x419: {  	s0 =	smulhi.u32 $0x51EB851F, s7;
	_ =	sdelay $0x1  }
0x41a: {  	[sflag:s1] =	ssyncset.done $0x0;
	s0 =	sshrl.u32 s0, $0x4  }
0x41b: {  	[sflag:s1] =	ssyncadd.s32 $0xFFFFE000;
	s8 =	smul.u32 $0xFFFFCE00, s0;
	s0 =	simm.s32 $0x0  }
0x41c: {  	v12 =	vld [tilespmem:s0+$0x240]  }
0x41d: {  	s2 =	rddreg [dreg:$0x1f];
	v13 =	vld [tilespmem:s0+$0x250];
	s1 =	sshra.s32 s8, $0x2  }
0x41e: {  	v14 =	vld [tilespmem:s0+$0x260];
	s1 =	sadd.s32 s1, s2  }
0x41f: {  	v15 =	vld [tilespmem:s0+$0x270];
	s1 =	sadd.s32 $0x0, s1  }
0x420: {  	v16 =	vld [tilespmem:s1+$0xFFFFFFE0]  }
0x421: {  	s5 =	sld [smem:$0x7F4];
	v17 =	vld [tilespmem:s1+$0xFFFFFFF0]  }
0x422: {  	v18 =	vld [tilespmem:s1+$0x0]  }
0x423: {  	s6 =	sld [smem:$0x7F5];
	v19 =	vld [tilespmem:s1+$0x10]  }
0x424: {  	s3 =	smulhi.u32 $0x51EB851F, s5;
	_ =	sdelay $0x1  }
0x425: {  	s4 =	smulhi.u32 $0x51EB851F, s6;
	s9 =	sshrl.u32 s3, $0x4  }
0x426: {  	s2 =	smul.u32 $0xFFFFCE00, s9;
	v26 =	vadd.f32 v16, v12;
	v25 =	vadd.f32 v17, v13  }
0x427: {  	v33 =	vld [tilespmem:s0+$0x1A0];
	v24 =	vadd.f32 v18, v14;
	v27 =	vadd.f32 v19, v15  }
0x428: {  	s10 =	rddreg [dreg:$0x1c];
	s4 =	sshrl.u32 s4, $0x4;
	v34 =	vld [tilespmem:s0+$0x1B0];
	s2 =	sshra.s32 s2, $0x2;
	v14 =	vadd.f32 v25, v26  }
0x429: {  	s11 =	smul.u32 $0xFFFFCE00, s4;
	v37 =	vld [tilespmem:s0+$0x1E0];
	s2 =	sadd.s32 s2, s10;
	v16 =	vadd.f32 v27, v24;
	v17 =	vmul.f32 v26, v26;
	v18 =	vmul.f32 v25, v25  }
0x42a: {  	v47 =	vld [tilespmem:s0+$0x1F0];
	s2 =	sadd.s32 $0x0, s2;
	v19 =	vmul.f32 v24, v24;
	v22 =	vmul.f32 v27, v27  }
0x42b: {  	s12 =	rddreg [dreg:$0x1d];
	s1 =	sshra.s32 s11, $0x2;
	v20 =	vld [tilespmem:s2+$0xFFFFFFE0];
	v14 =	vadd.f32 v16, v14  }
0x42c: {  	s9 =	sld [smem:$0x7F6];
	s1 =	sadd.s32 s1, s12;
	v21 =	vld [tilespmem:s2+$0xFFFFFFF0];
	v17 =	vadd.f32 v18, v17;
	v18 =	vadd.f32 v22, v19  }
0x42d: {  	s1 =	sadd.s32 $0x0, s1;
	v28 =	vld [tilespmem:s2+$0x0]  }
0x42e: {  	v29 =	vld [tilespmem:s1+$0x0];
	v17 =	vadd.f32 v18, v17;
	v18 =	vperm.xlane v14, v0  }
0x42f: {  	s13 =	smulhi.u32 $0x51EB851F, s9;
	v22 =	vld [tilespmem:s0+$0x190]  }
0x430: {  	v19 =	vld [tilespmem:s0+$0x180];
	v14 =	vadd.f32 v14, v18  }
0x431: {  	s4 =	sshrl.u32 s13, $0x4;
	v12 =	vld [tilespmem:s2+$0x10];
	v18 =	vperm.xlane v17, v0  }
0x432: {  	v30 =	vld [tilespmem:s1+$0x10];
	s14 =	smul.u32 $0xFFFFCE00, s4;
	v23 =	vperm.xlane v14, v1  }
0x433: {  	v13 =	vld [tilespmem:s1+$0xFFFFFFE0];
	v17 =	vadd.f32 v18, v17  }
0x434: {  	s17 =	rddreg [dreg:$0x1e];
	s18 =	sshra.s32 s14, $0x2;
	v22 =	vadd.f32 v21, v22;
	v18 =	vld [tilespmem:s0+$0x1C0];
	v14 =	vadd.f32 v14, v23  }
0x435: {  	v15 =	vld [tilespmem:s1+$0xFFFFFFF0];
	s2 =	sadd.s32 s18, s17;
	v21 =	vadd.f32 v28, v33;
	v36 =	vperm.xlane v17, v1;
	v23 =	vadd.f32 v20, v19  }
0x436: {  	s2 =	sadd.s32 $0x0, s2;
	v40 =	vmul.f32 v22, v22;
	v19 =	vld [tilespmem:s0+$0x1D0];
	v20 =	vadd.f32 v12, v34;
	v28 =	vperm.xlane v14, v2  }
0x437: {  	v16 =	vld [tilespmem:s2+$0x0];
	v50 =	vmul.f32 v21, v21;
	v17 =	vadd.f32 v36, v17;
	v48 =	vadd.f32 v22, v23  }
0x438: {  	v12 =	vld [tilespmem:s0+$0x200];
	v49 =	vmul.f32 v23, v23;
	v39 =	vadd.f32 v20, v21;
	v28 =	vadd.f32 v14, v28  }
0x439: {  	v31 =	vld [tilespmem:s2+$0x10];
	v51 =	vmul.f32 v20, v20;
	v14 =	vadd.f32 v13, v18;
	v18 =	vadd.f32 v29, v37  }
0x43a: {  	v35 =	vld [tilespmem:s2+$0x30];
	v38 =	vperm.xlane v17, v2;
	v34 =	vadd.f32 v39, v48;
	v36 =	vadd.f32 v40, v49  }
0x43b: {  	v13 =	vld [tilespmem:s0+$0x210];
	v37 =	vadd.f32 v51, v50;
	v19 =	vadd.f32 v15, v19  }
0x43c: {  	v29 =	vld [tilespmem:s0+$0x230];
	v15 =	vadd.f32 v30, v47;
	v42 =	vperm.xlane v28, v3;
	v17 =	vadd.f32 v38, v17  }
0x43d: {  	v41 =	vld [tilespmem:s0+$0x220];
	v16 =	vadd.f32 v16, v12;
	v53 =	vmul.f32 v14, v14;
	v56 =	vmul.f32 v18, v18  }
0x43e: {  	v32 =	vld [tilespmem:s2+$0x20];
	v58 =	vperm.xlane v34, v0;
	v28 =	vadd.f32 v28, v42;
	v30 =	vperm.xlane v17, v3  }
0x43f: {  	v36 =	vadd.f32 v37, v36;
	v52 =	vadd.f32 v19, v14;
	v43 =	vmul.f32 v15, v15  }
0x440: {  	v13 =	vadd.f32 v31, v13;
	v31 =	vmul.f32 $1.562500000e-02, v28;
	v28 =	vadd.f32 v30, v17  }
0x441: {  	v54 =	vmul.f32 v19, v19;
	v34 =	vadd.f32 v34, v58;
	v12 =	vadd.f32 v35, v29  }
0x442: {  	v60 =	vadd.f32 v43, v56;
	v28 =	vmul.f32 $1.562500000e-02, v28;
	v29 =	vmul.f32 v31, v31  }
0x443: {  	v17 =	vadd.f32 v32, v41;
	v30 =	vadd.f32 v15, v18  }
0x444: {  	v45 =	vmul.f32 v16, v16;
	v32 =	vadd.f32 v54, v53;
	v28 =	vsub.f32 v28, v29  }
0x445: {  	v48 =	vperm.xlane v34, v1;
	v55 =	vadd.f32 v13, v16;
	v44 =	vadd.f32 v12, v17  }
0x446: {  	v46 =	vmul.f32 v12, v12;
	v30 =	vadd.f32 v30, v52;
	v28 =	vadd.f32 $9.999999740e-06, v28  }
0x447: {  	v57 =	vmul.f32 v17, v17;
	v32 =	vadd.f32 v60, v32;
	v34 =	vadd.f32 v34, v48  }
0x448: {  	v29 =	vmul.f32 v13, v13;
	v59 =	vshrl.u32 v28, $0x1;
	v28 =	vmul.f32 $5.000000000e-01, v28  }
0x449: {  	v39 =	vadd.f32 v46, v57;
	v62 =	vperm.xlane v30, v0;
	v33 =	vsub.s32 $0x5F3759DF, v59  }
0x44a: {  	v46 =	vperm.xlane v32, v0;
	v29 =	vadd.f32 v29, v45;
	v61 =	vmul.f32 v33, v28  }
0x44b: {  	v35 =	vadd.f32 v44, v55;
	v40 =	vperm.xlane v34, v2;
	v45 =	vperm.xlane v36, v0  }
0x44c: {  	v30 =	vadd.f32 v30, v62;
	v29 =	vadd.f32 v39, v29;
	v44 =	vmul.f32 v33, v61  }
0x44d: {  	v63 =	vperm.xlane v35, v0;
	v32 =	vadd.f32 v46, v32;
	v36 =	vadd.f32 v45, v36  }
0x44e: {  	v34 =	vadd.f32 v34, v40;
	v49 =	vperm.xlane v29, v0;
	v47 =	vsub.f32 $1.500000000e+00, v44  }
0x44f: {  	v35 =	vadd.f32 v35, v63;
	v50 =	vperm.xlane v30, v1;
	v52 =	vperm.xlane v36, v1  }
0x450: {  	v53 =	vperm.xlane v32, v1;
	v29 =	vadd.f32 v49, v29;
	v33 =	vmul.f32 v33, v47  }
0x451: {  	v58 =	vperm.xlane v34, v3;
	v51 =	vperm.xlane v35, v1;
	v36 =	vadd.f32 v52, v36  }
0x452: {  	v30 =	vadd.f32 v30, v50;
	v54 =	vperm.xlane v29, v1;
	v28 =	vmul.f32 v33, v28  }
0x453: {  	v32 =	vadd.f32 v53, v32;
	v35 =	vadd.f32 v35, v51;
	v57 =	vperm.xlane v36, v2  }
0x454: {  	v29 =	vadd.f32 v54, v29;
	v55 =	vmul.f32 v28, v33;
	v28 =	vperm.xlane v30, v2  }
0x455: {  	v34 =	vadd.f32 v34, v58;
	v56 =	vperm.xlane v35, v2;
	v36 =	vadd.f32 v57, v36  }
0x456: {  	v37 =	vperm.xlane v29, v2;
	v28 =	vadd.f32 v30, v28;
	v30 =	vperm.xlane v32, v2  }
0x457: {  	v34 =	vmul.f32 $1.562500000e-02, v34;
	v35 =	vadd.f32 v35, v56  }
0x458: {  	v61 =	vperm.xlane v36, v3;
	v29 =	vadd.f32 v37, v29;
	v30 =	vadd.f32 v30, v32  }
0x459: {  	v60 =	vperm.xlane v35, v3;
	v59 =	vperm.xlane v28, v3  }
0x45a: {  	v36 =	vadd.f32 v61, v36;
	v63 =	vperm.xlane v29, v3;
	v62 =	vperm.xlane v30, v3  }
0x45b: {  	v44 =	vmul.f32 v34, v34;
	v32 =	vadd.f32 v35, v60;
	v28 =	vadd.f32 v28, v59  }
0x45c: {  	v43 =	vmul.f32 $1.562500000e-02, v36;
	v29 =	vadd.f32 v63, v29;
	v30 =	vadd.f32 v62, v30  }
0x45d: {  	v45 =	vsub.f32 $1.500000000e+00, v55;
	v41 =	vmul.f32 $1.562500000e-02, v28;
	v28 =	vmul.f32 $1.562500000e-02, v32  }
0x45e: {  	v29 =	vmul.f32 $1.562500000e-02, v29;
	v32 =	vsub.f32 v43, v44;
	v30 =	vmul.f32 $1.562500000e-02, v30  }
0x45f: {  	s2 =	sadd.s32 $0x4, s7;
	v46 =	vmul.f32 v41, v41;
	v47 =	vmul.f32 v28, v28  }
0x460: {  	s19 =	smulhi.u32 $0x51EB851F, s2;
	v33 =	vmul.f32 v45, v33;
	v32 =	vadd.f32 $9.999999740e-06, v32  }
0x461: {  	v30 =	vsub.f32 v30, v46;
	v29 =	vsub.f32 v29, v47  }
0x462: {  	s1 =	sshrl.u32 s19, $0x4;
	v31 =	vmul.f32 v33, v31;
	v48 =	vshrl.u32 v32, $0x1;
	v32 =	vmul.f32 $5.000000000e-01, v32  }
0x463: {  	s20 =	smul.u32 $0xFFFFCE00, s1;
	v35 =	vsub.s32 $0x5F3759DF, v48;
	v30 =	vadd.f32 $9.999999740e-06, v30;
	v29 =	vadd.f32 $9.999999740e-06, v29  }
0x464: {  	v27 =	vmul.f32 v33, v27;
	v51 =	vmul.f32 v35, v32  }
0x465: {  	s21 =	rddreg [dreg:$0x1f];
	s3 =	sshra.s32 s20, $0x2;
	v49 =	vshrl.u32 v30, $0x1;
	v30 =	vmul.f32 $5.000000000e-01, v30;
	v50 =	vshrl.u32 v29, $0x1  }
0x466: {  	s3 =	sadd.s32 s3, s21;
	v29 =	vmul.f32 $5.000000000e-01, v29;
	v38 =	vmul.f32 v35, v51;
	v36 =	vsub.s32 $0x5F3759DF, v49  }
0x467: {  	s4 =	sadd.s32 $0x100, s3;
	v26 =	vmul.f32 v33, v26;
	v37 =	vsub.s32 $0x5F3759DF, v50;
	v52 =	vmul.f32 v36, v30  }
0x468: {  	s1 =	simm.s32 $0x100;
	v58 =	vld [tilespmem:s4+$0xFFFFFFE0];
	v25 =	vmul.f32 v33, v25;
	v53 =	vmul.f32 v37, v29;
	v38 =	vsub.f32 $1.500000000e+00, v38  }
0x469: {  	v54 =	vld [tilespmem:s1+$0x240];
	v24 =	vmul.f32 v33, v24;
	v27 =	vsub.f32 v27, v31;
	v39 =	vmul.f32 v36, v52  }
0x46a: {  	s22 =	sadd.s32 $0x4, s5;
	v56 =	vld [tilespmem:s1+$0x260];
	v26 =	vsub.f32 v26, v31;
	v40 =	vmul.f32 v37, v53;
	v38 =	vmul.f32 v35, v38  }
0x46b: {  	s5 =	smulhi.u32 $0x51EB851F, s22;
	v57 =	vld [tilespmem:s1+$0x270];
	v25 =	vsub.f32 v25, v31;
	v27 =	vmul.f32 v27, v6;
	v39 =	vsub.f32 $1.500000000e+00, v39  }
0x46c: {  	v61 =	vld [tilespmem:s4+$0x10];
	v26 =	vmul.f32 v26, v11;
	v40 =	vsub.f32 $1.500000000e+00, v40;
	v32 =	vmul.f32 v38, v32  }
0x46d: {  	s5 =	sshrl.u32 s5, $0x4;
	v60 =	vld [tilespmem:s4+$0x0];
	v24 =	vsub.f32 v24, v31;
	v25 =	vmul.f32 v25, v10;
	v36 =	vmul.f32 v36, v39  }
0x46e: {  	s5 =	smul.u32 $0xFFFFCE00, s5;
	s3 =	sadd.s32 $0x4, s6;
	v37 =	vmul.f32 v37, v40;
	v32 =	vmul.f32 v32, v38  }
0x46f: {  	s8 =	smulhi.u32 $0x51EB851F, s3;
	v24 =	vmul.f32 v24, v8;
	v39 =	vadd.f32 v58, v54;
	v30 =	vmul.f32 v36, v30  }
0x470: {  	v55 =	vld [tilespmem:s1+$0x250];
	v35 =	vadd.f32 v27, v4;
	v29 =	vmul.f32 v37, v29;
	v31 =	vsub.f32 $1.500000000e+00, v32  }
0x471: {  	s23 =	rddreg [dreg:$0x1c];
	s5 =	sshra.s32 s5, $0x2;
	s8 =	sshrl.u32 s8, $0x4;
	v59 =	vld [tilespmem:s4+$0xFFFFFFF0];
	v32 =	vadd.f32 v61, v57;
	v58 =	vmul.f32 v39, v39;
	v30 =	vmul.f32 v30, v36  }
0x472: {  	s5 =	sadd.s32 s5, s23;
	s24 =	smul.u32 $0xFFFFCE00, s8;
	v40 =	vadd.f32 v60, v56;
	v29 =	vmul.f32 v29, v37;
	v27 =	vmul.f32 v31, v38  }
0x473: {  	s5 =	sadd.s32 $0x100, s5;
	s4 =	sadd.s32 $0x4, s9;
	v38 =	vadd.f32 v25, v7;
	v60 =	vmul.f32 v32, v32;
	v30 =	vsub.f32 $1.500000000e+00, v30  }
0x474: {  	s25 =	rddreg [dreg:$0x1d];
	s6 =	sshra.s32 s24, $0x2;
	v63 =	vld [tilespmem:s5+$0x0];
	s9 =	smulhi.u32 $0x51EB851F, s4;
	v29 =	vsub.f32 $1.500000000e+00, v29;
	v23 =	vmul.f32 v27, v23;
	v22 =	vmul.f32 v27, v22  }
0x475: {  	s6 =	sadd.s32 s6, s25;
	v62 =	vld [tilespmem:s5+$0xFFFFFFF0];
	v57 =	vadd.f32 v32, v40;
	v21 =	vmul.f32 v27, v21;
	v30 =	vmul.f32 v30, v36  }
0x476: {  	s6 =	sadd.s32 $0x100, s6;
	s9 =	sshrl.u32 s9, $0x4;
	v47 =	vld [tilespmem:s5+$0x10];
	v20 =	vmul.f32 v27, v20;
	v29 =	vmul.f32 v29, v37;
	v37 =	vadd.f32 v59, v55  }
0x477: {  	s26 =	smul.u32 $0xFFFFCE00, s9;
	v48 =	vld [tilespmem:s6+$0xFFFFFFE0];
	v36 =	vadd.f32 v26, v9;
	v26 =	vmul.f32 v27, v34;
	v25 =	vmul.f32 v30, v41  }
0x478: {  	v51 =	vld [tilespmem:s6+$0x10];
	v59 =	vmul.f32 v37, v37;
	v41 =	vadd.f32 v24, v5;
	v24 =	vmul.f32 v40, v40  }
0x479: {  	s29 =	rddreg [dreg:$0x1e];
	s30 =	sshra.s32 s26, $0x2;
	v49 =	vld [tilespmem:s6+$0xFFFFFFF0];
	v27 =	vadd.f32 v37, v39;
	v14 =	vmul.f32 v30, v14;
	v19 =	vmul.f32 v30, v19  }
0x47a: {  	v31 =	vld [tilespmem:s5+$0xFFFFFFE0];
	s5 =	sadd.s32 s30, s29;
	v18 =	vmul.f32 v30, v18;
	v23 =	vsub.f32 v23, v26;
	v15 =	vmul.f32 v30, v15  }
0x47b: {  	v50 =	vld [tilespmem:s6+$0x0];
	s5 =	sadd.s32 $0x100, s5;
	v43 =	vmul.f32 v29, v28;
	v22 =	vsub.f32 v22, v26;
	v27 =	vadd.f32 v57, v27  }
0x47c: {  	v52 =	vld [tilespmem:s5+$0x0];
	v16 =	vmul.f32 v29, v16;
	v61 =	vadd.f32 v59, v58;
	v24 =	vadd.f32 v60, v24  }
0x47d: {  	v13 =	vmul.f32 v29, v13;
	v30 =	vld [tilespmem:s1+$0x180];
	v21 =	vsub.f32 v21, v26;
	v56 =	vsub.f32 v20, v26  }
0x47e: {  	v45 =	vmul.f32 v29, v12;
	v12 =	vld [tilespmem:s1+$0x190];
	v24 =	vadd.f32 v24, v61;
	v28 =	vperm.xlane v27, v0  }
0x47f: {  	v54 =	vld [tilespmem:s5+$0x20];
	v17 =	vmul.f32 v29, v17;
	v44 =	vsub.f32 v14, v25;
	v42 =	vsub.f32 v19, v25  }
0x480: {  	v14 =	vld [tilespmem:s1+$0x1A0];
	v46 =	vmul.f32 v23, v11;
	v55 =	vadd.f32 v27, v28;
	v27 =	vperm.xlane v24, v0  }
0x481: {  	v29 =	vmul.f32 v22, v10;
	v26 =	vsub.f32 v13, v43;
	v28 =	vsub.f32 v18, v25;
	v18 =	vld [tilespmem:s1+$0x1B0]  }
0x482: {  	v23 =	vld [tilespmem:s1+$0x1C0];
	v13 =	vadd.f32 v31, v30;
	v19 =	vperm.xlane v55, v1;
	v20 =	vadd.f32 v27, v24  }
0x483: {  	v22 =	vld [tilespmem:s1+$0x1D0];
	v30 =	vmul.f32 v21, v8;
	v27 =	vsub.f32 v15, v25;
	v15 =	vadd.f32 v62, v12  }
0x484: {  	v21 =	vld [tilespmem:s1+$0x200];
	v34 =	vmul.f32 v13, v13;
	v25 =	vsub.f32 v16, v43;
	v16 =	vadd.f32 v55, v19  }
0x485: {  	v24 =	vsub.f32 v17, v43;
	v17 =	vld [tilespmem:s1+$0x1F0];
	v19 =	vperm.xlane v20, v1;
	v33 =	vadd.f32 v15, v13  }
0x486: {  	v55 =	vld [tilespmem:s1+$0x220];
	v59 =	vmul.f32 v15, v15;
	v18 =	vadd.f32 v47, v18;
	v31 =	vperm.xlane v16, v2  }
0x487: {  	v12 =	vld [tilespmem:s1+$0x1E0];
	v19 =	vadd.f32 v19, v20;
	v20 =	vadd.f32 v63, v14  }
0x488: {  	v53 =	vld [tilespmem:s5+$0x10];
	v34 =	vadd.f32 v59, v34;
	v31 =	vadd.f32 v16, v31  }
0x489: {  	v47 =	vld [tilespmem:s1+$0x210];
	v14 =	vperm.xlane v19, v2;
	v16 =	vadd.f32 v48, v23;
	v48 =	vadd.f32 v18, v20  }
0x48a: {  	v60 =	vmul.f32 v18, v18;
	v23 =	vadd.f32 v49, v22;
	v22 =	vadd.f32 v51, v17  }
0x48b: {  	v17 =	vadd.f32 v54, v55;
	v57 =	vperm.xlane v31, v3;
	v19 =	vadd.f32 v14, v19  }
0x48c: {  	v58 =	vld [tilespmem:s5+$0x30];
	v14 =	vadd.f32 v50, v12;
	v50 =	vmul.f32 v20, v20;
	v12 =	vadd.f32 v52, v21  }
0x48d: {  	v49 =	vld [tilespmem:s1+$0x230];
	v51 =	vadd.f32 v23, v16;
	v31 =	vadd.f32 v31, v57;
	v57 =	vperm.xlane v19, v3  }
0x48e: {  	v21 =	vadd.f32 v53, v47;
	v61 =	vmul.f32 v23, v23;
	v33 =	vadd.f32 v48, v33  }
0x48f: {  	v48 =	vmul.f32 v22, v22;
	v52 =	vmul.f32 $1.562500000e-02, v31;
	v19 =	vadd.f32 v57, v19  }
0x490: {  	v47 =	vadd.f32 v22, v14;
	v59 =	vmul.f32 v21, v21;
	v31 =	vmul.f32 v16, v16  }
0x491: {  	v50 =	vadd.f32 v60, v50;
	v62 =	vmul.f32 $1.562500000e-02, v19;
	v63 =	vmul.f32 v52, v52  }
0x492: {  	v47 =	vadd.f32 v47, v51;
	v51 =	vmul.f32 v17, v17;
	v19 =	vadd.f32 v58, v49  }
0x493: {  	v49 =	vadd.f32 v21, v12;
	v58 =	vmul.f32 v12, v12;
	v53 =	vsub.f32 v62, v63  }
0x494: {  	v55 =	vadd.f32 v61, v31;
	v54 =	vadd.f32 v19, v17;
	v60 =	vmul.f32 v19, v19  }
0x495: {  	v57 =	vmul.f32 v14, v14;
	v63 =	vadd.f32 v59, v58;
	v53 =	vadd.f32 $9.999999740e-06, v53  }
0x496: {  	v31 =	vmul.f32 v56, v6;
	v49 =	vadd.f32 v54, v49;
	v51 =	vadd.f32 v60, v51  }
0x497: {  	v54 =	vperm.xlane v33, v0;
	v62 =	vshrl.u32 v53, $0x1;
	v53 =	vmul.f32 $5.000000000e-01, v53  }
0x498: {  	v48 =	vadd.f32 v48, v57;
	v51 =	vadd.f32 v51, v63;
	v56 =	vsub.s32 $0x5F3759DF, v62  }
0x499: {  	v63 =	vperm.xlane v49, v0;
	v33 =	vadd.f32 v33, v54;
	v61 =	vmul.f32 v56, v53  }
0x49a: {  	v34 =	vadd.f32 v50, v34;
	v48 =	vadd.f32 v48, v55;
	v62 =	vperm.xlane v47, v0  }
0x49b: {  	v49 =	vadd.f32 v49, v63;
	v63 =	vperm.xlane v33, v1;
	v60 =	vmul.f32 v56, v61  }
0x49c: {  	v43 =	vsub.f32 v45, v43;
	v47 =	vadd.f32 v47, v62;
	v61 =	vperm.xlane v34, v0  }
0x49d: {  	v50 =	vperm.xlane v48, v0;
	v33 =	vadd.f32 v33, v63;
	v62 =	vsub.f32 $1.500000000e+00, v60  }
0x49e: {  	v34 =	vadd.f32 v61, v34;
	v60 =	vperm.xlane v51, v0;
	v61 =	vperm.xlane v47, v1  }
0x49f: {  	v48 =	vadd.f32 v50, v48;
	v57 =	vperm.xlane v33, v2;
	v50 =	vmul.f32 v56, v62  }
0x4a0: {  	v62 =	vperm.xlane v49, v1;
	v51 =	vadd.f32 v60, v51;
	v63 =	vperm.xlane v34, v1  }
0x4a1: {  	v47 =	vadd.f32 v47, v61;
	v60 =	vperm.xlane v48, v1;
	v53 =	vmul.f32 v50, v53  }
0x4a2: {  	v49 =	vadd.f32 v49, v62;
	v61 =	vperm.xlane v51, v1;
	v34 =	vadd.f32 v63, v34  }
0x4a3: {  	v62 =	vperm.xlane v47, v2;
	v48 =	vadd.f32 v60, v48;
	v53 =	vmul.f32 v53, v50  }
0x4a4: {  	v33 =	vadd.f32 v33, v57;
	v63 =	vperm.xlane v49, v2;
	v60 =	vperm.xlane v34, v2  }
0x4a5: {  	v51 =	vadd.f32 v61, v51;
	v54 =	vadd.f32 v47, v62;
	v61 =	vperm.xlane v48, v2  }
0x4a6: {  	v62 =	vperm.xlane v33, v3;
	v53 =	vsub.f32 $1.500000000e+00, v53;
	v49 =	vadd.f32 v49, v63  }
0x4a7: {  	v55 =	vperm.xlane v51, v2;
	v63 =	vadd.f32 v60, v34;
	v58 =	vperm.xlane v54, v3  }
0x4a8: {  	v48 =	vadd.f32 v61, v48;
	v33 =	vadd.f32 v33, v62;
	v50 =	vmul.f32 v53, v50  }
0x4a9: {  	v59 =	vperm.xlane v49, v3;
	v51 =	vadd.f32 v55, v51;
	v60 =	vperm.xlane v63, v3  }
0x4aa: {  	v54 =	vadd.f32 v54, v58;
	v61 =	vperm.xlane v48, v3;
	v34 =	vmul.f32 $1.562500000e-02, v33  }
0x4ab: {  	v47 =	vmul.f32 v50, v52;
	v32 =	vmul.f32 v50, v32;
	v49 =	vadd.f32 v49, v59  }
0x4ac: {  	v62 =	vperm.xlane v51, v3;
	v53 =	vadd.f32 v60, v63;
	v33 =	vmul.f32 $1.562500000e-02, v54  }
0x4ad: {  	v48 =	vadd.f32 v61, v48;
	v60 =	vmul.f32 v34, v34;
	v39 =	vmul.f32 v50, v39  }
0x4ae: {  	[tilespmem:s0+$0x250] =	vst v38;
	v38 =	vmul.f32 v50, v37;
	v32 =	vsub.f32 v32, v47;
	v58 =	vmul.f32 $1.562500000e-02, v53  }
0x4af: {  	[tilespmem:s0+$0x270] =	vst v35;
	v51 =	vadd.f32 v62, v51;
	v48 =	vmul.f32 $1.562500000e-02, v48;
	v61 =	vmul.f32 v33, v33  }
0x4b0: {  	[tilespmem:s0+$0x240] =	vst v36;
	v62 =	vadd.f32 v46, v9;
	v63 =	vmul.f32 v32, v6;
	v32 =	vmul.f32 $1.562500000e-02, v49  }
0x4b1: {  	[tilespmem:s0+$0x260] =	vst v41;
	v41 =	vmul.f32 v50, v40;
	v35 =	vsub.f32 v58, v60;
	v36 =	vsub.f32 v48, v61  }
0x4b2: {  	v51 =	vmul.f32 $1.562500000e-02, v51;
	v59 =	vadd.f32 v63, v4;
	v63 =	vmul.f32 v32, v32  }
0x4b3: {  	v37 =	vmul.f32 v44, v11;
	[tilespmem:s0+$0x180] =	vst v62;
	v45 =	vadd.f32 $9.999999740e-06, v35;
	v40 =	vadd.f32 $9.999999740e-06, v36  }
0x4b4: {  	s7 =	sadd.s32 $0x4, s22;
	s6 =	simm.s32 $0x4;
	s5 =	simm.s32 $0x400;
	v35 =	vsub.f32 v39, v47;
	v36 =	vmul.f32 v42, v10;
	[tilespmem:s1+$0x270] =	vst v59;
	v46 =	vsub.f32 v51, v63  }
.LBB2_10:
0x4b5: {  	v28 =	vmul.f32 v28, v8;
	v27 =	vmul.f32 v27, v6  }
0x4b6: {  	v39 =	vshrl.u32 v45, $0x1;
	v42 =	vmul.f32 $5.000000000e-01, v45;
	v44 =	vadd.f32 $9.999999740e-06, v46  }
0x4b7: {  	s4 =	sadd.s32 $0x4, s4;
	v59 =	vshrl.u32 v40, $0x1;
	v60 =	vmul.f32 $5.000000000e-01, v40;
	v39 =	vsub.s32 $0x5F3759DF, v39  }
0x4b8: {  	s2 =	sadd.s32 $0x4, s2;
	s10 =	smulhi.u32 $0x51EB851F, s4;
	v45 =	vsub.s32 $0x5F3759DF, v59;
	v46 =	vshrl.u32 v44, $0x1;
	v44 =	vmul.f32 $5.000000000e-01, v44  }
0x4b9: {  	s3 =	sadd.s32 $0x4, s3;
	s14 =	smulhi.u32 $0x51EB851F, s2;
	v48 =	vmul.f32 v39, v42;
	v49 =	vmul.f32 v45, v60;
	v46 =	vsub.s32 $0x5F3759DF, v46  }
0x4ba: {  	v29 =	vadd.f32 v29, v7;
	v25 =	vmul.f32 v25, v11;
	s9 =	smulhi.u32 $0x51EB851F, s3;
	s10 =	sshrl.u32 s10, $0x4;
	v50 =	vmul.f32 v46, v44  }
0x4bb: {  	s12 =	rddreg [dreg:$0x1d];
	v30 =	vadd.f32 v30, v5;
	s23 =	sshrl.u32 s14, $0x4;
	s10 =	smul.u32 $0xFFFFCE00, s10;
	v61 =	vmul.f32 v39, v48;
	v62 =	vmul.f32 v45, v49  }
0x4bc: {  	s13 =	rddreg [dreg:$0x1e];
	v38 =	vsub.f32 v38, v47;
	v41 =	vsub.f32 v41, v47;
	s9 =	sshrl.u32 s9, $0x4;
	s24 =	smul.u32 $0xFFFFCE00, s23;
	v63 =	vmul.f32 v46, v50  }
0x4bd: {  	s5 =	sadd.s32 $0x400, s5;
	v26 =	vmul.f32 v26, v10;
	s9 =	smul.u32 $0xFFFFCE00, s9;
	s10 =	sshra.s32 s10, $0x2;
	v47 =	vsub.f32 $1.500000000e+00, v61;
	v48 =	vsub.f32 $1.500000000e+00, v62  }
0x4be: {  	s25 =	rddreg [dreg:$0x1f];
	v24 =	vmul.f32 v24, v8;
	v35 =	vmul.f32 v35, v11;
	[tilespmem:s0+$0x190] =	vst v29;
	s22 =	sadd.s32 s10, s13;
	s13 =	sshra.s32 s24, $0x2;
	v29 =	vsub.f32 $1.500000000e+00, v63  }
0x4bf: {  	s26 =	sshra.s32 s5, $0x2;
	[tilespmem:s0+$0x1A0] =	vst v30;
	v28 =	vadd.f32 v28, v5;
	s9 =	sshra.s32 s9, $0x2;
	s30 =	sadd.s32 s13, s25;
	v30 =	vmul.f32 v39, v47;
	v52 =	vmul.f32 v45, v48  }
0x4c0: {  	s8 =	smulhi.u32 $0x51EB851F, s7;
	v31 =	vadd.f32 v31, v4;
	v54 =	vld [tilespmem:s26+$0x250];
	v59 =	vmul.f32 v43, v6;
	s9 =	sadd.s32 s9, s12;
	s12 =	sadd.s32 s26, s30;
	v29 =	vmul.f32 v46, v29  }
0x4c1: {  	v25 =	vadd.f32 v25, v9;
	[tilespmem:s0+$0x1E0] =	vst v28;
	v28 =	vld [tilespmem:s12+$0xFFFFFFF0];
	v42 =	vmul.f32 v30, v42;
	v40 =	vmul.f32 v52, v60  }
0x4c2: {  	s8 =	sshrl.u32 s8, $0x4;
	v53 =	vld [tilespmem:s26+$0x240];
	v27 =	vadd.f32 v27, v4;
	[tilespmem:s0+$0x1B0] =	vst v31;
	v31 =	vadd.f32 v36, v7;
	v58 =	vmul.f32 v29, v44  }
0x4c3: {  	v55 =	vld [tilespmem:s26+$0x260];
	v24 =	vadd.f32 v24, v5;
	s8 =	smul.u32 $0xFFFFCE00, s8;
	[tilespmem:s0+$0x200] =	vst v25;
	v42 =	vmul.f32 v42, v30;
	v40 =	vmul.f32 v40, v52  }
0x4c4: {  	v25 =	vadd.f32 v26, v7;
	[tilespmem:s0+$0x1D0] =	vst v31;
	v62 =	vadd.f32 v35, v9;
	v31 =	vld [tilespmem:s12+$0xFFFFFFE0];
	v36 =	vmul.f32 v58, v29  }
0x4c5: {  	s11 =	rddreg [dreg:$0x1c];
	v38 =	vmul.f32 v38, v10;
	[tilespmem:s0+$0x1F0] =	vst v27;
	s8 =	sshra.s32 s8, $0x2;
	v27 =	vld [tilespmem:s12+$0x0];
	v42 =	vsub.f32 $1.500000000e+00, v42;
	v40 =	vsub.f32 $1.500000000e+00, v40  }
0x4c6: {  	v41 =	vmul.f32 v41, v8;
	s8 =	sadd.s32 s8, s11;
	v26 =	vld [tilespmem:s12+$0x10];
	v35 =	vadd.f32 v28, v54;
	v36 =	vsub.f32 $1.500000000e+00, v36  }
0x4c7: {  	v37 =	vadd.f32 v37, v9;
	s11 =	sadd.s32 s26, s8;
	v60 =	vld [tilespmem:s26+$0x270];
	v30 =	vmul.f32 v42, v30;
	v39 =	vmul.f32 v40, v52  }
0x4c8: {  	[tilespmem:s0+$0x220] =	vst v24;
	v24 =	vadd.f32 v41, v5;
	v61 =	vld [tilespmem:s11+$0xFFFFFFE0];
	v28 =	vmul.f32 v35, v35;
	v29 =	vmul.f32 v36, v29  }
0x4c9: {  	[tilespmem:s0+$0x210] =	vst v25;
	v25 =	vadd.f32 v59, v4;
	v56 =	vld [tilespmem:s11+$0x0];
	v42 =	vmul.f32 v30, v34;
	v13 =	vmul.f32 v30, v13  }
0x4ca: {  	[tilespmem:s0+$0x1C0] =	vst v37;
	v57 =	vld [tilespmem:s11+$0x10];
	v37 =	vadd.f32 v27, v55;
	v15 =	vmul.f32 v30, v15;
	v20 =	vmul.f32 v30, v20  }
0x4cb: {  	s9 =	sadd.s32 s26, s9;
	[tilespmem:s0+$0x230] =	vst v25;
	v63 =	vld [tilespmem:s11+$0xFFFFFFF0];
	v36 =	vadd.f32 v31, v53;
	v18 =	vmul.f32 v30, v18;
	v25 =	vmul.f32 v39, v33  }
0x4cc: {  	v59 =	vld [tilespmem:s9+$0x0];
	v34 =	vadd.f32 v26, v60;
	v16 =	vmul.f32 v39, v16;
	v23 =	vmul.f32 v39, v23  }
0x4cd: {  	v38 =	vadd.f32 v38, v7;
	s29 =	sadd.s32 s26, s22;
	s0 =	smov.u32 s1;
	v45 =	vld [tilespmem:s9+$0x10];
	v30 =	vmul.f32 v37, v37;
	v14 =	vmul.f32 v39, v14  }
0x4ce: {  	v47 =	vld [tilespmem:s29+$0x10];
	[tilespmem:s0+$0x260] =	vst v24;
	v22 =	vmul.f32 v39, v22;
	v26 =	vadd.f32 v35, v36;
	v24 =	vadd.f32 v34, v37  }
0x4cf: {  	s1 =	smov.u32 s26;
	v46 =	vld [tilespmem:s29+$0x0];
	v27 =	vmul.f32 v36, v36;
	v60 =	vmul.f32 v34, v34;
	v13 =	vsub.f32 v13, v42  }
0x4d0: {  	[tilespmem:s0+$0x250] =	vst v38;
	v38 =	vmul.f32 v29, v32;
	v15 =	vsub.f32 v15, v42;
	v52 =	vsub.f32 v18, v42;
	v18 =	vld [tilespmem:s1+$0x190]  }
0x4d1: {  	[tilespmem:s0+$0x240] =	vst v62;
	v62 =	vld [tilespmem:s1+$0x200];
	v12 =	vmul.f32 v29, v12;
	v21 =	vmul.f32 v29, v21;
	v24 =	vadd.f32 v24, v26  }
0x4d2: {  	v17 =	vmul.f32 v29, v17;
	v26 =	vadd.f32 v28, v27;
	v27 =	vadd.f32 v60, v30;
	v30 =	vld [tilespmem:s1+$0x180]  }
0x4d3: {  	v20 =	vsub.f32 v20, v42;
	v41 =	vmul.f32 v29, v19;
	v40 =	vsub.f32 v16, v25;
	v16 =	vld [tilespmem:s1+$0x1A0]  }
0x4d4: {  	v28 =	vsub.f32 v14, v25;
	v14 =	vld [tilespmem:s1+$0x1B0];
	v26 =	vadd.f32 v27, v26;
	v27 =	vperm.xlane v24, v0  }
0x4d5: {  	v58 =	vld [tilespmem:s9+$0xFFFFFFF0];
	v39 =	vsub.f32 v23, v25;
	v29 =	vmul.f32 v15, v10;
	v15 =	vadd.f32 v63, v18  }
0x4d6: {  	v31 =	vld [tilespmem:s9+$0xFFFFFFE0];
	v19 =	vadd.f32 v24, v27;
	v24 =	vperm.xlane v26, v0;
	v27 =	vsub.f32 v22, v25  }
0x4d7: {  	v42 =	vmul.f32 v13, v11;
	v22 =	vld [tilespmem:s1+$0x1C0];
	v25 =	vsub.f32 v12, v38;
	v13 =	vadd.f32 v61, v30  }
0x4d8: {  	v32 =	vld [tilespmem:s29+$0x20];
	v30 =	vmul.f32 v20, v8;
	v23 =	vperm.xlane v19, v1;
	v53 =	vadd.f32 v24, v26  }
0x4d9: {  	v61 =	vld [tilespmem:s1+$0x1E0];
	v20 =	vadd.f32 v56, v16;
	v18 =	vadd.f32 v57, v14;
	v54 =	vmul.f32 v15, v15  }
0x4da: {  	v12 =	vld [tilespmem:s1+$0x1D0];
	v26 =	vsub.f32 v21, v38;
	v19 =	vadd.f32 v19, v23;
	v21 =	vperm.xlane v53, v1  }
0x4db: {  	v63 =	vld [tilespmem:s1+$0x220];
	v24 =	vsub.f32 v17, v38;
	v48 =	vadd.f32 v15, v13;
	v49 =	vmul.f32 v13, v13  }
0x4dc: {  	v17 =	vld [tilespmem:s1+$0x1F0];
	v16 =	vadd.f32 v31, v22;
	v23 =	vperm.xlane v19, v2;
	v21 =	vadd.f32 v21, v53  }
0x4dd: {  	v56 =	vmul.f32 v20, v20;
	v31 =	vld [tilespmem:s1+$0x210];
	v49 =	vadd.f32 v54, v49;
	v53 =	vadd.f32 v18, v20  }
0x4de: {  	v14 =	vadd.f32 v59, v61;
	v19 =	vadd.f32 v19, v23;
	v22 =	vperm.xlane v21, v2  }
0x4df: {  	v57 =	vmul.f32 v18, v18;
	v23 =	vadd.f32 v58, v12;
	v12 =	vadd.f32 v46, v62  }
0x4e0: {  	v51 =	vld [tilespmem:s29+$0x30];
	v46 =	vmul.f32 v16, v16;
	v50 =	vmul.f32 v14, v14;
	v55 =	vadd.f32 v22, v21  }
0x4e1: {  	v60 =	vld [tilespmem:s1+$0x230];
	v61 =	vperm.xlane v19, v3;
	v22 =	vadd.f32 v45, v17;
	v45 =	vadd.f32 v23, v16  }
0x4e2: {  	v21 =	vadd.f32 v47, v31;
	v17 =	vadd.f32 v32, v63;
	v44 =	vmul.f32 v23, v23  }
0x4e3: {  	v47 =	vadd.f32 v53, v48;
	v19 =	vadd.f32 v19, v61;
	v62 =	vperm.xlane v55, v3  }
0x4e4: {  	v58 =	vmul.f32 v12, v12;
	v33 =	vadd.f32 v22, v14;
	v43 =	vadd.f32 v21, v12  }
0x4e5: {  	v59 =	vmul.f32 v21, v21;
	v32 =	vmul.f32 $1.562500000e-02, v19;
	v31 =	vadd.f32 v62, v55  }
0x4e6: {  	v44 =	vadd.f32 v44, v46;
	v19 =	vadd.f32 v51, v60;
	v51 =	vmul.f32 v22, v22  }
0x4e7: {  	v33 =	vadd.f32 v33, v45;
	v31 =	vmul.f32 $1.562500000e-02, v31;
	v63 =	vmul.f32 v32, v32  }
0x4e8: {  	v48 =	vmul.f32 v17, v17;
	v60 =	vadd.f32 v19, v17;
	v50 =	vadd.f32 v51, v50  }
0x4e9: {  	v61 =	vmul.f32 v19, v19;
	v31 =	vsub.f32 v31, v63;
	v63 =	vadd.f32 v57, v56  }
0x4ea: {  	v43 =	vadd.f32 v60, v43;
	v60 =	vadd.f32 v59, v58  }
0x4eb: {  	v56 =	vperm.xlane v47, v0;
	v48 =	vadd.f32 v61, v48;
	v44 =	vadd.f32 v50, v44  }
0x4ec: {  	v62 =	vadd.f32 $9.999999740e-06, v31;
	v31 =	vmul.f32 v52, v6;
	v49 =	vadd.f32 v63, v49  }
0x4ed: {  	v48 =	vadd.f32 v48, v60;
	v63 =	vperm.xlane v43, v0;
	v47 =	vadd.f32 v47, v56  }
0x4ee: {  	v59 =	vperm.xlane v44, v0;
	v57 =	vshrl.u32 v62, $0x1;
	v46 =	vmul.f32 $5.000000000e-01, v62  }
0x4ef: {  	v62 =	vperm.xlane v33, v0;
	v43 =	vadd.f32 v43, v63;
	v45 =	vsub.s32 $0x5F3759DF, v57  }
0x4f0: {  	v58 =	vperm.xlane v49, v0;
	v44 =	vadd.f32 v59, v44;
	v61 =	vmul.f32 v45, v46  }
0x4f1: {  	v33 =	vadd.f32 v33, v62;
	v62 =	vperm.xlane v48, v0;
	v56 =	vperm.xlane v43, v1  }
0x4f2: {  	v49 =	vadd.f32 v58, v49;
	v58 =	vperm.xlane v44, v1;
	v57 =	vmul.f32 v45, v61  }
0x4f3: {  	v61 =	vperm.xlane v47, v1;
	v48 =	vadd.f32 v62, v48;
	v43 =	vadd.f32 v43, v56  }
0x4f4: {  	v63 =	vperm.xlane v33, v1;
	v44 =	vadd.f32 v58, v44;
	v60 =	vsub.f32 $1.500000000e+00, v57  }
0x4f5: {  	v47 =	vadd.f32 v47, v61;
	v57 =	vperm.xlane v49, v1;
	v59 =	vperm.xlane v48, v1  }
0x4f6: {  	v33 =	vadd.f32 v33, v63;
	v62 =	vperm.xlane v43, v2;
	v58 =	vperm.xlane v44, v2  }
0x4f7: {  	v45 =	vmul.f32 v45, v60;
	v60 =	vperm.xlane v47, v2  }
0x4f8: {  	v49 =	vadd.f32 v57, v49;
	v61 =	vperm.xlane v33, v2;
	v48 =	vadd.f32 v59, v48  }
0x4f9: {  	v43 =	vadd.f32 v43, v62;
	v44 =	vadd.f32 v58, v44;
	v46 =	vmul.f32 v45, v46  }
0x4fa: {  	v63 =	vperm.xlane v49, v2;
	v33 =	vadd.f32 v33, v61;
	v59 =	vperm.xlane v48, v2  }
0x4fb: {  	v57 =	vadd.f32 v47, v60;
	v54 =	vperm.xlane v43, v3;
	v46 =	vmul.f32 v46, v45  }
0x4fc: {  	v56 =	vperm.xlane v44, v3;
	v49 =	vadd.f32 v63, v49;
	v61 =	vperm.xlane v33, v3  }
0x4fd: {  	v60 =	vperm.xlane v57, v3;
	v48 =	vadd.f32 v59, v48;
	v46 =	vsub.f32 $1.500000000e+00, v46  }
0x4fe: {  	v44 =	vadd.f32 v56, v44;
	v55 =	vperm.xlane v49, v3;
	v33 =	vadd.f32 v33, v61  }
0x4ff: {  	v63 =	vadd.f32 v57, v60;
	v57 =	vperm.xlane v48, v3;
	v45 =	vmul.f32 v46, v45  }
0x500: {  	v44 =	vmul.f32 $1.562500000e-02, v44;
	v49 =	vadd.f32 v55, v49;
	v33 =	vmul.f32 $1.562500000e-02, v33  }
0x501: {  	v46 =	vadd.f32 v57, v48;
	v47 =	vmul.f32 v45, v32;
	v62 =	vmul.f32 v45, v34  }
0x502: {  	v43 =	vadd.f32 v43, v54;
	v34 =	vmul.f32 $1.562500000e-02, v63;
	v49 =	vmul.f32 $1.562500000e-02, v49  }
0x503: {  	s6 =	sadd.s32 $0x4, s6;
	v61 =	vmul.f32 v33, v33;
	v46 =	vmul.f32 $1.562500000e-02, v46;
	v32 =	vsub.f32 v62, v47  }
0x504: {  	p0 =	slt.u32 s6, $0x7C;
	v42 =	vadd.f32 v42, v9;
	v36 =	vmul.f32 v45, v36;
	v60 =	vmul.f32 v34, v34  }
.Ltmp4:
0x505: {  	v44 =	vsub.f32 v44, v61;
	v58 =	vmul.f32 v32, v6;
	v32 =	vmul.f32 $1.562500000e-02, v43;
	(pc) =	sbr.rel @p0 .LBB2_10-.Ltmp4, $4  }
0x506: {  	v43 =	vsub.f32 v41, v38;
	v62 =	vsub.f32 v49, v60;
	v38 =	vmul.f32 v45, v35  }
0x507: {  	v41 =	vmul.f32 v45, v37;
	v59 =	vadd.f32 v58, v4;
	v63 =	vmul.f32 v32, v32  }
0x508: {  	[tilespmem:s0+$0x180] =	vst v42;
	v37 =	vmul.f32 v40, v11;
	v40 =	vadd.f32 $9.999999740e-06, v44;
	v35 =	vsub.f32 v36, v47  }
0x509: {  	s7 =	sadd.s32 $0x4, s7;
	v36 =	vmul.f32 v39, v10;
	v45 =	vadd.f32 $9.999999740e-06, v62;
	[tilespmem:s1+$0x270] =	vst v59;
	v46 =	vsub.f32 v46, v63  }
0x50a: {  	v59 =	vshrl.u32 v40, $0x1;
	v60 =	vmul.f32 $5.000000000e-01, v40  }
0x50b: {  	v39 =	vshrl.u32 v45, $0x1;
	v42 =	vmul.f32 $5.000000000e-01, v45;
	v45 =	vsub.s32 $0x5F3759DF, v59  }
0x50c: {  	v44 =	vadd.f32 $9.999999740e-06, v46;
	v39 =	vsub.s32 $0x5F3759DF, v39;
	v49 =	vmul.f32 v45, v60  }
0x50d: {  	v38 =	vsub.f32 v38, v47;
	v41 =	vsub.f32 v41, v47;
	v48 =	vmul.f32 v39, v42  }
0x50e: {  	v46 =	vshrl.u32 v44, $0x1;
	v44 =	vmul.f32 $5.000000000e-01, v44;
	v61 =	vmul.f32 v45, v49  }
0x50f: {  	v29 =	vadd.f32 v29, v7;
	v46 =	vsub.s32 $0x5F3759DF, v46;
	v48 =	vmul.f32 v39, v48  }
0x510: {  	v28 =	vmul.f32 v28, v8;
	v50 =	vmul.f32 v46, v44;
	v47 =	vsub.f32 $1.500000000e+00, v61  }
0x511: {  	v27 =	vmul.f32 v27, v6;
	v25 =	vmul.f32 v25, v11;
	v48 =	vsub.f32 $1.500000000e+00, v48  }
0x512: {  	v30 =	vadd.f32 v30, v5;
	v62 =	vmul.f32 v46, v50;
	v45 =	vmul.f32 v45, v47  }
0x513: {  	v26 =	vmul.f32 v26, v10;
	v31 =	vadd.f32 v31, v4;
	v39 =	vmul.f32 v39, v48  }
0x514: {  	v24 =	vmul.f32 v24, v8;
	v49 =	vsub.f32 $1.500000000e+00, v62;
	v40 =	vmul.f32 v45, v60  }
0x515: {  	v37 =	vadd.f32 v37, v9;
	v43 =	vmul.f32 v43, v6;
	v42 =	vmul.f32 v39, v42  }
0x516: {  	v36 =	vadd.f32 v36, v7;
	v46 =	vmul.f32 v46, v49;
	v40 =	vmul.f32 v40, v45  }
0x517: {  	v28 =	vadd.f32 v28, v5;
	v27 =	vadd.f32 v27, v4;
	[tilespmem:s0+$0x190] =	vst v29;
	v42 =	vmul.f32 v42, v39  }
0x518: {  	v29 =	vmul.f32 v35, v11;
	[tilespmem:s0+$0x1A0] =	vst v30;
	v44 =	vmul.f32 v46, v44;
	v63 =	vsub.f32 $1.500000000e+00, v40  }
0x519: {  	v30 =	vmul.f32 v38, v10;
	[tilespmem:s0+$0x1B0] =	vst v31;
	v31 =	vmul.f32 v41, v8;
	v42 =	vsub.f32 $1.500000000e+00, v42  }
0x51a: {  	v25 =	vadd.f32 v25, v9;
	v44 =	vmul.f32 v44, v46;
	v35 =	vmul.f32 v63, v45  }
0x51b: {  	v26 =	vadd.f32 v26, v7;
	[tilespmem:s0+$0x1F0] =	vst v27;
	v27 =	vadd.f32 v30, v7;
	v39 =	vmul.f32 v42, v39  }
0x51c: {  	v44 =	vsub.f32 $1.500000000e+00, v44;
	v30 =	vmul.f32 v35, v33;
	v16 =	vmul.f32 v35, v16  }
0x51d: {  	[tilespmem:s0+$0x1C0] =	vst v37;
	v24 =	vadd.f32 v24, v5;
	v23 =	vmul.f32 v35, v23;
	v14 =	vmul.f32 v35, v14  }
0x51e: {  	[tilespmem:s0+$0x1D0] =	vst v36;
	v29 =	vadd.f32 v29, v9;
	v22 =	vmul.f32 v35, v22;
	v45 =	vmul.f32 v44, v46  }
0x51f: {  	[tilespmem:s0+$0x1E0] =	vst v28;
	v28 =	vadd.f32 v43, v4;
	v34 =	vmul.f32 v39, v34;
	v13 =	vmul.f32 v39, v13  }
0x520: {  	[tilespmem:s0+$0x200] =	vst v25;
	v25 =	vadd.f32 v31, v5;
	v15 =	vmul.f32 v39, v15;
	v20 =	vmul.f32 v39, v20  }
0x521: {  	[tilespmem:s0+$0x210] =	vst v26;
	v18 =	vmul.f32 v39, v18;
	v16 =	vsub.f32 v16, v30;
	v13 =	vsub.f32 v13, v34  }
0x522: {  	[tilespmem:s0+$0x220] =	vst v24;
	v23 =	vsub.f32 v23, v30;
	v26 =	vmul.f32 v45, v32;
	v15 =	vsub.f32 v15, v34  }
0x523: {  	[tilespmem:s0+$0x230] =	vst v28;
	v12 =	vmul.f32 v45, v12;
	v20 =	vsub.f32 v20, v34;
	v13 =	vmul.f32 v13, v11  }
0x524: {  	[tilespmem:s1+$0x240] =	vst v29;
	v14 =	vsub.f32 v14, v30;
	v18 =	vsub.f32 v18, v34;
	v15 =	vmul.f32 v15, v10  }
0x525: {  	[tilespmem:s1+$0x250] =	vst v27;
	v20 =	vmul.f32 v20, v8;
	v12 =	vsub.f32 v12, v26;
	v13 =	vadd.f32 v13, v9  }
0x526: {  	[tilespmem:s1+$0x260] =	vst v25;
	v17 =	vmul.f32 v45, v17;
	v18 =	vmul.f32 v18, v6;
	v15 =	vadd.f32 v15, v7  }
0x527: {  	v12 =	vmul.f32 v12, v11;
	[tilespmem:s1+$0x180] =	vst v13;
	v13 =	vmul.f32 v16, v11;
	v16 =	vadd.f32 v20, v5  }
0x528: {  	v21 =	vmul.f32 v45, v21;
	v17 =	vsub.f32 v17, v26;
	[tilespmem:s1+$0x190] =	vst v15;
	v15 =	vadd.f32 v18, v4  }
0x529: {  	v20 =	vsub.f32 v22, v30;
	v22 =	vmul.f32 v23, v10;
	v12 =	vadd.f32 v12, v9;
	[tilespmem:s1+$0x1A0] =	vst v16  }
0x52a: {  	v19 =	vmul.f32 v45, v19;
	v14 =	vmul.f32 v14, v8;
	v13 =	vadd.f32 v13, v9;
	[tilespmem:s1+$0x1B0] =	vst v15  }
0x52b: {  	v17 =	vmul.f32 v17, v8;
	v16 =	vsub.f32 v21, v26;
	v15 =	vadd.f32 v22, v7;
	[tilespmem:s1+$0x200] =	vst v12  }
0x52c: {  	v18 =	vmul.f32 v20, v6;
	[tilespmem:s1+$0x1C0] =	vst v13;
	v13 =	vadd.f32 v14, v5;
	v14 =	vsub.f32 v19, v26  }
0x52d: {  	v12 =	vadd.f32 v17, v5;
	v16 =	vmul.f32 v16, v10;
	[tilespmem:s1+$0x1D0] =	vst v15  }
0x52e: {  	v15 =	vadd.f32 v18, v4;
	[tilespmem:s1+$0x1E0] =	vst v13;
	v13 =	vmul.f32 v14, v6  }
0x52f: {  	[tilespmem:s1+$0x220] =	vst v12;
	v14 =	vadd.f32 v16, v7  }
0x530: {  	[tilespmem:s1+$0x1F0] =	vst v15;
	v13 =	vadd.f32 v13, v4  }
0x531: {  	[tilespmem:s1+$0x210] =	vst v14  }
0x532: {  	[tilespmem:s1+$0x230] =	vst v13  }
0x533: {  	s1 =	sld [smem:$0x7DD];
	_ =	sdelay $0x1  }
0x534: {  	s30 =	simm.s32 $0x0;
	s2 =	simm.s32 $0x180;
	s3 =	simm.s32 $0x6  }
0x535: {  	[hbm4b:s1+s30] =	stream.linear.scatter [tilespmem:s2], [sflag:$0x4], $0x2000, $0x38;
	[tilespmem:$0x7200] =	vst v63  }
0x536: {  	_ =	swait.ge [sflag:s3], $0x2000  }
0x537: {  	[sflag:s3] =	ssyncset.done $0x0  }
0x538: {  	s4 =	simm.s32 $0x2;
	[sflag:s3] =	ssyncadd.s32 $0xFFFFE000  }
0x539: {  	_ =	swait.ge [sflag:s4], $0x2000  }
0x53a: {  	s7 =	sld [smem:$0x7FC];
	_ =	sdelay $0x2  }
0x53b: {  	s5 =	smulhi.u32 $0x51EB851F, s7;
	_ =	sdelay $0x1  }
0x53c: {  	[sflag:s4] =	ssyncset.done $0x0;
	s8 =	sld [smem:$0x7E6];
	s0 =	sshrl.u32 s5, $0x4  }
0x53d: {  	[sflag:s4] =	ssyncadd.s32 $0xFFFFE000;
	s6 =	smul.u32 $0xFFFFCE00, s0;
	s0 =	simm.s32 $0x0  }
0x53e: {  	v12 =	vld [tilespmem:s0+$0x2240]  }
0x53f: {  	v13 =	vld [tilespmem:s0+$0x2250];
	s1 =	sshra.s32 s6, $0x2  }
0x540: {  	v14 =	vld [tilespmem:s0+$0x2260];
	s1 =	sadd.s32 s1, s8  }
0x541: {  	v15 =	vld [tilespmem:s0+$0x2270];
	s1 =	sadd.s32 $0x0, s1  }
0x542: {  	s5 =	sld [smem:$0x7F8];
	v16 =	vld [tilespmem:s1+$0xFFFFFFE0]  }
0x543: {  	v17 =	vld [tilespmem:s1+$0xFFFFFFF0]  }
0x544: {  	v18 =	vld [tilespmem:s1+$0x0]  }
0x545: {  	s3 =	smulhi.u32 $0x51EB851F, s5;
	v19 =	vld [tilespmem:s1+$0x10];
	_ =	sdelay $0x1  }
0x546: {  	s6 =	sld [smem:$0x7F9];
	s9 =	sshrl.u32 s3, $0x4  }
0x547: {  	s10 =	sld [smem:$0x7E2];
	s2 =	smul.u32 $0xFFFFCE00, s9  }
0x548: {  	v47 =	vld [tilespmem:s0+$0x21A0];
	v26 =	vadd.f32 v16, v12;
	v25 =	vadd.f32 v17, v13  }
0x549: {  	v48 =	vld [tilespmem:s0+$0x21B0];
	s4 =	smulhi.u32 $0x51EB851F, s6;
	s2 =	sshra.s32 s2, $0x2;
	v24 =	vadd.f32 v18, v14;
	v27 =	vadd.f32 v19, v15  }
0x54a: {  	v51 =	vld [tilespmem:s0+$0x21E0];
	s2 =	sadd.s32 s2, s10;
	v14 =	vadd.f32 v25, v26  }
0x54b: {  	s12 =	sld [smem:$0x7E3];
	v52 =	vld [tilespmem:s0+$0x21F0];
	s4 =	sshrl.u32 s4, $0x4;
	s2 =	sadd.s32 $0x0, s2;
	v16 =	vadd.f32 v27, v24;
	v17 =	vmul.f32 v26, v26;
	v18 =	vmul.f32 v25, v25  }
0x54c: {  	s9 =	sld [smem:$0x7FA];
	s11 =	smul.u32 $0xFFFFCE00, s4;
	v20 =	vld [tilespmem:s2+$0xFFFFFFE0];
	v19 =	vmul.f32 v24, v24;
	v22 =	vmul.f32 v27, v27  }
0x54d: {  	v21 =	vld [tilespmem:s2+$0xFFFFFFF0];
	v14 =	vadd.f32 v16, v14  }
0x54e: {  	s1 =	sshra.s32 s11, $0x2;
	v28 =	vld [tilespmem:s2+$0x0];
	v17 =	vadd.f32 v18, v17;
	v18 =	vadd.f32 v22, v19  }
0x54f: {  	s13 =	smulhi.u32 $0x51EB851F, s9;
	v12 =	vld [tilespmem:s2+$0x10];
	s1 =	sadd.s32 s1, s12  }
0x550: {  	s1 =	sadd.s32 $0x0, s1;
	v22 =	vld [tilespmem:s0+$0x2190];
	v17 =	vadd.f32 v18, v17;
	v18 =	vperm.xlane v14, v0  }
0x551: {  	s4 =	sshrl.u32 s13, $0x4;
	v13 =	vld [tilespmem:s1+$0xFFFFFFE0]  }
0x552: {  	s17 =	sld [smem:$0x7E4];
	s14 =	smul.u32 $0xFFFFCE00, s4;
	v19 =	vld [tilespmem:s0+$0x2180];
	v14 =	vadd.f32 v14, v18;
	v18 =	vperm.xlane v17, v0  }
0x553: {  	v15 =	vld [tilespmem:s1+$0xFFFFFFF0]  }
0x554: {  	s18 =	sshra.s32 s14, $0x2;
	v29 =	vld [tilespmem:s1+$0x0];
	v23 =	vperm.xlane v14, v1;
	v17 =	vadd.f32 v18, v17  }
0x555: {  	s2 =	sadd.s32 s18, s17;
	v22 =	vadd.f32 v21, v22;
	v18 =	vld [tilespmem:s0+$0x21C0]  }
0x556: {  	v30 =	vld [tilespmem:s1+$0x10];
	s2 =	sadd.s32 $0x0, s2;
	v21 =	vadd.f32 v28, v47;
	v14 =	vadd.f32 v14, v23;
	v50 =	vperm.xlane v17, v1  }
0x557: {  	v16 =	vld [tilespmem:s2+$0x0];
	v56 =	vmul.f32 v22, v22;
	v23 =	vadd.f32 v20, v19;
	v20 =	vadd.f32 v12, v48  }
0x558: {  	v59 =	vmul.f32 v21, v21;
	v19 =	vld [tilespmem:s0+$0x21D0];
	v28 =	vperm.xlane v14, v2;
	v17 =	vadd.f32 v50, v17  }
0x559: {  	v12 =	vld [tilespmem:s0+$0x2200];
	v53 =	vadd.f32 v22, v23;
	v36 =	vmul.f32 v23, v23;
	v55 =	vadd.f32 v20, v21  }
0x55a: {  	v57 =	vld [tilespmem:s0+$0x2220];
	v60 =	vmul.f32 v20, v20;
	v28 =	vadd.f32 v14, v28;
	v14 =	vadd.f32 v13, v18  }
0x55b: {  	v31 =	vld [tilespmem:s2+$0x10];
	v54 =	vperm.xlane v17, v2;
	v18 =	vadd.f32 v29, v51;
	v34 =	vadd.f32 v55, v53  }
0x55c: {  	v13 =	vld [tilespmem:s0+$0x2210];
	v36 =	vadd.f32 v56, v36;
	v37 =	vadd.f32 v60, v59  }
0x55d: {  	v49 =	vld [tilespmem:s2+$0x30];
	v19 =	vadd.f32 v15, v19;
	v58 =	vperm.xlane v28, v3;
	v17 =	vadd.f32 v54, v17  }
0x55e: {  	v29 =	vld [tilespmem:s0+$0x2230];
	v15 =	vadd.f32 v30, v52;
	v16 =	vadd.f32 v16, v12;
	v62 =	vmul.f32 v14, v14  }
0x55f: {  	v46 =	vld [tilespmem:s2+$0x20];
	v55 =	vperm.xlane v34, v0;
	v28 =	vadd.f32 v28, v58;
	v30 =	vperm.xlane v17, v3  }
0x560: {  	v36 =	vadd.f32 v37, v36;
	v61 =	vadd.f32 v19, v14;
	v63 =	vmul.f32 v19, v19  }
0x561: {  	v13 =	vadd.f32 v31, v13;
	v31 =	vmul.f32 $1.562500000e-02, v28;
	v28 =	vadd.f32 v30, v17  }
0x562: {  	v50 =	vmul.f32 v15, v15;
	v52 =	vmul.f32 v16, v16;
	v34 =	vadd.f32 v34, v55  }
0x563: {  	v12 =	vadd.f32 v49, v29;
	v28 =	vmul.f32 $1.562500000e-02, v28;
	v29 =	vmul.f32 v31, v31  }
0x564: {  	v49 =	vmul.f32 v18, v18;
	v32 =	vadd.f32 v63, v62;
	v17 =	vadd.f32 v46, v57  }
0x565: {  	v62 =	vperm.xlane v36, v0;
	v30 =	vadd.f32 v15, v18;
	v28 =	vsub.f32 v28, v29  }
0x566: {  	v45 =	vperm.xlane v34, v1;
	v48 =	vadd.f32 v13, v16;
	v57 =	vadd.f32 v50, v49  }
0x567: {  	v54 =	vmul.f32 v12, v12;
	v36 =	vadd.f32 v62, v36;
	v28 =	vadd.f32 $9.999999740e-06, v28  }
0x568: {  	v51 =	vadd.f32 v12, v17;
	v53 =	vmul.f32 v17, v17;
	v30 =	vadd.f32 v30, v61  }
0x569: {  	v29 =	vmul.f32 v13, v13;
	v56 =	vshrl.u32 v28, $0x1;
	v28 =	vmul.f32 $5.000000000e-01, v28  }
0x56a: {  	v34 =	vadd.f32 v34, v45;
	v32 =	vadd.f32 v57, v32;
	v33 =	vsub.s32 $0x5F3759DF, v56  }
0x56b: {  	v39 =	vadd.f32 v54, v53;
	v29 =	vadd.f32 v29, v52;
	v58 =	vmul.f32 v33, v28  }
0x56c: {  	v49 =	vperm.xlane v36, v1;
	v35 =	vadd.f32 v51, v48;
	v59 =	vperm.xlane v30, v0  }
0x56d: {  	v40 =	vperm.xlane v34, v2;
	v29 =	vadd.f32 v39, v29;
	v61 =	vmul.f32 v33, v58  }
0x56e: {  	v63 =	vperm.xlane v32, v0;
	v36 =	vadd.f32 v49, v36;
	v60 =	vperm.xlane v35, v0  }
0x56f: {  	v30 =	vadd.f32 v30, v59;
	v46 =	vperm.xlane v29, v0;
	v44 =	vsub.f32 $1.500000000e+00, v61  }
0x570: {  	v32 =	vadd.f32 v63, v32;
	v54 =	vperm.xlane v36, v2;
	v35 =	vadd.f32 v35, v60  }
0x571: {  	v47 =	vperm.xlane v30, v1;
	v29 =	vadd.f32 v46, v29;
	v33 =	vmul.f32 v33, v44  }
0x572: {  	v34 =	vadd.f32 v34, v40;
	v50 =	vperm.xlane v32, v1;
	v48 =	vperm.xlane v35, v1  }
0x573: {  	v30 =	vadd.f32 v30, v47;
	v51 =	vperm.xlane v29, v1;
	v28 =	vmul.f32 v33, v28  }
0x574: {  	v55 =	vperm.xlane v34, v3;
	v32 =	vadd.f32 v50, v32;
	v35 =	vadd.f32 v35, v48  }
0x575: {  	v29 =	vadd.f32 v51, v29;
	v52 =	vmul.f32 v28, v33;
	v28 =	vperm.xlane v30, v2  }
0x576: {  	v36 =	vadd.f32 v54, v36;
	v34 =	vadd.f32 v34, v55;
	v53 =	vperm.xlane v35, v2  }
0x577: {  	v37 =	vperm.xlane v29, v2;
	v28 =	vadd.f32 v30, v28;
	v30 =	vperm.xlane v32, v2  }
0x578: {  	v58 =	vperm.xlane v36, v3;
	v35 =	vadd.f32 v35, v53  }
0x579: {  	v34 =	vmul.f32 $1.562500000e-02, v34;
	v29 =	vadd.f32 v37, v29;
	v30 =	vadd.f32 v30, v32  }
0x57a: {  	v57 =	vperm.xlane v35, v3;
	v56 =	vperm.xlane v28, v3  }
0x57b: {  	v36 =	vadd.f32 v58, v36;
	v60 =	vperm.xlane v29, v3;
	v59 =	vperm.xlane v30, v3  }
0x57c: {  	v63 =	vmul.f32 v34, v34;
	v32 =	vadd.f32 v35, v57;
	v28 =	vadd.f32 v28, v56  }
0x57d: {  	v62 =	vmul.f32 $1.562500000e-02, v36;
	v29 =	vadd.f32 v60, v29;
	v30 =	vadd.f32 v59, v30  }
0x57e: {  	v40 =	vsub.f32 $1.500000000e+00, v52;
	v61 =	vmul.f32 $1.562500000e-02, v28;
	v28 =	vmul.f32 $1.562500000e-02, v32  }
0x57f: {  	v29 =	vmul.f32 $1.562500000e-02, v29;
	v32 =	vsub.f32 v62, v63;
	v30 =	vmul.f32 $1.562500000e-02, v30  }
0x580: {  	s2 =	sadd.s32 $0x4, s7;
	v42 =	vmul.f32 v61, v61;
	v43 =	vmul.f32 v28, v28  }
0x581: {  	s19 =	smulhi.u32 $0x51EB851F, s2;
	v33 =	vmul.f32 v40, v33;
	v32 =	vadd.f32 $9.999999740e-06, v32  }
0x582: {  	v30 =	vsub.f32 v30, v42;
	v29 =	vsub.f32 v29, v43  }
0x583: {  	s1 =	sshrl.u32 s19, $0x4;
	v31 =	vmul.f32 v33, v31;
	v44 =	vshrl.u32 v32, $0x1;
	v32 =	vmul.f32 $5.000000000e-01, v32  }
0x584: {  	s21 =	sld [smem:$0x7E6];
	s20 =	smul.u32 $0xFFFFCE00, s1;
	v35 =	vsub.s32 $0x5F3759DF, v44;
	v30 =	vadd.f32 $9.999999740e-06, v30;
	v29 =	vadd.f32 $9.999999740e-06, v29  }
0x585: {  	v27 =	vmul.f32 v33, v27;
	v47 =	vmul.f32 v35, v32  }
0x586: {  	s3 =	sshra.s32 s20, $0x2;
	v45 =	vshrl.u32 v30, $0x1;
	v30 =	vmul.f32 $5.000000000e-01, v30;
	v46 =	vshrl.u32 v29, $0x1  }
0x587: {  	s3 =	sadd.s32 s3, s21;
	v29 =	vmul.f32 $5.000000000e-01, v29;
	v38 =	vmul.f32 v35, v47;
	v36 =	vsub.s32 $0x5F3759DF, v45  }
0x588: {  	s4 =	sadd.s32 $0x100, s3;
	v26 =	vmul.f32 v33, v26;
	v37 =	vsub.s32 $0x5F3759DF, v46;
	v48 =	vmul.f32 v36, v30  }
0x589: {  	s1 =	simm.s32 $0x100;
	v54 =	vld [tilespmem:s4+$0xFFFFFFE0];
	v25 =	vmul.f32 v33, v25;
	v49 =	vmul.f32 v37, v29;
	v38 =	vsub.f32 $1.500000000e+00, v38  }
0x58a: {  	v53 =	vld [tilespmem:s1+$0x2270];
	v24 =	vmul.f32 v33, v24;
	v27 =	vsub.f32 v27, v31;
	v39 =	vmul.f32 v36, v48  }
0x58b: {  	s3 =	sadd.s32 $0x4, s6;
	v52 =	vld [tilespmem:s1+$0x2260];
	v26 =	vsub.f32 v26, v31;
	v40 =	vmul.f32 v37, v49;
	v38 =	vmul.f32 v35, v38  }
0x58c: {  	s22 =	sadd.s32 $0x4, s5;
	s8 =	smulhi.u32 $0x51EB851F, s3;
	v57 =	vld [tilespmem:s4+$0x10];
	v24 =	vsub.f32 v24, v31;
	v27 =	vmul.f32 v27, v6;
	v39 =	vsub.f32 $1.500000000e+00, v39  }
0x58d: {  	s5 =	smulhi.u32 $0x51EB851F, s22;
	v56 =	vld [tilespmem:s4+$0x0];
	v26 =	vmul.f32 v26, v11;
	v40 =	vsub.f32 $1.500000000e+00, v40;
	v32 =	vmul.f32 v38, v32  }
0x58e: {  	s8 =	sshrl.u32 s8, $0x4;
	v50 =	vld [tilespmem:s1+$0x2240];
	v25 =	vsub.f32 v25, v31;
	v24 =	vmul.f32 v24, v8;
	v36 =	vmul.f32 v36, v39  }
0x58f: {  	s25 =	sld [smem:$0x7E3];
	s5 =	sshrl.u32 s5, $0x4;
	s24 =	smul.u32 $0xFFFFCE00, s8;
	v37 =	vmul.f32 v37, v40;
	v32 =	vmul.f32 v32, v38  }
0x590: {  	s23 =	sld [smem:$0x7E2];
	s5 =	smul.u32 $0xFFFFCE00, s5;
	v25 =	vmul.f32 v25, v10;
	v41 =	vadd.f32 v24, v5;
	v30 =	vmul.f32 v36, v30  }
0x591: {  	s6 =	sshra.s32 s24, $0x2;
	v35 =	vadd.f32 v27, v4;
	v29 =	vmul.f32 v37, v29;
	v31 =	vsub.f32 $1.500000000e+00, v32  }
0x592: {  	s5 =	sshra.s32 s5, $0x2;
	s6 =	sadd.s32 s6, s25;
	v55 =	vld [tilespmem:s4+$0xFFFFFFF0];
	v40 =	vadd.f32 v56, v52;
	v32 =	vadd.f32 v57, v53;
	v30 =	vmul.f32 v30, v36  }
0x593: {  	s5 =	sadd.s32 s5, s23;
	s6 =	sadd.s32 $0x100, s6;
	v51 =	vld [tilespmem:s1+$0x2250];
	s4 =	sadd.s32 $0x4, s9;
	v39 =	vadd.f32 v54, v50;
	v29 =	vmul.f32 v29, v37;
	v27 =	vmul.f32 v31, v38  }
0x594: {  	s5 =	sadd.s32 $0x100, s5;
	v60 =	vld [tilespmem:s6+$0x0];
	s9 =	smulhi.u32 $0x51EB851F, s4;
	v24 =	vmul.f32 v40, v40;
	v59 =	vmul.f32 v32, v32;
	v30 =	vsub.f32 $1.500000000e+00, v30  }
0x595: {  	v33 =	vld [tilespmem:s5+$0x0];
	v29 =	vsub.f32 $1.500000000e+00, v29;
	v23 =	vmul.f32 v27, v23;
	v22 =	vmul.f32 v27, v22  }
0x596: {  	v63 =	vld [tilespmem:s6+$0xFFFFFFF0];
	s9 =	sshrl.u32 s9, $0x4;
	v38 =	vadd.f32 v25, v7;
	v21 =	vmul.f32 v27, v21;
	v20 =	vmul.f32 v27, v20  }
0x597: {  	s29 =	sld [smem:$0x7E4];
	s26 =	smul.u32 $0xFFFFCE00, s9;
	v47 =	vld [tilespmem:s5+$0x10];
	v58 =	vadd.f32 v32, v40;
	v30 =	vmul.f32 v30, v36;
	v29 =	vmul.f32 v29, v37  }
0x598: {  	v48 =	vld [tilespmem:s6+$0xFFFFFFE0];
	v36 =	vadd.f32 v26, v9;
	v26 =	vmul.f32 v27, v34;
	v37 =	vadd.f32 v55, v51  }
0x599: {  	s30 =	sshra.s32 s26, $0x2;
	v31 =	vld [tilespmem:s5+$0xFFFFFFE0];
	v24 =	vadd.f32 v59, v24;
	v25 =	vmul.f32 v30, v61;
	v61 =	vmul.f32 v39, v39  }
0x59a: {  	v34 =	vld [tilespmem:s5+$0xFFFFFFF0];
	s5 =	sadd.s32 s30, s29;
	v27 =	vadd.f32 v37, v39;
	v62 =	vmul.f32 v37, v37;
	v14 =	vmul.f32 v30, v14  }
0x59b: {  	v51 =	vld [tilespmem:s6+$0x10];
	s5 =	sadd.s32 $0x100, s5;
	v19 =	vmul.f32 v30, v19;
	v18 =	vmul.f32 v30, v18;
	v23 =	vsub.f32 v23, v26  }
0x59c: {  	v52 =	vld [tilespmem:s5+$0x0];
	v15 =	vmul.f32 v30, v15;
	v43 =	vmul.f32 v29, v28;
	v22 =	vsub.f32 v22, v26  }
0x59d: {  	v16 =	vmul.f32 v29, v16;
	v30 =	vld [tilespmem:s1+$0x2180];
	v27 =	vadd.f32 v58, v27;
	v61 =	vadd.f32 v62, v61  }
0x59e: {  	v53 =	vld [tilespmem:s5+$0x10];
	v13 =	vmul.f32 v29, v13;
	v21 =	vsub.f32 v21, v26;
	v56 =	vsub.f32 v20, v26  }
0x59f: {  	v45 =	vmul.f32 v29, v12;
	v12 =	vld [tilespmem:s1+$0x2190];
	v24 =	vadd.f32 v24, v61;
	v28 =	vperm.xlane v27, v0  }
0x5a0: {  	v54 =	vld [tilespmem:s5+$0x20];
	v17 =	vmul.f32 v29, v17;
	v44 =	vsub.f32 v14, v25;
	v42 =	vsub.f32 v19, v25  }
0x5a1: {  	v55 =	vadd.f32 v27, v28;
	v27 =	vperm.xlane v24, v0;
	v28 =	vsub.f32 v18, v25;
	v18 =	vld [tilespmem:s1+$0x21B0]  }
0x5a2: {  	v14 =	vld [tilespmem:s1+$0x21A0];
	v46 =	vmul.f32 v23, v11;
	v26 =	vsub.f32 v13, v43;
	v13 =	vadd.f32 v31, v30  }
0x5a3: {  	v23 =	vld [tilespmem:s1+$0x21C0];
	v19 =	vperm.xlane v55, v1;
	v20 =	vadd.f32 v27, v24;
	v27 =	vsub.f32 v15, v25  }
0x5a4: {  	v29 =	vmul.f32 v22, v10;
	v22 =	vld [tilespmem:s1+$0x21D0];
	v25 =	vsub.f32 v16, v43;
	v15 =	vadd.f32 v34, v12  }
0x5a5: {  	v24 =	vsub.f32 v17, v43;
	v17 =	vld [tilespmem:s1+$0x21F0];
	v16 =	vadd.f32 v55, v19;
	v19 =	vperm.xlane v20, v1  }
0x5a6: {  	v34 =	vmul.f32 v13, v13;
	v55 =	vld [tilespmem:s1+$0x2220];
	v59 =	vmul.f32 v15, v15;
	v18 =	vadd.f32 v47, v18  }
0x5a7: {  	v12 =	vld [tilespmem:s1+$0x21E0];
	v31 =	vperm.xlane v16, v2;
	v19 =	vadd.f32 v19, v20;
	v20 =	vadd.f32 v33, v14  }
0x5a8: {  	v30 =	vmul.f32 v21, v8;
	v21 =	vld [tilespmem:s1+$0x2200];
	v33 =	vadd.f32 v15, v13;
	v34 =	vadd.f32 v59, v34  }
0x5a9: {  	v47 =	vld [tilespmem:s1+$0x2210];
	v31 =	vadd.f32 v16, v31;
	v16 =	vadd.f32 v48, v23  }
0x5aa: {  	v14 =	vperm.xlane v19, v2;
	v48 =	vadd.f32 v18, v20;
	v23 =	vadd.f32 v63, v22  }
0x5ab: {  	v50 =	vmul.f32 v20, v20;
	v22 =	vadd.f32 v51, v17;
	v17 =	vadd.f32 v54, v55  }
0x5ac: {  	v49 =	vld [tilespmem:s1+$0x2230];
	v57 =	vperm.xlane v31, v3;
	v19 =	vadd.f32 v14, v19;
	v14 =	vadd.f32 v60, v12  }
0x5ad: {  	v58 =	vld [tilespmem:s5+$0x30];
	v60 =	vmul.f32 v18, v18;
	v12 =	vadd.f32 v52, v21;
	v51 =	vadd.f32 v23, v16  }
0x5ae: {  	v21 =	vadd.f32 v53, v47;
	v31 =	vadd.f32 v31, v57;
	v57 =	vperm.xlane v19, v3  }
0x5af: {  	v61 =	vmul.f32 v23, v23;
	v33 =	vadd.f32 v48, v33;
	v47 =	vadd.f32 v22, v14  }
0x5b0: {  	v50 =	vadd.f32 v60, v50;
	v52 =	vmul.f32 $1.562500000e-02, v31;
	v19 =	vadd.f32 v57, v19  }
0x5b1: {  	v59 =	vmul.f32 v21, v21;
	v31 =	vmul.f32 v16, v16;
	v47 =	vadd.f32 v47, v51  }
0x5b2: {  	v62 =	vmul.f32 $1.562500000e-02, v19;
	v63 =	vmul.f32 v52, v52;
	v19 =	vadd.f32 v58, v49  }
0x5b3: {  	v51 =	vmul.f32 v17, v17;
	v49 =	vadd.f32 v21, v12;
	v58 =	vmul.f32 v12, v12  }
0x5b4: {  	v55 =	vadd.f32 v61, v31;
	v53 =	vsub.f32 v62, v63;
	v60 =	vmul.f32 v19, v19  }
0x5b5: {  	v48 =	vmul.f32 v22, v22;
	v54 =	vadd.f32 v19, v17;
	v63 =	vadd.f32 v59, v58  }
0x5b6: {  	v57 =	vmul.f32 v14, v14;
	v53 =	vadd.f32 $9.999999740e-06, v53;
	v51 =	vadd.f32 v60, v51  }
0x5b7: {  	v31 =	vmul.f32 v56, v6;
	v49 =	vadd.f32 v54, v49;
	v54 =	vperm.xlane v33, v0  }
0x5b8: {  	v62 =	vshrl.u32 v53, $0x1;
	v53 =	vmul.f32 $5.000000000e-01, v53;
	v51 =	vadd.f32 v51, v63  }
0x5b9: {  	v63 =	vperm.xlane v49, v0;
	v33 =	vadd.f32 v33, v54;
	v56 =	vsub.s32 $0x5F3759DF, v62  }
0x5ba: {  	v34 =	vadd.f32 v50, v34;
	v48 =	vadd.f32 v48, v57;
	v61 =	vmul.f32 v56, v53  }
0x5bb: {  	v62 =	vperm.xlane v47, v0;
	v49 =	vadd.f32 v49, v63;
	v63 =	vperm.xlane v33, v1  }
0x5bc: {  	v48 =	vadd.f32 v48, v55;
	v60 =	vmul.f32 v56, v61  }
0x5bd: {  	v47 =	vadd.f32 v47, v62;
	v61 =	vperm.xlane v34, v0;
	v33 =	vadd.f32 v33, v63  }
0x5be: {  	v50 =	vperm.xlane v48, v0;
	v62 =	vsub.f32 $1.500000000e+00, v60;
	v60 =	vperm.xlane v51, v0  }
0x5bf: {  	v34 =	vadd.f32 v61, v34;
	v61 =	vperm.xlane v47, v1;
	v57 =	vperm.xlane v33, v2  }
0x5c0: {  	v48 =	vadd.f32 v50, v48;
	v50 =	vmul.f32 v56, v62;
	v62 =	vperm.xlane v49, v1  }
0x5c1: {  	v51 =	vadd.f32 v60, v51;
	v63 =	vperm.xlane v34, v1;
	v47 =	vadd.f32 v47, v61  }
0x5c2: {  	v60 =	vperm.xlane v48, v1;
	v33 =	vadd.f32 v33, v57;
	v53 =	vmul.f32 v50, v53  }
0x5c3: {  	v49 =	vadd.f32 v49, v62;
	v61 =	vperm.xlane v51, v1;
	v34 =	vadd.f32 v63, v34  }
0x5c4: {  	v62 =	vperm.xlane v47, v2;
	v48 =	vadd.f32 v60, v48;
	v53 =	vmul.f32 v53, v50  }
0x5c5: {  	v63 =	vperm.xlane v49, v2;
	v60 =	vperm.xlane v34, v2;
	v51 =	vadd.f32 v61, v51  }
0x5c6: {  	v54 =	vadd.f32 v47, v62;
	v61 =	vperm.xlane v48, v2;
	v62 =	vperm.xlane v33, v3  }
0x5c7: {  	v53 =	vsub.f32 $1.500000000e+00, v53;
	v49 =	vadd.f32 v49, v63;
	v55 =	vperm.xlane v51, v2  }
0x5c8: {  	v63 =	vadd.f32 v60, v34;
	v58 =	vperm.xlane v54, v3;
	v48 =	vadd.f32 v61, v48  }
0x5c9: {  	v33 =	vadd.f32 v33, v62;
	v50 =	vmul.f32 v53, v50;
	v59 =	vperm.xlane v49, v3  }
0x5ca: {  	v51 =	vadd.f32 v55, v51;
	v60 =	vperm.xlane v63, v3;
	v61 =	vperm.xlane v48, v3  }
0x5cb: {  	v54 =	vadd.f32 v54, v58;
	v34 =	vmul.f32 $1.562500000e-02, v33;
	v47 =	vmul.f32 v50, v52  }
0x5cc: {  	v32 =	vmul.f32 v50, v32;
	v49 =	vadd.f32 v49, v59;
	v62 =	vperm.xlane v51, v3  }
0x5cd: {  	v53 =	vadd.f32 v60, v63;
	v33 =	vmul.f32 $1.562500000e-02, v54;
	v48 =	vadd.f32 v61, v48  }
0x5ce: {  	v60 =	vmul.f32 v34, v34;
	v39 =	vmul.f32 v50, v39;
	v32 =	vsub.f32 v32, v47  }
0x5cf: {  	v58 =	vmul.f32 $1.562500000e-02, v53;
	v51 =	vadd.f32 v62, v51;
	v48 =	vmul.f32 $1.562500000e-02, v48  }
0x5d0: {  	[tilespmem:s0+$0x2260] =	vst v41;
	v43 =	vsub.f32 v45, v43;
	v63 =	vmul.f32 v32, v6;
	v32 =	vmul.f32 $1.562500000e-02, v49  }
0x5d1: {  	[tilespmem:s0+$0x2270] =	vst v35;
	v61 =	vmul.f32 v33, v33;
	v62 =	vadd.f32 v46, v9;
	v51 =	vmul.f32 $1.562500000e-02, v51  }
0x5d2: {  	[tilespmem:s0+$0x2250] =	vst v38;
	v35 =	vsub.f32 v58, v60;
	v59 =	vadd.f32 v63, v4;
	v63 =	vmul.f32 v32, v32  }
0x5d3: {  	[tilespmem:s0+$0x2240] =	vst v36;
	v38 =	vmul.f32 v50, v37;
	v41 =	vmul.f32 v50, v40;
	v36 =	vsub.f32 v48, v61  }
0x5d4: {  	v37 =	vmul.f32 v44, v11;
	[tilespmem:s0+$0x2180] =	vst v62;
	v45 =	vadd.f32 $9.999999740e-06, v35;
	v46 =	vsub.f32 v51, v63  }
0x5d5: {  	s7 =	sadd.s32 $0x4, s22;
	s6 =	simm.s32 $0x4;
	s5 =	simm.s32 $0x400;
	v40 =	vadd.f32 $9.999999740e-06, v36;
	v35 =	vsub.f32 v39, v47;
	v36 =	vmul.f32 v42, v10;
	[tilespmem:s1+$0x2270] =	vst v59  }
.LBB2_12:
0x5d6: {  	s8 =	smulhi.u32 $0x51EB851F, s7;
	v39 =	vshrl.u32 v45, $0x1;
	v42 =	vmul.f32 $5.000000000e-01, v45;
	v44 =	vadd.f32 $9.999999740e-06, v46;
	s3 =	sadd.s32 $0x4, s3  }
0x5d7: {  	s4 =	sadd.s32 $0x4, s4;
	s9 =	smulhi.u32 $0x51EB851F, s3;
	v39 =	vsub.s32 $0x5F3759DF, v39;
	v45 =	vshrl.u32 v40, $0x1;
	v40 =	vmul.f32 $5.000000000e-01, v40  }
0x5d8: {  	s10 =	smulhi.u32 $0x51EB851F, s4;
	s8 =	sshrl.u32 s8, $0x4;
	v45 =	vsub.s32 $0x5F3759DF, v45;
	v46 =	vshrl.u32 v44, $0x1;
	v44 =	vmul.f32 $5.000000000e-01, v44  }
0x5d9: {  	v48 =	vmul.f32 v39, v42;
	s8 =	smul.u32 $0xFFFFCE00, s8;
	s11 =	sld [smem:$0x7E2];
	s9 =	sshrl.u32 s9, $0x4;
	v49 =	vmul.f32 v45, v40;
	v46 =	vsub.s32 $0x5F3759DF, v46  }
0x5da: {  	v38 =	vsub.f32 v38, v47;
	v41 =	vsub.f32 v41, v47;
	s10 =	sshrl.u32 s10, $0x4;
	s9 =	smul.u32 $0xFFFFCE00, s9;
	s12 =	sld [smem:$0x7E3];
	v50 =	vmul.f32 v46, v44  }
0x5db: {  	s2 =	sadd.s32 $0x4, s2;
	v29 =	vadd.f32 v29, v7;
	s10 =	smul.u32 $0xFFFFCE00, s10;
	v47 =	vmul.f32 v39, v48;
	s13 =	sld [smem:$0x7E4];
	v48 =	vmul.f32 v45, v49  }
0x5dc: {  	v30 =	vadd.f32 v30, v5;
	v28 =	vmul.f32 v28, v8;
	s14 =	smulhi.u32 $0x51EB851F, s2;
	s8 =	sshra.s32 s8, $0x2;
	s9 =	sshra.s32 s9, $0x2;
	v49 =	vmul.f32 v46, v50  }
0x5dd: {  	v27 =	vmul.f32 v27, v6;
	s8 =	sadd.s32 s8, s11;
	s10 =	sshra.s32 s10, $0x2;
	v47 =	vsub.f32 $1.500000000e+00, v47;
	s9 =	sadd.s32 s9, s12;
	v48 =	vsub.f32 $1.500000000e+00, v48;
	[tilespmem:s0+$0x2190] =	vst v29  }
0x5de: {  	s5 =	sadd.s32 $0x400, s5;
	v25 =	vmul.f32 v25, v11;
	v26 =	vmul.f32 v26, v10;
	s12 =	sadd.s32 s10, s13;
	s10 =	sshrl.u32 s14, $0x4;
	v29 =	vsub.f32 $1.500000000e+00, v49;
	[tilespmem:s0+$0x21A0] =	vst v30  }
0x5df: {  	v31 =	vadd.f32 v31, v4;
	v30 =	vmul.f32 v39, v47;
	s13 =	smul.u32 $0xFFFFCE00, s10;
	s14 =	sld [smem:$0x7E6];
	s10 =	sshra.s32 s5, $0x2;
	v39 =	vmul.f32 v45, v48  }
0x5e0: {  	s6 =	sadd.s32 $0x4, s6;
	v37 =	vadd.f32 v37, v9;
	v24 =	vmul.f32 v24, v8;
	s11 =	sadd.s32 s10, s8;
	s9 =	sadd.s32 s10, s9;
	v45 =	vld [tilespmem:s10+$0x2240];
	v29 =	vmul.f32 v46, v29  }
0x5e1: {  	p0 =	slt.u32 s6, $0x7C;
	s8 =	sadd.s32 s10, s12;
	v42 =	vmul.f32 v30, v42;
	s13 =	sshra.s32 s13, $0x2;
	v46 =	vld [tilespmem:s10+$0x2250];
	v40 =	vmul.f32 v39, v40;
	[tilespmem:s0+$0x21B0] =	vst v31;
	v31 =	vadd.f32 v36, v7  }
0x5e2: {  	v28 =	vadd.f32 v28, v5;
	s12 =	sadd.s32 s13, s14;
	v47 =	vld [tilespmem:s10+$0x2260];
	v36 =	vmul.f32 v29, v44;
	[tilespmem:s0+$0x21C0] =	vst v37;
	v37 =	vmul.f32 v43, v6  }
0x5e3: {  	v27 =	vadd.f32 v27, v4;
	v42 =	vmul.f32 v42, v30;
	s12 =	sadd.s32 s10, s12;
	v43 =	vld [tilespmem:s10+$0x2270];
	v40 =	vmul.f32 v40, v39;
	[tilespmem:s0+$0x21D0] =	vst v31  }
0x5e4: {  	v35 =	vmul.f32 v35, v11;
	v25 =	vadd.f32 v25, v9;
	v31 =	vld [tilespmem:s12+$0xFFFFFFE0];
	v36 =	vmul.f32 v36, v29;
	[tilespmem:s0+$0x21E0] =	vst v28  }
0x5e5: {  	v38 =	vmul.f32 v38, v10;
	v42 =	vsub.f32 $1.500000000e+00, v42;
	v28 =	vld [tilespmem:s12+$0xFFFFFFF0];
	v40 =	vsub.f32 $1.500000000e+00, v40;
	[tilespmem:s0+$0x21F0] =	vst v27  }
0x5e6: {  	v41 =	vmul.f32 v41, v8;
	v27 =	vld [tilespmem:s12+$0x0];
	v36 =	vsub.f32 $1.500000000e+00, v36;
	[tilespmem:s0+$0x2200] =	vst v25;
	v25 =	vadd.f32 v26, v7  }
0x5e7: {  	v24 =	vadd.f32 v24, v5;
	v30 =	vmul.f32 v42, v30;
	v26 =	vld [tilespmem:s12+$0x10];
	v39 =	vmul.f32 v40, v39  }
0x5e8: {  	v40 =	vadd.f32 v35, v9;
	v44 =	vld [tilespmem:s11+$0xFFFFFFE0];
	v29 =	vmul.f32 v36, v29;
	[tilespmem:s0+$0x2210] =	vst v25;
	v25 =	vadd.f32 v37, v4  }
0x5e9: {  	v38 =	vadd.f32 v38, v7;
	v42 =	vmul.f32 v30, v34;
	v13 =	vmul.f32 v30, v13;
	v48 =	vld [tilespmem:s11+$0xFFFFFFF0];
	[tilespmem:s0+$0x2220] =	vst v24  }
0x5ea: {  	v15 =	vmul.f32 v30, v15;
	v20 =	vmul.f32 v30, v20;
	v24 =	vadd.f32 v41, v5;
	v49 =	vld [tilespmem:s11+$0x0];
	[tilespmem:s0+$0x2230] =	vst v25;
	s0 =	smov.u32 s1;
	s1 =	smov.u32 s10  }
0x5eb: {  	v18 =	vmul.f32 v30, v18;
	v36 =	vadd.f32 v31, v45;
	v35 =	vadd.f32 v28, v46;
	v50 =	vld [tilespmem:s11+$0x10];
	[tilespmem:s0+$0x2240] =	vst v40  }
0x5ec: {  	v25 =	vmul.f32 v39, v33;
	v37 =	vadd.f32 v27, v47;
	v31 =	vld [tilespmem:s9+$0xFFFFFFE0];
	v34 =	vadd.f32 v26, v43;
	[tilespmem:s0+$0x2250] =	vst v38  }
0x5ed: {  	v16 =	vmul.f32 v39, v16;
	v23 =	vmul.f32 v39, v23;
	v26 =	vadd.f32 v35, v36;
	v33 =	vld [tilespmem:s9+$0xFFFFFFF0];
	[tilespmem:s0+$0x2260] =	vst v24  }
0x5ee: {  	v27 =	vmul.f32 v36, v36;
	v28 =	vmul.f32 v35, v35;
	v43 =	vld [tilespmem:s9+$0x0];
	v24 =	vadd.f32 v34, v37  }
0x5ef: {  	v13 =	vsub.f32 v13, v42;
	v30 =	vmul.f32 v37, v37;
	v38 =	vmul.f32 v34, v34;
	v45 =	vld [tilespmem:s9+$0x10]  }
0x5f0: {  	v14 =	vmul.f32 v39, v14;
	v22 =	vmul.f32 v39, v22;
	v46 =	vld [tilespmem:s8+$0x0];
	v24 =	vadd.f32 v24, v26  }
0x5f1: {  	v26 =	vadd.f32 v28, v27;
	v27 =	vadd.f32 v38, v30;
	v38 =	vmul.f32 v29, v32;
	v47 =	vld [tilespmem:s8+$0x10]  }
0x5f2: {  	v15 =	vsub.f32 v15, v42;
	v12 =	vmul.f32 v29, v12;
	v21 =	vmul.f32 v29, v21;
	v32 =	vld [tilespmem:s8+$0x20]  }
0x5f3: {  	v17 =	vmul.f32 v29, v17;
	v26 =	vadd.f32 v27, v26;
	v27 =	vperm.xlane v24, v0;
	v51 =	vld [tilespmem:s8+$0x30]  }
0x5f4: {  	v20 =	vsub.f32 v20, v42;
	v52 =	vsub.f32 v18, v42;
	v41 =	vmul.f32 v29, v19;
	v30 =	vld [tilespmem:s1+$0x2180]  }
0x5f5: {  	v40 =	vsub.f32 v16, v25;
	v19 =	vadd.f32 v24, v27;
	v24 =	vperm.xlane v26, v0;
	v18 =	vld [tilespmem:s1+$0x2190]  }
0x5f6: {  	v42 =	vmul.f32 v13, v11;
	v39 =	vsub.f32 v23, v25;
	v28 =	vsub.f32 v14, v25;
	v16 =	vld [tilespmem:s1+$0x21A0]  }
0x5f7: {  	v27 =	vsub.f32 v22, v25;
	v23 =	vperm.xlane v19, v1;
	v53 =	vadd.f32 v24, v26;
	v14 =	vld [tilespmem:s1+$0x21B0]  }
0x5f8: {  	v29 =	vmul.f32 v15, v10;
	v25 =	vsub.f32 v12, v38;
	v26 =	vsub.f32 v21, v38;
	v22 =	vld [tilespmem:s1+$0x21C0]  }
0x5f9: {  	v19 =	vadd.f32 v19, v23;
	v21 =	vperm.xlane v53, v1;
	v13 =	vadd.f32 v44, v30;
	v12 =	vld [tilespmem:s1+$0x21D0]  }
0x5fa: {  	v24 =	vsub.f32 v17, v38;
	v30 =	vmul.f32 v20, v8;
	v15 =	vadd.f32 v48, v18;
	v44 =	vld [tilespmem:s1+$0x21E0]  }
0x5fb: {  	v23 =	vperm.xlane v19, v2;
	v21 =	vadd.f32 v21, v53;
	v20 =	vadd.f32 v49, v16;
	v17 =	vld [tilespmem:s1+$0x21F0]  }
0x5fc: {  	v49 =	vmul.f32 v13, v13;
	v18 =	vadd.f32 v50, v14;
	v48 =	vadd.f32 v15, v13;
	v50 =	vld [tilespmem:s1+$0x2200]  }
0x5fd: {  	v19 =	vadd.f32 v19, v23;
	v16 =	vadd.f32 v31, v22;
	v31 =	vld [tilespmem:s1+$0x2210];
	v22 =	vperm.xlane v21, v2  }
0x5fe: {  	v54 =	vmul.f32 v15, v15;
	v53 =	vadd.f32 v18, v20;
	v23 =	vadd.f32 v33, v12;
	v33 =	vld [tilespmem:s1+$0x2220]  }
0x5ff: {  	v14 =	vadd.f32 v43, v44;
	v43 =	vld [tilespmem:s1+$0x2230];
	v44 =	vperm.xlane v19, v3;
	v55 =	vadd.f32 v22, v21  }
0x600: {  	v56 =	vmul.f32 v20, v20;
	v57 =	vmul.f32 v18, v18;
	v22 =	vadd.f32 v45, v17  }
0x601: {  	v12 =	vadd.f32 v46, v50;
	v19 =	vadd.f32 v19, v44;
	v44 =	vperm.xlane v55, v3  }
0x602: {  	v45 =	vadd.f32 v23, v16;
	v46 =	vmul.f32 v16, v16;
	v21 =	vadd.f32 v47, v31  }
0x603: {  	v17 =	vadd.f32 v32, v33;
	v32 =	vmul.f32 $1.562500000e-02, v19;
	v31 =	vadd.f32 v44, v55  }
0x604: {  	v33 =	vadd.f32 v22, v14;
	v44 =	vmul.f32 v23, v23;
	v19 =	vadd.f32 v51, v43  }
0x605: {  	v43 =	vadd.f32 v21, v12;
	v31 =	vmul.f32 $1.562500000e-02, v31;
	v47 =	vmul.f32 v32, v32  }
0x606: {  	v50 =	vmul.f32 v14, v14;
	v51 =	vmul.f32 v22, v22;
	v55 =	vadd.f32 v19, v17  }
0x607: {  	v58 =	vmul.f32 v12, v12;
	v59 =	vmul.f32 v21, v21;
	v31 =	vsub.f32 v31, v47  }
0x608: {  	v47 =	vadd.f32 v53, v48;
	v48 =	vmul.f32 v17, v17;
	v53 =	vmul.f32 v19, v19  }
0x609: {  	v49 =	vadd.f32 v54, v49;
	v54 =	vadd.f32 $9.999999740e-06, v31;
	v31 =	vmul.f32 v52, v6  }
0x60a: {  	v33 =	vadd.f32 v33, v45;
	v52 =	vadd.f32 v57, v56;
	v56 =	vperm.xlane v47, v0  }
0x60b: {  	v44 =	vadd.f32 v44, v46;
	v45 =	vshrl.u32 v54, $0x1;
	v46 =	vmul.f32 $5.000000000e-01, v54  }
0x60c: {  	v50 =	vadd.f32 v51, v50;
	v43 =	vadd.f32 v55, v43;
	v45 =	vsub.s32 $0x5F3759DF, v45  }
0x60d: {  	v51 =	vadd.f32 v59, v58;
	v48 =	vadd.f32 v53, v48;
	v53 =	vmul.f32 v45, v46  }
0x60e: {  	v44 =	vadd.f32 v50, v44;
	v50 =	vperm.xlane v33, v0;
	v49 =	vadd.f32 v52, v49  }
0x60f: {  	v48 =	vadd.f32 v48, v51;
	v51 =	vperm.xlane v43, v0;
	v52 =	vmul.f32 v45, v53  }
0x610: {  	v33 =	vadd.f32 v33, v50;
	v47 =	vadd.f32 v47, v56;
	v53 =	vperm.xlane v49, v0  }
0x611: {  	v50 =	vperm.xlane v44, v0;
	v43 =	vadd.f32 v43, v51;
	v51 =	vsub.f32 $1.500000000e+00, v52  }
0x612: {  	v52 =	vperm.xlane v47, v1;
	v49 =	vadd.f32 v53, v49;
	v53 =	vperm.xlane v48, v0  }
0x613: {  	v54 =	vperm.xlane v33, v1;
	v44 =	vadd.f32 v50, v44;
	v45 =	vmul.f32 v45, v51  }
0x614: {  	v50 =	vperm.xlane v43, v1;
	v47 =	vadd.f32 v47, v52;
	v48 =	vadd.f32 v53, v48  }
0x615: {  	v33 =	vadd.f32 v33, v54;
	v51 =	vperm.xlane v49, v1;
	v46 =	vmul.f32 v45, v46  }
0x616: {  	v43 =	vadd.f32 v43, v50;
	v52 =	vperm.xlane v44, v1;
	v50 =	vperm.xlane v48, v1  }
0x617: {  	v53 =	vperm.xlane v47, v2;
	v49 =	vadd.f32 v51, v49;
	v46 =	vmul.f32 v46, v45  }
0x618: {  	v51 =	vperm.xlane v33, v2;
	v44 =	vadd.f32 v52, v44;
	v52 =	vperm.xlane v43, v2  }
0x619: {  	v54 =	vperm.xlane v49, v2;
	v48 =	vadd.f32 v50, v48;
	v46 =	vsub.f32 $1.500000000e+00, v46  }
0x61a: {  	v50 =	vadd.f32 v47, v53;
	v33 =	vadd.f32 v33, v51;
	v47 =	vperm.xlane v44, v2  }
0x61b: {  	v43 =	vadd.f32 v43, v52;
	v51 =	vperm.xlane v48, v2;
	v45 =	vmul.f32 v46, v45  }
0x61c: {  	v49 =	vadd.f32 v54, v49;
	v52 =	vperm.xlane v33, v3;
	v46 =	vperm.xlane v50, v3  }
0x61d: {  	v44 =	vadd.f32 v47, v44;
	v47 =	vmul.f32 v45, v32;
	v32 =	vmul.f32 v45, v34  }
0x61e: {  	v48 =	vadd.f32 v51, v48;
	v34 =	vadd.f32 v50, v46;
	v46 =	vperm.xlane v43, v3  }
0x61f: {  	v33 =	vadd.f32 v33, v52;
	v50 =	vperm.xlane v49, v3;
	v32 =	vsub.f32 v32, v47  }
0x620: {  	v51 =	vperm.xlane v44, v3;
	v43 =	vadd.f32 v43, v46;
	v46 =	vperm.xlane v48, v3  }
0x621: {  	v34 =	vmul.f32 $1.562500000e-02, v34;
	v49 =	vadd.f32 v50, v49;
	v50 =	vmul.f32 v32, v6  }
0x622: {  	v33 =	vmul.f32 $1.562500000e-02, v33;
	v44 =	vadd.f32 v51, v44;
	v32 =	vmul.f32 $1.562500000e-02, v43  }
0x623: {  	v49 =	vmul.f32 $1.562500000e-02, v49;
	v46 =	vadd.f32 v46, v48;
	v48 =	vadd.f32 v50, v4  }
0x624: {  	v44 =	vmul.f32 $1.562500000e-02, v44;
	v43 =	vsub.f32 v41, v38;
	v50 =	vmul.f32 v34, v34  }
.Ltmp5:
0x625: {  	v42 =	vadd.f32 v42, v9;
	v38 =	vmul.f32 v33, v33;
	v46 =	vmul.f32 $1.562500000e-02, v46;
	[tilespmem:s1+$0x2270] =	vst v48;
	(pc) =	sbr.rel @p0 .LBB2_12-.Ltmp5, $4  }
0x626: {  	v36 =	vmul.f32 v45, v36;
	v48 =	vsub.f32 v49, v50;
	v49 =	vmul.f32 v32, v32  }
0x627: {  	v41 =	vmul.f32 v45, v37;
	v44 =	vsub.f32 v44, v38;
	v38 =	vmul.f32 v45, v35;
	[tilespmem:s0+$0x2180] =	vst v42  }
0x628: {  	v37 =	vmul.f32 v40, v11;
	v45 =	vadd.f32 $9.999999740e-06, v48;
	v46 =	vsub.f32 v46, v49  }
0x629: {  	s7 =	sadd.s32 $0x4, s7;
	v35 =	vsub.f32 v36, v47;
	v36 =	vmul.f32 v39, v10;
	v40 =	vadd.f32 $9.999999740e-06, v44  }
0x62a: {  	v39 =	vshrl.u32 v45, $0x1  }
0x62b: {  	v42 =	vmul.f32 $5.000000000e-01, v45;
	v44 =	vadd.f32 $9.999999740e-06, v46;
	v56 =	vshrl.u32 v40, $0x1  }
0x62c: {  	v39 =	vsub.s32 $0x5F3759DF, v39;
	v57 =	vmul.f32 $5.000000000e-01, v40;
	v45 =	vsub.s32 $0x5F3759DF, v56  }
0x62d: {  	v46 =	vshrl.u32 v44, $0x1;
	v44 =	vmul.f32 $5.000000000e-01, v44;
	v48 =	vmul.f32 v39, v42  }
0x62e: {  	v49 =	vmul.f32 v45, v57;
	v46 =	vsub.s32 $0x5F3759DF, v46  }
0x62f: {  	v50 =	vmul.f32 v46, v44;
	v48 =	vmul.f32 v39, v48  }
0x630: {  	v38 =	vsub.f32 v38, v47;
	v41 =	vsub.f32 v41, v47;
	v58 =	vmul.f32 v45, v49  }
0x631: {  	v28 =	vmul.f32 v28, v8;
	v59 =	vmul.f32 v46, v50;
	v48 =	vsub.f32 $1.500000000e+00, v48  }
0x632: {  	v27 =	vmul.f32 v27, v6;
	v25 =	vmul.f32 v25, v11;
	v47 =	vsub.f32 $1.500000000e+00, v58  }
0x633: {  	v26 =	vmul.f32 v26, v10;
	v49 =	vsub.f32 $1.500000000e+00, v59;
	v39 =	vmul.f32 v39, v48  }
0x634: {  	v29 =	vadd.f32 v29, v7;
	v24 =	vmul.f32 v24, v8;
	v45 =	vmul.f32 v45, v47  }
0x635: {  	v30 =	vadd.f32 v30, v5;
	v46 =	vmul.f32 v46, v49;
	v42 =	vmul.f32 v39, v42  }
0x636: {  	v31 =	vadd.f32 v31, v4;
	v43 =	vmul.f32 v43, v6;
	v40 =	vmul.f32 v45, v57  }
0x637: {  	v37 =	vadd.f32 v37, v9;
	v44 =	vmul.f32 v46, v44;
	v42 =	vmul.f32 v42, v39  }
0x638: {  	v36 =	vadd.f32 v36, v7;
	v28 =	vadd.f32 v28, v5;
	v40 =	vmul.f32 v40, v45  }
0x639: {  	v27 =	vadd.f32 v27, v4;
	v44 =	vmul.f32 v44, v46;
	v42 =	vsub.f32 $1.500000000e+00, v42  }
0x63a: {  	v60 =	vmul.f32 v35, v11;
	[tilespmem:s0+$0x2190] =	vst v29;
	v25 =	vadd.f32 v25, v9;
	v61 =	vsub.f32 $1.500000000e+00, v40  }
0x63b: {  	[tilespmem:s0+$0x21A0] =	vst v30;
	v62 =	vmul.f32 v38, v10;
	v63 =	vsub.f32 $1.500000000e+00, v44;
	v39 =	vmul.f32 v42, v39  }
0x63c: {  	[tilespmem:s0+$0x21B0] =	vst v31;
	v26 =	vadd.f32 v26, v7;
	v40 =	vmul.f32 v41, v8;
	v35 =	vmul.f32 v61, v45  }
0x63d: {  	[tilespmem:s0+$0x21C0] =	vst v37;
	v24 =	vadd.f32 v24, v5;
	v41 =	vmul.f32 v63, v46;
	v34 =	vmul.f32 v39, v34  }
0x63e: {  	[tilespmem:s0+$0x21D0] =	vst v36;
	v29 =	vadd.f32 v60, v9;
	v13 =	vmul.f32 v39, v13;
	v15 =	vmul.f32 v39, v15  }
0x63f: {  	[tilespmem:s0+$0x21E0] =	vst v28;
	v42 =	vadd.f32 v43, v4;
	v20 =	vmul.f32 v39, v20;
	v18 =	vmul.f32 v39, v18  }
0x640: {  	[tilespmem:s0+$0x21F0] =	vst v27;
	v43 =	vadd.f32 v62, v7;
	v44 =	vmul.f32 v35, v33;
	v16 =	vmul.f32 v35, v16  }
0x641: {  	[tilespmem:s0+$0x2200] =	vst v25;
	v45 =	vadd.f32 v40, v5;
	v23 =	vmul.f32 v35, v23;
	v14 =	vmul.f32 v35, v14  }
0x642: {  	[tilespmem:s0+$0x2210] =	vst v26;
	v22 =	vmul.f32 v35, v22;
	v13 =	vsub.f32 v13, v34;
	v46 =	vmul.f32 v41, v32  }
0x643: {  	[tilespmem:s0+$0x2220] =	vst v24;
	v15 =	vsub.f32 v15, v34;
	v12 =	vmul.f32 v41, v12;
	v21 =	vmul.f32 v41, v21  }
0x644: {  	[tilespmem:s1+$0x2240] =	vst v29;
	v17 =	vmul.f32 v41, v17;
	v20 =	vsub.f32 v20, v34;
	v13 =	vmul.f32 v13, v11  }
0x645: {  	[tilespmem:s0+$0x2230] =	vst v42;
	v18 =	vsub.f32 v18, v34;
	v19 =	vmul.f32 v41, v19;
	v15 =	vmul.f32 v15, v10  }
0x646: {  	[tilespmem:s1+$0x2250] =	vst v43;
	v23 =	vsub.f32 v23, v44;
	v20 =	vmul.f32 v20, v8;
	v13 =	vadd.f32 v13, v9  }
0x647: {  	[tilespmem:s1+$0x2260] =	vst v45;
	v14 =	vsub.f32 v14, v44;
	v18 =	vmul.f32 v18, v6;
	v15 =	vadd.f32 v15, v7  }
0x648: {  	v49 =	vsub.f32 v22, v44;
	v50 =	vmul.f32 v23, v10;
	v48 =	vadd.f32 v20, v5;
	[tilespmem:s1+$0x2180] =	vst v13  }
0x649: {  	v16 =	vsub.f32 v16, v44;
	v14 =	vmul.f32 v14, v8;
	v51 =	vadd.f32 v18, v4;
	[tilespmem:s1+$0x2190] =	vst v15  }
0x64a: {  	v12 =	vsub.f32 v12, v46;
	v53 =	vmul.f32 v49, v6;
	v54 =	vadd.f32 v50, v7;
	[tilespmem:s1+$0x21A0] =	vst v48  }
0x64b: {  	v52 =	vsub.f32 v21, v46;
	v47 =	vmul.f32 v16, v11;
	v56 =	vadd.f32 v14, v5;
	[tilespmem:s1+$0x21B0] =	vst v51  }
0x64c: {  	v17 =	vsub.f32 v17, v46;
	v55 =	vmul.f32 v12, v11;
	v59 =	vadd.f32 v53, v4;
	[tilespmem:s1+$0x21D0] =	vst v54  }
0x64d: {  	v57 =	vsub.f32 v19, v46;
	v58 =	vmul.f32 v52, v10;
	v13 =	vadd.f32 v47, v9;
	[tilespmem:s1+$0x21E0] =	vst v56  }
0x64e: {  	v60 =	vmul.f32 v17, v8;
	v61 =	vadd.f32 v55, v9;
	[tilespmem:s1+$0x21F0] =	vst v59  }
0x64f: {  	v62 =	vmul.f32 v57, v6;
	v63 =	vadd.f32 v58, v7;
	[tilespmem:s1+$0x21C0] =	vst v13  }
0x650: {  	v5 =	vadd.f32 v60, v5;
	[tilespmem:s1+$0x2200] =	vst v61  }
0x651: {  	v4 =	vadd.f32 v62, v4;
	[tilespmem:s1+$0x2210] =	vst v63  }
0x652: {  	[tilespmem:s1+$0x2220] =	vst v5  }
0x653: {  	[tilespmem:s1+$0x2230] =	vst v4  }
0x654: {  	s0 =	sld [smem:$0x7DE];
	_ =	sdelay $0x1  }
0x655: {  	s26 =	simm.s32 $0x4  }
0x656: {  	[hbm4b:s0+s28] =	stream.linear.scatter [tilespmem:s16], [sflag:$0x5], $0x2000, $0x38;
	[tilespmem:$0x7200] =	vst v63  }
0x657: {  	_ =	swait.ge [sflag:s26], $0x2000  }
0x658: {  	[sflag:s26] =	ssyncset.done $0x0  }
0x659: {  	s29 =	simm.s32 $0x5;
	[sflag:s26] =	ssyncadd.s32 $0xFFFFE000  }
0x65a: {  	_ =	swait.ge [sflag:s29], $0x2000  }
0x65b: {  	s2 =	sld [smem:$0x7D1]  }
0x65c: {  	s30 =	sld [smem:$0x7DF];
	_ =	sdelay $0x1  }
0x65d: {  	s2 =	sadd.s32 $0x1, s2  }
0x65e: {  	p0 =	sne.s32 s2, s30  }
.Ltmp6:
0x65f: {  	_ = 	snop;
	(pc) =	sbr.rel @p0 .LBB2_1-.Ltmp6, $3  }
0x660: {  	_ =	sdelay $0x1  }
0x661: {  	[sflag:s29] =	ssyncset.done $0x0  }
0x662: {  	[sflag:s29] =	ssyncadd.s32 $0xFFFFE000  }
0x663: {  	_ =	sfence.sel $0x180000  }
0x664: {  	[bflag:$0x0] =	sbarrier.arrive $0xFFFF  }
0x665: {  	_ =	strace $0x90000047  }
0x666: {  	s0 =	stileid.u32;
	[bflag:$0x2] =	sbarrier.arrive $0xFFFF  }
0x667: {  	p0 =	sne.s32 s0, $0x0;
	s0 =	rddreg [dreg:$0x4]  }
0x668: {  	s0 =	sadd.s32 @!p0 $0x100000, s0  }
0x669: {  	[sflag:s0] =	ssyncadd.tile.s32 @!p0 $0x1;
	_ =	shalt  }
.Lfunc_end2:
_tile_overlayer_lowered:
.L_overlay_start_2:
0x66a: {  	(tag) =	ssettag $0x2  }
0x66b: {  	s0 =	rddreg [dreg:$0x0];
	s2 =	stileid.u32  }
0x66c: {  	s1 =	rddreg [dreg:$0x1];
	p0 =	sne.s32 s2, $0x0  }
0x66d: {  	s3 =	rddreg [dreg:$0x2];
	[bflag:$0x3] =	sbarrier.arrive $0xFFFF;
	s2 =	simm.s32 @!p0 $0x1C07  }
0x66e: {  	[timem:s3], [sflag:s2] =	dma.local @!p0 [hbm:s0], s1  }
0x66f: {  	s0 =	simm.s32 @!p0 $0x7  }
0x670: {  	_ =	swait.ge @!p0 [sflag:s0], s1  }
0x671: {  	s1 =	ssub.s32 @!p0 $0x0, s1;
	[sflag:s0] =	ssyncset.done @!p0 $0x0  }
0x672: {  	[sflag:s0] =	ssyncadd.s32 @!p0 s1  }
0x673: {  	[bflag:$0x3] =	sbarrier.arrive $0xFFFF  }
0x674: {  	_ =	shalt  }

// kernel: sparse-core-data-format-call.cloned.1.call-start
scs
called_computation_lowered:
.L_overlay_start_0:
0x0: {  	s2 =	sld [smem:$0x3FD9]  }
0x1: {  	s3 =	sld [smem:$0x3FFE];
	_ =	sdelay $0x1  }
0x2: {  	s1 =	srdreg.scid  }
0x3: {  	s0 =	sand.u32 $0x1, s1  }
0x4: {  	s18 =	sshll.u32 s0, $0xA;
	s2 =	sadd.s32 s3, s2  }
0x5: {  	s2 =	sadd.s32 s2, s18  }
0x6: {  	[smem:$0x3FC3] =	sst s2  }
0x7: {  	_ = 	snop  }
0x8: {  	s2 =	sld [smem:$0x3FD0];
	(tm) =	ssettm $0x1  }
0x9: {  	s19 =	sld [smem:$0x3FFB];
	_ =	sdelay $0x3  }
0xa: {  	_ =	strace s19  }
0xb: {  	s3 =	sld [smem:$0x3FFC];
	_ =	sdelay $0x3  }
0xc: {  	_ =	strace s3  }
0xd: {  	s3 =	sld [smem:$0x3FFD];
	_ =	sdelay $0x3  }
0xe: {  	_ =	strace s3  }
0xf: {  	_ =	strace $0x8FFFFFFF  }
0x10: {  	s20 =	sld [smem:$0x3FDB];
	_ =	sdelay $0x1  }
0x11: {  	s4 =	simm.s32 $_scs_section_size  }
0x12: {  	s5 =	simm.s32 $_size__tile_overlayer_lowered;
	s6 =	simm.s32 $_tile_overlayer_lowered  }
0x13: {  	s23 =	simm.s32 $0x1BFF;
	s22 =	sshll.u32 s6, $0x1;
	s3 =	sadd.s32 s4, s20  }
0x14: {  	s7 =	simm.s32 $0x0;
	s21 =	sshll.u32 s5, $0x1;
	s5 =	sadd.s32 s22, s3  }
0x15: {  	[timem:s7], [sflag:s23] =	dma.local [hbm:s5], s21  }
0x16: {  	_ =	swait.ge [sflag:s23], s21  }
0x17: {  	s4 =	ssub.s32 $0x0, s21;
	[sflag:s23] =	ssyncset.done $0x0  }
0x18: {  	[sflag:s23] =	ssyncadd.s32 s4;
	_ =	sdelay $0x1  }
0x19: {  	s24 =	simm.s32 $0x1B8B  }
0x1a: {  	_ =	swait.ge [sflag:s24], $0x1  }
0x1b: {  	[sflag:s24] =	ssyncset.done $0x0  }
0x1c: {  	s26 =	simm.s32 $0x1B8E;
	s25 =	sld [smem:$0x3FFE];
	[sflag:s24] =	ssyncadd.s32 $0xFFFFFFFF  }
0x1d: {  	s27 =	simm.s32 $execute0_lowered;
	[smem:$0x3FD2] =	sst s26  }
0x1e: {  	s5 =	sshll.u32 s27, $0x1;
	_ =	strace $0x80000049;
	[dreg:$0x1] =	wrdreg $0xFFFFFFFF  }
0x1f: {  	s28 =	simm.s32 $_size_execute0_lowered;
	s3 =	sadd.s32 s3, s5;
	[dreg:$0x0] =	wrdreg $0x0  }
0x20: {  	s5 =	sshll.u32 s28, $0x1;
	[dreg:$0x2] =	wrdreg s3  }
0x21: {  	[dreg:$0x3] =	wrdreg s5  }
0x22: {  	[dreg:$0x4] =	wrdreg $0xC0  }
0x23: {  	_ =	task [dreg:s7], $0x5FFFF  }
0x24: {  	[dreg:$0x1] =	wrdreg $0xFFFFFFFF  }
0x25: {  	[dreg:$0x0] =	wrdreg $0x60  }
0x26: {  	[dreg:$0x2] =	wrdreg s25  }
0x27: {  	[dreg:$0x3] =	wrdreg s2  }
0x28: {  	[dreg:$0x4] =	wrdreg $0x9  }
0x29: {  	_ =	task.clear_ibuf [dreg:s7], $0x5FFFF;
	_ =	strace $0x90000049  }
0x2a: {  	s29 =	simm.s32 $0x9;
	_ =	strace $0x8000004B  }
0x2b: {  	_ =	swait.ge [sflag:s29], $0x1  }
0x2c: {  	[sflag:s29] =	ssyncadd.s32 $0xFFFFFFFF  }
0x2d: {  	_ =	strace $0x9000004B  }
0x2e: {  	_ =	sfence  }
0x2f: {  	s30 =	sld [smem:$0x0];
	_ =	sdelay $0x2  }
0x30: {  	s31 =	sshll.u32 s1, $0xD;
	s1 =	sshrl.u32 s1, $0x2  }
0x31: {  	s3 =	sand.u32 $0x4000, s31;
	s1 =	sadd.s32 s1, s30  }
0x32: {  	s0 =	sor.u32 s3, s0;
	s1 =	sshll.u32 s1, $0x11  }
0x33: {  	s0 =	sor.u32 s1, s0  }
0x34: {  	s0 =	sadd.s32 $0x8F2B, s0  }
0x35: {  	[sflag:s0] =	ssyncadd.remote.s32 $0x1  }
0x36: {  	_ =	sfence.sel $0xFFFF  }
0x37: {  	[dreg:$0x0] =	wrdreg $0xFFFFFFFF;
	(pc) =	sbr.abs _section_cstart, $3  }
0x38: {  	[dreg:$0x1] =	wrdreg $0xFFFFFFFF  }
0x39: {  	_ =	task.clear_ibuf [dreg:s7], $0x2FFFF;
	_ =	strace $0x9FFFFFFF  }
0x3a: {  	(tm) =	ssettm $0x7FFFFFFF  }
0x3b: {  	_ =	shalt  }
tec
execute0_lowered:
.L_overlay_start_1:
0x0: {  	(tag) =	ssettag $0x1  }
0x1: {  	s0 =	srdreg.scid  }
0x2: {  	s1 =	sshll.u32 s0, $0x4  }
0x3: {  	s0 =	stileid.u32;
	s1 =	sand.u32 $0x10, s1  }
0x4: {  	s1 =	sor.u32 s0, s1  }
0x5: {  	s6 =	rddreg [dreg:$0x0];
	s4 =	simm.s32 $0x1;
	s2 =	sshll.u32 s1, $0x7  }
0x6: {  	s7 =	simm.s32 $0x2;
	s12 =	simm.s32 $0x0;
	s1 =	ssub.s32 $0x1000, s2  }
0x7: {  	s8 =	simm.s32 $0x8000;
	s13 =	simm.s32 $0x0;
	s3 =	sand.u32 $0xF80, s1  }
0x8: {  	s9 =	simm.s32 $0x0;
	s5 =	sshrl.u32 s1, $0xC;
	p0 =	sne.s32 s3, $0x0  }
.Ltmp0:
0x9: {  	s1 =	rddreg [dreg:$0x2];
	s4 =	simm.s32 @!p0 $0x0;
	(pc) =	sbr.rel .LBB1_1-.Ltmp0, $4  }
0xa: {  	s11 =	simm.s32 $0x0;
	s3 =	rddreg [dreg:$0x1];
	s5 =	sadd.s32 s4, s5  }
0xb: {  	_ =	strace $0x8000004A;
	s4 =	simm.s32 $0x1;
	s5 =	smul.u32 $0x32, s5  }
0xc: {  	s6 =	sadd.s32 $0x800, s6;
	s10 =	smov.u32 s2;
	[sflag:s4] =	ssyncpa.u1 $0x0  }
0xd: {  	p0 =	por $0x0, $0x0;
	[sflag:s7] =	ssyncpa.u1 $0x0;
	s7 =	sor.u32 $0x1, s5  }
.LBB1_4:
0xe: {  	s16 =	sshll.u32 s13, $0x3;
	s17 =	sand.u32 $0x78, s13  }
0xf: {  	s30 =	sand.u32 $0x7E00, s13;
	s12 =	sshll.u32 s12, $0xF;
	s16 =	sand.u32 $0xC00, s16  }
0x10: {  	[tilespmem:s15+$0x810 ss:$0x81] =	vst.msk $0xffff, v2;
	s31 =	sand.u32 $0x7, s13;
	s16 =	sor.u32 s17, s16;
	s17 =	sadd.s32 s3, s30  }
0x11: {  	[tilespmem:s15+$0x1020 ss:$0x81] =	vst.msk $0xffff, v0;
	s13 =	sshll.u32 s31, $0x12;
	s12 =	sadd.s32 s12, s17;
	s16 =	sshrl.u32 s16, $0x3  }
0x12: {  	[tilespmem:s15+$0x0 ss:$0x81] =	vst.msk $0xffff, v1;
	s13 =	sor.u32 $0x400, s13;
	s12 =	sadd.s32 s16, s12  }
0x13: {  	[hbm4b:s12+s13] =	stream.strided.scatter [tilespmem:s14], [sflag:$0x2], $0x2000, s8, s13, $0x20;
	[tilespmem:$0x8080] =	vst v63  }
.LBB1_5:
0x14: {  	s14 =	sadd.s32 $0x1, s9  }
0x15: {  	s12 =	sadd.s32 $0x1000, s10;
	s16 =	smov.u32 s10;
	p2 =	sgt.s32 s14, $0x31  }
0x16: {  	s16 =	smov.u32 @p2 s12  }
0x17: {  	s14 =	simm.s32 @p2 $0x0;
	p2 =	sgt.s32 s16, $0xFFF  }
0x18: {  	s16 =	smov.u32 @p2 s2;
	p2 =	sne.s32 s11, s7  }
.Ltmp1:
0x19: {  	p1 =	slt.u32 s11, $0x2;
	(pc) =	sbr.rel @!p2 .LBB1_6-.Ltmp1, $4  }
0x1a: {  	s15 =	simm.s32 @!p1 $0x2  }
0x1b: {  	s13 =	smov.u32 s10;
	p0 =	por !p0, !p0;
	_ =	swait.ge @!p1 [sflag:s15], $0x2000  }
0x1c: {  	s12 =	smov.u32 s9;
	[sflag:s15] =	ssyncset.done @!p1 $0x0;
	s9 =	smov.u32 s14  }
0x1d: {  	s11 =	sadd.s32 $0x1, s11;
	[sflag:s15] =	ssyncadd.s32 @!p1 $0xFFFFE000;
	s10 =	smov.u32 s16  }
.LBB1_1:
0x1e: {  	p1 =	sge.u32 s11, s5  }
0x1f: {  	s14 =	sand.u32 @!p1 $0x1FFFFFF, s9  }
0x20: {  	s15 =	smulhi.u32 @!p1 $0x4924925, s14;
	_ =	sdelay $0x1  }
0x21: {  	s15 =	smul.u32 @!p1 $0x38, s15  }
0x22: {  	s16 =	sxor.u32 @!p1 $0xFFFFFFFF, s11;
	s17 =	smul.u32 @!p1 $0x380, s10  }
0x23: {  	s31 =	sadd.s32 $0xFFFFFFFF, s11;
	s16 =	sshll.u32 @!p1 s16, $0xD;
	s14 =	ssub.s32 @!p1 s14, s15  }
0x24: {  	s15 =	sand.u32 @!p1 $0x2000, s16;
	s16 =	sadd.s32 @!p1 s6, s17;
	s14 =	sshll.u32 @!p1 s14, $0x4  }
0x25: {  	s17 =	simm.s32 @!p1 $0x1C00;
	s14 =	sadd.s32 @!p1 s14, s16;
	s16 =	simm.s32 @!p1 $0x40  }
0x26: {  	[tilespmem:s15], [sflag:$0x1] =	stream.strided.gather @!p1 [hbm4b:s14+s16], $0x2000, s17, s16, $0x38;
	[tilespmem:$0x8080] =	vst v63  }
0x27: {  	p1 =	sge.u32 s31, s5  }
.Ltmp2:
0x28: {  	_ = 	snop;
	(pc) =	sbr.rel @p1 .LBB1_5-.Ltmp2, $1  }
0x29: {  	_ =	sdelay $0x3  }
0x2a: {  	s14 =	simm.s32 $0x1  }
0x2b: {  	_ =	swait.ge [sflag:s4], $0x2000;
	s14 =	simm.s32 @!p0 $0x0  }
0x2c: {  	[sflag:s4] =	ssyncset.done $0x0;
	s15 =	sshll.u32 s14, $0xD  }
0x2d: {  	[sflag:s4] =	ssyncadd.s32 $0xFFFFE000;
	s18 =	sor.u32 $0x20, s15  }
0x2e: {  	s14 =	smul.u32 $0x8100, s14;
	v3 =	vld [tilespmem:s18+$0x10]  }
0x2f: {  	s30 =	sand.u32 $0x1, s11;
	v2 =	vld [tilespmem:s18+$0xFFFFFFF0]  }
0x30: {  	s15 =	smul.u32 $0x8100, s30;
	s14 =	sshrl.u32 s14, $0x2;
	v0 =	vld [tilespmem:s18+$0x0]  }
0x31: {  	v1 =	vld [tilespmem:s18+$0xFFFFFFE0];
	s16 =	sor.u32 $0x4000, s14  }
0x32: {  	s31 =	sshrl.u32 s15, $0x2;
	s15 =	sadd.s32 $0x0, s16  }
0x33: {  	s17 =	simm.s32 $0x4;
	s18 =	sadd.s32 $0x40, s18;
	s14 =	sor.u32 $0x4000, s31;
	[tilespmem:s15+$0x1830 ss:$0x81] =	vst.msk $0xffff, v3  }
.LBB1_3:
0x34: {  	v3 =	vld [tilespmem:s18+$0x10];
	p1 =	sne.s32 s17, $0x1FC;
	[tilespmem:s15+$0x810 ss:$0x81] =	vst.msk $0xffff, v2;
	s19 =	smov.u32 s17;
	s17 =	sadd.s32 $0x4, s17  }
.Ltmp3:
0x35: {  	v2 =	vld [tilespmem:s18+$0xFFFFFFF0];
	[tilespmem:s15+$0x1020 ss:$0x81] =	vst.msk $0xffff, v0;
	(pc) =	sbr.rel @p1 .LBB1_3-.Ltmp3, $4  }
0x36: {  	v0 =	vld [tilespmem:s18+$0x0];
	[tilespmem:s15+$0x0 ss:$0x81] =	vst.msk $0xffff, v1  }
0x37: {  	s15 =	sshra.s32 s19, $0x2;
	v1 =	vld [tilespmem:s18+$0xFFFFFFE0]  }
0x38: {  	s15 =	sadd.s32 s15, s16  }
0x39: {  	s18 =	sadd.s32 $0x40, s18;
	[tilespmem:s15+$0x1830 ss:$0x81] =	vst.msk $0xffff, v3  }
.Ltmp4:
0x3a: {  	_ = 	snop;
	(pc) =	sbr.rel .LBB1_4-.Ltmp4, $1  }
0x3b: {  	_ =	sdelay $0x3  }
.LBB1_6:
0x3c: {  	_ =	sfence.sel $0x180000  }
0x3d: {  	s2 =	simm.s32 $0x1;
	[bflag:$0x0] =	sbarrier.arrive $0xFFFF  }
0x3e: {  	s31 =	simm.s32 $0x2;
	[sflag:s2] =	ssyncpa.u1 $0x1  }
0x3f: {  	[sflag:s31] =	ssyncpa.u1 $0x1  }
0x40: {  	p0 =	sne.s32 s0, $0x0;
	_ =	strace $0x9000004A  }
0x41: {  	s0 =	sadd.s32 @!p0 $0x100000, s1;
	[bflag:$0x2] =	sbarrier.arrive $0xFFFF  }
0x42: {  	[sflag:s0] =	ssyncadd.tile.s32 @!p0 $0x1;
	_ =	shalt  }
.Lfunc_end1:
_tile_overlayer_lowered:
.L_overlay_start_2:
0x43: {  	(tag) =	ssettag $0x2  }
0x44: {  	s0 =	rddreg [dreg:$0x0];
	s2 =	stileid.u32  }
0x45: {  	s1 =	rddreg [dreg:$0x1];
	p0 =	sne.s32 s2, $0x0  }
0x46: {  	s3 =	rddreg [dreg:$0x2];
	[bflag:$0x3] =	sbarrier.arrive $0xFFFF;
	s2 =	simm.s32 @!p0 $0x1C01  }
0x47: {  	[timem:s3], [sflag:s2] =	dma.local @!p0 [hbm:s0], s1  }
0x48: {  	s0 =	simm.s32 @!p0 $0x1  }
0x49: {  	_ =	swait.ge @!p0 [sflag:s0], s1  }
0x4a: {  	s1 =	ssub.s32 @!p0 $0x0, s1;
	[sflag:s0] =	ssyncset.done @!p0 $0x0  }
0x4b: {  	[sflag:s0] =	ssyncadd.s32 @!p0 s1  }
0x4c: {  	[bflag:$0x3] =	sbarrier.arrive $0xFFFF  }
0x4d: {  	_ =	shalt  }

</sc_bundles>
